<compile_context>
chip_gen: v7x
topology: tpu7x:2x2x1
jax: 0.10.2.dev20260603
libtpu: 0.0.44.dev20260713+nightly
codegen_flags: <defaults>
</compile_context>

<pallas_src>
import jax
import jax.numpy as jnp
from jax import lax
from jax.experimental import pallas as pl
from jax.experimental.pallas import tpu as pltpu
from jax.experimental.pallas import tpu_sc as plsc

N_NODES = 10000
N_EDGES = 160000
D = 256
L = 16
NS = 16
MBLK = 400
CHUNK = 48
NBUF = 4
K0 = 136
K1 = 76
KMAX = max(K0, K1)
E_PAD = (K0 + K1) * NS * CHUNK
E_IDX_PAD = (NS * K0 + (NS - 1) * K1 + KMAX) * CHUNK



def _pack_bf16(v):
    vb = v.astype(jnp.bfloat16)
    lo = lax.bitcast_convert_type(vb[:, : D // 2], jnp.uint16)
    hi = lax.bitcast_convert_type(vb[:, D // 2:], jnp.uint16)
    return lo.astype(jnp.int32) | (hi.astype(jnp.int32) << 16)


def _mm_body(x_ref, wa_ref, wb_ref, b1_ref, a_ref, b_ref):
    xb = x_ref[...]
    a_ref[...] = _pack_bf16(
        jnp.dot(xb, wa_ref[...], preferred_element_type=jnp.float32)
        + b1_ref[...])
    b_ref[...] = _pack_bf16(
        jnp.dot(xb, wb_ref[...], preferred_element_type=jnp.float32))


def _node_tables(x_pad, w1a, w1b, b1row):
    grid = (N_NODES // MBLK,)
    return pl.pallas_call(
        _mm_body,
        grid=grid,
        in_specs=[
            pl.BlockSpec((MBLK, D), lambda i: (i, 0)),
            pl.BlockSpec((D, D), lambda i: (0, 0)),
            pl.BlockSpec((D, D), lambda i: (0, 0)),
            pl.BlockSpec((1, D), lambda i: (0, 0)),
        ],
        out_specs=[
            pl.BlockSpec((MBLK, D // 2), lambda i: (i, 0)),
            pl.BlockSpec((MBLK, D // 2), lambda i: (i, 0)),
        ],
        out_shape=[
            jax.ShapeDtypeStruct((N_NODES, D // 2), jnp.int32),
            jax.ShapeDtypeStruct((N_NODES, D // 2), jnp.int32),
        ],
    )(x_pad, w1a, w1b, b1row)



def _edge_body(a_hbm, b_hbm, src_hbm, dst_hbm, w2b2_hbm, out_hbm,
               srcall, dstall, outv, w2v, accbuf, *bufs_and_sems):
    avs = bufs_and_sems[0:NBUF]
    bvs = bufs_and_sems[NBUF:2 * NBUF]
    sems = bufs_and_sems[2 * NBUF:3 * NBUF]
    c = lax.axis_index("c")
    s = lax.axis_index("s")
    is0 = c == 0
    nchunk = jnp.where(is0, K0, K1)
    base0 = jnp.where(
        is0, s * (K0 * CHUNK), NS * K0 * CHUNK + s * (K1 * CHUNK))

    pltpu.sync_copy(src_hbm.at[pl.ds(base0, KMAX * CHUNK)], srcall)
    pltpu.sync_copy(dst_hbm.at[pl.ds(base0, KMAX * CHUNK)], dstall)
    pltpu.sync_copy(w2b2_hbm, w2v)
    w2lo = [w2v[pl.ds(j * L, L)] for j in range(D // (2 * L))]
    w2hi = [w2v[pl.ds(D // 2 + j * L, L)] for j in range(D // (2 * L))]
    b2vec = w2v[pl.ds(D, L)]
    rows = lax.iota(jnp.int32, L)
    himask = jnp.full((L,), -65536, jnp.int32)

    def start(k, b):
        off = pl.ds(k * CHUNK, CHUNK)
        pltpu.async_copy(a_hbm.at[srcall.at[off]], avs[b], sems[b])
        pltpu.async_copy(b_hbm.at[dstall.at[off]], bvs[b], sems[b])

    def wait(k, b):
        off = pl.ds(k * CHUNK, CHUNK)
        pltpu.make_async_copy(a_hbm.at[srcall.at[off]], avs[b], sems[b]).wait()
        pltpu.make_async_copy(b_hbm.at[dstall.at[off]], bvs[b], sems[b]).wait()

    for b in range(NBUF - 1):
        start(b, b)

    def outer_body(kk, _):
        for b in range(NBUF):
            k = kk * NBUF + b
            av, bv = avs[b], bvs[b]

            @pl.when(k + NBUF - 1 < nchunk)
            def _():
                start(k + NBUF - 1, (b + NBUF - 1) % NBUF)

            wait(k, b)

            def group_body(g, _):
                def edge_body(i, _):
                    e = g * L + i
                    acc = b2vec
                    for j in range(D // (2 * L)):
                        a32 = plsc.bitcast(
                            av[e, pl.ds(j * L, L)], jnp.bfloat16)
                        b32 = plsc.bitcast(
                            bv[e, pl.ds(j * L, L)], jnp.bfloat16)
                        h = jnp.maximum(a32 + b32, jnp.bfloat16(0))
                        hbits = plsc.bitcast(h, jnp.int32)
                        h_lo = plsc.bitcast(hbits << 16, jnp.float32)
                        h_hi = plsc.bitcast(hbits & himask, jnp.float32)
                        acc = acc + h_lo * w2lo[j] + h_hi * w2hi[j]
                    accbuf[pl.ds(i * L, L)] = acc
                    return 0

                lax.fori_loop(0, L, edge_body, 0)
                out16 = plsc.load_gather(accbuf, [rows * L])
                for j in range(1, L):
                    out16 = out16 + plsc.load_gather(accbuf, [rows * L + j])
                outv[pl.ds(g * L, L)] = out16
                return 0

            lax.fori_loop(0, CHUNK // L, group_body, 0)
            pltpu.sync_copy(outv, out_hbm.at[pl.ds(base0 + k * CHUNK, CHUNK)])
        return 0

    lax.fori_loop(0, nchunk // NBUF, outer_body, 0)


def _edge_scores(a_tab, b_tab, src_idx, dst_idx, w2b2):
    mesh = plsc.VectorSubcoreMesh(core_axis_name="c", subcore_axis_name="s")
    f = pl.kernel(
        _edge_body,
        out_type=jax.ShapeDtypeStruct((E_PAD,), jnp.float32),
        mesh=mesh,
        compiler_params=pltpu.CompilerParams(needs_layout_passes=False),
        scratch_types=(
            [
                pltpu.VMEM((KMAX * CHUNK,), jnp.int32),
                pltpu.VMEM((KMAX * CHUNK,), jnp.int32),
                pltpu.VMEM((CHUNK,), jnp.float32),
                pltpu.VMEM((D + L,), jnp.float32),
                pltpu.VMEM((L * L,), jnp.float32),
            ]
            + [pltpu.VMEM((CHUNK, D // 2), jnp.int32)] * (2 * NBUF)
            + [pltpu.SemaphoreType.DMA] * NBUF
        ),
    )
    return f(a_tab, b_tab, src_idx, dst_idx, w2b2)



@jax.jit
def kernel(x, edge_index, W1, b1, W2, b2):
    w1a = W1[:D, :]
    w1b = W1[D:, :]
    b1row = b1.reshape(1, D)

    a_tab, b_tab = _node_tables(x, w1a, w1b, b1row)

    ei = edge_index.astype(jnp.int32)
    src_idx = jnp.pad(ei[0], (0, E_IDX_PAD - N_EDGES))
    dst_idx = jnp.pad(ei[1], (0, E_IDX_PAD - N_EDGES))
    w2b2 = jnp.concatenate(
        [W2[:, 0], b2, jnp.zeros((L - 1,), jnp.float32)])

    scores = _edge_scores(a_tab, b_tab, src_idx, dst_idx, w2b2)
    return scores[:N_EDGES]

# --- scband reference (transcript-rebuilt; emitter-appended) ---
"""Pipeline reference for scband-link-predictor-53626961658086 (READ-ONLY COPY).

The authoritative reference and input builder live on the scoring server;
editing this copy changes nothing except your own understanding.
"""

import jax, jax.numpy as jnp
import numpy as np

N_NODES = 10000
N_EDGES = 160000
D = 256
N_CLASSES = 1

def setup_inputs(seed: int = 0) -> dict:
    key = jax.random.key(seed)
    k1, k2, k3, k4 = jax.random.split(key, 4)
    x = jax.random.normal(k1, (N_NODES, D), dtype=jnp.float32)
    edge_index = jax.random.randint(k2, (2, N_EDGES), 0, N_NODES, dtype=jnp.int64)
    # fc1: Linear(2*D -> D); store as [in, out] for x @ W
    W1 = jax.random.normal(k3, (2 * D, D), dtype=jnp.float32) * (1.0 / np.sqrt(2 * D))
    b1 = jnp.zeros((D,), dtype=jnp.float32)
    # fc2: Linear(D -> N_CLASSES)
    W2 = jax.random.normal(k4, (D, N_CLASSES), dtype=jnp.float32) * (1.0 / np.sqrt(D))
    b2 = jnp.zeros((N_CLASSES,), dtype=jnp.float32)
    return {"x": x, "edge_index": edge_index, "W1": W1, "b1": b1, "W2": W2, "b2": b2}

def reference(x, edge_index, W1, b1, W2, b2):
    # apply_edges: concat src/dst node features per edge, then 2-layer MLP
    src_h = jnp.take(x, edge_index[0], axis=0)   # [E, D] gather
    dst_h = jnp.take(x, edge_index[1], axis=0)   # [E, D] gather
    h = jnp.concatenate([src_h, dst_h], axis=1)  # [E, 2D]
    hidden = jax.nn.relu(h @ W1 + b1)            # fc1 + relu
    score = hidden @ W2 + b2                     # fc2
    # single canonical etype -> cat + flatten
    return score.reshape(-1)

if __name__ == "__main__":
    import jax
    _d = setup_inputs()
    print(jax.jit(kernel)(*tuple(_d.values())))

</pallas_src>

<mosaic_0001>
#map = affine_map<(d0, d1) -> (0, 0)>
#map1 = affine_map<(d0, d1) -> (0)>
module attributes {stable_mosaic.version = 14 : i64} {
  func.func @_edge_body(%arg0: i32, %arg1: i32, %arg2: memref<10000x128xi32, #tpu.memory_space<hbm>>, %arg3: memref<10000x128xi32, #tpu.memory_space<hbm>>, %arg4: memref<165696xi32, #tpu.memory_space<hbm>>, %arg5: memref<165696xi32, #tpu.memory_space<hbm>>, %arg6: memref<272xf32, #tpu.memory_space<hbm>>, %arg7: memref<162816xf32, #tpu.memory_space<hbm>>, %arg8: memref<6528xi32, #tpu.memory_space<vmem>>, %arg9: memref<6528xi32, #tpu.memory_space<vmem>>, %arg10: memref<48xf32, #tpu.memory_space<vmem>>, %arg11: memref<272xf32, #tpu.memory_space<vmem>>, %arg12: memref<256xf32, #tpu.memory_space<vmem>>, %arg13: memref<48x128xi32, #tpu.memory_space<vmem>>, %arg14: memref<48x128xi32, #tpu.memory_space<vmem>>, %arg15: memref<48x128xi32, #tpu.memory_space<vmem>>, %arg16: memref<48x128xi32, #tpu.memory_space<vmem>>, %arg17: memref<48x128xi32, #tpu.memory_space<vmem>>, %arg18: memref<48x128xi32, #tpu.memory_space<vmem>>, %arg19: memref<48x128xi32, #tpu.memory_space<vmem>>, %arg20: memref<48x128xi32, #tpu.memory_space<vmem>>, %arg21: memref<!tpu.dma_semaphore, #tpu.memory_space<semaphore_mem>>, %arg22: memref<!tpu.dma_semaphore, #tpu.memory_space<semaphore_mem>>, %arg23: memref<!tpu.dma_semaphore, #tpu.memory_space<semaphore_mem>>, %arg24: memref<!tpu.dma_semaphore, #tpu.memory_space<semaphore_mem>>) attributes {dimension_semantics = [#tpu.dimension_semantics<core_parallel>, #tpu.dimension_semantics<subcore_parallel>], iteration_bounds = array<i64: 2, 16>, scalar_prefetch = 0 : i64, scratch_operands = 17 : i64, tpu.core_type = #tpu.core_type<sc_vector_subcore>, window_params = [{transform_indices = #map}, {transform_indices = #map}, {transform_indices = #map1}, {transform_indices = #map1}, {transform_indices = #map1}, {transform_indices = #map1}]} {
    %eq3A = arith.constant 0 : i32
    %eq3A_0 = arith.cmpi eq, %arg0, %eq3A : i32
    %jit3A = arith.constant 136 : i32
    %jit3A_1 = arith.constant 76 : i32
    %select_n3A = arith.select %eq3A_0, %jit3A, %jit3A_1 : i32
    %mul3A = arith.constant 6528 : i32
    %mul3A_2 = arith.muli %arg1, %mul3A : i32
    %mul3A_3 = arith.constant 3648 : i32
    %mul3A_4 = arith.muli %arg1, %mul3A_3 : i32
    %add3A = arith.constant 104448 : i32
    %add3A_5 = arith.addi %add3A, %mul3A_4 : i32
    %select_n3A_6 = arith.select %eq3A_0, %mul3A_2, %add3A_5 : i32
    "tpu.region"() ({
      %run_scoped3A = tpu.sem_alloc : memref<!tpu.dma_semaphore, #tpu.memory_space<semaphore_mem>>
      %dma_start3A_99 = tpu.memref_slice %arg4[%select_n3A_6] : memref<165696xi32, #tpu.memory_space<hbm>> -> memref<6528xi32, #tpu.memory_space<hbm>>
      %dma_start3A_100 = tpu.memref_slice %arg4[%select_n3A_6] : memref<165696xi32, #tpu.memory_space<hbm>> -> memref<6528xi32, #tpu.memory_space<hbm>>
      tpu.enqueue_dma source(%dma_start3A_100 : memref<6528xi32, #tpu.memory_space<hbm>>) target(%arg8 : memref<6528xi32, #tpu.memory_space<vmem>>) target_semaphore(%run_scoped3A : memref<!tpu.dma_semaphore, #tpu.memory_space<semaphore_mem>>)
      %dma_wait3A = tpu.memref_slice %arg4[%select_n3A_6] : memref<165696xi32, #tpu.memory_space<hbm>> -> memref<6528xi32, #tpu.memory_space<hbm>>
      %dma_wait3A_101 = tpu.memref_slice %arg4[%select_n3A_6] : memref<165696xi32, #tpu.memory_space<hbm>> -> memref<6528xi32, #tpu.memory_space<hbm>>
      tpu.wait_dma2 semaphore(%run_scoped3A : memref<!tpu.dma_semaphore, #tpu.memory_space<semaphore_mem>>) src(%dma_wait3A_101 : memref<6528xi32, #tpu.memory_space<hbm>>) dst(%arg8 : memref<6528xi32, #tpu.memory_space<vmem>>)
      tpu.yield
    }) : () -> ()
    "tpu.region"() ({
      %run_scoped3A = tpu.sem_alloc : memref<!tpu.dma_semaphore, #tpu.memory_space<semaphore_mem>>
      %dma_start3A_99 = tpu.memref_slice %arg5[%select_n3A_6] : memref<165696xi32, #tpu.memory_space<hbm>> -> memref<6528xi32, #tpu.memory_space<hbm>>
      %dma_start3A_100 = tpu.memref_slice %arg5[%select_n3A_6] : memref<165696xi32, #tpu.memory_space<hbm>> -> memref<6528xi32, #tpu.memory_space<hbm>>
      tpu.enqueue_dma source(%dma_start3A_100 : memref<6528xi32, #tpu.memory_space<hbm>>) target(%arg9 : memref<6528xi32, #tpu.memory_space<vmem>>) target_semaphore(%run_scoped3A : memref<!tpu.dma_semaphore, #tpu.memory_space<semaphore_mem>>)
      %dma_wait3A = tpu.memref_slice %arg5[%select_n3A_6] : memref<165696xi32, #tpu.memory_space<hbm>> -> memref<6528xi32, #tpu.memory_space<hbm>>
      %dma_wait3A_101 = tpu.memref_slice %arg5[%select_n3A_6] : memref<165696xi32, #tpu.memory_space<hbm>> -> memref<6528xi32, #tpu.memory_space<hbm>>
      tpu.wait_dma2 semaphore(%run_scoped3A : memref<!tpu.dma_semaphore, #tpu.memory_space<semaphore_mem>>) src(%dma_wait3A_101 : memref<6528xi32, #tpu.memory_space<hbm>>) dst(%arg9 : memref<6528xi32, #tpu.memory_space<vmem>>)
      tpu.yield
    }) : () -> ()
    "tpu.region"() ({
      %run_scoped3A = tpu.sem_alloc : memref<!tpu.dma_semaphore, #tpu.memory_space<semaphore_mem>>
      tpu.enqueue_dma source(%arg6 : memref<272xf32, #tpu.memory_space<hbm>>) target(%arg11 : memref<272xf32, #tpu.memory_space<vmem>>) target_semaphore(%run_scoped3A : memref<!tpu.dma_semaphore, #tpu.memory_space<semaphore_mem>>)
      tpu.wait_dma2 semaphore(%run_scoped3A : memref<!tpu.dma_semaphore, #tpu.memory_space<semaphore_mem>>) src(%arg6 : memref<272xf32, #tpu.memory_space<hbm>>) dst(%arg11 : memref<272xf32, #tpu.memory_space<vmem>>)
      tpu.yield
    }) : () -> ()
    %get3A = arith.constant 0 : index
    %get3A_7 = tpu.vector_load %arg11[%get3A] {strides = array<i32>} : memref<272xf32, #tpu.memory_space<vmem>>, vector<16xf32>,
    %get3A_8 = arith.constant 16 : index
    %get3A_9 = tpu.vector_load %arg11[%get3A_8] {strides = array<i32>} : memref<272xf32, #tpu.memory_space<vmem>>, vector<16xf32>,
    %get3A_10 = arith.constant 32 : index
    %get3A_11 = tpu.vector_load %arg11[%get3A_10] {strides = array<i32>} : memref<272xf32, #tpu.memory_space<vmem>>, vector<16xf32>,
    %get3A_12 = arith.constant 48 : index
    %get3A_13 = tpu.vector_load %arg11[%get3A_12] {strides = array<i32>} : memref<272xf32, #tpu.memory_space<vmem>>, vector<16xf32>,
    %get3A_14 = arith.constant 64 : index
    %get3A_15 = tpu.vector_load %arg11[%get3A_14] {strides = array<i32>} : memref<272xf32, #tpu.memory_space<vmem>>, vector<16xf32>,
    %get3A_16 = arith.constant 80 : index
    %get3A_17 = tpu.vector_load %arg11[%get3A_16] {strides = array<i32>} : memref<272xf32, #tpu.memory_space<vmem>>, vector<16xf32>,
    %get3A_18 = arith.constant 96 : index
    %get3A_19 = tpu.vector_load %arg11[%get3A_18] {strides = array<i32>} : memref<272xf32, #tpu.memory_space<vmem>>, vector<16xf32>,
    %get3A_20 = arith.constant 112 : index
    %get3A_21 = tpu.vector_load %arg11[%get3A_20] {strides = array<i32>} : memref<272xf32, #tpu.memory_space<vmem>>, vector<16xf32>,
    %get3A_22 = arith.constant 128 : index
    %get3A_23 = tpu.vector_load %arg11[%get3A_22] {strides = array<i32>} : memref<272xf32, #tpu.memory_space<vmem>>, vector<16xf32>,
    %get3A_24 = arith.constant 144 : index
    %get3A_25 = tpu.vector_load %arg11[%get3A_24] {strides = array<i32>} : memref<272xf32, #tpu.memory_space<vmem>>, vector<16xf32>,
    %get3A_26 = arith.constant 160 : index
    %get3A_27 = tpu.vector_load %arg11[%get3A_26] {strides = array<i32>} : memref<272xf32, #tpu.memory_space<vmem>>, vector<16xf32>,
    %get3A_28 = arith.constant 176 : index
    %get3A_29 = tpu.vector_load %arg11[%get3A_28] {strides = array<i32>} : memref<272xf32, #tpu.memory_space<vmem>>, vector<16xf32>,
    %get3A_30 = arith.constant 192 : index
    %get3A_31 = tpu.vector_load %arg11[%get3A_30] {strides = array<i32>} : memref<272xf32, #tpu.memory_space<vmem>>, vector<16xf32>,
    %get3A_32 = arith.constant 208 : index
    %get3A_33 = tpu.vector_load %arg11[%get3A_32] {strides = array<i32>} : memref<272xf32, #tpu.memory_space<vmem>>, vector<16xf32>,
    %get3A_34 = arith.constant 224 : index
    %get3A_35 = tpu.vector_load %arg11[%get3A_34] {strides = array<i32>} : memref<272xf32, #tpu.memory_space<vmem>>, vector<16xf32>,
    %get3A_36 = arith.constant 240 : index
    %get3A_37 = tpu.vector_load %arg11[%get3A_36] {strides = array<i32>} : memref<272xf32, #tpu.memory_space<vmem>>, vector<16xf32>,
    %get3A_38 = arith.constant 256 : index
    %get3A_39 = tpu.vector_load %arg11[%get3A_38] {strides = array<i32>} : memref<272xf32, #tpu.memory_space<vmem>>, vector<16xf32>,
    %iota3A = tpu.iota {dimensions = array<i32: 0>} : vector<16xi32>
    %broadcast_in_dim3A = arith.constant -65536 : i32
    %broadcast_in_dim3A_40 = vector.broadcast %broadcast_in_dim3A : i32 to vector<16xi32>
    %dma_start3A = arith.constant 0 : i32
    %dma_start3A_41 = tpu.memref_slice %arg8[%dma_start3A] : memref<6528xi32, #tpu.memory_space<vmem>> -> memref<48xi32, #tpu.memory_space<vmem>>
    %dma_start3A_42 = arith.constant 0 : i32
    %dma_start3A_43 = arith.constant 0 : i32
    %dma_start3A_44 = tpu.memref_slice %arg2[%dma_start3A_42, %dma_start3A_43] : memref<10000x128xi32, #tpu.memory_space<hbm>> -> memref<10000x128xi32, #tpu.memory_space<hbm>>
    tpu.enqueue_indirect_dma source(%dma_start3A_44 : memref<10000x128xi32, #tpu.memory_space<hbm>>) target(%arg13 : memref<48x128xi32, #tpu.memory_space<vmem>>) offsets(%dma_start3A_41 : memref<48xi32, #tpu.memory_space<vmem>>) semaphore(%arg21 : memref<!tpu.dma_semaphore, #tpu.memory_space<semaphore_mem>>)
    %dma_start3A_45 = arith.constant 0 : i32
    %dma_start3A_46 = tpu.memref_slice %arg9[%dma_start3A_45] : memref<6528xi32, #tpu.memory_space<vmem>> -> memref<48xi32, #tpu.memory_space<vmem>>
    %dma_start3A_47 = arith.constant 0 : i32
    %dma_start3A_48 = arith.constant 0 : i32
    %dma_start3A_49 = tpu.memref_slice %arg3[%dma_start3A_47, %dma_start3A_48] : memref<10000x128xi32, #tpu.memory_space<hbm>> -> memref<10000x128xi32, #tpu.memory_space<hbm>>
    tpu.enqueue_indirect_dma source(%dma_start3A_49 : memref<10000x128xi32, #tpu.memory_space<hbm>>) target(%arg17 : memref<48x128xi32, #tpu.memory_space<vmem>>) offsets(%dma_start3A_46 : memref<48xi32, #tpu.memory_space<vmem>>) semaphore(%arg21 : memref<!tpu.dma_semaphore, #tpu.memory_space<semaphore_mem>>)
    %dma_start3A_50 = arith.constant 48 : i32
    %dma_start3A_51 = tpu.memref_slice %arg8[%dma_start3A_50] : memref<6528xi32, #tpu.memory_space<vmem>> -> memref<48xi32, #tpu.memory_space<vmem>>
    %dma_start3A_52 = arith.constant 0 : i32
    %dma_start3A_53 = arith.constant 0 : i32
    %dma_start3A_54 = tpu.memref_slice %arg2[%dma_start3A_52, %dma_start3A_53] : memref<10000x128xi32, #tpu.memory_space<hbm>> -> memref<10000x128xi32, #tpu.memory_space<hbm>>
    tpu.enqueue_indirect_dma source(%dma_start3A_54 : memref<10000x128xi32, #tpu.memory_space<hbm>>) target(%arg14 : memref<48x128xi32, #tpu.memory_space<vmem>>) offsets(%dma_start3A_51 : memref<48xi32, #tpu.memory_space<vmem>>) semaphore(%arg22 : memref<!tpu.dma_semaphore, #tpu.memory_space<semaphore_mem>>)
    %dma_start3A_55 = arith.constant 48 : i32
    %dma_start3A_56 = tpu.memref_slice %arg9[%dma_start3A_55] : memref<6528xi32, #tpu.memory_space<vmem>> -> memref<48xi32, #tpu.memory_space<vmem>>
    %dma_start3A_57 = arith.constant 0 : i32
    %dma_start3A_58 = arith.constant 0 : i32
    %dma_start3A_59 = tpu.memref_slice %arg3[%dma_start3A_57, %dma_start3A_58] : memref<10000x128xi32, #tpu.memory_space<hbm>> -> memref<10000x128xi32, #tpu.memory_space<hbm>>
    tpu.enqueue_indirect_dma source(%dma_start3A_59 : memref<10000x128xi32, #tpu.memory_space<hbm>>) target(%arg18 : memref<48x128xi32, #tpu.memory_space<vmem>>) offsets(%dma_start3A_56 : memref<48xi32, #tpu.memory_space<vmem>>) semaphore(%arg22 : memref<!tpu.dma_semaphore, #tpu.memory_space<semaphore_mem>>)
    %dma_start3A_60 = arith.constant 96 : i32
    %dma_start3A_61 = tpu.memref_slice %arg8[%dma_start3A_60] : memref<6528xi32, #tpu.memory_space<vmem>> -> memref<48xi32, #tpu.memory_space<vmem>>
    %dma_start3A_62 = arith.constant 0 : i32
    %dma_start3A_63 = arith.constant 0 : i32
    %dma_start3A_64 = tpu.memref_slice %arg2[%dma_start3A_62, %dma_start3A_63] : memref<10000x128xi32, #tpu.memory_space<hbm>> -> memref<10000x128xi32, #tpu.memory_space<hbm>>
    tpu.enqueue_indirect_dma source(%dma_start3A_64 : memref<10000x128xi32, #tpu.memory_space<hbm>>) target(%arg15 : memref<48x128xi32, #tpu.memory_space<vmem>>) offsets(%dma_start3A_61 : memref<48xi32, #tpu.memory_space<vmem>>) semaphore(%arg23 : memref<!tpu.dma_semaphore, #tpu.memory_space<semaphore_mem>>)
    %dma_start3A_65 = arith.constant 96 : i32
    %dma_start3A_66 = tpu.memref_slice %arg9[%dma_start3A_65] : memref<6528xi32, #tpu.memory_space<vmem>> -> memref<48xi32, #tpu.memory_space<vmem>>
    %dma_start3A_67 = arith.constant 0 : i32
    %dma_start3A_68 = arith.constant 0 : i32
    %dma_start3A_69 = tpu.memref_slice %arg3[%dma_start3A_67, %dma_start3A_68] : memref<10000x128xi32, #tpu.memory_space<hbm>> -> memref<10000x128xi32, #tpu.memory_space<hbm>>
    tpu.enqueue_indirect_dma source(%dma_start3A_69 : memref<10000x128xi32, #tpu.memory_space<hbm>>) target(%arg19 : memref<48x128xi32, #tpu.memory_space<vmem>>) offsets(%dma_start3A_66 : memref<48xi32, #tpu.memory_space<vmem>>) semaphore(%arg23 : memref<!tpu.dma_semaphore, #tpu.memory_space<semaphore_mem>>)
    %jit3A_70 = arith.constant 4 : i32
    %div3A = arith.divsi %select_n3A, %jit3A_70 : i32
    %sign3A = arith.constant 0 : i32
    %sign3A_71 = arith.cmpi sgt, %select_n3A, %sign3A : i32
    %sign3A_72 = arith.extui %sign3A_71 : i1 to i32
    %sign3A_73 = arith.constant 0 : i32
    %sign3A_74 = arith.cmpi slt, %select_n3A, %sign3A_73 : i32
    %sign3A_75 = arith.extui %sign3A_74 : i1 to i32
    %sign3A_76 = arith.subi %sign3A_72, %sign3A_75 : i32
    %sign3A_77 = arith.constant 0 : i32
    %sign3A_78 = arith.cmpi sgt, %jit3A_70, %sign3A_77 : i32
    %sign3A_79 = arith.extui %sign3A_78 : i1 to i32
    %sign3A_80 = arith.constant 0 : i32
    %sign3A_81 = arith.cmpi slt, %jit3A_70, %sign3A_80 : i32
    %sign3A_82 = arith.extui %sign3A_81 : i1 to i32
    %sign3A_83 = arith.subi %sign3A_79, %sign3A_82 : i32
    %ne3A = arith.cmpi ne, %sign3A_76, %sign3A_83 : i32
    %rem3A = arith.remsi %select_n3A, %jit3A_70 : i32
    %ne3A_84 = arith.constant 0 : i32
    %ne3A_85 = arith.cmpi ne, %rem3A, %ne3A_84 : i32
    %and3A = arith.andi %ne3A, %ne3A_85 : i1
    %sub3A = arith.constant 1 : i32
    %sub3A_86 = arith.subi %div3A, %sub3A : i32
    %select_n3A_87 = arith.select %and3A, %sub3A_86, %div3A : i32
    %while3A = arith.constant 0 : i32
    %while3A_88 = arith.constant 0 : i32
    %while3A_89 = arith.subi %select_n3A_87, %while3A : i32
    %while3A_90 = arith.addi %while3A, %while3A_89 : i32
    %while3A_91 = arith.constant 1 : i32
    %while3A_92 = arith.divsi %while3A_89, %while3A_91 : i32
    %while3A_93 = arith.muli %while3A_92, %while3A_91 : i32
    %while3A_94 = arith.addi %while3A, %while3A_93 : i32
    %while3A_95 = arith.constant 1 : i32
    %while3A_96 = scf.for %while3A_99 = %while3A to %while3A_94 step %while3A_95 iter_args(%while3A_100 = %while3A_88) -> (i32)  : i32 {
      %mul3A_101 = arith.constant 4 : i32
      %mul3A_102 = arith.muli %while3A_99, %mul3A_101 : i32
      %add3A_103 = arith.constant 0 : i32
      %add3A_104 = arith.addi %mul3A_102, %add3A_103 : i32
      %add3A_105 = arith.constant 4 : i32
      %add3A_106 = arith.addi %add3A_104, %add3A_105 : i32
      %sub3A_107 = arith.constant 1 : i32
      %sub3A_108 = arith.subi %add3A_106, %sub3A_107 : i32
      %lt3A = arith.cmpi slt, %sub3A_108, %select_n3A : i32
      %convert_element_type3A = arith.extui %lt3A : i1 to i32
      %cond3A = arith.constant 0 : i32
      %cond3A_109 = arith.cmpi ne, %convert_element_type3A, %cond3A : i32
      scf.if %cond3A_109 {
        %add3A_225 = arith.constant 4 : i32
        %add3A_226 = arith.addi %add3A_104, %add3A_225 : i32
        %sub3A_227 = arith.constant 1 : i32
        %sub3A_228 = arith.subi %add3A_226, %sub3A_227 : i32
        %mul3A_229 = arith.constant 48 : i32
        %mul3A_230 = arith.muli %sub3A_228, %mul3A_229 : i32
        %dma_start3A_231 = tpu.memref_slice %arg8[%mul3A_230] : memref<6528xi32, #tpu.memory_space<vmem>> -> memref<48xi32, #tpu.memory_space<vmem>>
        %dma_start3A_232 = arith.constant 0 : i32
        %dma_start3A_233 = arith.constant 0 : i32
        %dma_start3A_234 = tpu.memref_slice %arg2[%dma_start3A_232, %dma_start3A_233] : memref<10000x128xi32, #tpu.memory_space<hbm>> -> memref<10000x128xi32, #tpu.memory_space<hbm>>
        tpu.enqueue_indirect_dma source(%dma_start3A_234 : memref<10000x128xi32, #tpu.memory_space<hbm>>) target(%arg16 : memref<48x128xi32, #tpu.memory_space<vmem>>) offsets(%dma_start3A_231 : memref<48xi32, #tpu.memory_space<vmem>>) semaphore(%arg24 : memref<!tpu.dma_semaphore, #tpu.memory_space<semaphore_mem>>)
        %dma_start3A_235 = tpu.memref_slice %arg9[%mul3A_230] : memref<6528xi32, #tpu.memory_space<vmem>> -> memref<48xi32, #tpu.memory_space<vmem>>
        %dma_start3A_236 = arith.constant 0 : i32
        %dma_start3A_237 = arith.constant 0 : i32
        %dma_start3A_238 = tpu.memref_slice %arg3[%dma_start3A_236, %dma_start3A_237] : memref<10000x128xi32, #tpu.memory_space<hbm>> -> memref<10000x128xi32, #tpu.memory_space<hbm>>
        tpu.enqueue_indirect_dma source(%dma_start3A_238 : memref<10000x128xi32, #tpu.memory_space<hbm>>) target(%arg20 : memref<48x128xi32, #tpu.memory_space<vmem>>) offsets(%dma_start3A_235 : memref<48xi32, #tpu.memory_space<vmem>>) semaphore(%arg24 : memref<!tpu.dma_semaphore, #tpu.memory_space<semaphore_mem>>)
      } else {
      }
      %mul3A_110 = arith.constant 48 : i32
      %mul3A_111 = arith.muli %add3A_104, %mul3A_110 : i32
      %dma_wait3A = tpu.memref_slice %arg8[%mul3A_111] : memref<6528xi32, #tpu.memory_space<vmem>> -> memref<48xi32, #tpu.memory_space<vmem>>
      %dma_wait3A_112 = arith.constant 0 : i32
      %dma_wait3A_113 = arith.constant 0 : i32
      %dma_wait3A_114 = tpu.memref_slice %arg2[%dma_wait3A_112, %dma_wait3A_113] : memref<10000x128xi32, #tpu.memory_space<hbm>> -> memref<10000x128xi32, #tpu.memory_space<hbm>>
      tpu.wait_indirect_dma semaphore(%arg21 : memref<!tpu.dma_semaphore, #tpu.memory_space<semaphore_mem>>) src(%dma_wait3A_114 : memref<10000x128xi32, #tpu.memory_space<hbm>>) dst(%arg13 : memref<48x128xi32, #tpu.memory_space<vmem>>)
      %dma_wait3A_115 = tpu.memref_slice %arg9[%mul3A_111] : memref<6528xi32, #tpu.memory_space<vmem>> -> memref<48xi32, #tpu.memory_space<vmem>>
      %dma_wait3A_116 = arith.constant 0 : i32
      %dma_wait3A_117 = arith.constant 0 : i32
      %dma_wait3A_118 = tpu.memref_slice %arg3[%dma_wait3A_116, %dma_wait3A_117] : memref<10000x128xi32, #tpu.memory_space<hbm>> -> memref<10000x128xi32, #tpu.memory_space<hbm>>
      tpu.wait_indirect_dma semaphore(%arg21 : memref<!tpu.dma_semaphore, #tpu.memory_space<semaphore_mem>>) src(%dma_wait3A_118 : memref<10000x128xi32, #tpu.memory_space<hbm>>) dst(%arg17 : memref<48x128xi32, #tpu.memory_space<vmem>>)
      %scan3A = arith.constant 0 : i32
      %scan3A_119 = arith.constant 0 : i32
      %scan3A_120 = arith.constant 3 : i32
      %scan3A_121 = arith.addi %scan3A_119, %scan3A_120 : i32
      %scan3A_122 = arith.constant 1 : i32
      %scan3A_123 = scf.for %scan3A_225 = %scan3A_119 to %scan3A_121 step %scan3A_122 iter_args(%scan3A_226 = %scan3A) -> (i32)  : i32 {
        %scan3A_227 = arith.constant 0 : i32
        %scan3A_228 = arith.constant 0 : i32
        %scan3A_229 = arith.constant 16 : i32
        %scan3A_230 = arith.addi %scan3A_228, %scan3A_229 : i32
        %scan3A_231 = arith.constant 1 : i32
        %scan3A_232 = scf.for %scan3A_361 = %scan3A_228 to %scan3A_230 step %scan3A_231 iter_args(%scan3A_362 = %scan3A_227) -> (i32)  : i32 {
          %mul3A_363 = arith.constant 16 : i32
          %mul3A_364 = arith.muli %scan3A_225, %mul3A_363 : i32
          %add3A_365 = arith.addi %mul3A_364, %scan3A_361 : i32
          %get3A_366 = arith.index_cast %add3A_365 : i32 to index
          %get3A_367 = arith.constant 0 : index
          %get3A_368 = tpu.vector_load %arg13[%get3A_366, %get3A_367] {strides = array<i32>} : memref<48x128xi32, #tpu.memory_space<vmem>>, vector<16xi32>,
          %bitcast3A = vector.bitcast %get3A_368 : vector<16xi32> to vector<32xbf16>
          %get3A_369 = arith.index_cast %add3A_365 : i32 to index
          %get3A_370 = arith.constant 0 : index
          %get3A_371 = tpu.vector_load %arg17[%get3A_369, %get3A_370] {strides = array<i32>} : memref<48x128xi32, #tpu.memory_space<vmem>>, vector<16xi32>,
          %bitcast3A_372 = vector.bitcast %get3A_371 : vector<16xi32> to vector<32xbf16>
          %add3A_373 = arith.addf %bitcast3A, %bitcast3A_372 : vector<32xbf16>
          %max3A = arith.constant 0.000000e+00 : bf16
          %max3A_374 = vector.broadcast %max3A : bf16 to vector<32xbf16>
          %max3A_375 = arith.maximumf %add3A_373, %max3A_374 : vector<32xbf16>
          %bitcast3A_376 = vector.bitcast %max3A_375 : vector<32xbf16> to vector<16xi32>
          %shift_left3A = arith.constant 16 : i32
          %shift_left3A_377 = vector.broadcast %shift_left3A : i32 to vector<16xi32>
          %shift_left3A_378 = arith.shli %bitcast3A_376, %shift_left3A_377 : vector<16xi32>
          %bitcast3A_379 = vector.bitcast %shift_left3A_378 : vector<16xi32> to vector<16xf32>
          %and3A_380 = arith.andi %bitcast3A_376, %broadcast_in_dim3A_40 : vector<16xi32>
          %bitcast3A_381 = vector.bitcast %and3A_380 : vector<16xi32> to vector<16xf32>
          %mul3A_382 = arith.mulf %bitcast3A_379, %get3A_7 : vector<16xf32>
          %add3A_383 = arith.addf %get3A_39, %mul3A_382 : vector<16xf32>
          %mul3A_384 = arith.mulf %bitcast3A_381, %get3A_23 : vector<16xf32>
          %add3A_385 = arith.addf %add3A_383, %mul3A_384 : vector<16xf32>
          %get3A_386 = arith.index_cast %add3A_365 : i32 to index
          %get3A_387 = arith.constant 16 : index
          %get3A_388 = tpu.vector_load %arg13[%get3A_386, %get3A_387] {strides = array<i32>} : memref<48x128xi32, #tpu.memory_space<vmem>>, vector<16xi32>,
          %bitcast3A_389 = vector.bitcast %get3A_388 : vector<16xi32> to vector<32xbf16>
          %get3A_390 = arith.index_cast %add3A_365 : i32 to index
          %get3A_391 = arith.constant 16 : index
          %get3A_392 = tpu.vector_load %arg17[%get3A_390, %get3A_391] {strides = array<i32>} : memref<48x128xi32, #tpu.memory_space<vmem>>, vector<16xi32>,
          %bitcast3A_393 = vector.bitcast %get3A_392 : vector<16xi32> to vector<32xbf16>
          %add3A_394 = arith.addf %bitcast3A_389, %bitcast3A_393 : vector<32xbf16>
          %max3A_395 = arith.constant 0.000000e+00 : bf16
          %max3A_396 = vector.broadcast %max3A_395 : bf16 to vector<32xbf16>
          %max3A_397 = arith.maximumf %add3A_394, %max3A_396 : vector<32xbf16>
          %bitcast3A_398 = vector.bitcast %max3A_397 : vector<32xbf16> to vector<16xi32>
          %shift_left3A_399 = arith.constant 16 : i32
          %shift_left3A_400 = vector.broadcast %shift_left3A_399 : i32 to vector<16xi32>
          %shift_left3A_401 = arith.shli %bitcast3A_398, %shift_left3A_400 : vector<16xi32>
          %bitcast3A_402 = vector.bitcast %shift_left3A_401 : vector<16xi32> to vector<16xf32>
          %and3A_403 = arith.andi %bitcast3A_398, %broadcast_in_dim3A_40 : vector<16xi32>
          %bitcast3A_404 = vector.bitcast %and3A_403 : vector<16xi32> to vector<16xf32>
          %mul3A_405 = arith.mulf %bitcast3A_402, %get3A_9 : vector<16xf32>
          %add3A_406 = arith.addf %add3A_385, %mul3A_405 : vector<16xf32>
          %mul3A_407 = arith.mulf %bitcast3A_404, %get3A_25 : vector<16xf32>
          %add3A_408 = arith.addf %add3A_406, %mul3A_407 : vector<16xf32>
          %get3A_409 = arith.index_cast %add3A_365 : i32 to index
          %get3A_410 = arith.constant 32 : index
          %get3A_411 = tpu.vector_load %arg13[%get3A_409, %get3A_410] {strides = array<i32>} : memref<48x128xi32, #tpu.memory_space<vmem>>, vector<16xi32>,
          %bitcast3A_412 = vector.bitcast %get3A_411 : vector<16xi32> to vector<32xbf16>
          %get3A_413 = arith.index_cast %add3A_365 : i32 to index
          %get3A_414 = arith.constant 32 : index
          %get3A_415 = tpu.vector_load %arg17[%get3A_413, %get3A_414] {strides = array<i32>} : memref<48x128xi32, #tpu.memory_space<vmem>>, vector<16xi32>,
          %bitcast3A_416 = vector.bitcast %get3A_415 : vector<16xi32> to vector<32xbf16>
          %add3A_417 = arith.addf %bitcast3A_412, %bitcast3A_416 : vector<32xbf16>
          %max3A_418 = arith.constant 0.000000e+00 : bf16
          %max3A_419 = vector.broadcast %max3A_418 : bf16 to vector<32xbf16>
          %max3A_420 = arith.maximumf %add3A_417, %max3A_419 : vector<32xbf16>
          %bitcast3A_421 = vector.bitcast %max3A_420 : vector<32xbf16> to vector<16xi32>
          %shift_left3A_422 = arith.constant 16 : i32
          %shift_left3A_423 = vector.broadcast %shift_left3A_422 : i32 to vector<16xi32>
          %shift_left3A_424 = arith.shli %bitcast3A_421, %shift_left3A_423 : vector<16xi32>
          %bitcast3A_425 = vector.bitcast %shift_left3A_424 : vector<16xi32> to vector<16xf32>
          %and3A_426 = arith.andi %bitcast3A_421, %broadcast_in_dim3A_40 : vector<16xi32>
          %bitcast3A_427 = vector.bitcast %and3A_426 : vector<16xi32> to vector<16xf32>
          %mul3A_428 = arith.mulf %bitcast3A_425, %get3A_11 : vector<16xf32>
          %add3A_429 = arith.addf %add3A_408, %mul3A_428 : vector<16xf32>
          %mul3A_430 = arith.mulf %bitcast3A_427, %get3A_27 : vector<16xf32>
          %add3A_431 = arith.addf %add3A_429, %mul3A_430 : vector<16xf32>
          %get3A_432 = arith.index_cast %add3A_365 : i32 to index
          %get3A_433 = arith.constant 48 : index
          %get3A_434 = tpu.vector_load %arg13[%get3A_432, %get3A_433] {strides = array<i32>} : memref<48x128xi32, #tpu.memory_space<vmem>>, vector<16xi32>,
          %bitcast3A_435 = vector.bitcast %get3A_434 : vector<16xi32> to vector<32xbf16>
          %get3A_436 = arith.index_cast %add3A_365 : i32 to index
          %get3A_437 = arith.constant 48 : index
          %get3A_438 = tpu.vector_load %arg17[%get3A_436, %get3A_437] {strides = array<i32>} : memref<48x128xi32, #tpu.memory_space<vmem>>, vector<16xi32>,
          %bitcast3A_439 = vector.bitcast %get3A_438 : vector<16xi32> to vector<32xbf16>
          %add3A_440 = arith.addf %bitcast3A_435, %bitcast3A_439 : vector<32xbf16>
          %max3A_441 = arith.constant 0.000000e+00 : bf16
          %max3A_442 = vector.broadcast %max3A_441 : bf16 to vector<32xbf16>
          %max3A_443 = arith.maximumf %add3A_440, %max3A_442 : vector<32xbf16>
          %bitcast3A_444 = vector.bitcast %max3A_443 : vector<32xbf16> to vector<16xi32>
          %shift_left3A_445 = arith.constant 16 : i32
          %shift_left3A_446 = vector.broadcast %shift_left3A_445 : i32 to vector<16xi32>
          %shift_left3A_447 = arith.shli %bitcast3A_444, %shift_left3A_446 : vector<16xi32>
          %bitcast3A_448 = vector.bitcast %shift_left3A_447 : vector<16xi32> to vector<16xf32>
          %and3A_449 = arith.andi %bitcast3A_444, %broadcast_in_dim3A_40 : vector<16xi32>
          %bitcast3A_450 = vector.bitcast %and3A_449 : vector<16xi32> to vector<16xf32>
          %mul3A_451 = arith.mulf %bitcast3A_448, %get3A_13 : vector<16xf32>
          %add3A_452 = arith.addf %add3A_431, %mul3A_451 : vector<16xf32>
          %mul3A_453 = arith.mulf %bitcast3A_450, %get3A_29 : vector<16xf32>
          %add3A_454 = arith.addf %add3A_452, %mul3A_453 : vector<16xf32>
          %get3A_455 = arith.index_cast %add3A_365 : i32 to index
          %get3A_456 = arith.constant 64 : index
          %get3A_457 = tpu.vector_load %arg13[%get3A_455, %get3A_456] {strides = array<i32>} : memref<48x128xi32, #tpu.memory_space<vmem>>, vector<16xi32>,
          %bitcast3A_458 = vector.bitcast %get3A_457 : vector<16xi32> to vector<32xbf16>
          %get3A_459 = arith.index_cast %add3A_365 : i32 to index
          %get3A_460 = arith.constant 64 : index
          %get3A_461 = tpu.vector_load %arg17[%get3A_459, %get3A_460] {strides = array<i32>} : memref<48x128xi32, #tpu.memory_space<vmem>>, vector<16xi32>,
          %bitcast3A_462 = vector.bitcast %get3A_461 : vector<16xi32> to vector<32xbf16>
          %add3A_463 = arith.addf %bitcast3A_458, %bitcast3A_462 : vector<32xbf16>
          %max3A_464 = arith.constant 0.000000e+00 : bf16
          %max3A_465 = vector.broadcast %max3A_464 : bf16 to vector<32xbf16>
          %max3A_466 = arith.maximumf %add3A_463, %max3A_465 : vector<32xbf16>
          %bitcast3A_467 = vector.bitcast %max3A_466 : vector<32xbf16> to vector<16xi32>
          %shift_left3A_468 = arith.constant 16 : i32
          %shift_left3A_469 = vector.broadcast %shift_left3A_468 : i32 to vector<16xi32>
          %shift_left3A_470 = arith.shli %bitcast3A_467, %shift_left3A_469 : vector<16xi32>
          %bitcast3A_471 = vector.bitcast %shift_left3A_470 : vector<16xi32> to vector<16xf32>
          %and3A_472 = arith.andi %bitcast3A_467, %broadcast_in_dim3A_40 : vector<16xi32>
          %bitcast3A_473 = vector.bitcast %and3A_472 : vector<16xi32> to vector<16xf32>
          %mul3A_474 = arith.mulf %bitcast3A_471, %get3A_15 : vector<16xf32>
          %add3A_475 = arith.addf %add3A_454, %mul3A_474 : vector<16xf32>
          %mul3A_476 = arith.mulf %bitcast3A_473, %get3A_31 : vector<16xf32>
          %add3A_477 = arith.addf %add3A_475, %mul3A_476 : vector<16xf32>
          %get3A_478 = arith.index_cast %add3A_365 : i32 to index
          %get3A_479 = arith.constant 80 : index
          %get3A_480 = tpu.vector_load %arg13[%get3A_478, %get3A_479] {strides = array<i32>} : memref<48x128xi32, #tpu.memory_space<vmem>>, vector<16xi32>,
          %bitcast3A_481 = vector.bitcast %get3A_480 : vector<16xi32> to vector<32xbf16>
          %get3A_482 = arith.index_cast %add3A_365 : i32 to index
          %get3A_483 = arith.constant 80 : index
          %get3A_484 = tpu.vector_load %arg17[%get3A_482, %get3A_483] {strides = array<i32>} : memref<48x128xi32, #tpu.memory_space<vmem>>, vector<16xi32>,
          %bitcast3A_485 = vector.bitcast %get3A_484 : vector<16xi32> to vector<32xbf16>
          %add3A_486 = arith.addf %bitcast3A_481, %bitcast3A_485 : vector<32xbf16>
          %max3A_487 = arith.constant 0.000000e+00 : bf16
          %max3A_488 = vector.broadcast %max3A_487 : bf16 to vector<32xbf16>
          %max3A_489 = arith.maximumf %add3A_486, %max3A_488 : vector<32xbf16>
          %bitcast3A_490 = vector.bitcast %max3A_489 : vector<32xbf16> to vector<16xi32>
          %shift_left3A_491 = arith.constant 16 : i32
          %shift_left3A_492 = vector.broadcast %shift_left3A_491 : i32 to vector<16xi32>
          %shift_left3A_493 = arith.shli %bitcast3A_490, %shift_left3A_492 : vector<16xi32>
          %bitcast3A_494 = vector.bitcast %shift_left3A_493 : vector<16xi32> to vector<16xf32>
          %and3A_495 = arith.andi %bitcast3A_490, %broadcast_in_dim3A_40 : vector<16xi32>
          %bitcast3A_496 = vector.bitcast %and3A_495 : vector<16xi32> to vector<16xf32>
          %mul3A_497 = arith.mulf %bitcast3A_494, %get3A_17 : vector<16xf32>
          %add3A_498 = arith.addf %add3A_477, %mul3A_497 : vector<16xf32>
          %mul3A_499 = arith.mulf %bitcast3A_496, %get3A_33 : vector<16xf32>
          %add3A_500 = arith.addf %add3A_498, %mul3A_499 : vector<16xf32>
          %get3A_501 = arith.index_cast %add3A_365 : i32 to index
          %get3A_502 = arith.constant 96 : index
          %get3A_503 = tpu.vector_load %arg13[%get3A_501, %get3A_502] {strides = array<i32>} : memref<48x128xi32, #tpu.memory_space<vmem>>, vector<16xi32>,
          %bitcast3A_504 = vector.bitcast %get3A_503 : vector<16xi32> to vector<32xbf16>
          %get3A_505 = arith.index_cast %add3A_365 : i32 to index
          %get3A_506 = arith.constant 96 : index
          %get3A_507 = tpu.vector_load %arg17[%get3A_505, %get3A_506] {strides = array<i32>} : memref<48x128xi32, #tpu.memory_space<vmem>>, vector<16xi32>,
          %bitcast3A_508 = vector.bitcast %get3A_507 : vector<16xi32> to vector<32xbf16>
          %add3A_509 = arith.addf %bitcast3A_504, %bitcast3A_508 : vector<32xbf16>
          %max3A_510 = arith.constant 0.000000e+00 : bf16
          %max3A_511 = vector.broadcast %max3A_510 : bf16 to vector<32xbf16>
          %max3A_512 = arith.maximumf %add3A_509, %max3A_511 : vector<32xbf16>
          %bitcast3A_513 = vector.bitcast %max3A_512 : vector<32xbf16> to vector<16xi32>
          %shift_left3A_514 = arith.constant 16 : i32
          %shift_left3A_515 = vector.broadcast %shift_left3A_514 : i32 to vector<16xi32>
          %shift_left3A_516 = arith.shli %bitcast3A_513, %shift_left3A_515 : vector<16xi32>
          %bitcast3A_517 = vector.bitcast %shift_left3A_516 : vector<16xi32> to vector<16xf32>
          %and3A_518 = arith.andi %bitcast3A_513, %broadcast_in_dim3A_40 : vector<16xi32>
          %bitcast3A_519 = vector.bitcast %and3A_518 : vector<16xi32> to vector<16xf32>
          %mul3A_520 = arith.mulf %bitcast3A_517, %get3A_19 : vector<16xf32>
          %add3A_521 = arith.addf %add3A_500, %mul3A_520 : vector<16xf32>
          %mul3A_522 = arith.mulf %bitcast3A_519, %get3A_35 : vector<16xf32>
          %add3A_523 = arith.addf %add3A_521, %mul3A_522 : vector<16xf32>
          %get3A_524 = arith.index_cast %add3A_365 : i32 to index
          %get3A_525 = arith.constant 112 : index
          %get3A_526 = tpu.vector_load %arg13[%get3A_524, %get3A_525] {strides = array<i32>} : memref<48x128xi32, #tpu.memory_space<vmem>>, vector<16xi32>,
          %bitcast3A_527 = vector.bitcast %get3A_526 : vector<16xi32> to vector<32xbf16>
          %get3A_528 = arith.index_cast %add3A_365 : i32 to index
          %get3A_529 = arith.constant 112 : index
          %get3A_530 = tpu.vector_load %arg17[%get3A_528, %get3A_529] {strides = array<i32>} : memref<48x128xi32, #tpu.memory_space<vmem>>, vector<16xi32>,
          %bitcast3A_531 = vector.bitcast %get3A_530 : vector<16xi32> to vector<32xbf16>
          %add3A_532 = arith.addf %bitcast3A_527, %bitcast3A_531 : vector<32xbf16>
          %max3A_533 = arith.constant 0.000000e+00 : bf16
          %max3A_534 = vector.broadcast %max3A_533 : bf16 to vector<32xbf16>
          %max3A_535 = arith.maximumf %add3A_532, %max3A_534 : vector<32xbf16>
          %bitcast3A_536 = vector.bitcast %max3A_535 : vector<32xbf16> to vector<16xi32>
          %shift_left3A_537 = arith.constant 16 : i32
          %shift_left3A_538 = vector.broadcast %shift_left3A_537 : i32 to vector<16xi32>
          %shift_left3A_539 = arith.shli %bitcast3A_536, %shift_left3A_538 : vector<16xi32>
          %bitcast3A_540 = vector.bitcast %shift_left3A_539 : vector<16xi32> to vector<16xf32>
          %and3A_541 = arith.andi %bitcast3A_536, %broadcast_in_dim3A_40 : vector<16xi32>
          %bitcast3A_542 = vector.bitcast %and3A_541 : vector<16xi32> to vector<16xf32>
          %mul3A_543 = arith.mulf %bitcast3A_540, %get3A_21 : vector<16xf32>
          %add3A_544 = arith.addf %add3A_523, %mul3A_543 : vector<16xf32>
          %mul3A_545 = arith.mulf %bitcast3A_542, %get3A_37 : vector<16xf32>
          %add3A_546 = arith.addf %add3A_544, %mul3A_545 : vector<16xf32>
          %mul3A_547 = arith.constant 16 : i32
          %mul3A_548 = arith.muli %scan3A_361, %mul3A_547 : i32
          %swap3A_549 = arith.index_cast %mul3A_548 : i32 to index
          %swap3A_550 = tpu.vector_load %arg12[%swap3A_549] {strides = array<i32>} : memref<256xf32, #tpu.memory_space<vmem>>, vector<16xf32>,
          tpu.vector_store %arg12[%swap3A_549], %add3A_546 {strides = array<i32>} : memref<256xf32, #tpu.memory_space<vmem>>, vector<16xf32>,
          %scan3A_551 = arith.constant 0 : i32
          scf.yield %scan3A_551 : i32
        }
        %scan3A_233 = arith.constant 16 : i32
        %mul3A_234 = arith.constant 16 : i32
        %mul3A_235 = vector.broadcast %mul3A_234 : i32 to vector<16xi32>
        %mul3A_236 = arith.muli %iota3A, %mul3A_235 : vector<16xi32>
        %gather3A = tpu.vector_load_idx %arg12[%mul3A_236] : memref<256xf32, #tpu.memory_space<vmem>>[vector<16xi32>], vector<16xf32>,
        %mul3A_237 = arith.constant 16 : i32
        %mul3A_238 = vector.broadcast %mul3A_237 : i32 to vector<16xi32>
        %mul3A_239 = arith.muli %iota3A, %mul3A_238 : vector<16xi32>
        %add3A_240 = arith.constant 1 : i32
        %add3A_241 = vector.broadcast %add3A_240 : i32 to vector<16xi32>
        %add3A_242 = arith.addi %mul3A_239, %add3A_241 : vector<16xi32>
        %gather3A_243 = tpu.vector_load_idx %arg12[%add3A_242] : memref<256xf32, #tpu.memory_space<vmem>>[vector<16xi32>], vector<16xf32>,
        %add3A_244 = arith.addf %gather3A, %gather3A_243 : vector<16xf32>
        %mul3A_245 = arith.constant 16 : i32
        %mul3A_246 = vector.broadcast %mul3A_245 : i32 to vector<16xi32>
        %mul3A_247 = arith.muli %iota3A, %mul3A_246 : vector<16xi32>
        %add3A_248 = arith.constant 2 : i32
        %add3A_249 = vector.broadcast %add3A_248 : i32 to vector<16xi32>
        %add3A_250 = arith.addi %mul3A_247, %add3A_249 : vector<16xi32>
        %gather3A_251 = tpu.vector_load_idx %arg12[%add3A_250] : memref<256xf32, #tpu.memory_space<vmem>>[vector<16xi32>], vector<16xf32>,
        %add3A_252 = arith.addf %add3A_244, %gather3A_251 : vector<16xf32>
        %mul3A_253 = arith.constant 16 : i32
        %mul3A_254 = vector.broadcast %mul3A_253 : i32 to vector<16xi32>
        %mul3A_255 = arith.muli %iota3A, %mul3A_254 : vector<16xi32>
        %add3A_256 = arith.constant 3 : i32
        %add3A_257 = vector.broadcast %add3A_256 : i32 to vector<16xi32>
        %add3A_258 = arith.addi %mul3A_255, %add3A_257 : vector<16xi32>
        %gather3A_259 = tpu.vector_load_idx %arg12[%add3A_258] : memref<256xf32, #tpu.memory_space<vmem>>[vector<16xi32>], vector<16xf32>,
        %add3A_260 = arith.addf %add3A_252, %gather3A_259 : vector<16xf32>
        %mul3A_261 = arith.constant 16 : i32
        %mul3A_262 = vector.broadcast %mul3A_261 : i32 to vector<16xi32>
        %mul3A_263 = arith.muli %iota3A, %mul3A_262 : vector<16xi32>
        %add3A_264 = arith.constant 4 : i32
        %add3A_265 = vector.broadcast %add3A_264 : i32 to vector<16xi32>
        %add3A_266 = arith.addi %mul3A_263, %add3A_265 : vector<16xi32>
        %gather3A_267 = tpu.vector_load_idx %arg12[%add3A_266] : memref<256xf32, #tpu.memory_space<vmem>>[vector<16xi32>], vector<16xf32>,
        %add3A_268 = arith.addf %add3A_260, %gather3A_267 : vector<16xf32>
        %mul3A_269 = arith.constant 16 : i32
        %mul3A_270 = vector.broadcast %mul3A_269 : i32 to vector<16xi32>
        %mul3A_271 = arith.muli %iota3A, %mul3A_270 : vector<16xi32>
        %add3A_272 = arith.constant 5 : i32
        %add3A_273 = vector.broadcast %add3A_272 : i32 to vector<16xi32>
        %add3A_274 = arith.addi %mul3A_271, %add3A_273 : vector<16xi32>
        %gather3A_275 = tpu.vector_load_idx %arg12[%add3A_274] : memref<256xf32, #tpu.memory_space<vmem>>[vector<16xi32>], vector<16xf32>,
        %add3A_276 = arith.addf %add3A_268, %gather3A_275 : vector<16xf32>
        %mul3A_277 = arith.constant 16 : i32
        %mul3A_278 = vector.broadcast %mul3A_277 : i32 to vector<16xi32>
        %mul3A_279 = arith.muli %iota3A, %mul3A_278 : vector<16xi32>
        %add3A_280 = arith.constant 6 : i32
        %add3A_281 = vector.broadcast %add3A_280 : i32 to vector<16xi32>
        %add3A_282 = arith.addi %mul3A_279, %add3A_281 : vector<16xi32>
        %gather3A_283 = tpu.vector_load_idx %arg12[%add3A_282] : memref<256xf32, #tpu.memory_space<vmem>>[vector<16xi32>], vector<16xf32>,
        %add3A_284 = arith.addf %add3A_276, %gather3A_283 : vector<16xf32>
        %mul3A_285 = arith.constant 16 : i32
        %mul3A_286 = vector.broadcast %mul3A_285 : i32 to vector<16xi32>
        %mul3A_287 = arith.muli %iota3A, %mul3A_286 : vector<16xi32>
        %add3A_288 = arith.constant 7 : i32
        %add3A_289 = vector.broadcast %add3A_288 : i32 to vector<16xi32>
        %add3A_290 = arith.addi %mul3A_287, %add3A_289 : vector<16xi32>
        %gather3A_291 = tpu.vector_load_idx %arg12[%add3A_290] : memref<256xf32, #tpu.memory_space<vmem>>[vector<16xi32>], vector<16xf32>,
        %add3A_292 = arith.addf %add3A_284, %gather3A_291 : vector<16xf32>
        %mul3A_293 = arith.constant 16 : i32
        %mul3A_294 = vector.broadcast %mul3A_293 : i32 to vector<16xi32>
        %mul3A_295 = arith.muli %iota3A, %mul3A_294 : vector<16xi32>
        %add3A_296 = arith.constant 8 : i32
        %add3A_297 = vector.broadcast %add3A_296 : i32 to vector<16xi32>
        %add3A_298 = arith.addi %mul3A_295, %add3A_297 : vector<16xi32>
        %gather3A_299 = tpu.vector_load_idx %arg12[%add3A_298] : memref<256xf32, #tpu.memory_space<vmem>>[vector<16xi32>], vector<16xf32>,
        %add3A_300 = arith.addf %add3A_292, %gather3A_299 : vector<16xf32>
        %mul3A_301 = arith.constant 16 : i32
        %mul3A_302 = vector.broadcast %mul3A_301 : i32 to vector<16xi32>
        %mul3A_303 = arith.muli %iota3A, %mul3A_302 : vector<16xi32>
        %add3A_304 = arith.constant 9 : i32
        %add3A_305 = vector.broadcast %add3A_304 : i32 to vector<16xi32>
        %add3A_306 = arith.addi %mul3A_303, %add3A_305 : vector<16xi32>
        %gather3A_307 = tpu.vector_load_idx %arg12[%add3A_306] : memref<256xf32, #tpu.memory_space<vmem>>[vector<16xi32>], vector<16xf32>,
        %add3A_308 = arith.addf %add3A_300, %gather3A_307 : vector<16xf32>
        %mul3A_309 = arith.constant 16 : i32
        %mul3A_310 = vector.broadcast %mul3A_309 : i32 to vector<16xi32>
        %mul3A_311 = arith.muli %iota3A, %mul3A_310 : vector<16xi32>
        %add3A_312 = arith.constant 10 : i32
        %add3A_313 = vector.broadcast %add3A_312 : i32 to vector<16xi32>
        %add3A_314 = arith.addi %mul3A_311, %add3A_313 : vector<16xi32>
        %gather3A_315 = tpu.vector_load_idx %arg12[%add3A_314] : memref<256xf32, #tpu.memory_space<vmem>>[vector<16xi32>], vector<16xf32>,
        %add3A_316 = arith.addf %add3A_308, %gather3A_315 : vector<16xf32>
        %mul3A_317 = arith.constant 16 : i32
        %mul3A_318 = vector.broadcast %mul3A_317 : i32 to vector<16xi32>
        %mul3A_319 = arith.muli %iota3A, %mul3A_318 : vector<16xi32>
        %add3A_320 = arith.constant 11 : i32
        %add3A_321 = vector.broadcast %add3A_320 : i32 to vector<16xi32>
        %add3A_322 = arith.addi %mul3A_319, %add3A_321 : vector<16xi32>
        %gather3A_323 = tpu.vector_load_idx %arg12[%add3A_322] : memref<256xf32, #tpu.memory_space<vmem>>[vector<16xi32>], vector<16xf32>,
        %add3A_324 = arith.addf %add3A_316, %gather3A_323 : vector<16xf32>
        %mul3A_325 = arith.constant 16 : i32
        %mul3A_326 = vector.broadcast %mul3A_325 : i32 to vector<16xi32>
        %mul3A_327 = arith.muli %iota3A, %mul3A_326 : vector<16xi32>
        %add3A_328 = arith.constant 12 : i32
        %add3A_329 = vector.broadcast %add3A_328 : i32 to vector<16xi32>
        %add3A_330 = arith.addi %mul3A_327, %add3A_329 : vector<16xi32>
        %gather3A_331 = tpu.vector_load_idx %arg12[%add3A_330] : memref<256xf32, #tpu.memory_space<vmem>>[vector<16xi32>], vector<16xf32>,
        %add3A_332 = arith.addf %add3A_324, %gather3A_331 : vector<16xf32>
        %mul3A_333 = arith.constant 16 : i32
        %mul3A_334 = vector.broadcast %mul3A_333 : i32 to vector<16xi32>
        %mul3A_335 = arith.muli %iota3A, %mul3A_334 : vector<16xi32>
        %add3A_336 = arith.constant 13 : i32
        %add3A_337 = vector.broadcast %add3A_336 : i32 to vector<16xi32>
        %add3A_338 = arith.addi %mul3A_335, %add3A_337 : vector<16xi32>
        %gather3A_339 = tpu.vector_load_idx %arg12[%add3A_338] : memref<256xf32, #tpu.memory_space<vmem>>[vector<16xi32>], vector<16xf32>,
        %add3A_340 = arith.addf %add3A_332, %gather3A_339 : vector<16xf32>
        %mul3A_341 = arith.constant 16 : i32
        %mul3A_342 = vector.broadcast %mul3A_341 : i32 to vector<16xi32>
        %mul3A_343 = arith.muli %iota3A, %mul3A_342 : vector<16xi32>
        %add3A_344 = arith.constant 14 : i32
        %add3A_345 = vector.broadcast %add3A_344 : i32 to vector<16xi32>
        %add3A_346 = arith.addi %mul3A_343, %add3A_345 : vector<16xi32>
        %gather3A_347 = tpu.vector_load_idx %arg12[%add3A_346] : memref<256xf32, #tpu.memory_space<vmem>>[vector<16xi32>], vector<16xf32>,
        %add3A_348 = arith.addf %add3A_340, %gather3A_347 : vector<16xf32>
        %mul3A_349 = arith.constant 16 : i32
        %mul3A_350 = vector.broadcast %mul3A_349 : i32 to vector<16xi32>
        %mul3A_351 = arith.muli %iota3A, %mul3A_350 : vector<16xi32>
        %add3A_352 = arith.constant 15 : i32
        %add3A_353 = vector.broadcast %add3A_352 : i32 to vector<16xi32>
        %add3A_354 = arith.addi %mul3A_351, %add3A_353 : vector<16xi32>
        %gather3A_355 = tpu.vector_load_idx %arg12[%add3A_354] : memref<256xf32, #tpu.memory_space<vmem>>[vector<16xi32>], vector<16xf32>,
        %add3A_356 = arith.addf %add3A_348, %gather3A_355 : vector<16xf32>
        %mul3A_357 = arith.constant 16 : i32
        %mul3A_358 = arith.muli %scan3A_225, %mul3A_357 : i32
        %swap3A = arith.index_cast %mul3A_358 : i32 to index
        %swap3A_359 = tpu.vector_load %arg10[%swap3A] {strides = array<i32>} : memref<48xf32, #tpu.memory_space<vmem>>, vector<16xf32>,
        tpu.vector_store %arg10[%swap3A], %add3A_356 {strides = array<i32>} : memref<48xf32, #tpu.memory_space<vmem>>, vector<16xf32>,
        %scan3A_360 = arith.constant 0 : i32
        scf.yield %scan3A_360 : i32
      }
      %scan3A_124 = arith.constant 3 : i32
      %mul3A_125 = arith.constant 48 : i32
      %mul3A_126 = arith.muli %add3A_104, %mul3A_125 : i32
      %add3A_127 = arith.addi %select_n3A_6, %mul3A_126 : i32
      "tpu.region"() ({
        %run_scoped3A = tpu.sem_alloc : memref<!tpu.dma_semaphore, #tpu.memory_space<semaphore_mem>>
        %dma_start3A_225 = tpu.memref_slice %arg7[%add3A_127] : memref<162816xf32, #tpu.memory_space<hbm>> -> memref<48xf32, #tpu.memory_space<hbm>>
        %dma_start3A_226 = tpu.memref_slice %arg7[%add3A_127] : memref<162816xf32, #tpu.memory_space<hbm>> -> memref<48xf32, #tpu.memory_space<hbm>>
        tpu.enqueue_dma source(%arg10 : memref<48xf32, #tpu.memory_space<vmem>>) target(%dma_start3A_226 : memref<48xf32, #tpu.memory_space<hbm>>) target_semaphore(%run_scoped3A : memref<!tpu.dma_semaphore, #tpu.memory_space<semaphore_mem>>)
        %dma_wait3A_227 = tpu.memref_slice %arg7[%add3A_127] : memref<162816xf32, #tpu.memory_space<hbm>> -> memref<48xf32, #tpu.memory_space<hbm>>
        %dma_wait3A_228 = tpu.memref_slice %arg7[%add3A_127] : memref<162816xf32, #tpu.memory_space<hbm>> -> memref<48xf32, #tpu.memory_space<hbm>>
        tpu.wait_dma2 semaphore(%run_scoped3A : memref<!tpu.dma_semaphore, #tpu.memory_space<semaphore_mem>>) src(%arg10 : memref<48xf32, #tpu.memory_space<vmem>>) dst(%dma_wait3A_228 : memref<48xf32, #tpu.memory_space<hbm>>)
        tpu.yield
      }) : () -> ()
      %mul3A_128 = arith.constant 4 : i32
      %mul3A_129 = arith.muli %while3A_99, %mul3A_128 : i32
      %add3A_130 = arith.constant 1 : i32
      %add3A_131 = arith.addi %mul3A_129, %add3A_130 : i32
      %add3A_132 = arith.constant 4 : i32
      %add3A_133 = arith.addi %add3A_131, %add3A_132 : i32
      %sub3A_134 = arith.constant 1 : i32
      %sub3A_135 = arith.subi %add3A_133, %sub3A_134 : i32
      %lt3A_136 = arith.cmpi slt, %sub3A_135, %select_n3A : i32
      %convert_element_type3A_137 = arith.extui %lt3A_136 : i1 to i32
      %cond3A_138 = arith.constant 0 : i32
      %cond3A_139 = arith.cmpi ne, %convert_element_type3A_137, %cond3A_138 : i32
      scf.if %cond3A_139 {
        %add3A_225 = arith.constant 4 : i32
        %add3A_226 = arith.addi %add3A_131, %add3A_225 : i32
        %sub3A_227 = arith.constant 1 : i32
        %sub3A_228 = arith.subi %add3A_226, %sub3A_227 : i32
        %mul3A_229 = arith.constant 48 : i32
        %mul3A_230 = arith.muli %sub3A_228, %mul3A_229 : i32
        %dma_start3A_231 = tpu.memref_slice %arg8[%mul3A_230] : memref<6528xi32, #tpu.memory_space<vmem>> -> memref<48xi32, #tpu.memory_space<vmem>>
        %dma_start3A_232 = arith.constant 0 : i32
        %dma_start3A_233 = arith.constant 0 : i32
        %dma_start3A_234 = tpu.memref_slice %arg2[%dma_start3A_232, %dma_start3A_233] : memref<10000x128xi32, #tpu.memory_space<hbm>> -> memref<10000x128xi32, #tpu.memory_space<hbm>>
        tpu.enqueue_indirect_dma source(%dma_start3A_234 : memref<10000x128xi32, #tpu.memory_space<hbm>>) target(%arg13 : memref<48x128xi32, #tpu.memory_space<vmem>>) offsets(%dma_start3A_231 : memref<48xi32, #tpu.memory_space<vmem>>) semaphore(%arg21 : memref<!tpu.dma_semaphore, #tpu.memory_space<semaphore_mem>>)
        %dma_start3A_235 = tpu.memref_slice %arg9[%mul3A_230] : memref<6528xi32, #tpu.memory_space<vmem>> -> memref<48xi32, #tpu.memory_space<vmem>>
        %dma_start3A_236 = arith.constant 0 : i32
        %dma_start3A_237 = arith.constant 0 : i32
        %dma_start3A_238 = tpu.memref_slice %arg3[%dma_start3A_236, %dma_start3A_237] : memref<10000x128xi32, #tpu.memory_space<hbm>> -> memref<10000x128xi32, #tpu.memory_space<hbm>>
        tpu.enqueue_indirect_dma source(%dma_start3A_238 : memref<10000x128xi32, #tpu.memory_space<hbm>>) target(%arg17 : memref<48x128xi32, #tpu.memory_space<vmem>>) offsets(%dma_start3A_235 : memref<48xi32, #tpu.memory_space<vmem>>) semaphore(%arg21 : memref<!tpu.dma_semaphore, #tpu.memory_space<semaphore_mem>>)
      } else {
      }
      %mul3A_140 = arith.constant 48 : i32
      %mul3A_141 = arith.muli %add3A_131, %mul3A_140 : i32
      %dma_wait3A_142 = tpu.memref_slice %arg8[%mul3A_141] : memref<6528xi32, #tpu.memory_space<vmem>> -> memref<48xi32, #tpu.memory_space<vmem>>
      %dma_wait3A_143 = arith.constant 0 : i32
      %dma_wait3A_144 = arith.constant 0 : i32
      %dma_wait3A_145 = tpu.memref_slice %arg2[%dma_wait3A_143, %dma_wait3A_144] : memref<10000x128xi32, #tpu.memory_space<hbm>> -> memref<10000x128xi32, #tpu.memory_space<hbm>>
      tpu.wait_indirect_dma semaphore(%arg22 : memref<!tpu.dma_semaphore, #tpu.memory_space<semaphore_mem>>) src(%dma_wait3A_145 : memref<10000x128xi32, #tpu.memory_space<hbm>>) dst(%arg14 : memref<48x128xi32, #tpu.memory_space<vmem>>)
      %dma_wait3A_146 = tpu.memref_slice %arg9[%mul3A_141] : memref<6528xi32, #tpu.memory_space<vmem>> -> memref<48xi32, #tpu.memory_space<vmem>>
      %dma_wait3A_147 = arith.constant 0 : i32
      %dma_wait3A_148 = arith.constant 0 : i32
      %dma_wait3A_149 = tpu.memref_slice %arg3[%dma_wait3A_147, %dma_wait3A_148] : memref<10000x128xi32, #tpu.memory_space<hbm>> -> memref<10000x128xi32, #tpu.memory_space<hbm>>
      tpu.wait_indirect_dma semaphore(%arg22 : memref<!tpu.dma_semaphore, #tpu.memory_space<semaphore_mem>>) src(%dma_wait3A_149 : memref<10000x128xi32, #tpu.memory_space<hbm>>) dst(%arg18 : memref<48x128xi32, #tpu.memory_space<vmem>>)
      %scan3A_150 = arith.constant 0 : i32
      %scan3A_151 = arith.constant 0 : i32
      %scan3A_152 = arith.constant 3 : i32
      %scan3A_153 = arith.addi %scan3A_151, %scan3A_152 : i32
      %scan3A_154 = arith.constant 1 : i32
      %scan3A_155 = scf.for %scan3A_225 = %scan3A_151 to %scan3A_153 step %scan3A_154 iter_args(%scan3A_226 = %scan3A_150) -> (i32)  : i32 {
        %scan3A_227 = arith.constant 0 : i32
        %scan3A_228 = arith.constant 0 : i32
        %scan3A_229 = arith.constant 16 : i32
        %scan3A_230 = arith.addi %scan3A_228, %scan3A_229 : i32
        %scan3A_231 = arith.constant 1 : i32
        %scan3A_232 = scf.for %scan3A_361 = %scan3A_228 to %scan3A_230 step %scan3A_231 iter_args(%scan3A_362 = %scan3A_227) -> (i32)  : i32 {
          %mul3A_363 = arith.constant 16 : i32
          %mul3A_364 = arith.muli %scan3A_225, %mul3A_363 : i32
          %add3A_365 = arith.addi %mul3A_364, %scan3A_361 : i32
          %get3A_366 = arith.index_cast %add3A_365 : i32 to index
          %get3A_367 = arith.constant 0 : index
          %get3A_368 = tpu.vector_load %arg14[%get3A_366, %get3A_367] {strides = array<i32>} : memref<48x128xi32, #tpu.memory_space<vmem>>, vector<16xi32>,
          %bitcast3A = vector.bitcast %get3A_368 : vector<16xi32> to vector<32xbf16>
          %get3A_369 = arith.index_cast %add3A_365 : i32 to index
          %get3A_370 = arith.constant 0 : index
          %get3A_371 = tpu.vector_load %arg18[%get3A_369, %get3A_370] {strides = array<i32>} : memref<48x128xi32, #tpu.memory_space<vmem>>, vector<16xi32>,
          %bitcast3A_372 = vector.bitcast %get3A_371 : vector<16xi32> to vector<32xbf16>
          %add3A_373 = arith.addf %bitcast3A, %bitcast3A_372 : vector<32xbf16>
          %max3A = arith.constant 0.000000e+00 : bf16
          %max3A_374 = vector.broadcast %max3A : bf16 to vector<32xbf16>
          %max3A_375 = arith.maximumf %add3A_373, %max3A_374 : vector<32xbf16>
          %bitcast3A_376 = vector.bitcast %max3A_375 : vector<32xbf16> to vector<16xi32>
          %shift_left3A = arith.constant 16 : i32
          %shift_left3A_377 = vector.broadcast %shift_left3A : i32 to vector<16xi32>
          %shift_left3A_378 = arith.shli %bitcast3A_376, %shift_left3A_377 : vector<16xi32>
          %bitcast3A_379 = vector.bitcast %shift_left3A_378 : vector<16xi32> to vector<16xf32>
          %and3A_380 = arith.andi %bitcast3A_376, %broadcast_in_dim3A_40 : vector<16xi32>
          %bitcast3A_381 = vector.bitcast %and3A_380 : vector<16xi32> to vector<16xf32>
          %mul3A_382 = arith.mulf %bitcast3A_379, %get3A_7 : vector<16xf32>
          %add3A_383 = arith.addf %get3A_39, %mul3A_382 : vector<16xf32>
          %mul3A_384 = arith.mulf %bitcast3A_381, %get3A_23 : vector<16xf32>
          %add3A_385 = arith.addf %add3A_383, %mul3A_384 : vector<16xf32>
          %get3A_386 = arith.index_cast %add3A_365 : i32 to index
          %get3A_387 = arith.constant 16 : index
          %get3A_388 = tpu.vector_load %arg14[%get3A_386, %get3A_387] {strides = array<i32>} : memref<48x128xi32, #tpu.memory_space<vmem>>, vector<16xi32>,
          %bitcast3A_389 = vector.bitcast %get3A_388 : vector<16xi32> to vector<32xbf16>
          %get3A_390 = arith.index_cast %add3A_365 : i32 to index
          %get3A_391 = arith.constant 16 : index
          %get3A_392 = tpu.vector_load %arg18[%get3A_390, %get3A_391] {strides = array<i32>} : memref<48x128xi32, #tpu.memory_space<vmem>>, vector<16xi32>,
          %bitcast3A_393 = vector.bitcast %get3A_392 : vector<16xi32> to vector<32xbf16>
          %add3A_394 = arith.addf %bitcast3A_389, %bitcast3A_393 : vector<32xbf16>
          %max3A_395 = arith.constant 0.000000e+00 : bf16
          %max3A_396 = vector.broadcast %max3A_395 : bf16 to vector<32xbf16>
          %max3A_397 = arith.maximumf %add3A_394, %max3A_396 : vector<32xbf16>
          %bitcast3A_398 = vector.bitcast %max3A_397 : vector<32xbf16> to vector<16xi32>
          %shift_left3A_399 = arith.constant 16 : i32
          %shift_left3A_400 = vector.broadcast %shift_left3A_399 : i32 to vector<16xi32>
          %shift_left3A_401 = arith.shli %bitcast3A_398, %shift_left3A_400 : vector<16xi32>
          %bitcast3A_402 = vector.bitcast %shift_left3A_401 : vector<16xi32> to vector<16xf32>
          %and3A_403 = arith.andi %bitcast3A_398, %broadcast_in_dim3A_40 : vector<16xi32>
          %bitcast3A_404 = vector.bitcast %and3A_403 : vector<16xi32> to vector<16xf32>
          %mul3A_405 = arith.mulf %bitcast3A_402, %get3A_9 : vector<16xf32>
          %add3A_406 = arith.addf %add3A_385, %mul3A_405 : vector<16xf32>
          %mul3A_407 = arith.mulf %bitcast3A_404, %get3A_25 : vector<16xf32>
          %add3A_408 = arith.addf %add3A_406, %mul3A_407 : vector<16xf32>
          %get3A_409 = arith.index_cast %add3A_365 : i32 to index
          %get3A_410 = arith.constant 32 : index
          %get3A_411 = tpu.vector_load %arg14[%get3A_409, %get3A_410] {strides = array<i32>} : memref<48x128xi32, #tpu.memory_space<vmem>>, vector<16xi32>,
          %bitcast3A_412 = vector.bitcast %get3A_411 : vector<16xi32> to vector<32xbf16>
          %get3A_413 = arith.index_cast %add3A_365 : i32 to index
          %get3A_414 = arith.constant 32 : index
          %get3A_415 = tpu.vector_load %arg18[%get3A_413, %get3A_414] {strides = array<i32>} : memref<48x128xi32, #tpu.memory_space<vmem>>, vector<16xi32>,
          %bitcast3A_416 = vector.bitcast %get3A_415 : vector<16xi32> to vector<32xbf16>
          %add3A_417 = arith.addf %bitcast3A_412, %bitcast3A_416 : vector<32xbf16>
          %max3A_418 = arith.constant 0.000000e+00 : bf16
          %max3A_419 = vector.broadcast %max3A_418 : bf16 to vector<32xbf16>
          %max3A_420 = arith.maximumf %add3A_417, %max3A_419 : vector<32xbf16>
          %bitcast3A_421 = vector.bitcast %max3A_420 : vector<32xbf16> to vector<16xi32>
          %shift_left3A_422 = arith.constant 16 : i32
          %shift_left3A_423 = vector.broadcast %shift_left3A_422 : i32 to vector<16xi32>
          %shift_left3A_424 = arith.shli %bitcast3A_421, %shift_left3A_423 : vector<16xi32>
          %bitcast3A_425 = vector.bitcast %shift_left3A_424 : vector<16xi32> to vector<16xf32>
          %and3A_426 = arith.andi %bitcast3A_421, %broadcast_in_dim3A_40 : vector<16xi32>
          %bitcast3A_427 = vector.bitcast %and3A_426 : vector<16xi32> to vector<16xf32>
          %mul3A_428 = arith.mulf %bitcast3A_425, %get3A_11 : vector<16xf32>
          %add3A_429 = arith.addf %add3A_408, %mul3A_428 : vector<16xf32>
          %mul3A_430 = arith.mulf %bitcast3A_427, %get3A_27 : vector<16xf32>
          %add3A_431 = arith.addf %add3A_429, %mul3A_430 : vector<16xf32>
          %get3A_432 = arith.index_cast %add3A_365 : i32 to index
          %get3A_433 = arith.constant 48 : index
          %get3A_434 = tpu.vector_load %arg14[%get3A_432, %get3A_433] {strides = array<i32>} : memref<48x128xi32, #tpu.memory_space<vmem>>, vector<16xi32>,
          %bitcast3A_435 = vector.bitcast %get3A_434 : vector<16xi32> to vector<32xbf16>
          %get3A_436 = arith.index_cast %add3A_365 : i32 to index
          %get3A_437 = arith.constant 48 : index
          %get3A_438 = tpu.vector_load %arg18[%get3A_436, %get3A_437] {strides = array<i32>} : memref<48x128xi32, #tpu.memory_space<vmem>>, vector<16xi32>,
          %bitcast3A_439 = vector.bitcast %get3A_438 : vector<16xi32> to vector<32xbf16>
          %add3A_440 = arith.addf %bitcast3A_435, %bitcast3A_439 : vector<32xbf16>
          %max3A_441 = arith.constant 0.000000e+00 : bf16
          %max3A_442 = vector.broadcast %max3A_441 : bf16 to vector<32xbf16>
          %max3A_443 = arith.maximumf %add3A_440, %max3A_442 : vector<32xbf16>
          %bitcast3A_444 = vector.bitcast %max3A_443 : vector<32xbf16> to vector<16xi32>
          %shift_left3A_445 = arith.constant 16 : i32
          %shift_left3A_446 = vector.broadcast %shift_left3A_445 : i32 to vector<16xi32>
          %shift_left3A_447 = arith.shli %bitcast3A_444, %shift_left3A_446 : vector<16xi32>
          %bitcast3A_448 = vector.bitcast %shift_left3A_447 : vector<16xi32> to vector<16xf32>
          %and3A_449 = arith.andi %bitcast3A_444, %broadcast_in_dim3A_40 : vector<16xi32>
          %bitcast3A_450 = vector.bitcast %and3A_449 : vector<16xi32> to vector<16xf32>
          %mul3A_451 = arith.mulf %bitcast3A_448, %get3A_13 : vector<16xf32>
          %add3A_452 = arith.addf %add3A_431, %mul3A_451 : vector<16xf32>
          %mul3A_453 = arith.mulf %bitcast3A_450, %get3A_29 : vector<16xf32>
          %add3A_454 = arith.addf %add3A_452, %mul3A_453 : vector<16xf32>
          %get3A_455 = arith.index_cast %add3A_365 : i32 to index
          %get3A_456 = arith.constant 64 : index
          %get3A_457 = tpu.vector_load %arg14[%get3A_455, %get3A_456] {strides = array<i32>} : memref<48x128xi32, #tpu.memory_space<vmem>>, vector<16xi32>,
          %bitcast3A_458 = vector.bitcast %get3A_457 : vector<16xi32> to vector<32xbf16>
          %get3A_459 = arith.index_cast %add3A_365 : i32 to index
          %get3A_460 = arith.constant 64 : index
          %get3A_461 = tpu.vector_load %arg18[%get3A_459, %get3A_460] {strides = array<i32>} : memref<48x128xi32, #tpu.memory_space<vmem>>, vector<16xi32>,
          %bitcast3A_462 = vector.bitcast %get3A_461 : vector<16xi32> to vector<32xbf16>
          %add3A_463 = arith.addf %bitcast3A_458, %bitcast3A_462 : vector<32xbf16>
          %max3A_464 = arith.constant 0.000000e+00 : bf16
          %max3A_465 = vector.broadcast %max3A_464 : bf16 to vector<32xbf16>
          %max3A_466 = arith.maximumf %add3A_463, %max3A_465 : vector<32xbf16>
          %bitcast3A_467 = vector.bitcast %max3A_466 : vector<32xbf16> to vector<16xi32>
          %shift_left3A_468 = arith.constant 16 : i32
          %shift_left3A_469 = vector.broadcast %shift_left3A_468 : i32 to vector<16xi32>
          %shift_left3A_470 = arith.shli %bitcast3A_467, %shift_left3A_469 : vector<16xi32>
          %bitcast3A_471 = vector.bitcast %shift_left3A_470 : vector<16xi32> to vector<16xf32>
          %and3A_472 = arith.andi %bitcast3A_467, %broadcast_in_dim3A_40 : vector<16xi32>
          %bitcast3A_473 = vector.bitcast %and3A_472 : vector<16xi32> to vector<16xf32>
          %mul3A_474 = arith.mulf %bitcast3A_471, %get3A_15 : vector<16xf32>
          %add3A_475 = arith.addf %add3A_454, %mul3A_474 : vector<16xf32>
          %mul3A_476 = arith.mulf %bitcast3A_473, %get3A_31 : vector<16xf32>
          %add3A_477 = arith.addf %add3A_475, %mul3A_476 : vector<16xf32>
          %get3A_478 = arith.index_cast %add3A_365 : i32 to index
          %get3A_479 = arith.constant 80 : index
          %get3A_480 = tpu.vector_load %arg14[%get3A_478, %get3A_479] {strides = array<i32>} : memref<48x128xi32, #tpu.memory_space<vmem>>, vector<16xi32>,
          %bitcast3A_481 = vector.bitcast %get3A_480 : vector<16xi32> to vector<32xbf16>
          %get3A_482 = arith.index_cast %add3A_365 : i32 to index
          %get3A_483 = arith.constant 80 : index
          %get3A_484 = tpu.vector_load %arg18[%get3A_482, %get3A_483] {strides = array<i32>} : memref<48x128xi32, #tpu.memory_space<vmem>>, vector<16xi32>,
          %bitcast3A_485 = vector.bitcast %get3A_484 : vector<16xi32> to vector<32xbf16>
          %add3A_486 = arith.addf %bitcast3A_481, %bitcast3A_485 : vector<32xbf16>
          %max3A_487 = arith.constant 0.000000e+00 : bf16
          %max3A_488 = vector.broadcast %max3A_487 : bf16 to vector<32xbf16>
          %max3A_489 = arith.maximumf %add3A_486, %max3A_488 : vector<32xbf16>
          %bitcast3A_490 = vector.bitcast %max3A_489 : vector<32xbf16> to vector<16xi32>
          %shift_left3A_491 = arith.constant 16 : i32
          %shift_left3A_492 = vector.broadcast %shift_left3A_491 : i32 to vector<16xi32>
          %shift_left3A_493 = arith.shli %bitcast3A_490, %shift_left3A_492 : vector<16xi32>
          %bitcast3A_494 = vector.bitcast %shift_left3A_493 : vector<16xi32> to vector<16xf32>
          %and3A_495 = arith.andi %bitcast3A_490, %broadcast_in_dim3A_40 : vector<16xi32>
          %bitcast3A_496 = vector.bitcast %and3A_495 : vector<16xi32> to vector<16xf32>
          %mul3A_497 = arith.mulf %bitcast3A_494, %get3A_17 : vector<16xf32>
          %add3A_498 = arith.addf %add3A_477, %mul3A_497 : vector<16xf32>
          %mul3A_499 = arith.mulf %bitcast3A_496, %get3A_33 : vector<16xf32>
          %add3A_500 = arith.addf %add3A_498, %mul3A_499 : vector<16xf32>
          %get3A_501 = arith.index_cast %add3A_365 : i32 to index
          %get3A_502 = arith.constant 96 : index
          %get3A_503 = tpu.vector_load %arg14[%get3A_501, %get3A_502] {strides = array<i32>} : memref<48x128xi32, #tpu.memory_space<vmem>>, vector<16xi32>,
          %bitcast3A_504 = vector.bitcast %get3A_503 : vector<16xi32> to vector<32xbf16>
          %get3A_505 = arith.index_cast %add3A_365 : i32 to index
          %get3A_506 = arith.constant 96 : index
          %get3A_507 = tpu.vector_load %arg18[%get3A_505, %get3A_506] {strides = array<i32>} : memref<48x128xi32, #tpu.memory_space<vmem>>, vector<16xi32>,
          %bitcast3A_508 = vector.bitcast %get3A_507 : vector<16xi32> to vector<32xbf16>
          %add3A_509 = arith.addf %bitcast3A_504, %bitcast3A_508 : vector<32xbf16>
          %max3A_510 = arith.constant 0.000000e+00 : bf16
          %max3A_511 = vector.broadcast %max3A_510 : bf16 to vector<32xbf16>
          %max3A_512 = arith.maximumf %add3A_509, %max3A_511 : vector<32xbf16>
          %bitcast3A_513 = vector.bitcast %max3A_512 : vector<32xbf16> to vector<16xi32>
          %shift_left3A_514 = arith.constant 16 : i32
          %shift_left3A_515 = vector.broadcast %shift_left3A_514 : i32 to vector<16xi32>
          %shift_left3A_516 = arith.shli %bitcast3A_513, %shift_left3A_515 : vector<16xi32>
          %bitcast3A_517 = vector.bitcast %shift_left3A_516 : vector<16xi32> to vector<16xf32>
          %and3A_518 = arith.andi %bitcast3A_513, %broadcast_in_dim3A_40 : vector<16xi32>
          %bitcast3A_519 = vector.bitcast %and3A_518 : vector<16xi32> to vector<16xf32>
          %mul3A_520 = arith.mulf %bitcast3A_517, %get3A_19 : vector<16xf32>
          %add3A_521 = arith.addf %add3A_500, %mul3A_520 : vector<16xf32>
          %mul3A_522 = arith.mulf %bitcast3A_519, %get3A_35 : vector<16xf32>
          %add3A_523 = arith.addf %add3A_521, %mul3A_522 : vector<16xf32>
          %get3A_524 = arith.index_cast %add3A_365 : i32 to index
          %get3A_525 = arith.constant 112 : index
          %get3A_526 = tpu.vector_load %arg14[%get3A_524, %get3A_525] {strides = array<i32>} : memref<48x128xi32, #tpu.memory_space<vmem>>, vector<16xi32>,
          %bitcast3A_527 = vector.bitcast %get3A_526 : vector<16xi32> to vector<32xbf16>
          %get3A_528 = arith.index_cast %add3A_365 : i32 to index
          %get3A_529 = arith.constant 112 : index
          %get3A_530 = tpu.vector_load %arg18[%get3A_528, %get3A_529] {strides = array<i32>} : memref<48x128xi32, #tpu.memory_space<vmem>>, vector<16xi32>,
          %bitcast3A_531 = vector.bitcast %get3A_530 : vector<16xi32> to vector<32xbf16>
          %add3A_532 = arith.addf %bitcast3A_527, %bitcast3A_531 : vector<32xbf16>
          %max3A_533 = arith.constant 0.000000e+00 : bf16
          %max3A_534 = vector.broadcast %max3A_533 : bf16 to vector<32xbf16>
          %max3A_535 = arith.maximumf %add3A_532, %max3A_534 : vector<32xbf16>
          %bitcast3A_536 = vector.bitcast %max3A_535 : vector<32xbf16> to vector<16xi32>
          %shift_left3A_537 = arith.constant 16 : i32
          %shift_left3A_538 = vector.broadcast %shift_left3A_537 : i32 to vector<16xi32>
          %shift_left3A_539 = arith.shli %bitcast3A_536, %shift_left3A_538 : vector<16xi32>
          %bitcast3A_540 = vector.bitcast %shift_left3A_539 : vector<16xi32> to vector<16xf32>
          %and3A_541 = arith.andi %bitcast3A_536, %broadcast_in_dim3A_40 : vector<16xi32>
          %bitcast3A_542 = vector.bitcast %and3A_541 : vector<16xi32> to vector<16xf32>
          %mul3A_543 = arith.mulf %bitcast3A_540, %get3A_21 : vector<16xf32>
          %add3A_544 = arith.addf %add3A_523, %mul3A_543 : vector<16xf32>
          %mul3A_545 = arith.mulf %bitcast3A_542, %get3A_37 : vector<16xf32>
          %add3A_546 = arith.addf %add3A_544, %mul3A_545 : vector<16xf32>
          %mul3A_547 = arith.constant 16 : i32
          %mul3A_548 = arith.muli %scan3A_361, %mul3A_547 : i32
          %swap3A_549 = arith.index_cast %mul3A_548 : i32 to index
          %swap3A_550 = tpu.vector_load %arg12[%swap3A_549] {strides = array<i32>} : memref<256xf32, #tpu.memory_space<vmem>>, vector<16xf32>,
          tpu.vector_store %arg12[%swap3A_549], %add3A_546 {strides = array<i32>} : memref<256xf32, #tpu.memory_space<vmem>>, vector<16xf32>,
          %scan3A_551 = arith.constant 0 : i32
          scf.yield %scan3A_551 : i32
        }
        %scan3A_233 = arith.constant 16 : i32
        %mul3A_234 = arith.constant 16 : i32
        %mul3A_235 = vector.broadcast %mul3A_234 : i32 to vector<16xi32>
        %mul3A_236 = arith.muli %iota3A, %mul3A_235 : vector<16xi32>
        %gather3A = tpu.vector_load_idx %arg12[%mul3A_236] : memref<256xf32, #tpu.memory_space<vmem>>[vector<16xi32>], vector<16xf32>,
        %mul3A_237 = arith.constant 16 : i32
        %mul3A_238 = vector.broadcast %mul3A_237 : i32 to vector<16xi32>
        %mul3A_239 = arith.muli %iota3A, %mul3A_238 : vector<16xi32>
        %add3A_240 = arith.constant 1 : i32
        %add3A_241 = vector.broadcast %add3A_240 : i32 to vector<16xi32>
        %add3A_242 = arith.addi %mul3A_239, %add3A_241 : vector<16xi32>
        %gather3A_243 = tpu.vector_load_idx %arg12[%add3A_242] : memref<256xf32, #tpu.memory_space<vmem>>[vector<16xi32>], vector<16xf32>,
        %add3A_244 = arith.addf %gather3A, %gather3A_243 : vector<16xf32>
        %mul3A_245 = arith.constant 16 : i32
        %mul3A_246 = vector.broadcast %mul3A_245 : i32 to vector<16xi32>
        %mul3A_247 = arith.muli %iota3A, %mul3A_246 : vector<16xi32>
        %add3A_248 = arith.constant 2 : i32
        %add3A_249 = vector.broadcast %add3A_248 : i32 to vector<16xi32>
        %add3A_250 = arith.addi %mul3A_247, %add3A_249 : vector<16xi32>
        %gather3A_251 = tpu.vector_load_idx %arg12[%add3A_250] : memref<256xf32, #tpu.memory_space<vmem>>[vector<16xi32>], vector<16xf32>,
        %add3A_252 = arith.addf %add3A_244, %gather3A_251 : vector<16xf32>
        %mul3A_253 = arith.constant 16 : i32
        %mul3A_254 = vector.broadcast %mul3A_253 : i32 to vector<16xi32>
        %mul3A_255 = arith.muli %iota3A, %mul3A_254 : vector<16xi32>
        %add3A_256 = arith.constant 3 : i32
        %add3A_257 = vector.broadcast %add3A_256 : i32 to vector<16xi32>
        %add3A_258 = arith.addi %mul3A_255, %add3A_257 : vector<16xi32>
        %gather3A_259 = tpu.vector_load_idx %arg12[%add3A_258] : memref<256xf32, #tpu.memory_space<vmem>>[vector<16xi32>], vector<16xf32>,
        %add3A_260 = arith.addf %add3A_252, %gather3A_259 : vector<16xf32>
        %mul3A_261 = arith.constant 16 : i32
        %mul3A_262 = vector.broadcast %mul3A_261 : i32 to vector<16xi32>
        %mul3A_263 = arith.muli %iota3A, %mul3A_262 : vector<16xi32>
        %add3A_264 = arith.constant 4 : i32
        %add3A_265 = vector.broadcast %add3A_264 : i32 to vector<16xi32>
        %add3A_266 = arith.addi %mul3A_263, %add3A_265 : vector<16xi32>
        %gather3A_267 = tpu.vector_load_idx %arg12[%add3A_266] : memref<256xf32, #tpu.memory_space<vmem>>[vector<16xi32>], vector<16xf32>,
        %add3A_268 = arith.addf %add3A_260, %gather3A_267 : vector<16xf32>
        %mul3A_269 = arith.constant 16 : i32
        %mul3A_270 = vector.broadcast %mul3A_269 : i32 to vector<16xi32>
        %mul3A_271 = arith.muli %iota3A, %mul3A_270 : vector<16xi32>
        %add3A_272 = arith.constant 5 : i32
        %add3A_273 = vector.broadcast %add3A_272 : i32 to vector<16xi32>
        %add3A_274 = arith.addi %mul3A_271, %add3A_273 : vector<16xi32>
        %gather3A_275 = tpu.vector_load_idx %arg12[%add3A_274] : memref<256xf32, #tpu.memory_space<vmem>>[vector<16xi32>], vector<16xf32>,
        %add3A_276 = arith.addf %add3A_268, %gather3A_275 : vector<16xf32>
        %mul3A_277 = arith.constant 16 : i32
        %mul3A_278 = vector.broadcast %mul3A_277 : i32 to vector<16xi32>
        %mul3A_279 = arith.muli %iota3A, %mul3A_278 : vector<16xi32>
        %add3A_280 = arith.constant 6 : i32
        %add3A_281 = vector.broadcast %add3A_280 : i32 to vector<16xi32>
        %add3A_282 = arith.addi %mul3A_279, %add3A_281 : vector<16xi32>
        %gather3A_283 = tpu.vector_load_idx %arg12[%add3A_282] : memref<256xf32, #tpu.memory_space<vmem>>[vector<16xi32>], vector<16xf32>,
        %add3A_284 = arith.addf %add3A_276, %gather3A_283 : vector<16xf32>
        %mul3A_285 = arith.constant 16 : i32
        %mul3A_286 = vector.broadcast %mul3A_285 : i32 to vector<16xi32>
        %mul3A_287 = arith.muli %iota3A, %mul3A_286 : vector<16xi32>
        %add3A_288 = arith.constant 7 : i32
        %add3A_289 = vector.broadcast %add3A_288 : i32 to vector<16xi32>
        %add3A_290 = arith.addi %mul3A_287, %add3A_289 : vector<16xi32>
        %gather3A_291 = tpu.vector_load_idx %arg12[%add3A_290] : memref<256xf32, #tpu.memory_space<vmem>>[vector<16xi32>], vector<16xf32>,
        %add3A_292 = arith.addf %add3A_284, %gather3A_291 : vector<16xf32>
        %mul3A_293 = arith.constant 16 : i32
        %mul3A_294 = vector.broadcast %mul3A_293 : i32 to vector<16xi32>
        %mul3A_295 = arith.muli %iota3A, %mul3A_294 : vector<16xi32>
        %add3A_296 = arith.constant 8 : i32
        %add3A_297 = vector.broadcast %add3A_296 : i32 to vector<16xi32>
        %add3A_298 = arith.addi %mul3A_295, %add3A_297 : vector<16xi32>
        %gather3A_299 = tpu.vector_load_idx %arg12[%add3A_298] : memref<256xf32, #tpu.memory_space<vmem>>[vector<16xi32>], vector<16xf32>,
        %add3A_300 = arith.addf %add3A_292, %gather3A_299 : vector<16xf32>
        %mul3A_301 = arith.constant 16 : i32
        %mul3A_302 = vector.broadcast %mul3A_301 : i32 to vector<16xi32>
        %mul3A_303 = arith.muli %iota3A, %mul3A_302 : vector<16xi32>
        %add3A_304 = arith.constant 9 : i32
        %add3A_305 = vector.broadcast %add3A_304 : i32 to vector<16xi32>
        %add3A_306 = arith.addi %mul3A_303, %add3A_305 : vector<16xi32>
        %gather3A_307 = tpu.vector_load_idx %arg12[%add3A_306] : memref<256xf32, #tpu.memory_space<vmem>>[vector<16xi32>], vector<16xf32>,
        %add3A_308 = arith.addf %add3A_300, %gather3A_307 : vector<16xf32>
        %mul3A_309 = arith.constant 16 : i32
        %mul3A_310 = vector.broadcast %mul3A_309 : i32 to vector<16xi32>
        %mul3A_311 = arith.muli %iota3A, %mul3A_310 : vector<16xi32>
        %add3A_312 = arith.constant 10 : i32
        %add3A_313 = vector.broadcast %add3A_312 : i32 to vector<16xi32>
        %add3A_314 = arith.addi %mul3A_311, %add3A_313 : vector<16xi32>
        %gather3A_315 = tpu.vector_load_idx %arg12[%add3A_314] : memref<256xf32, #tpu.memory_space<vmem>>[vector<16xi32>], vector<16xf32>,
        %add3A_316 = arith.addf %add3A_308, %gather3A_315 : vector<16xf32>
        %mul3A_317 = arith.constant 16 : i32
        %mul3A_318 = vector.broadcast %mul3A_317 : i32 to vector<16xi32>
        %mul3A_319 = arith.muli %iota3A, %mul3A_318 : vector<16xi32>
        %add3A_320 = arith.constant 11 : i32
        %add3A_321 = vector.broadcast %add3A_320 : i32 to vector<16xi32>
        %add3A_322 = arith.addi %mul3A_319, %add3A_321 : vector<16xi32>
        %gather3A_323 = tpu.vector_load_idx %arg12[%add3A_322] : memref<256xf32, #tpu.memory_space<vmem>>[vector<16xi32>], vector<16xf32>,
        %add3A_324 = arith.addf %add3A_316, %gather3A_323 : vector<16xf32>
        %mul3A_325 = arith.constant 16 : i32
        %mul3A_326 = vector.broadcast %mul3A_325 : i32 to vector<16xi32>
        %mul3A_327 = arith.muli %iota3A, %mul3A_326 : vector<16xi32>
        %add3A_328 = arith.constant 12 : i32
        %add3A_329 = vector.broadcast %add3A_328 : i32 to vector<16xi32>
        %add3A_330 = arith.addi %mul3A_327, %add3A_329 : vector<16xi32>
        %gather3A_331 = tpu.vector_load_idx %arg12[%add3A_330] : memref<256xf32, #tpu.memory_space<vmem>>[vector<16xi32>], vector<16xf32>,
        %add3A_332 = arith.addf %add3A_324, %gather3A_331 : vector<16xf32>
        %mul3A_333 = arith.constant 16 : i32
        %mul3A_334 = vector.broadcast %mul3A_333 : i32 to vector<16xi32>
        %mul3A_335 = arith.muli %iota3A, %mul3A_334 : vector<16xi32>
        %add3A_336 = arith.constant 13 : i32
        %add3A_337 = vector.broadcast %add3A_336 : i32 to vector<16xi32>
        %add3A_338 = arith.addi %mul3A_335, %add3A_337 : vector<16xi32>
        %gather3A_339 = tpu.vector_load_idx %arg12[%add3A_338] : memref<256xf32, #tpu.memory_space<vmem>>[vector<16xi32>], vector<16xf32>,
        %add3A_340 = arith.addf %add3A_332, %gather3A_339 : vector<16xf32>
        %mul3A_341 = arith.constant 16 : i32
        %mul3A_342 = vector.broadcast %mul3A_341 : i32 to vector<16xi32>
        %mul3A_343 = arith.muli %iota3A, %mul3A_342 : vector<16xi32>
        %add3A_344 = arith.constant 14 : i32
        %add3A_345 = vector.broadcast %add3A_344 : i32 to vector<16xi32>
        %add3A_346 = arith.addi %mul3A_343, %add3A_345 : vector<16xi32>
        %gather3A_347 = tpu.vector_load_idx %arg12[%add3A_346] : memref<256xf32, #tpu.memory_space<vmem>>[vector<16xi32>], vector<16xf32>,
        %add3A_348 = arith.addf %add3A_340, %gather3A_347 : vector<16xf32>
        %mul3A_349 = arith.constant 16 : i32
        %mul3A_350 = vector.broadcast %mul3A_349 : i32 to vector<16xi32>
        %mul3A_351 = arith.muli %iota3A, %mul3A_350 : vector<16xi32>
        %add3A_352 = arith.constant 15 : i32
        %add3A_353 = vector.broadcast %add3A_352 : i32 to vector<16xi32>
        %add3A_354 = arith.addi %mul3A_351, %add3A_353 : vector<16xi32>
        %gather3A_355 = tpu.vector_load_idx %arg12[%add3A_354] : memref<256xf32, #tpu.memory_space<vmem>>[vector<16xi32>], vector<16xf32>,
        %add3A_356 = arith.addf %add3A_348, %gather3A_355 : vector<16xf32>
        %mul3A_357 = arith.constant 16 : i32
        %mul3A_358 = arith.muli %scan3A_225, %mul3A_357 : i32
        %swap3A = arith.index_cast %mul3A_358 : i32 to index
        %swap3A_359 = tpu.vector_load %arg10[%swap3A] {strides = array<i32>} : memref<48xf32, #tpu.memory_space<vmem>>, vector<16xf32>,
        tpu.vector_store %arg10[%swap3A], %add3A_356 {strides = array<i32>} : memref<48xf32, #tpu.memory_space<vmem>>, vector<16xf32>,
        %scan3A_360 = arith.constant 0 : i32
        scf.yield %scan3A_360 : i32
      }
      %scan3A_156 = arith.constant 3 : i32
      %mul3A_157 = arith.constant 48 : i32
      %mul3A_158 = arith.muli %add3A_131, %mul3A_157 : i32
      %add3A_159 = arith.addi %select_n3A_6, %mul3A_158 : i32
      "tpu.region"() ({
        %run_scoped3A = tpu.sem_alloc : memref<!tpu.dma_semaphore, #tpu.memory_space<semaphore_mem>>
        %dma_start3A_225 = tpu.memref_slice %arg7[%add3A_159] : memref<162816xf32, #tpu.memory_space<hbm>> -> memref<48xf32, #tpu.memory_space<hbm>>
        %dma_start3A_226 = tpu.memref_slice %arg7[%add3A_159] : memref<162816xf32, #tpu.memory_space<hbm>> -> memref<48xf32, #tpu.memory_space<hbm>>
        tpu.enqueue_dma source(%arg10 : memref<48xf32, #tpu.memory_space<vmem>>) target(%dma_start3A_226 : memref<48xf32, #tpu.memory_space<hbm>>) target_semaphore(%run_scoped3A : memref<!tpu.dma_semaphore, #tpu.memory_space<semaphore_mem>>)
        %dma_wait3A_227 = tpu.memref_slice %arg7[%add3A_159] : memref<162816xf32, #tpu.memory_space<hbm>> -> memref<48xf32, #tpu.memory_space<hbm>>
        %dma_wait3A_228 = tpu.memref_slice %arg7[%add3A_159] : memref<162816xf32, #tpu.memory_space<hbm>> -> memref<48xf32, #tpu.memory_space<hbm>>
        tpu.wait_dma2 semaphore(%run_scoped3A : memref<!tpu.dma_semaphore, #tpu.memory_space<semaphore_mem>>) src(%arg10 : memref<48xf32, #tpu.memory_space<vmem>>) dst(%dma_wait3A_228 : memref<48xf32, #tpu.memory_space<hbm>>)
        tpu.yield
      }) : () -> ()
      %mul3A_160 = arith.constant 4 : i32
      %mul3A_161 = arith.muli %while3A_99, %mul3A_160 : i32
      %add3A_162 = arith.constant 2 : i32
      %add3A_163 = arith.addi %mul3A_161, %add3A_162 : i32
      %add3A_164 = arith.constant 4 : i32
      %add3A_165 = arith.addi %add3A_163, %add3A_164 : i32
      %sub3A_166 = arith.constant 1 : i32
      %sub3A_167 = arith.subi %add3A_165, %sub3A_166 : i32
      %lt3A_168 = arith.cmpi slt, %sub3A_167, %select_n3A : i32
      %convert_element_type3A_169 = arith.extui %lt3A_168 : i1 to i32
      %cond3A_170 = arith.constant 0 : i32
      %cond3A_171 = arith.cmpi ne, %convert_element_type3A_169, %cond3A_170 : i32
      scf.if %cond3A_171 {
        %add3A_225 = arith.constant 4 : i32
        %add3A_226 = arith.addi %add3A_163, %add3A_225 : i32
        %sub3A_227 = arith.constant 1 : i32
        %sub3A_228 = arith.subi %add3A_226, %sub3A_227 : i32
        %mul3A_229 = arith.constant 48 : i32
        %mul3A_230 = arith.muli %sub3A_228, %mul3A_229 : i32
        %dma_start3A_231 = tpu.memref_slice %arg8[%mul3A_230] : memref<6528xi32, #tpu.memory_space<vmem>> -> memref<48xi32, #tpu.memory_space<vmem>>
        %dma_start3A_232 = arith.constant 0 : i32
        %dma_start3A_233 = arith.constant 0 : i32
        %dma_start3A_234 = tpu.memref_slice %arg2[%dma_start3A_232, %dma_start3A_233] : memref<10000x128xi32, #tpu.memory_space<hbm>> -> memref<10000x128xi32, #tpu.memory_space<hbm>>
        tpu.enqueue_indirect_dma source(%dma_start3A_234 : memref<10000x128xi32, #tpu.memory_space<hbm>>) target(%arg14 : memref<48x128xi32, #tpu.memory_space<vmem>>) offsets(%dma_start3A_231 : memref<48xi32, #tpu.memory_space<vmem>>) semaphore(%arg22 : memref<!tpu.dma_semaphore, #tpu.memory_space<semaphore_mem>>)
        %dma_start3A_235 = tpu.memref_slice %arg9[%mul3A_230] : memref<6528xi32, #tpu.memory_space<vmem>> -> memref<48xi32, #tpu.memory_space<vmem>>
        %dma_start3A_236 = arith.constant 0 : i32
        %dma_start3A_237 = arith.constant 0 : i32
        %dma_start3A_238 = tpu.memref_slice %arg3[%dma_start3A_236, %dma_start3A_237] : memref<10000x128xi32, #tpu.memory_space<hbm>> -> memref<10000x128xi32, #tpu.memory_space<hbm>>
        tpu.enqueue_indirect_dma source(%dma_start3A_238 : memref<10000x128xi32, #tpu.memory_space<hbm>>) target(%arg18 : memref<48x128xi32, #tpu.memory_space<vmem>>) offsets(%dma_start3A_235 : memref<48xi32, #tpu.memory_space<vmem>>) semaphore(%arg22 : memref<!tpu.dma_semaphore, #tpu.memory_space<semaphore_mem>>)
      } else {
      }
      %mul3A_172 = arith.constant 48 : i32
      %mul3A_173 = arith.muli %add3A_163, %mul3A_172 : i32
      %dma_wait3A_174 = tpu.memref_slice %arg8[%mul3A_173] : memref<6528xi32, #tpu.memory_space<vmem>> -> memref<48xi32, #tpu.memory_space<vmem>>
      %dma_wait3A_175 = arith.constant 0 : i32
      %dma_wait3A_176 = arith.constant 0 : i32
      %dma_wait3A_177 = tpu.memref_slice %arg2[%dma_wait3A_175, %dma_wait3A_176] : memref<10000x128xi32, #tpu.memory_space<hbm>> -> memref<10000x128xi32, #tpu.memory_space<hbm>>
      tpu.wait_indirect_dma semaphore(%arg23 : memref<!tpu.dma_semaphore, #tpu.memory_space<semaphore_mem>>) src(%dma_wait3A_177 : memref<10000x128xi32, #tpu.memory_space<hbm>>) dst(%arg15 : memref<48x128xi32, #tpu.memory_space<vmem>>)
      %dma_wait3A_178 = tpu.memref_slice %arg9[%mul3A_173] : memref<6528xi32, #tpu.memory_space<vmem>> -> memref<48xi32, #tpu.memory_space<vmem>>
      %dma_wait3A_179 = arith.constant 0 : i32
      %dma_wait3A_180 = arith.constant 0 : i32
      %dma_wait3A_181 = tpu.memref_slice %arg3[%dma_wait3A_179, %dma_wait3A_180] : memref<10000x128xi32, #tpu.memory_space<hbm>> -> memref<10000x128xi32, #tpu.memory_space<hbm>>
      tpu.wait_indirect_dma semaphore(%arg23 : memref<!tpu.dma_semaphore, #tpu.memory_space<semaphore_mem>>) src(%dma_wait3A_181 : memref<10000x128xi32, #tpu.memory_space<hbm>>) dst(%arg19 : memref<48x128xi32, #tpu.memory_space<vmem>>)
      %scan3A_182 = arith.constant 0 : i32
      %scan3A_183 = arith.constant 0 : i32
      %scan3A_184 = arith.constant 3 : i32
      %scan3A_185 = arith.addi %scan3A_183, %scan3A_184 : i32
      %scan3A_186 = arith.constant 1 : i32
      %scan3A_187 = scf.for %scan3A_225 = %scan3A_183 to %scan3A_185 step %scan3A_186 iter_args(%scan3A_226 = %scan3A_182) -> (i32)  : i32 {
        %scan3A_227 = arith.constant 0 : i32
        %scan3A_228 = arith.constant 0 : i32
        %scan3A_229 = arith.constant 16 : i32
        %scan3A_230 = arith.addi %scan3A_228, %scan3A_229 : i32
        %scan3A_231 = arith.constant 1 : i32
        %scan3A_232 = scf.for %scan3A_361 = %scan3A_228 to %scan3A_230 step %scan3A_231 iter_args(%scan3A_362 = %scan3A_227) -> (i32)  : i32 {
          %mul3A_363 = arith.constant 16 : i32
          %mul3A_364 = arith.muli %scan3A_225, %mul3A_363 : i32
          %add3A_365 = arith.addi %mul3A_364, %scan3A_361 : i32
          %get3A_366 = arith.index_cast %add3A_365 : i32 to index
          %get3A_367 = arith.constant 0 : index
          %get3A_368 = tpu.vector_load %arg15[%get3A_366, %get3A_367] {strides = array<i32>} : memref<48x128xi32, #tpu.memory_space<vmem>>, vector<16xi32>,
          %bitcast3A = vector.bitcast %get3A_368 : vector<16xi32> to vector<32xbf16>
          %get3A_369 = arith.index_cast %add3A_365 : i32 to index
          %get3A_370 = arith.constant 0 : index
          %get3A_371 = tpu.vector_load %arg19[%get3A_369, %get3A_370] {strides = array<i32>} : memref<48x128xi32, #tpu.memory_space<vmem>>, vector<16xi32>,
          %bitcast3A_372 = vector.bitcast %get3A_371 : vector<16xi32> to vector<32xbf16>
          %add3A_373 = arith.addf %bitcast3A, %bitcast3A_372 : vector<32xbf16>
          %max3A = arith.constant 0.000000e+00 : bf16
          %max3A_374 = vector.broadcast %max3A : bf16 to vector<32xbf16>
          %max3A_375 = arith.maximumf %add3A_373, %max3A_374 : vector<32xbf16>
          %bitcast3A_376 = vector.bitcast %max3A_375 : vector<32xbf16> to vector<16xi32>
          %shift_left3A = arith.constant 16 : i32
          %shift_left3A_377 = vector.broadcast %shift_left3A : i32 to vector<16xi32>
          %shift_left3A_378 = arith.shli %bitcast3A_376, %shift_left3A_377 : vector<16xi32>
          %bitcast3A_379 = vector.bitcast %shift_left3A_378 : vector<16xi32> to vector<16xf32>
          %and3A_380 = arith.andi %bitcast3A_376, %broadcast_in_dim3A_40 : vector<16xi32>
          %bitcast3A_381 = vector.bitcast %and3A_380 : vector<16xi32> to vector<16xf32>
          %mul3A_382 = arith.mulf %bitcast3A_379, %get3A_7 : vector<16xf32>
          %add3A_383 = arith.addf %get3A_39, %mul3A_382 : vector<16xf32>
          %mul3A_384 = arith.mulf %bitcast3A_381, %get3A_23 : vector<16xf32>
          %add3A_385 = arith.addf %add3A_383, %mul3A_384 : vector<16xf32>
          %get3A_386 = arith.index_cast %add3A_365 : i32 to index
          %get3A_387 = arith.constant 16 : index
          %get3A_388 = tpu.vector_load %arg15[%get3A_386, %get3A_387] {strides = array<i32>} : memref<48x128xi32, #tpu.memory_space<vmem>>, vector<16xi32>,
          %bitcast3A_389 = vector.bitcast %get3A_388 : vector<16xi32> to vector<32xbf16>
          %get3A_390 = arith.index_cast %add3A_365 : i32 to index
          %get3A_391 = arith.constant 16 : index
          %get3A_392 = tpu.vector_load %arg19[%get3A_390, %get3A_391] {strides = array<i32>} : memref<48x128xi32, #tpu.memory_space<vmem>>, vector<16xi32>,
          %bitcast3A_393 = vector.bitcast %get3A_392 : vector<16xi32> to vector<32xbf16>
          %add3A_394 = arith.addf %bitcast3A_389, %bitcast3A_393 : vector<32xbf16>
          %max3A_395 = arith.constant 0.000000e+00 : bf16
          %max3A_396 = vector.broadcast %max3A_395 : bf16 to vector<32xbf16>
          %max3A_397 = arith.maximumf %add3A_394, %max3A_396 : vector<32xbf16>
          %bitcast3A_398 = vector.bitcast %max3A_397 : vector<32xbf16> to vector<16xi32>
          %shift_left3A_399 = arith.constant 16 : i32
          %shift_left3A_400 = vector.broadcast %shift_left3A_399 : i32 to vector<16xi32>
          %shift_left3A_401 = arith.shli %bitcast3A_398, %shift_left3A_400 : vector<16xi32>
          %bitcast3A_402 = vector.bitcast %shift_left3A_401 : vector<16xi32> to vector<16xf32>
          %and3A_403 = arith.andi %bitcast3A_398, %broadcast_in_dim3A_40 : vector<16xi32>
          %bitcast3A_404 = vector.bitcast %and3A_403 : vector<16xi32> to vector<16xf32>
          %mul3A_405 = arith.mulf %bitcast3A_402, %get3A_9 : vector<16xf32>
          %add3A_406 = arith.addf %add3A_385, %mul3A_405 : vector<16xf32>
          %mul3A_407 = arith.mulf %bitcast3A_404, %get3A_25 : vector<16xf32>
          %add3A_408 = arith.addf %add3A_406, %mul3A_407 : vector<16xf32>
          %get3A_409 = arith.index_cast %add3A_365 : i32 to index
          %get3A_410 = arith.constant 32 : index
          %get3A_411 = tpu.vector_load %arg15[%get3A_409, %get3A_410] {strides = array<i32>} : memref<48x128xi32, #tpu.memory_space<vmem>>, vector<16xi32>,
          %bitcast3A_412 = vector.bitcast %get3A_411 : vector<16xi32> to vector<32xbf16>
          %get3A_413 = arith.index_cast %add3A_365 : i32 to index
          %get3A_414 = arith.constant 32 : index
          %get3A_415 = tpu.vector_load %arg19[%get3A_413, %get3A_414] {strides = array<i32>} : memref<48x128xi32, #tpu.memory_space<vmem>>, vector<16xi32>,
          %bitcast3A_416 = vector.bitcast %get3A_415 : vector<16xi32> to vector<32xbf16>
          %add3A_417 = arith.addf %bitcast3A_412, %bitcast3A_416 : vector<32xbf16>
          %max3A_418 = arith.constant 0.000000e+00 : bf16
          %max3A_419 = vector.broadcast %max3A_418 : bf16 to vector<32xbf16>
          %max3A_420 = arith.maximumf %add3A_417, %max3A_419 : vector<32xbf16>
          %bitcast3A_421 = vector.bitcast %max3A_420 : vector<32xbf16> to vector<16xi32>
          %shift_left3A_422 = arith.constant 16 : i32
          %shift_left3A_423 = vector.broadcast %shift_left3A_422 : i32 to vector<16xi32>
          %shift_left3A_424 = arith.shli %bitcast3A_421, %shift_left3A_423 : vector<16xi32>
          %bitcast3A_425 = vector.bitcast %shift_left3A_424 : vector<16xi32> to vector<16xf32>
          %and3A_426 = arith.andi %bitcast3A_421, %broadcast_in_dim3A_40 : vector<16xi32>
          %bitcast3A_427 = vector.bitcast %and3A_426 : vector<16xi32> to vector<16xf32>
          %mul3A_428 = arith.mulf %bitcast3A_425, %get3A_11 : vector<16xf32>
          %add3A_429 = arith.addf %add3A_408, %mul3A_428 : vector<16xf32>
          %mul3A_430 = arith.mulf %bitcast3A_427, %get3A_27 : vector<16xf32>
          %add3A_431 = arith.addf %add3A_429, %mul3A_430 : vector<16xf32>
          %get3A_432 = arith.index_cast %add3A_365 : i32 to index
          %get3A_433 = arith.constant 48 : index
          %get3A_434 = tpu.vector_load %arg15[%get3A_432, %get3A_433] {strides = array<i32>} : memref<48x128xi32, #tpu.memory_space<vmem>>, vector<16xi32>,
          %bitcast3A_435 = vector.bitcast %get3A_434 : vector<16xi32> to vector<32xbf16>
          %get3A_436 = arith.index_cast %add3A_365 : i32 to index
          %get3A_437 = arith.constant 48 : index
          %get3A_438 = tpu.vector_load %arg19[%get3A_436, %get3A_437] {strides = array<i32>} : memref<48x128xi32, #tpu.memory_space<vmem>>, vector<16xi32>,
          %bitcast3A_439 = vector.bitcast %get3A_438 : vector<16xi32> to vector<32xbf16>
          %add3A_440 = arith.addf %bitcast3A_435, %bitcast3A_439 : vector<32xbf16>
          %max3A_441 = arith.constant 0.000000e+00 : bf16
          %max3A_442 = vector.broadcast %max3A_441 : bf16 to vector<32xbf16>
          %max3A_443 = arith.maximumf %add3A_440, %max3A_442 : vector<32xbf16>
          %bitcast3A_444 = vector.bitcast %max3A_443 : vector<32xbf16> to vector<16xi32>
          %shift_left3A_445 = arith.constant 16 : i32
          %shift_left3A_446 = vector.broadcast %shift_left3A_445 : i32 to vector<16xi32>
          %shift_left3A_447 = arith.shli %bitcast3A_444, %shift_left3A_446 : vector<16xi32>
          %bitcast3A_448 = vector.bitcast %shift_left3A_447 : vector<16xi32> to vector<16xf32>
          %and3A_449 = arith.andi %bitcast3A_444, %broadcast_in_dim3A_40 : vector<16xi32>
          %bitcast3A_450 = vector.bitcast %and3A_449 : vector<16xi32> to vector<16xf32>
          %mul3A_451 = arith.mulf %bitcast3A_448, %get3A_13 : vector<16xf32>
          %add3A_452 = arith.addf %add3A_431, %mul3A_451 : vector<16xf32>
          %mul3A_453 = arith.mulf %bitcast3A_450, %get3A_29 : vector<16xf32>
          %add3A_454 = arith.addf %add3A_452, %mul3A_453 : vector<16xf32>
          %get3A_455 = arith.index_cast %add3A_365 : i32 to index
          %get3A_456 = arith.constant 64 : index
          %get3A_457 = tpu.vector_load %arg15[%get3A_455, %get3A_456] {strides = array<i32>} : memref<48x128xi32, #tpu.memory_space<vmem>>, vector<16xi32>,
          %bitcast3A_458 = vector.bitcast %get3A_457 : vector<16xi32> to vector<32xbf16>
          %get3A_459 = arith.index_cast %add3A_365 : i32 to index
          %get3A_460 = arith.constant 64 : index
          %get3A_461 = tpu.vector_load %arg19[%get3A_459, %get3A_460] {strides = array<i32>} : memref<48x128xi32, #tpu.memory_space<vmem>>, vector<16xi32>,
          %bitcast3A_462 = vector.bitcast %get3A_461 : vector<16xi32> to vector<32xbf16>
          %add3A_463 = arith.addf %bitcast3A_458, %bitcast3A_462 : vector<32xbf16>
          %max3A_464 = arith.constant 0.000000e+00 : bf16
          %max3A_465 = vector.broadcast %max3A_464 : bf16 to vector<32xbf16>
          %max3A_466 = arith.maximumf %add3A_463, %max3A_465 : vector<32xbf16>
          %bitcast3A_467 = vector.bitcast %max3A_466 : vector<32xbf16> to vector<16xi32>
          %shift_left3A_468 = arith.constant 16 : i32
          %shift_left3A_469 = vector.broadcast %shift_left3A_468 : i32 to vector<16xi32>
          %shift_left3A_470 = arith.shli %bitcast3A_467, %shift_left3A_469 : vector<16xi32>
          %bitcast3A_471 = vector.bitcast %shift_left3A_470 : vector<16xi32> to vector<16xf32>
          %and3A_472 = arith.andi %bitcast3A_467, %broadcast_in_dim3A_40 : vector<16xi32>
          %bitcast3A_473 = vector.bitcast %and3A_472 : vector<16xi32> to vector<16xf32>
          %mul3A_474 = arith.mulf %bitcast3A_471, %get3A_15 : vector<16xf32>
          %add3A_475 = arith.addf %add3A_454, %mul3A_474 : vector<16xf32>
          %mul3A_476 = arith.mulf %bitcast3A_473, %get3A_31 : vector<16xf32>
          %add3A_477 = arith.addf %add3A_475, %mul3A_476 : vector<16xf32>
          %get3A_478 = arith.index_cast %add3A_365 : i32 to index
          %get3A_479 = arith.constant 80 : index
          %get3A_480 = tpu.vector_load %arg15[%get3A_478, %get3A_479] {strides = array<i32>} : memref<48x128xi32, #tpu.memory_space<vmem>>, vector<16xi32>,
          %bitcast3A_481 = vector.bitcast %get3A_480 : vector<16xi32> to vector<32xbf16>
          %get3A_482 = arith.index_cast %add3A_365 : i32 to index
          %get3A_483 = arith.constant 80 : index
          %get3A_484 = tpu.vector_load %arg19[%get3A_482, %get3A_483] {strides = array<i32>} : memref<48x128xi32, #tpu.memory_space<vmem>>, vector<16xi32>,
          %bitcast3A_485 = vector.bitcast %get3A_484 : vector<16xi32> to vector<32xbf16>
          %add3A_486 = arith.addf %bitcast3A_481, %bitcast3A_485 : vector<32xbf16>
          %max3A_487 = arith.constant 0.000000e+00 : bf16
          %max3A_488 = vector.broadcast %max3A_487 : bf16 to vector<32xbf16>
          %max3A_489 = arith.maximumf %add3A_486, %max3A_488 : vector<32xbf16>
          %bitcast3A_490 = vector.bitcast %max3A_489 : vector<32xbf16> to vector<16xi32>
          %shift_left3A_491 = arith.constant 16 : i32
          %shift_left3A_492 = vector.broadcast %shift_left3A_491 : i32 to vector<16xi32>
          %shift_left3A_493 = arith.shli %bitcast3A_490, %shift_left3A_492 : vector<16xi32>
          %bitcast3A_494 = vector.bitcast %shift_left3A_493 : vector<16xi32> to vector<16xf32>
          %and3A_495 = arith.andi %bitcast3A_490, %broadcast_in_dim3A_40 : vector<16xi32>
          %bitcast3A_496 = vector.bitcast %and3A_495 : vector<16xi32> to vector<16xf32>
          %mul3A_497 = arith.mulf %bitcast3A_494, %get3A_17 : vector<16xf32>
          %add3A_498 = arith.addf %add3A_477, %mul3A_497 : vector<16xf32>
          %mul3A_499 = arith.mulf %bitcast3A_496, %get3A_33 : vector<16xf32>
          %add3A_500 = arith.addf %add3A_498, %mul3A_499 : vector<16xf32>
          %get3A_501 = arith.index_cast %add3A_365 : i32 to index
          %get3A_502 = arith.constant 96 : index
          %get3A_503 = tpu.vector_load %arg15[%get3A_501, %get3A_502] {strides = array<i32>} : memref<48x128xi32, #tpu.memory_space<vmem>>, vector<16xi32>,
          %bitcast3A_504 = vector.bitcast %get3A_503 : vector<16xi32> to vector<32xbf16>
          %get3A_505 = arith.index_cast %add3A_365 : i32 to index
          %get3A_506 = arith.constant 96 : index
          %get3A_507 = tpu.vector_load %arg19[%get3A_505, %get3A_506] {strides = array<i32>} : memref<48x128xi32, #tpu.memory_space<vmem>>, vector<16xi32>,
          %bitcast3A_508 = vector.bitcast %get3A_507 : vector<16xi32> to vector<32xbf16>
          %add3A_509 = arith.addf %bitcast3A_504, %bitcast3A_508 : vector<32xbf16>
          %max3A_510 = arith.constant 0.000000e+00 : bf16
          %max3A_511 = vector.broadcast %max3A_510 : bf16 to vector<32xbf16>
          %max3A_512 = arith.maximumf %add3A_509, %max3A_511 : vector<32xbf16>
          %bitcast3A_513 = vector.bitcast %max3A_512 : vector<32xbf16> to vector<16xi32>
          %shift_left3A_514 = arith.constant 16 : i32
          %shift_left3A_515 = vector.broadcast %shift_left3A_514 : i32 to vector<16xi32>
          %shift_left3A_516 = arith.shli %bitcast3A_513, %shift_left3A_515 : vector<16xi32>
          %bitcast3A_517 = vector.bitcast %shift_left3A_516 : vector<16xi32> to vector<16xf32>
          %and3A_518 = arith.andi %bitcast3A_513, %broadcast_in_dim3A_40 : vector<16xi32>
          %bitcast3A_519 = vector.bitcast %and3A_518 : vector<16xi32> to vector<16xf32>
          %mul3A_520 = arith.mulf %bitcast3A_517, %get3A_19 : vector<16xf32>
          %add3A_521 = arith.addf %add3A_500, %mul3A_520 : vector<16xf32>
          %mul3A_522 = arith.mulf %bitcast3A_519, %get3A_35 : vector<16xf32>
          %add3A_523 = arith.addf %add3A_521, %mul3A_522 : vector<16xf32>
          %get3A_524 = arith.index_cast %add3A_365 : i32 to index
          %get3A_525 = arith.constant 112 : index
          %get3A_526 = tpu.vector_load %arg15[%get3A_524, %get3A_525] {strides = array<i32>} : memref<48x128xi32, #tpu.memory_space<vmem>>, vector<16xi32>,
          %bitcast3A_527 = vector.bitcast %get3A_526 : vector<16xi32> to vector<32xbf16>
          %get3A_528 = arith.index_cast %add3A_365 : i32 to index
          %get3A_529 = arith.constant 112 : index
          %get3A_530 = tpu.vector_load %arg19[%get3A_528, %get3A_529] {strides = array<i32>} : memref<48x128xi32, #tpu.memory_space<vmem>>, vector<16xi32>,
          %bitcast3A_531 = vector.bitcast %get3A_530 : vector<16xi32> to vector<32xbf16>
          %add3A_532 = arith.addf %bitcast3A_527, %bitcast3A_531 : vector<32xbf16>
          %max3A_533 = arith.constant 0.000000e+00 : bf16
          %max3A_534 = vector.broadcast %max3A_533 : bf16 to vector<32xbf16>
          %max3A_535 = arith.maximumf %add3A_532, %max3A_534 : vector<32xbf16>
          %bitcast3A_536 = vector.bitcast %max3A_535 : vector<32xbf16> to vector<16xi32>
          %shift_left3A_537 = arith.constant 16 : i32
          %shift_left3A_538 = vector.broadcast %shift_left3A_537 : i32 to vector<16xi32>
          %shift_left3A_539 = arith.shli %bitcast3A_536, %shift_left3A_538 : vector<16xi32>
          %bitcast3A_540 = vector.bitcast %shift_left3A_539 : vector<16xi32> to vector<16xf32>
          %and3A_541 = arith.andi %bitcast3A_536, %broadcast_in_dim3A_40 : vector<16xi32>
          %bitcast3A_542 = vector.bitcast %and3A_541 : vector<16xi32> to vector<16xf32>
          %mul3A_543 = arith.mulf %bitcast3A_540, %get3A_21 : vector<16xf32>
          %add3A_544 = arith.addf %add3A_523, %mul3A_543 : vector<16xf32>
          %mul3A_545 = arith.mulf %bitcast3A_542, %get3A_37 : vector<16xf32>
          %add3A_546 = arith.addf %add3A_544, %mul3A_545 : vector<16xf32>
          %mul3A_547 = arith.constant 16 : i32
          %mul3A_548 = arith.muli %scan3A_361, %mul3A_547 : i32
          %swap3A_549 = arith.index_cast %mul3A_548 : i32 to index
          %swap3A_550 = tpu.vector_load %arg12[%swap3A_549] {strides = array<i32>} : memref<256xf32, #tpu.memory_space<vmem>>, vector<16xf32>,
          tpu.vector_store %arg12[%swap3A_549], %add3A_546 {strides = array<i32>} : memref<256xf32, #tpu.memory_space<vmem>>, vector<16xf32>,
          %scan3A_551 = arith.constant 0 : i32
          scf.yield %scan3A_551 : i32
        }
        %scan3A_233 = arith.constant 16 : i32
        %mul3A_234 = arith.constant 16 : i32
        %mul3A_235 = vector.broadcast %mul3A_234 : i32 to vector<16xi32>
        %mul3A_236 = arith.muli %iota3A, %mul3A_235 : vector<16xi32>
        %gather3A = tpu.vector_load_idx %arg12[%mul3A_236] : memref<256xf32, #tpu.memory_space<vmem>>[vector<16xi32>], vector<16xf32>,
        %mul3A_237 = arith.constant 16 : i32
        %mul3A_238 = vector.broadcast %mul3A_237 : i32 to vector<16xi32>
        %mul3A_239 = arith.muli %iota3A, %mul3A_238 : vector<16xi32>
        %add3A_240 = arith.constant 1 : i32
        %add3A_241 = vector.broadcast %add3A_240 : i32 to vector<16xi32>
        %add3A_242 = arith.addi %mul3A_239, %add3A_241 : vector<16xi32>
        %gather3A_243 = tpu.vector_load_idx %arg12[%add3A_242] : memref<256xf32, #tpu.memory_space<vmem>>[vector<16xi32>], vector<16xf32>,
        %add3A_244 = arith.addf %gather3A, %gather3A_243 : vector<16xf32>
        %mul3A_245 = arith.constant 16 : i32
        %mul3A_246 = vector.broadcast %mul3A_245 : i32 to vector<16xi32>
        %mul3A_247 = arith.muli %iota3A, %mul3A_246 : vector<16xi32>
        %add3A_248 = arith.constant 2 : i32
        %add3A_249 = vector.broadcast %add3A_248 : i32 to vector<16xi32>
        %add3A_250 = arith.addi %mul3A_247, %add3A_249 : vector<16xi32>
        %gather3A_251 = tpu.vector_load_idx %arg12[%add3A_250] : memref<256xf32, #tpu.memory_space<vmem>>[vector<16xi32>], vector<16xf32>,
        %add3A_252 = arith.addf %add3A_244, %gather3A_251 : vector<16xf32>
        %mul3A_253 = arith.constant 16 : i32
        %mul3A_254 = vector.broadcast %mul3A_253 : i32 to vector<16xi32>
        %mul3A_255 = arith.muli %iota3A, %mul3A_254 : vector<16xi32>
        %add3A_256 = arith.constant 3 : i32
        %add3A_257 = vector.broadcast %add3A_256 : i32 to vector<16xi32>
        %add3A_258 = arith.addi %mul3A_255, %add3A_257 : vector<16xi32>
        %gather3A_259 = tpu.vector_load_idx %arg12[%add3A_258] : memref<256xf32, #tpu.memory_space<vmem>>[vector<16xi32>], vector<16xf32>,
        %add3A_260 = arith.addf %add3A_252, %gather3A_259 : vector<16xf32>
        %mul3A_261 = arith.constant 16 : i32
        %mul3A_262 = vector.broadcast %mul3A_261 : i32 to vector<16xi32>
        %mul3A_263 = arith.muli %iota3A, %mul3A_262 : vector<16xi32>
        %add3A_264 = arith.constant 4 : i32
        %add3A_265 = vector.broadcast %add3A_264 : i32 to vector<16xi32>
        %add3A_266 = arith.addi %mul3A_263, %add3A_265 : vector<16xi32>
        %gather3A_267 = tpu.vector_load_idx %arg12[%add3A_266] : memref<256xf32, #tpu.memory_space<vmem>>[vector<16xi32>], vector<16xf32>,
        %add3A_268 = arith.addf %add3A_260, %gather3A_267 : vector<16xf32>
        %mul3A_269 = arith.constant 16 : i32
        %mul3A_270 = vector.broadcast %mul3A_269 : i32 to vector<16xi32>
        %mul3A_271 = arith.muli %iota3A, %mul3A_270 : vector<16xi32>
        %add3A_272 = arith.constant 5 : i32
        %add3A_273 = vector.broadcast %add3A_272 : i32 to vector<16xi32>
        %add3A_274 = arith.addi %mul3A_271, %add3A_273 : vector<16xi32>
        %gather3A_275 = tpu.vector_load_idx %arg12[%add3A_274] : memref<256xf32, #tpu.memory_space<vmem>>[vector<16xi32>], vector<16xf32>,
        %add3A_276 = arith.addf %add3A_268, %gather3A_275 : vector<16xf32>
        %mul3A_277 = arith.constant 16 : i32
        %mul3A_278 = vector.broadcast %mul3A_277 : i32 to vector<16xi32>
        %mul3A_279 = arith.muli %iota3A, %mul3A_278 : vector<16xi32>
        %add3A_280 = arith.constant 6 : i32
        %add3A_281 = vector.broadcast %add3A_280 : i32 to vector<16xi32>
        %add3A_282 = arith.addi %mul3A_279, %add3A_281 : vector<16xi32>
        %gather3A_283 = tpu.vector_load_idx %arg12[%add3A_282] : memref<256xf32, #tpu.memory_space<vmem>>[vector<16xi32>], vector<16xf32>,
        %add3A_284 = arith.addf %add3A_276, %gather3A_283 : vector<16xf32>
        %mul3A_285 = arith.constant 16 : i32
        %mul3A_286 = vector.broadcast %mul3A_285 : i32 to vector<16xi32>
        %mul3A_287 = arith.muli %iota3A, %mul3A_286 : vector<16xi32>
        %add3A_288 = arith.constant 7 : i32
        %add3A_289 = vector.broadcast %add3A_288 : i32 to vector<16xi32>
        %add3A_290 = arith.addi %mul3A_287, %add3A_289 : vector<16xi32>
        %gather3A_291 = tpu.vector_load_idx %arg12[%add3A_290] : memref<256xf32, #tpu.memory_space<vmem>>[vector<16xi32>], vector<16xf32>,
        %add3A_292 = arith.addf %add3A_284, %gather3A_291 : vector<16xf32>
        %mul3A_293 = arith.constant 16 : i32
        %mul3A_294 = vector.broadcast %mul3A_293 : i32 to vector<16xi32>
        %mul3A_295 = arith.muli %iota3A, %mul3A_294 : vector<16xi32>
        %add3A_296 = arith.constant 8 : i32
        %add3A_297 = vector.broadcast %add3A_296 : i32 to vector<16xi32>
        %add3A_298 = arith.addi %mul3A_295, %add3A_297 : vector<16xi32>
        %gather3A_299 = tpu.vector_load_idx %arg12[%add3A_298] : memref<256xf32, #tpu.memory_space<vmem>>[vector<16xi32>], vector<16xf32>,
        %add3A_300 = arith.addf %add3A_292, %gather3A_299 : vector<16xf32>
        %mul3A_301 = arith.constant 16 : i32
        %mul3A_302 = vector.broadcast %mul3A_301 : i32 to vector<16xi32>
        %mul3A_303 = arith.muli %iota3A, %mul3A_302 : vector<16xi32>
        %add3A_304 = arith.constant 9 : i32
        %add3A_305 = vector.broadcast %add3A_304 : i32 to vector<16xi32>
        %add3A_306 = arith.addi %mul3A_303, %add3A_305 : vector<16xi32>
        %gather3A_307 = tpu.vector_load_idx %arg12[%add3A_306] : memref<256xf32, #tpu.memory_space<vmem>>[vector<16xi32>], vector<16xf32>,
        %add3A_308 = arith.addf %add3A_300, %gather3A_307 : vector<16xf32>
        %mul3A_309 = arith.constant 16 : i32
        %mul3A_310 = vector.broadcast %mul3A_309 : i32 to vector<16xi32>
        %mul3A_311 = arith.muli %iota3A, %mul3A_310 : vector<16xi32>
        %add3A_312 = arith.constant 10 : i32
        %add3A_313 = vector.broadcast %add3A_312 : i32 to vector<16xi32>
        %add3A_314 = arith.addi %mul3A_311, %add3A_313 : vector<16xi32>
        %gather3A_315 = tpu.vector_load_idx %arg12[%add3A_314] : memref<256xf32, #tpu.memory_space<vmem>>[vector<16xi32>], vector<16xf32>,
        %add3A_316 = arith.addf %add3A_308, %gather3A_315 : vector<16xf32>
        %mul3A_317 = arith.constant 16 : i32
        %mul3A_318 = vector.broadcast %mul3A_317 : i32 to vector<16xi32>
        %mul3A_319 = arith.muli %iota3A, %mul3A_318 : vector<16xi32>
        %add3A_320 = arith.constant 11 : i32
        %add3A_321 = vector.broadcast %add3A_320 : i32 to vector<16xi32>
        %add3A_322 = arith.addi %mul3A_319, %add3A_321 : vector<16xi32>
        %gather3A_323 = tpu.vector_load_idx %arg12[%add3A_322] : memref<256xf32, #tpu.memory_space<vmem>>[vector<16xi32>], vector<16xf32>,
        %add3A_324 = arith.addf %add3A_316, %gather3A_323 : vector<16xf32>
        %mul3A_325 = arith.constant 16 : i32
        %mul3A_326 = vector.broadcast %mul3A_325 : i32 to vector<16xi32>
        %mul3A_327 = arith.muli %iota3A, %mul3A_326 : vector<16xi32>
        %add3A_328 = arith.constant 12 : i32
        %add3A_329 = vector.broadcast %add3A_328 : i32 to vector<16xi32>
        %add3A_330 = arith.addi %mul3A_327, %add3A_329 : vector<16xi32>
        %gather3A_331 = tpu.vector_load_idx %arg12[%add3A_330] : memref<256xf32, #tpu.memory_space<vmem>>[vector<16xi32>], vector<16xf32>,
        %add3A_332 = arith.addf %add3A_324, %gather3A_331 : vector<16xf32>
        %mul3A_333 = arith.constant 16 : i32
        %mul3A_334 = vector.broadcast %mul3A_333 : i32 to vector<16xi32>
        %mul3A_335 = arith.muli %iota3A, %mul3A_334 : vector<16xi32>
        %add3A_336 = arith.constant 13 : i32
        %add3A_337 = vector.broadcast %add3A_336 : i32 to vector<16xi32>
        %add3A_338 = arith.addi %mul3A_335, %add3A_337 : vector<16xi32>
        %gather3A_339 = tpu.vector_load_idx %arg12[%add3A_338] : memref<256xf32, #tpu.memory_space<vmem>>[vector<16xi32>], vector<16xf32>,
        %add3A_340 = arith.addf %add3A_332, %gather3A_339 : vector<16xf32>
        %mul3A_341 = arith.constant 16 : i32
        %mul3A_342 = vector.broadcast %mul3A_341 : i32 to vector<16xi32>
        %mul3A_343 = arith.muli %iota3A, %mul3A_342 : vector<16xi32>
        %add3A_344 = arith.constant 14 : i32
        %add3A_345 = vector.broadcast %add3A_344 : i32 to vector<16xi32>
        %add3A_346 = arith.addi %mul3A_343, %add3A_345 : vector<16xi32>
        %gather3A_347 = tpu.vector_load_idx %arg12[%add3A_346] : memref<256xf32, #tpu.memory_space<vmem>>[vector<16xi32>], vector<16xf32>,
        %add3A_348 = arith.addf %add3A_340, %gather3A_347 : vector<16xf32>
        %mul3A_349 = arith.constant 16 : i32
        %mul3A_350 = vector.broadcast %mul3A_349 : i32 to vector<16xi32>
        %mul3A_351 = arith.muli %iota3A, %mul3A_350 : vector<16xi32>
        %add3A_352 = arith.constant 15 : i32
        %add3A_353 = vector.broadcast %add3A_352 : i32 to vector<16xi32>
        %add3A_354 = arith.addi %mul3A_351, %add3A_353 : vector<16xi32>
        %gather3A_355 = tpu.vector_load_idx %arg12[%add3A_354] : memref<256xf32, #tpu.memory_space<vmem>>[vector<16xi32>], vector<16xf32>,
        %add3A_356 = arith.addf %add3A_348, %gather3A_355 : vector<16xf32>
        %mul3A_357 = arith.constant 16 : i32
        %mul3A_358 = arith.muli %scan3A_225, %mul3A_357 : i32
        %swap3A = arith.index_cast %mul3A_358 : i32 to index
        %swap3A_359 = tpu.vector_load %arg10[%swap3A] {strides = array<i32>} : memref<48xf32, #tpu.memory_space<vmem>>, vector<16xf32>,
        tpu.vector_store %arg10[%swap3A], %add3A_356 {strides = array<i32>} : memref<48xf32, #tpu.memory_space<vmem>>, vector<16xf32>,
        %scan3A_360 = arith.constant 0 : i32
        scf.yield %scan3A_360 : i32
      }
      %scan3A_188 = arith.constant 3 : i32
      %mul3A_189 = arith.constant 48 : i32
      %mul3A_190 = arith.muli %add3A_163, %mul3A_189 : i32
      %add3A_191 = arith.addi %select_n3A_6, %mul3A_190 : i32
      "tpu.region"() ({
        %run_scoped3A = tpu.sem_alloc : memref<!tpu.dma_semaphore, #tpu.memory_space<semaphore_mem>>
        %dma_start3A_225 = tpu.memref_slice %arg7[%add3A_191] : memref<162816xf32, #tpu.memory_space<hbm>> -> memref<48xf32, #tpu.memory_space<hbm>>
        %dma_start3A_226 = tpu.memref_slice %arg7[%add3A_191] : memref<162816xf32, #tpu.memory_space<hbm>> -> memref<48xf32, #tpu.memory_space<hbm>>
        tpu.enqueue_dma source(%arg10 : memref<48xf32, #tpu.memory_space<vmem>>) target(%dma_start3A_226 : memref<48xf32, #tpu.memory_space<hbm>>) target_semaphore(%run_scoped3A : memref<!tpu.dma_semaphore, #tpu.memory_space<semaphore_mem>>)
        %dma_wait3A_227 = tpu.memref_slice %arg7[%add3A_191] : memref<162816xf32, #tpu.memory_space<hbm>> -> memref<48xf32, #tpu.memory_space<hbm>>
        %dma_wait3A_228 = tpu.memref_slice %arg7[%add3A_191] : memref<162816xf32, #tpu.memory_space<hbm>> -> memref<48xf32, #tpu.memory_space<hbm>>
        tpu.wait_dma2 semaphore(%run_scoped3A : memref<!tpu.dma_semaphore, #tpu.memory_space<semaphore_mem>>) src(%arg10 : memref<48xf32, #tpu.memory_space<vmem>>) dst(%dma_wait3A_228 : memref<48xf32, #tpu.memory_space<hbm>>)
        tpu.yield
      }) : () -> ()
      %mul3A_192 = arith.constant 4 : i32
      %mul3A_193 = arith.muli %while3A_99, %mul3A_192 : i32
      %add3A_194 = arith.constant 3 : i32
      %add3A_195 = arith.addi %mul3A_193, %add3A_194 : i32
      %add3A_196 = arith.constant 4 : i32
      %add3A_197 = arith.addi %add3A_195, %add3A_196 : i32
      %sub3A_198 = arith.constant 1 : i32
      %sub3A_199 = arith.subi %add3A_197, %sub3A_198 : i32
      %lt3A_200 = arith.cmpi slt, %sub3A_199, %select_n3A : i32
      %convert_element_type3A_201 = arith.extui %lt3A_200 : i1 to i32
      %cond3A_202 = arith.constant 0 : i32
      %cond3A_203 = arith.cmpi ne, %convert_element_type3A_201, %cond3A_202 : i32
      scf.if %cond3A_203 {
        %add3A_225 = arith.constant 4 : i32
        %add3A_226 = arith.addi %add3A_195, %add3A_225 : i32
        %sub3A_227 = arith.constant 1 : i32
        %sub3A_228 = arith.subi %add3A_226, %sub3A_227 : i32
        %mul3A_229 = arith.constant 48 : i32
        %mul3A_230 = arith.muli %sub3A_228, %mul3A_229 : i32
        %dma_start3A_231 = tpu.memref_slice %arg8[%mul3A_230] : memref<6528xi32, #tpu.memory_space<vmem>> -> memref<48xi32, #tpu.memory_space<vmem>>
        %dma_start3A_232 = arith.constant 0 : i32
        %dma_start3A_233 = arith.constant 0 : i32
        %dma_start3A_234 = tpu.memref_slice %arg2[%dma_start3A_232, %dma_start3A_233] : memref<10000x128xi32, #tpu.memory_space<hbm>> -> memref<10000x128xi32, #tpu.memory_space<hbm>>
        tpu.enqueue_indirect_dma source(%dma_start3A_234 : memref<10000x128xi32, #tpu.memory_space<hbm>>) target(%arg15 : memref<48x128xi32, #tpu.memory_space<vmem>>) offsets(%dma_start3A_231 : memref<48xi32, #tpu.memory_space<vmem>>) semaphore(%arg23 : memref<!tpu.dma_semaphore, #tpu.memory_space<semaphore_mem>>)
        %dma_start3A_235 = tpu.memref_slice %arg9[%mul3A_230] : memref<6528xi32, #tpu.memory_space<vmem>> -> memref<48xi32, #tpu.memory_space<vmem>>
        %dma_start3A_236 = arith.constant 0 : i32
        %dma_start3A_237 = arith.constant 0 : i32
        %dma_start3A_238 = tpu.memref_slice %arg3[%dma_start3A_236, %dma_start3A_237] : memref<10000x128xi32, #tpu.memory_space<hbm>> -> memref<10000x128xi32, #tpu.memory_space<hbm>>
        tpu.enqueue_indirect_dma source(%dma_start3A_238 : memref<10000x128xi32, #tpu.memory_space<hbm>>) target(%arg19 : memref<48x128xi32, #tpu.memory_space<vmem>>) offsets(%dma_start3A_235 : memref<48xi32, #tpu.memory_space<vmem>>) semaphore(%arg23 : memref<!tpu.dma_semaphore, #tpu.memory_space<semaphore_mem>>)
      } else {
      }
      %mul3A_204 = arith.constant 48 : i32
      %mul3A_205 = arith.muli %add3A_195, %mul3A_204 : i32
      %dma_wait3A_206 = tpu.memref_slice %arg8[%mul3A_205] : memref<6528xi32, #tpu.memory_space<vmem>> -> memref<48xi32, #tpu.memory_space<vmem>>
      %dma_wait3A_207 = arith.constant 0 : i32
      %dma_wait3A_208 = arith.constant 0 : i32
      %dma_wait3A_209 = tpu.memref_slice %arg2[%dma_wait3A_207, %dma_wait3A_208] : memref<10000x128xi32, #tpu.memory_space<hbm>> -> memref<10000x128xi32, #tpu.memory_space<hbm>>
      tpu.wait_indirect_dma semaphore(%arg24 : memref<!tpu.dma_semaphore, #tpu.memory_space<semaphore_mem>>) src(%dma_wait3A_209 : memref<10000x128xi32, #tpu.memory_space<hbm>>) dst(%arg16 : memref<48x128xi32, #tpu.memory_space<vmem>>)
      %dma_wait3A_210 = tpu.memref_slice %arg9[%mul3A_205] : memref<6528xi32, #tpu.memory_space<vmem>> -> memref<48xi32, #tpu.memory_space<vmem>>
      %dma_wait3A_211 = arith.constant 0 : i32
      %dma_wait3A_212 = arith.constant 0 : i32
      %dma_wait3A_213 = tpu.memref_slice %arg3[%dma_wait3A_211, %dma_wait3A_212] : memref<10000x128xi32, #tpu.memory_space<hbm>> -> memref<10000x128xi32, #tpu.memory_space<hbm>>
      tpu.wait_indirect_dma semaphore(%arg24 : memref<!tpu.dma_semaphore, #tpu.memory_space<semaphore_mem>>) src(%dma_wait3A_213 : memref<10000x128xi32, #tpu.memory_space<hbm>>) dst(%arg20 : memref<48x128xi32, #tpu.memory_space<vmem>>)
      %scan3A_214 = arith.constant 0 : i32
      %scan3A_215 = arith.constant 0 : i32
      %scan3A_216 = arith.constant 3 : i32
      %scan3A_217 = arith.addi %scan3A_215, %scan3A_216 : i32
      %scan3A_218 = arith.constant 1 : i32
      %scan3A_219 = scf.for %scan3A_225 = %scan3A_215 to %scan3A_217 step %scan3A_218 iter_args(%scan3A_226 = %scan3A_214) -> (i32)  : i32 {
        %scan3A_227 = arith.constant 0 : i32
        %scan3A_228 = arith.constant 0 : i32
        %scan3A_229 = arith.constant 16 : i32
        %scan3A_230 = arith.addi %scan3A_228, %scan3A_229 : i32
        %scan3A_231 = arith.constant 1 : i32
        %scan3A_232 = scf.for %scan3A_361 = %scan3A_228 to %scan3A_230 step %scan3A_231 iter_args(%scan3A_362 = %scan3A_227) -> (i32)  : i32 {
          %mul3A_363 = arith.constant 16 : i32
          %mul3A_364 = arith.muli %scan3A_225, %mul3A_363 : i32
          %add3A_365 = arith.addi %mul3A_364, %scan3A_361 : i32
          %get3A_366 = arith.index_cast %add3A_365 : i32 to index
          %get3A_367 = arith.constant 0 : index
          %get3A_368 = tpu.vector_load %arg16[%get3A_366, %get3A_367] {strides = array<i32>} : memref<48x128xi32, #tpu.memory_space<vmem>>, vector<16xi32>,
          %bitcast3A = vector.bitcast %get3A_368 : vector<16xi32> to vector<32xbf16>
          %get3A_369 = arith.index_cast %add3A_365 : i32 to index
          %get3A_370 = arith.constant 0 : index
          %get3A_371 = tpu.vector_load %arg20[%get3A_369, %get3A_370] {strides = array<i32>} : memref<48x128xi32, #tpu.memory_space<vmem>>, vector<16xi32>,
          %bitcast3A_372 = vector.bitcast %get3A_371 : vector<16xi32> to vector<32xbf16>
          %add3A_373 = arith.addf %bitcast3A, %bitcast3A_372 : vector<32xbf16>
          %max3A = arith.constant 0.000000e+00 : bf16
          %max3A_374 = vector.broadcast %max3A : bf16 to vector<32xbf16>
          %max3A_375 = arith.maximumf %add3A_373, %max3A_374 : vector<32xbf16>
          %bitcast3A_376 = vector.bitcast %max3A_375 : vector<32xbf16> to vector<16xi32>
          %shift_left3A = arith.constant 16 : i32
          %shift_left3A_377 = vector.broadcast %shift_left3A : i32 to vector<16xi32>
          %shift_left3A_378 = arith.shli %bitcast3A_376, %shift_left3A_377 : vector<16xi32>
          %bitcast3A_379 = vector.bitcast %shift_left3A_378 : vector<16xi32> to vector<16xf32>
          %and3A_380 = arith.andi %bitcast3A_376, %broadcast_in_dim3A_40 : vector<16xi32>
          %bitcast3A_381 = vector.bitcast %and3A_380 : vector<16xi32> to vector<16xf32>
          %mul3A_382 = arith.mulf %bitcast3A_379, %get3A_7 : vector<16xf32>
          %add3A_383 = arith.addf %get3A_39, %mul3A_382 : vector<16xf32>
          %mul3A_384 = arith.mulf %bitcast3A_381, %get3A_23 : vector<16xf32>
          %add3A_385 = arith.addf %add3A_383, %mul3A_384 : vector<16xf32>
          %get3A_386 = arith.index_cast %add3A_365 : i32 to index
          %get3A_387 = arith.constant 16 : index
          %get3A_388 = tpu.vector_load %arg16[%get3A_386, %get3A_387] {strides = array<i32>} : memref<48x128xi32, #tpu.memory_space<vmem>>, vector<16xi32>,
          %bitcast3A_389 = vector.bitcast %get3A_388 : vector<16xi32> to vector<32xbf16>
          %get3A_390 = arith.index_cast %add3A_365 : i32 to index
          %get3A_391 = arith.constant 16 : index
          %get3A_392 = tpu.vector_load %arg20[%get3A_390, %get3A_391] {strides = array<i32>} : memref<48x128xi32, #tpu.memory_space<vmem>>, vector<16xi32>,
          %bitcast3A_393 = vector.bitcast %get3A_392 : vector<16xi32> to vector<32xbf16>
          %add3A_394 = arith.addf %bitcast3A_389, %bitcast3A_393 : vector<32xbf16>
          %max3A_395 = arith.constant 0.000000e+00 : bf16
          %max3A_396 = vector.broadcast %max3A_395 : bf16 to vector<32xbf16>
          %max3A_397 = arith.maximumf %add3A_394, %max3A_396 : vector<32xbf16>
          %bitcast3A_398 = vector.bitcast %max3A_397 : vector<32xbf16> to vector<16xi32>
          %shift_left3A_399 = arith.constant 16 : i32
          %shift_left3A_400 = vector.broadcast %shift_left3A_399 : i32 to vector<16xi32>
          %shift_left3A_401 = arith.shli %bitcast3A_398, %shift_left3A_400 : vector<16xi32>
          %bitcast3A_402 = vector.bitcast %shift_left3A_401 : vector<16xi32> to vector<16xf32>
          %and3A_403 = arith.andi %bitcast3A_398, %broadcast_in_dim3A_40 : vector<16xi32>
          %bitcast3A_404 = vector.bitcast %and3A_403 : vector<16xi32> to vector<16xf32>
          %mul3A_405 = arith.mulf %bitcast3A_402, %get3A_9 : vector<16xf32>
          %add3A_406 = arith.addf %add3A_385, %mul3A_405 : vector<16xf32>
          %mul3A_407 = arith.mulf %bitcast3A_404, %get3A_25 : vector<16xf32>
          %add3A_408 = arith.addf %add3A_406, %mul3A_407 : vector<16xf32>
          %get3A_409 = arith.index_cast %add3A_365 : i32 to index
          %get3A_410 = arith.constant 32 : index
          %get3A_411 = tpu.vector_load %arg16[%get3A_409, %get3A_410] {strides = array<i32>} : memref<48x128xi32, #tpu.memory_space<vmem>>, vector<16xi32>,
          %bitcast3A_412 = vector.bitcast %get3A_411 : vector<16xi32> to vector<32xbf16>
          %get3A_413 = arith.index_cast %add3A_365 : i32 to index
          %get3A_414 = arith.constant 32 : index
          %get3A_415 = tpu.vector_load %arg20[%get3A_413, %get3A_414] {strides = array<i32>} : memref<48x128xi32, #tpu.memory_space<vmem>>, vector<16xi32>,
          %bitcast3A_416 = vector.bitcast %get3A_415 : vector<16xi32> to vector<32xbf16>
          %add3A_417 = arith.addf %bitcast3A_412, %bitcast3A_416 : vector<32xbf16>
          %max3A_418 = arith.constant 0.000000e+00 : bf16
          %max3A_419 = vector.broadcast %max3A_418 : bf16 to vector<32xbf16>
          %max3A_420 = arith.maximumf %add3A_417, %max3A_419 : vector<32xbf16>
          %bitcast3A_421 = vector.bitcast %max3A_420 : vector<32xbf16> to vector<16xi32>
          %shift_left3A_422 = arith.constant 16 : i32
          %shift_left3A_423 = vector.broadcast %shift_left3A_422 : i32 to vector<16xi32>
          %shift_left3A_424 = arith.shli %bitcast3A_421, %shift_left3A_423 : vector<16xi32>
          %bitcast3A_425 = vector.bitcast %shift_left3A_424 : vector<16xi32> to vector<16xf32>
          %and3A_426 = arith.andi %bitcast3A_421, %broadcast_in_dim3A_40 : vector<16xi32>
          %bitcast3A_427 = vector.bitcast %and3A_426 : vector<16xi32> to vector<16xf32>
          %mul3A_428 = arith.mulf %bitcast3A_425, %get3A_11 : vector<16xf32>
          %add3A_429 = arith.addf %add3A_408, %mul3A_428 : vector<16xf32>
          %mul3A_430 = arith.mulf %bitcast3A_427, %get3A_27 : vector<16xf32>
          %add3A_431 = arith.addf %add3A_429, %mul3A_430 : vector<16xf32>
          %get3A_432 = arith.index_cast %add3A_365 : i32 to index
          %get3A_433 = arith.constant 48 : index
          %get3A_434 = tpu.vector_load %arg16[%get3A_432, %get3A_433] {strides = array<i32>} : memref<48x128xi32, #tpu.memory_space<vmem>>, vector<16xi32>,
          %bitcast3A_435 = vector.bitcast %get3A_434 : vector<16xi32> to vector<32xbf16>
          %get3A_436 = arith.index_cast %add3A_365 : i32 to index
          %get3A_437 = arith.constant 48 : index
          %get3A_438 = tpu.vector_load %arg20[%get3A_436, %get3A_437] {strides = array<i32>} : memref<48x128xi32, #tpu.memory_space<vmem>>, vector<16xi32>,
          %bitcast3A_439 = vector.bitcast %get3A_438 : vector<16xi32> to vector<32xbf16>
          %add3A_440 = arith.addf %bitcast3A_435, %bitcast3A_439 : vector<32xbf16>
          %max3A_441 = arith.constant 0.000000e+00 : bf16
          %max3A_442 = vector.broadcast %max3A_441 : bf16 to vector<32xbf16>
          %max3A_443 = arith.maximumf %add3A_440, %max3A_442 : vector<32xbf16>
          %bitcast3A_444 = vector.bitcast %max3A_443 : vector<32xbf16> to vector<16xi32>
          %shift_left3A_445 = arith.constant 16 : i32
          %shift_left3A_446 = vector.broadcast %shift_left3A_445 : i32 to vector<16xi32>
          %shift_left3A_447 = arith.shli %bitcast3A_444, %shift_left3A_446 : vector<16xi32>
          %bitcast3A_448 = vector.bitcast %shift_left3A_447 : vector<16xi32> to vector<16xf32>
          %and3A_449 = arith.andi %bitcast3A_444, %broadcast_in_dim3A_40 : vector<16xi32>
          %bitcast3A_450 = vector.bitcast %and3A_449 : vector<16xi32> to vector<16xf32>
          %mul3A_451 = arith.mulf %bitcast3A_448, %get3A_13 : vector<16xf32>
          %add3A_452 = arith.addf %add3A_431, %mul3A_451 : vector<16xf32>
          %mul3A_453 = arith.mulf %bitcast3A_450, %get3A_29 : vector<16xf32>
          %add3A_454 = arith.addf %add3A_452, %mul3A_453 : vector<16xf32>
          %get3A_455 = arith.index_cast %add3A_365 : i32 to index
          %get3A_456 = arith.constant 64 : index
          %get3A_457 = tpu.vector_load %arg16[%get3A_455, %get3A_456] {strides = array<i32>} : memref<48x128xi32, #tpu.memory_space<vmem>>, vector<16xi32>,
          %bitcast3A_458 = vector.bitcast %get3A_457 : vector<16xi32> to vector<32xbf16>
          %get3A_459 = arith.index_cast %add3A_365 : i32 to index
          %get3A_460 = arith.constant 64 : index
          %get3A_461 = tpu.vector_load %arg20[%get3A_459, %get3A_460] {strides = array<i32>} : memref<48x128xi32, #tpu.memory_space<vmem>>, vector<16xi32>,
          %bitcast3A_462 = vector.bitcast %get3A_461 : vector<16xi32> to vector<32xbf16>
          %add3A_463 = arith.addf %bitcast3A_458, %bitcast3A_462 : vector<32xbf16>
          %max3A_464 = arith.constant 0.000000e+00 : bf16
          %max3A_465 = vector.broadcast %max3A_464 : bf16 to vector<32xbf16>
          %max3A_466 = arith.maximumf %add3A_463, %max3A_465 : vector<32xbf16>
          %bitcast3A_467 = vector.bitcast %max3A_466 : vector<32xbf16> to vector<16xi32>
          %shift_left3A_468 = arith.constant 16 : i32
          %shift_left3A_469 = vector.broadcast %shift_left3A_468 : i32 to vector<16xi32>
          %shift_left3A_470 = arith.shli %bitcast3A_467, %shift_left3A_469 : vector<16xi32>
          %bitcast3A_471 = vector.bitcast %shift_left3A_470 : vector<16xi32> to vector<16xf32>
          %and3A_472 = arith.andi %bitcast3A_467, %broadcast_in_dim3A_40 : vector<16xi32>
          %bitcast3A_473 = vector.bitcast %and3A_472 : vector<16xi32> to vector<16xf32>
          %mul3A_474 = arith.mulf %bitcast3A_471, %get3A_15 : vector<16xf32>
          %add3A_475 = arith.addf %add3A_454, %mul3A_474 : vector<16xf32>
          %mul3A_476 = arith.mulf %bitcast3A_473, %get3A_31 : vector<16xf32>
          %add3A_477 = arith.addf %add3A_475, %mul3A_476 : vector<16xf32>
          %get3A_478 = arith.index_cast %add3A_365 : i32 to index
          %get3A_479 = arith.constant 80 : index
          %get3A_480 = tpu.vector_load %arg16[%get3A_478, %get3A_479] {strides = array<i32>} : memref<48x128xi32, #tpu.memory_space<vmem>>, vector<16xi32>,
          %bitcast3A_481 = vector.bitcast %get3A_480 : vector<16xi32> to vector<32xbf16>
          %get3A_482 = arith.index_cast %add3A_365 : i32 to index
          %get3A_483 = arith.constant 80 : index
          %get3A_484 = tpu.vector_load %arg20[%get3A_482, %get3A_483] {strides = array<i32>} : memref<48x128xi32, #tpu.memory_space<vmem>>, vector<16xi32>,
          %bitcast3A_485 = vector.bitcast %get3A_484 : vector<16xi32> to vector<32xbf16>
          %add3A_486 = arith.addf %bitcast3A_481, %bitcast3A_485 : vector<32xbf16>
          %max3A_487 = arith.constant 0.000000e+00 : bf16
          %max3A_488 = vector.broadcast %max3A_487 : bf16 to vector<32xbf16>
          %max3A_489 = arith.maximumf %add3A_486, %max3A_488 : vector<32xbf16>
          %bitcast3A_490 = vector.bitcast %max3A_489 : vector<32xbf16> to vector<16xi32>
          %shift_left3A_491 = arith.constant 16 : i32
          %shift_left3A_492 = vector.broadcast %shift_left3A_491 : i32 to vector<16xi32>
          %shift_left3A_493 = arith.shli %bitcast3A_490, %shift_left3A_492 : vector<16xi32>
          %bitcast3A_494 = vector.bitcast %shift_left3A_493 : vector<16xi32> to vector<16xf32>
          %and3A_495 = arith.andi %bitcast3A_490, %broadcast_in_dim3A_40 : vector<16xi32>
          %bitcast3A_496 = vector.bitcast %and3A_495 : vector<16xi32> to vector<16xf32>
          %mul3A_497 = arith.mulf %bitcast3A_494, %get3A_17 : vector<16xf32>
          %add3A_498 = arith.addf %add3A_477, %mul3A_497 : vector<16xf32>
          %mul3A_499 = arith.mulf %bitcast3A_496, %get3A_33 : vector<16xf32>
          %add3A_500 = arith.addf %add3A_498, %mul3A_499 : vector<16xf32>
          %get3A_501 = arith.index_cast %add3A_365 : i32 to index
          %get3A_502 = arith.constant 96 : index
          %get3A_503 = tpu.vector_load %arg16[%get3A_501, %get3A_502] {strides = array<i32>} : memref<48x128xi32, #tpu.memory_space<vmem>>, vector<16xi32>,
          %bitcast3A_504 = vector.bitcast %get3A_503 : vector<16xi32> to vector<32xbf16>
          %get3A_505 = arith.index_cast %add3A_365 : i32 to index
          %get3A_506 = arith.constant 96 : index
          %get3A_507 = tpu.vector_load %arg20[%get3A_505, %get3A_506] {strides = array<i32>} : memref<48x128xi32, #tpu.memory_space<vmem>>, vector<16xi32>,
          %bitcast3A_508 = vector.bitcast %get3A_507 : vector<16xi32> to vector<32xbf16>
          %add3A_509 = arith.addf %bitcast3A_504, %bitcast3A_508 : vector<32xbf16>
          %max3A_510 = arith.constant 0.000000e+00 : bf16
          %max3A_511 = vector.broadcast %max3A_510 : bf16 to vector<32xbf16>
          %max3A_512 = arith.maximumf %add3A_509, %max3A_511 : vector<32xbf16>
          %bitcast3A_513 = vector.bitcast %max3A_512 : vector<32xbf16> to vector<16xi32>
          %shift_left3A_514 = arith.constant 16 : i32
          %shift_left3A_515 = vector.broadcast %shift_left3A_514 : i32 to vector<16xi32>
          %shift_left3A_516 = arith.shli %bitcast3A_513, %shift_left3A_515 : vector<16xi32>
          %bitcast3A_517 = vector.bitcast %shift_left3A_516 : vector<16xi32> to vector<16xf32>
          %and3A_518 = arith.andi %bitcast3A_513, %broadcast_in_dim3A_40 : vector<16xi32>
          %bitcast3A_519 = vector.bitcast %and3A_518 : vector<16xi32> to vector<16xf32>
          %mul3A_520 = arith.mulf %bitcast3A_517, %get3A_19 : vector<16xf32>
          %add3A_521 = arith.addf %add3A_500, %mul3A_520 : vector<16xf32>
          %mul3A_522 = arith.mulf %bitcast3A_519, %get3A_35 : vector<16xf32>
          %add3A_523 = arith.addf %add3A_521, %mul3A_522 : vector<16xf32>
          %get3A_524 = arith.index_cast %add3A_365 : i32 to index
          %get3A_525 = arith.constant 112 : index
          %get3A_526 = tpu.vector_load %arg16[%get3A_524, %get3A_525] {strides = array<i32>} : memref<48x128xi32, #tpu.memory_space<vmem>>, vector<16xi32>,
          %bitcast3A_527 = vector.bitcast %get3A_526 : vector<16xi32> to vector<32xbf16>
          %get3A_528 = arith.index_cast %add3A_365 : i32 to index
          %get3A_529 = arith.constant 112 : index
          %get3A_530 = tpu.vector_load %arg20[%get3A_528, %get3A_529] {strides = array<i32>} : memref<48x128xi32, #tpu.memory_space<vmem>>, vector<16xi32>,
          %bitcast3A_531 = vector.bitcast %get3A_530 : vector<16xi32> to vector<32xbf16>
          %add3A_532 = arith.addf %bitcast3A_527, %bitcast3A_531 : vector<32xbf16>
          %max3A_533 = arith.constant 0.000000e+00 : bf16
          %max3A_534 = vector.broadcast %max3A_533 : bf16 to vector<32xbf16>
          %max3A_535 = arith.maximumf %add3A_532, %max3A_534 : vector<32xbf16>
          %bitcast3A_536 = vector.bitcast %max3A_535 : vector<32xbf16> to vector<16xi32>
          %shift_left3A_537 = arith.constant 16 : i32
          %shift_left3A_538 = vector.broadcast %shift_left3A_537 : i32 to vector<16xi32>
          %shift_left3A_539 = arith.shli %bitcast3A_536, %shift_left3A_538 : vector<16xi32>
          %bitcast3A_540 = vector.bitcast %shift_left3A_539 : vector<16xi32> to vector<16xf32>
          %and3A_541 = arith.andi %bitcast3A_536, %broadcast_in_dim3A_40 : vector<16xi32>
          %bitcast3A_542 = vector.bitcast %and3A_541 : vector<16xi32> to vector<16xf32>
          %mul3A_543 = arith.mulf %bitcast3A_540, %get3A_21 : vector<16xf32>
          %add3A_544 = arith.addf %add3A_523, %mul3A_543 : vector<16xf32>
          %mul3A_545 = arith.mulf %bitcast3A_542, %get3A_37 : vector<16xf32>
          %add3A_546 = arith.addf %add3A_544, %mul3A_545 : vector<16xf32>
          %mul3A_547 = arith.constant 16 : i32
          %mul3A_548 = arith.muli %scan3A_361, %mul3A_547 : i32
          %swap3A_549 = arith.index_cast %mul3A_548 : i32 to index
          %swap3A_550 = tpu.vector_load %arg12[%swap3A_549] {strides = array<i32>} : memref<256xf32, #tpu.memory_space<vmem>>, vector<16xf32>,
          tpu.vector_store %arg12[%swap3A_549], %add3A_546 {strides = array<i32>} : memref<256xf32, #tpu.memory_space<vmem>>, vector<16xf32>,
          %scan3A_551 = arith.constant 0 : i32
          scf.yield %scan3A_551 : i32
        }
        %scan3A_233 = arith.constant 16 : i32
        %mul3A_234 = arith.constant 16 : i32
        %mul3A_235 = vector.broadcast %mul3A_234 : i32 to vector<16xi32>
        %mul3A_236 = arith.muli %iota3A, %mul3A_235 : vector<16xi32>
        %gather3A = tpu.vector_load_idx %arg12[%mul3A_236] : memref<256xf32, #tpu.memory_space<vmem>>[vector<16xi32>], vector<16xf32>,
        %mul3A_237 = arith.constant 16 : i32
        %mul3A_238 = vector.broadcast %mul3A_237 : i32 to vector<16xi32>
        %mul3A_239 = arith.muli %iota3A, %mul3A_238 : vector<16xi32>
        %add3A_240 = arith.constant 1 : i32
        %add3A_241 = vector.broadcast %add3A_240 : i32 to vector<16xi32>
        %add3A_242 = arith.addi %mul3A_239, %add3A_241 : vector<16xi32>
        %gather3A_243 = tpu.vector_load_idx %arg12[%add3A_242] : memref<256xf32, #tpu.memory_space<vmem>>[vector<16xi32>], vector<16xf32>,
        %add3A_244 = arith.addf %gather3A, %gather3A_243 : vector<16xf32>
        %mul3A_245 = arith.constant 16 : i32
        %mul3A_246 = vector.broadcast %mul3A_245 : i32 to vector<16xi32>
        %mul3A_247 = arith.muli %iota3A, %mul3A_246 : vector<16xi32>
        %add3A_248 = arith.constant 2 : i32
        %add3A_249 = vector.broadcast %add3A_248 : i32 to vector<16xi32>
        %add3A_250 = arith.addi %mul3A_247, %add3A_249 : vector<16xi32>
        %gather3A_251 = tpu.vector_load_idx %arg12[%add3A_250] : memref<256xf32, #tpu.memory_space<vmem>>[vector<16xi32>], vector<16xf32>,
        %add3A_252 = arith.addf %add3A_244, %gather3A_251 : vector<16xf32>
        %mul3A_253 = arith.constant 16 : i32
        %mul3A_254 = vector.broadcast %mul3A_253 : i32 to vector<16xi32>
        %mul3A_255 = arith.muli %iota3A, %mul3A_254 : vector<16xi32>
        %add3A_256 = arith.constant 3 : i32
        %add3A_257 = vector.broadcast %add3A_256 : i32 to vector<16xi32>
        %add3A_258 = arith.addi %mul3A_255, %add3A_257 : vector<16xi32>
        %gather3A_259 = tpu.vector_load_idx %arg12[%add3A_258] : memref<256xf32, #tpu.memory_space<vmem>>[vector<16xi32>], vector<16xf32>,
        %add3A_260 = arith.addf %add3A_252, %gather3A_259 : vector<16xf32>
        %mul3A_261 = arith.constant 16 : i32
        %mul3A_262 = vector.broadcast %mul3A_261 : i32 to vector<16xi32>
        %mul3A_263 = arith.muli %iota3A, %mul3A_262 : vector<16xi32>
        %add3A_264 = arith.constant 4 : i32
        %add3A_265 = vector.broadcast %add3A_264 : i32 to vector<16xi32>
        %add3A_266 = arith.addi %mul3A_263, %add3A_265 : vector<16xi32>
        %gather3A_267 = tpu.vector_load_idx %arg12[%add3A_266] : memref<256xf32, #tpu.memory_space<vmem>>[vector<16xi32>], vector<16xf32>,
        %add3A_268 = arith.addf %add3A_260, %gather3A_267 : vector<16xf32>
        %mul3A_269 = arith.constant 16 : i32
        %mul3A_270 = vector.broadcast %mul3A_269 : i32 to vector<16xi32>
        %mul3A_271 = arith.muli %iota3A, %mul3A_270 : vector<16xi32>
        %add3A_272 = arith.constant 5 : i32
        %add3A_273 = vector.broadcast %add3A_272 : i32 to vector<16xi32>
        %add3A_274 = arith.addi %mul3A_271, %add3A_273 : vector<16xi32>
        %gather3A_275 = tpu.vector_load_idx %arg12[%add3A_274] : memref<256xf32, #tpu.memory_space<vmem>>[vector<16xi32>], vector<16xf32>,
        %add3A_276 = arith.addf %add3A_268, %gather3A_275 : vector<16xf32>
        %mul3A_277 = arith.constant 16 : i32
        %mul3A_278 = vector.broadcast %mul3A_277 : i32 to vector<16xi32>
        %mul3A_279 = arith.muli %iota3A, %mul3A_278 : vector<16xi32>
        %add3A_280 = arith.constant 6 : i32
        %add3A_281 = vector.broadcast %add3A_280 : i32 to vector<16xi32>
        %add3A_282 = arith.addi %mul3A_279, %add3A_281 : vector<16xi32>
        %gather3A_283 = tpu.vector_load_idx %arg12[%add3A_282] : memref<256xf32, #tpu.memory_space<vmem>>[vector<16xi32>], vector<16xf32>,
        %add3A_284 = arith.addf %add3A_276, %gather3A_283 : vector<16xf32>
        %mul3A_285 = arith.constant 16 : i32
        %mul3A_286 = vector.broadcast %mul3A_285 : i32 to vector<16xi32>
        %mul3A_287 = arith.muli %iota3A, %mul3A_286 : vector<16xi32>
        %add3A_288 = arith.constant 7 : i32
        %add3A_289 = vector.broadcast %add3A_288 : i32 to vector<16xi32>
        %add3A_290 = arith.addi %mul3A_287, %add3A_289 : vector<16xi32>
        %gather3A_291 = tpu.vector_load_idx %arg12[%add3A_290] : memref<256xf32, #tpu.memory_space<vmem>>[vector<16xi32>], vector<16xf32>,
        %add3A_292 = arith.addf %add3A_284, %gather3A_291 : vector<16xf32>
        %mul3A_293 = arith.constant 16 : i32
        %mul3A_294 = vector.broadcast %mul3A_293 : i32 to vector<16xi32>
        %mul3A_295 = arith.muli %iota3A, %mul3A_294 : vector<16xi32>
        %add3A_296 = arith.constant 8 : i32
        %add3A_297 = vector.broadcast %add3A_296 : i32 to vector<16xi32>
        %add3A_298 = arith.addi %mul3A_295, %add3A_297 : vector<16xi32>
        %gather3A_299 = tpu.vector_load_idx %arg12[%add3A_298] : memref<256xf32, #tpu.memory_space<vmem>>[vector<16xi32>], vector<16xf32>,
        %add3A_300 = arith.addf %add3A_292, %gather3A_299 : vector<16xf32>
        %mul3A_301 = arith.constant 16 : i32
        %mul3A_302 = vector.broadcast %mul3A_301 : i32 to vector<16xi32>
        %mul3A_303 = arith.muli %iota3A, %mul3A_302 : vector<16xi32>
        %add3A_304 = arith.constant 9 : i32
        %add3A_305 = vector.broadcast %add3A_304 : i32 to vector<16xi32>
        %add3A_306 = arith.addi %mul3A_303, %add3A_305 : vector<16xi32>
        %gather3A_307 = tpu.vector_load_idx %arg12[%add3A_306] : memref<256xf32, #tpu.memory_space<vmem>>[vector<16xi32>], vector<16xf32>,
        %add3A_308 = arith.addf %add3A_300, %gather3A_307 : vector<16xf32>
        %mul3A_309 = arith.constant 16 : i32
        %mul3A_310 = vector.broadcast %mul3A_309 : i32 to vector<16xi32>
        %mul3A_311 = arith.muli %iota3A, %mul3A_310 : vector<16xi32>
        %add3A_312 = arith.constant 10 : i32
        %add3A_313 = vector.broadcast %add3A_312 : i32 to vector<16xi32>
        %add3A_314 = arith.addi %mul3A_311, %add3A_313 : vector<16xi32>
        %gather3A_315 = tpu.vector_load_idx %arg12[%add3A_314] : memref<256xf32, #tpu.memory_space<vmem>>[vector<16xi32>], vector<16xf32>,
        %add3A_316 = arith.addf %add3A_308, %gather3A_315 : vector<16xf32>
        %mul3A_317 = arith.constant 16 : i32
        %mul3A_318 = vector.broadcast %mul3A_317 : i32 to vector<16xi32>
        %mul3A_319 = arith.muli %iota3A, %mul3A_318 : vector<16xi32>
        %add3A_320 = arith.constant 11 : i32
        %add3A_321 = vector.broadcast %add3A_320 : i32 to vector<16xi32>
        %add3A_322 = arith.addi %mul3A_319, %add3A_321 : vector<16xi32>
        %gather3A_323 = tpu.vector_load_idx %arg12[%add3A_322] : memref<256xf32, #tpu.memory_space<vmem>>[vector<16xi32>], vector<16xf32>,
        %add3A_324 = arith.addf %add3A_316, %gather3A_323 : vector<16xf32>
        %mul3A_325 = arith.constant 16 : i32
        %mul3A_326 = vector.broadcast %mul3A_325 : i32 to vector<16xi32>
        %mul3A_327 = arith.muli %iota3A, %mul3A_326 : vector<16xi32>
        %add3A_328 = arith.constant 12 : i32
        %add3A_329 = vector.broadcast %add3A_328 : i32 to vector<16xi32>
        %add3A_330 = arith.addi %mul3A_327, %add3A_329 : vector<16xi32>
        %gather3A_331 = tpu.vector_load_idx %arg12[%add3A_330] : memref<256xf32, #tpu.memory_space<vmem>>[vector<16xi32>], vector<16xf32>,
        %add3A_332 = arith.addf %add3A_324, %gather3A_331 : vector<16xf32>
        %mul3A_333 = arith.constant 16 : i32
        %mul3A_334 = vector.broadcast %mul3A_333 : i32 to vector<16xi32>
        %mul3A_335 = arith.muli %iota3A, %mul3A_334 : vector<16xi32>
        %add3A_336 = arith.constant 13 : i32
        %add3A_337 = vector.broadcast %add3A_336 : i32 to vector<16xi32>
        %add3A_338 = arith.addi %mul3A_335, %add3A_337 : vector<16xi32>
        %gather3A_339 = tpu.vector_load_idx %arg12[%add3A_338] : memref<256xf32, #tpu.memory_space<vmem>>[vector<16xi32>], vector<16xf32>,
        %add3A_340 = arith.addf %add3A_332, %gather3A_339 : vector<16xf32>
        %mul3A_341 = arith.constant 16 : i32
        %mul3A_342 = vector.broadcast %mul3A_341 : i32 to vector<16xi32>
        %mul3A_343 = arith.muli %iota3A, %mul3A_342 : vector<16xi32>
        %add3A_344 = arith.constant 14 : i32
        %add3A_345 = vector.broadcast %add3A_344 : i32 to vector<16xi32>
        %add3A_346 = arith.addi %mul3A_343, %add3A_345 : vector<16xi32>
        %gather3A_347 = tpu.vector_load_idx %arg12[%add3A_346] : memref<256xf32, #tpu.memory_space<vmem>>[vector<16xi32>], vector<16xf32>,
        %add3A_348 = arith.addf %add3A_340, %gather3A_347 : vector<16xf32>
        %mul3A_349 = arith.constant 16 : i32
        %mul3A_350 = vector.broadcast %mul3A_349 : i32 to vector<16xi32>
        %mul3A_351 = arith.muli %iota3A, %mul3A_350 : vector<16xi32>
        %add3A_352 = arith.constant 15 : i32
        %add3A_353 = vector.broadcast %add3A_352 : i32 to vector<16xi32>
        %add3A_354 = arith.addi %mul3A_351, %add3A_353 : vector<16xi32>
        %gather3A_355 = tpu.vector_load_idx %arg12[%add3A_354] : memref<256xf32, #tpu.memory_space<vmem>>[vector<16xi32>], vector<16xf32>,
        %add3A_356 = arith.addf %add3A_348, %gather3A_355 : vector<16xf32>
        %mul3A_357 = arith.constant 16 : i32
        %mul3A_358 = arith.muli %scan3A_225, %mul3A_357 : i32
        %swap3A = arith.index_cast %mul3A_358 : i32 to index
        %swap3A_359 = tpu.vector_load %arg10[%swap3A] {strides = array<i32>} : memref<48xf32, #tpu.memory_space<vmem>>, vector<16xf32>,
        tpu.vector_store %arg10[%swap3A], %add3A_356 {strides = array<i32>} : memref<48xf32, #tpu.memory_space<vmem>>, vector<16xf32>,
        %scan3A_360 = arith.constant 0 : i32
        scf.yield %scan3A_360 : i32
      }
      %scan3A_220 = arith.constant 3 : i32
      %mul3A_221 = arith.constant 48 : i32
      %mul3A_222 = arith.muli %add3A_195, %mul3A_221 : i32
      %add3A_223 = arith.addi %select_n3A_6, %mul3A_222 : i32
      "tpu.region"() ({
        %run_scoped3A = tpu.sem_alloc : memref<!tpu.dma_semaphore, #tpu.memory_space<semaphore_mem>>
        %dma_start3A_225 = tpu.memref_slice %arg7[%add3A_223] : memref<162816xf32, #tpu.memory_space<hbm>> -> memref<48xf32, #tpu.memory_space<hbm>>
        %dma_start3A_226 = tpu.memref_slice %arg7[%add3A_223] : memref<162816xf32, #tpu.memory_space<hbm>> -> memref<48xf32, #tpu.memory_space<hbm>>
        tpu.enqueue_dma source(%arg10 : memref<48xf32, #tpu.memory_space<vmem>>) target(%dma_start3A_226 : memref<48xf32, #tpu.memory_space<hbm>>) target_semaphore(%run_scoped3A : memref<!tpu.dma_semaphore, #tpu.memory_space<semaphore_mem>>)
        %dma_wait3A_227 = tpu.memref_slice %arg7[%add3A_223] : memref<162816xf32, #tpu.memory_space<hbm>> -> memref<48xf32, #tpu.memory_space<hbm>>
        %dma_wait3A_228 = tpu.memref_slice %arg7[%add3A_223] : memref<162816xf32, #tpu.memory_space<hbm>> -> memref<48xf32, #tpu.memory_space<hbm>>
        tpu.wait_dma2 semaphore(%run_scoped3A : memref<!tpu.dma_semaphore, #tpu.memory_space<semaphore_mem>>) src(%arg10 : memref<48xf32, #tpu.memory_space<vmem>>) dst(%dma_wait3A_228 : memref<48xf32, #tpu.memory_space<hbm>>)
        tpu.yield
      }) : () -> ()
      %while3A_224 = arith.constant 0 : i32
      scf.yield %while3A_224 : i32
    }
    %while3A_97 = arith.constant 1 : i32
    %while3A_98 = scf.for %while3A_99 = %while3A_94 to %while3A_90 step %while3A_97 iter_args(%while3A_100 = %while3A_96) -> (i32)  : i32 {
      %mul3A_101 = arith.constant 4 : i32
      %mul3A_102 = arith.muli %while3A_99, %mul3A_101 : i32
      %add3A_103 = arith.constant 0 : i32
      %add3A_104 = arith.addi %mul3A_102, %add3A_103 : i32
      %add3A_105 = arith.constant 4 : i32
      %add3A_106 = arith.addi %add3A_104, %add3A_105 : i32
      %sub3A_107 = arith.constant 1 : i32
      %sub3A_108 = arith.subi %add3A_106, %sub3A_107 : i32
      %lt3A = arith.cmpi slt, %sub3A_108, %select_n3A : i32
      %convert_element_type3A = arith.extui %lt3A : i1 to i32
      %cond3A = arith.constant 0 : i32
      %cond3A_109 = arith.cmpi ne, %convert_element_type3A, %cond3A : i32
      scf.if %cond3A_109 {
        %add3A_225 = arith.constant 4 : i32
        %add3A_226 = arith.addi %add3A_104, %add3A_225 : i32
        %sub3A_227 = arith.constant 1 : i32
        %sub3A_228 = arith.subi %add3A_226, %sub3A_227 : i32
        %mul3A_229 = arith.constant 48 : i32
        %mul3A_230 = arith.muli %sub3A_228, %mul3A_229 : i32
        %dma_start3A_231 = tpu.memref_slice %arg8[%mul3A_230] : memref<6528xi32, #tpu.memory_space<vmem>> -> memref<48xi32, #tpu.memory_space<vmem>>
        %dma_start3A_232 = arith.constant 0 : i32
        %dma_start3A_233 = arith.constant 0 : i32
        %dma_start3A_234 = tpu.memref_slice %arg2[%dma_start3A_232, %dma_start3A_233] : memref<10000x128xi32, #tpu.memory_space<hbm>> -> memref<10000x128xi32, #tpu.memory_space<hbm>>
        tpu.enqueue_indirect_dma source(%dma_start3A_234 : memref<10000x128xi32, #tpu.memory_space<hbm>>) target(%arg16 : memref<48x128xi32, #tpu.memory_space<vmem>>) offsets(%dma_start3A_231 : memref<48xi32, #tpu.memory_space<vmem>>) semaphore(%arg24 : memref<!tpu.dma_semaphore, #tpu.memory_space<semaphore_mem>>)
        %dma_start3A_235 = tpu.memref_slice %arg9[%mul3A_230] : memref<6528xi32, #tpu.memory_space<vmem>> -> memref<48xi32, #tpu.memory_space<vmem>>
        %dma_start3A_236 = arith.constant 0 : i32
        %dma_start3A_237 = arith.constant 0 : i32
        %dma_start3A_238 = tpu.memref_slice %arg3[%dma_start3A_236, %dma_start3A_237] : memref<10000x128xi32, #tpu.memory_space<hbm>> -> memref<10000x128xi32, #tpu.memory_space<hbm>>
        tpu.enqueue_indirect_dma source(%dma_start3A_238 : memref<10000x128xi32, #tpu.memory_space<hbm>>) target(%arg20 : memref<48x128xi32, #tpu.memory_space<vmem>>) offsets(%dma_start3A_235 : memref<48xi32, #tpu.memory_space<vmem>>) semaphore(%arg24 : memref<!tpu.dma_semaphore, #tpu.memory_space<semaphore_mem>>)
      } else {
      }
      %mul3A_110 = arith.constant 48 : i32
      %mul3A_111 = arith.muli %add3A_104, %mul3A_110 : i32
      %dma_wait3A = tpu.memref_slice %arg8[%mul3A_111] : memref<6528xi32, #tpu.memory_space<vmem>> -> memref<48xi32, #tpu.memory_space<vmem>>
      %dma_wait3A_112 = arith.constant 0 : i32
      %dma_wait3A_113 = arith.constant 0 : i32
      %dma_wait3A_114 = tpu.memref_slice %arg2[%dma_wait3A_112, %dma_wait3A_113] : memref<10000x128xi32, #tpu.memory_space<hbm>> -> memref<10000x128xi32, #tpu.memory_space<hbm>>
      tpu.wait_indirect_dma semaphore(%arg21 : memref<!tpu.dma_semaphore, #tpu.memory_space<semaphore_mem>>) src(%dma_wait3A_114 : memref<10000x128xi32, #tpu.memory_space<hbm>>) dst(%arg13 : memref<48x128xi32, #tpu.memory_space<vmem>>)
      %dma_wait3A_115 = tpu.memref_slice %arg9[%mul3A_111] : memref<6528xi32, #tpu.memory_space<vmem>> -> memref<48xi32, #tpu.memory_space<vmem>>
      %dma_wait3A_116 = arith.constant 0 : i32
      %dma_wait3A_117 = arith.constant 0 : i32
      %dma_wait3A_118 = tpu.memref_slice %arg3[%dma_wait3A_116, %dma_wait3A_117] : memref<10000x128xi32, #tpu.memory_space<hbm>> -> memref<10000x128xi32, #tpu.memory_space<hbm>>
      tpu.wait_indirect_dma semaphore(%arg21 : memref<!tpu.dma_semaphore, #tpu.memory_space<semaphore_mem>>) src(%dma_wait3A_118 : memref<10000x128xi32, #tpu.memory_space<hbm>>) dst(%arg17 : memref<48x128xi32, #tpu.memory_space<vmem>>)
      %scan3A = arith.constant 0 : i32
      %scan3A_119 = arith.constant 0 : i32
      %scan3A_120 = arith.constant 3 : i32
      %scan3A_121 = arith.addi %scan3A_119, %scan3A_120 : i32
      %scan3A_122 = arith.constant 1 : i32
      %scan3A_123 = scf.for %scan3A_225 = %scan3A_119 to %scan3A_121 step %scan3A_122 iter_args(%scan3A_226 = %scan3A) -> (i32)  : i32 {
        %scan3A_227 = arith.constant 0 : i32
        %scan3A_228 = arith.constant 0 : i32
        %scan3A_229 = arith.constant 16 : i32
        %scan3A_230 = arith.addi %scan3A_228, %scan3A_229 : i32
        %scan3A_231 = arith.constant 1 : i32
        %scan3A_232 = scf.for %scan3A_361 = %scan3A_228 to %scan3A_230 step %scan3A_231 iter_args(%scan3A_362 = %scan3A_227) -> (i32)  : i32 {
          %mul3A_363 = arith.constant 16 : i32
          %mul3A_364 = arith.muli %scan3A_225, %mul3A_363 : i32
          %add3A_365 = arith.addi %mul3A_364, %scan3A_361 : i32
          %get3A_366 = arith.index_cast %add3A_365 : i32 to index
          %get3A_367 = arith.constant 0 : index
          %get3A_368 = tpu.vector_load %arg13[%get3A_366, %get3A_367] {strides = array<i32>} : memref<48x128xi32, #tpu.memory_space<vmem>>, vector<16xi32>,
          %bitcast3A = vector.bitcast %get3A_368 : vector<16xi32> to vector<32xbf16>
          %get3A_369 = arith.index_cast %add3A_365 : i32 to index
          %get3A_370 = arith.constant 0 : index
          %get3A_371 = tpu.vector_load %arg17[%get3A_369, %get3A_370] {strides = array<i32>} : memref<48x128xi32, #tpu.memory_space<vmem>>, vector<16xi32>,
          %bitcast3A_372 = vector.bitcast %get3A_371 : vector<16xi32> to vector<32xbf16>
          %add3A_373 = arith.addf %bitcast3A, %bitcast3A_372 : vector<32xbf16>
          %max3A = arith.constant 0.000000e+00 : bf16
          %max3A_374 = vector.broadcast %max3A : bf16 to vector<32xbf16>
          %max3A_375 = arith.maximumf %add3A_373, %max3A_374 : vector<32xbf16>
          %bitcast3A_376 = vector.bitcast %max3A_375 : vector<32xbf16> to vector<16xi32>
          %shift_left3A = arith.constant 16 : i32
          %shift_left3A_377 = vector.broadcast %shift_left3A : i32 to vector<16xi32>
          %shift_left3A_378 = arith.shli %bitcast3A_376, %shift_left3A_377 : vector<16xi32>
          %bitcast3A_379 = vector.bitcast %shift_left3A_378 : vector<16xi32> to vector<16xf32>
          %and3A_380 = arith.andi %bitcast3A_376, %broadcast_in_dim3A_40 : vector<16xi32>
          %bitcast3A_381 = vector.bitcast %and3A_380 : vector<16xi32> to vector<16xf32>
          %mul3A_382 = arith.mulf %bitcast3A_379, %get3A_7 : vector<16xf32>
          %add3A_383 = arith.addf %get3A_39, %mul3A_382 : vector<16xf32>
          %mul3A_384 = arith.mulf %bitcast3A_381, %get3A_23 : vector<16xf32>
          %add3A_385 = arith.addf %add3A_383, %mul3A_384 : vector<16xf32>
          %get3A_386 = arith.index_cast %add3A_365 : i32 to index
          %get3A_387 = arith.constant 16 : index
          %get3A_388 = tpu.vector_load %arg13[%get3A_386, %get3A_387] {strides = array<i32>} : memref<48x128xi32, #tpu.memory_space<vmem>>, vector<16xi32>,
          %bitcast3A_389 = vector.bitcast %get3A_388 : vector<16xi32> to vector<32xbf16>
          %get3A_390 = arith.index_cast %add3A_365 : i32 to index
          %get3A_391 = arith.constant 16 : index
          %get3A_392 = tpu.vector_load %arg17[%get3A_390, %get3A_391] {strides = array<i32>} : memref<48x128xi32, #tpu.memory_space<vmem>>, vector<16xi32>,
          %bitcast3A_393 = vector.bitcast %get3A_392 : vector<16xi32> to vector<32xbf16>
          %add3A_394 = arith.addf %bitcast3A_389, %bitcast3A_393 : vector<32xbf16>
          %max3A_395 = arith.constant 0.000000e+00 : bf16
          %max3A_396 = vector.broadcast %max3A_395 : bf16 to vector<32xbf16>
          %max3A_397 = arith.maximumf %add3A_394, %max3A_396 : vector<32xbf16>
          %bitcast3A_398 = vector.bitcast %max3A_397 : vector<32xbf16> to vector<16xi32>
          %shift_left3A_399 = arith.constant 16 : i32
          %shift_left3A_400 = vector.broadcast %shift_left3A_399 : i32 to vector<16xi32>
          %shift_left3A_401 = arith.shli %bitcast3A_398, %shift_left3A_400 : vector<16xi32>
          %bitcast3A_402 = vector.bitcast %shift_left3A_401 : vector<16xi32> to vector<16xf32>
          %and3A_403 = arith.andi %bitcast3A_398, %broadcast_in_dim3A_40 : vector<16xi32>
          %bitcast3A_404 = vector.bitcast %and3A_403 : vector<16xi32> to vector<16xf32>
          %mul3A_405 = arith.mulf %bitcast3A_402, %get3A_9 : vector<16xf32>
          %add3A_406 = arith.addf %add3A_385, %mul3A_405 : vector<16xf32>
          %mul3A_407 = arith.mulf %bitcast3A_404, %get3A_25 : vector<16xf32>
          %add3A_408 = arith.addf %add3A_406, %mul3A_407 : vector<16xf32>
          %get3A_409 = arith.index_cast %add3A_365 : i32 to index
          %get3A_410 = arith.constant 32 : index
          %get3A_411 = tpu.vector_load %arg13[%get3A_409, %get3A_410] {strides = array<i32>} : memref<48x128xi32, #tpu.memory_space<vmem>>, vector<16xi32>,
          %bitcast3A_412 = vector.bitcast %get3A_411 : vector<16xi32> to vector<32xbf16>
          %get3A_413 = arith.index_cast %add3A_365 : i32 to index
          %get3A_414 = arith.constant 32 : index
          %get3A_415 = tpu.vector_load %arg17[%get3A_413, %get3A_414] {strides = array<i32>} : memref<48x128xi32, #tpu.memory_space<vmem>>, vector<16xi32>,
          %bitcast3A_416 = vector.bitcast %get3A_415 : vector<16xi32> to vector<32xbf16>
          %add3A_417 = arith.addf %bitcast3A_412, %bitcast3A_416 : vector<32xbf16>
          %max3A_418 = arith.constant 0.000000e+00 : bf16
          %max3A_419 = vector.broadcast %max3A_418 : bf16 to vector<32xbf16>
          %max3A_420 = arith.maximumf %add3A_417, %max3A_419 : vector<32xbf16>
          %bitcast3A_421 = vector.bitcast %max3A_420 : vector<32xbf16> to vector<16xi32>
          %shift_left3A_422 = arith.constant 16 : i32
          %shift_left3A_423 = vector.broadcast %shift_left3A_422 : i32 to vector<16xi32>
          %shift_left3A_424 = arith.shli %bitcast3A_421, %shift_left3A_423 : vector<16xi32>
          %bitcast3A_425 = vector.bitcast %shift_left3A_424 : vector<16xi32> to vector<16xf32>
          %and3A_426 = arith.andi %bitcast3A_421, %broadcast_in_dim3A_40 : vector<16xi32>
          %bitcast3A_427 = vector.bitcast %and3A_426 : vector<16xi32> to vector<16xf32>
          %mul3A_428 = arith.mulf %bitcast3A_425, %get3A_11 : vector<16xf32>
          %add3A_429 = arith.addf %add3A_408, %mul3A_428 : vector<16xf32>
          %mul3A_430 = arith.mulf %bitcast3A_427, %get3A_27 : vector<16xf32>
          %add3A_431 = arith.addf %add3A_429, %mul3A_430 : vector<16xf32>
          %get3A_432 = arith.index_cast %add3A_365 : i32 to index
          %get3A_433 = arith.constant 48 : index
          %get3A_434 = tpu.vector_load %arg13[%get3A_432, %get3A_433] {strides = array<i32>} : memref<48x128xi32, #tpu.memory_space<vmem>>, vector<16xi32>,
          %bitcast3A_435 = vector.bitcast %get3A_434 : vector<16xi32> to vector<32xbf16>
          %get3A_436 = arith.index_cast %add3A_365 : i32 to index
          %get3A_437 = arith.constant 48 : index
          %get3A_438 = tpu.vector_load %arg17[%get3A_436, %get3A_437] {strides = array<i32>} : memref<48x128xi32, #tpu.memory_space<vmem>>, vector<16xi32>,
          %bitcast3A_439 = vector.bitcast %get3A_438 : vector<16xi32> to vector<32xbf16>
          %add3A_440 = arith.addf %bitcast3A_435, %bitcast3A_439 : vector<32xbf16>
          %max3A_441 = arith.constant 0.000000e+00 : bf16
          %max3A_442 = vector.broadcast %max3A_441 : bf16 to vector<32xbf16>
          %max3A_443 = arith.maximumf %add3A_440, %max3A_442 : vector<32xbf16>
          %bitcast3A_444 = vector.bitcast %max3A_443 : vector<32xbf16> to vector<16xi32>
          %shift_left3A_445 = arith.constant 16 : i32
          %shift_left3A_446 = vector.broadcast %shift_left3A_445 : i32 to vector<16xi32>
          %shift_left3A_447 = arith.shli %bitcast3A_444, %shift_left3A_446 : vector<16xi32>
          %bitcast3A_448 = vector.bitcast %shift_left3A_447 : vector<16xi32> to vector<16xf32>
          %and3A_449 = arith.andi %bitcast3A_444, %broadcast_in_dim3A_40 : vector<16xi32>
          %bitcast3A_450 = vector.bitcast %and3A_449 : vector<16xi32> to vector<16xf32>
          %mul3A_451 = arith.mulf %bitcast3A_448, %get3A_13 : vector<16xf32>
          %add3A_452 = arith.addf %add3A_431, %mul3A_451 : vector<16xf32>
          %mul3A_453 = arith.mulf %bitcast3A_450, %get3A_29 : vector<16xf32>
          %add3A_454 = arith.addf %add3A_452, %mul3A_453 : vector<16xf32>
          %get3A_455 = arith.index_cast %add3A_365 : i32 to index
          %get3A_456 = arith.constant 64 : index
          %get3A_457 = tpu.vector_load %arg13[%get3A_455, %get3A_456] {strides = array<i32>} : memref<48x128xi32, #tpu.memory_space<vmem>>, vector<16xi32>,
          %bitcast3A_458 = vector.bitcast %get3A_457 : vector<16xi32> to vector<32xbf16>
          %get3A_459 = arith.index_cast %add3A_365 : i32 to index
          %get3A_460 = arith.constant 64 : index
          %get3A_461 = tpu.vector_load %arg17[%get3A_459, %get3A_460] {strides = array<i32>} : memref<48x128xi32, #tpu.memory_space<vmem>>, vector<16xi32>,
          %bitcast3A_462 = vector.bitcast %get3A_461 : vector<16xi32> to vector<32xbf16>
          %add3A_463 = arith.addf %bitcast3A_458, %bitcast3A_462 : vector<32xbf16>
          %max3A_464 = arith.constant 0.000000e+00 : bf16
          %max3A_465 = vector.broadcast %max3A_464 : bf16 to vector<32xbf16>
          %max3A_466 = arith.maximumf %add3A_463, %max3A_465 : vector<32xbf16>
          %bitcast3A_467 = vector.bitcast %max3A_466 : vector<32xbf16> to vector<16xi32>
          %shift_left3A_468 = arith.constant 16 : i32
          %shift_left3A_469 = vector.broadcast %shift_left3A_468 : i32 to vector<16xi32>
          %shift_left3A_470 = arith.shli %bitcast3A_467, %shift_left3A_469 : vector<16xi32>
          %bitcast3A_471 = vector.bitcast %shift_left3A_470 : vector<16xi32> to vector<16xf32>
          %and3A_472 = arith.andi %bitcast3A_467, %broadcast_in_dim3A_40 : vector<16xi32>
          %bitcast3A_473 = vector.bitcast %and3A_472 : vector<16xi32> to vector<16xf32>
          %mul3A_474 = arith.mulf %bitcast3A_471, %get3A_15 : vector<16xf32>
          %add3A_475 = arith.addf %add3A_454, %mul3A_474 : vector<16xf32>
          %mul3A_476 = arith.mulf %bitcast3A_473, %get3A_31 : vector<16xf32>
          %add3A_477 = arith.addf %add3A_475, %mul3A_476 : vector<16xf32>
          %get3A_478 = arith.index_cast %add3A_365 : i32 to index
          %get3A_479 = arith.constant 80 : index
          %get3A_480 = tpu.vector_load %arg13[%get3A_478, %get3A_479] {strides = array<i32>} : memref<48x128xi32, #tpu.memory_space<vmem>>, vector<16xi32>,
          %bitcast3A_481 = vector.bitcast %get3A_480 : vector<16xi32> to vector<32xbf16>
          %get3A_482 = arith.index_cast %add3A_365 : i32 to index
          %get3A_483 = arith.constant 80 : index
          %get3A_484 = tpu.vector_load %arg17[%get3A_482, %get3A_483] {strides = array<i32>} : memref<48x128xi32, #tpu.memory_space<vmem>>, vector<16xi32>,
          %bitcast3A_485 = vector.bitcast %get3A_484 : vector<16xi32> to vector<32xbf16>
          %add3A_486 = arith.addf %bitcast3A_481, %bitcast3A_485 : vector<32xbf16>
          %max3A_487 = arith.constant 0.000000e+00 : bf16
          %max3A_488 = vector.broadcast %max3A_487 : bf16 to vector<32xbf16>
          %max3A_489 = arith.maximumf %add3A_486, %max3A_488 : vector<32xbf16>
          %bitcast3A_490 = vector.bitcast %max3A_489 : vector<32xbf16> to vector<16xi32>
          %shift_left3A_491 = arith.constant 16 : i32
          %shift_left3A_492 = vector.broadcast %shift_left3A_491 : i32 to vector<16xi32>
          %shift_left3A_493 = arith.shli %bitcast3A_490, %shift_left3A_492 : vector<16xi32>
          %bitcast3A_494 = vector.bitcast %shift_left3A_493 : vector<16xi32> to vector<16xf32>
          %and3A_495 = arith.andi %bitcast3A_490, %broadcast_in_dim3A_40 : vector<16xi32>
          %bitcast3A_496 = vector.bitcast %and3A_495 : vector<16xi32> to vector<16xf32>
          %mul3A_497 = arith.mulf %bitcast3A_494, %get3A_17 : vector<16xf32>
          %add3A_498 = arith.addf %add3A_477, %mul3A_497 : vector<16xf32>
          %mul3A_499 = arith.mulf %bitcast3A_496, %get3A_33 : vector<16xf32>
          %add3A_500 = arith.addf %add3A_498, %mul3A_499 : vector<16xf32>
          %get3A_501 = arith.index_cast %add3A_365 : i32 to index
          %get3A_502 = arith.constant 96 : index
          %get3A_503 = tpu.vector_load %arg13[%get3A_501, %get3A_502] {strides = array<i32>} : memref<48x128xi32, #tpu.memory_space<vmem>>, vector<16xi32>,
          %bitcast3A_504 = vector.bitcast %get3A_503 : vector<16xi32> to vector<32xbf16>
          %get3A_505 = arith.index_cast %add3A_365 : i32 to index
          %get3A_506 = arith.constant 96 : index
          %get3A_507 = tpu.vector_load %arg17[%get3A_505, %get3A_506] {strides = array<i32>} : memref<48x128xi32, #tpu.memory_space<vmem>>, vector<16xi32>,
          %bitcast3A_508 = vector.bitcast %get3A_507 : vector<16xi32> to vector<32xbf16>
          %add3A_509 = arith.addf %bitcast3A_504, %bitcast3A_508 : vector<32xbf16>
          %max3A_510 = arith.constant 0.000000e+00 : bf16
          %max3A_511 = vector.broadcast %max3A_510 : bf16 to vector<32xbf16>
          %max3A_512 = arith.maximumf %add3A_509, %max3A_511 : vector<32xbf16>
          %bitcast3A_513 = vector.bitcast %max3A_512 : vector<32xbf16> to vector<16xi32>
          %shift_left3A_514 = arith.constant 16 : i32
          %shift_left3A_515 = vector.broadcast %shift_left3A_514 : i32 to vector<16xi32>
          %shift_left3A_516 = arith.shli %bitcast3A_513, %shift_left3A_515 : vector<16xi32>
          %bitcast3A_517 = vector.bitcast %shift_left3A_516 : vector<16xi32> to vector<16xf32>
          %and3A_518 = arith.andi %bitcast3A_513, %broadcast_in_dim3A_40 : vector<16xi32>
          %bitcast3A_519 = vector.bitcast %and3A_518 : vector<16xi32> to vector<16xf32>
          %mul3A_520 = arith.mulf %bitcast3A_517, %get3A_19 : vector<16xf32>
          %add3A_521 = arith.addf %add3A_500, %mul3A_520 : vector<16xf32>
          %mul3A_522 = arith.mulf %bitcast3A_519, %get3A_35 : vector<16xf32>
          %add3A_523 = arith.addf %add3A_521, %mul3A_522 : vector<16xf32>
          %get3A_524 = arith.index_cast %add3A_365 : i32 to index
          %get3A_525 = arith.constant 112 : index
          %get3A_526 = tpu.vector_load %arg13[%get3A_524, %get3A_525] {strides = array<i32>} : memref<48x128xi32, #tpu.memory_space<vmem>>, vector<16xi32>,
          %bitcast3A_527 = vector.bitcast %get3A_526 : vector<16xi32> to vector<32xbf16>
          %get3A_528 = arith.index_cast %add3A_365 : i32 to index
          %get3A_529 = arith.constant 112 : index
          %get3A_530 = tpu.vector_load %arg17[%get3A_528, %get3A_529] {strides = array<i32>} : memref<48x128xi32, #tpu.memory_space<vmem>>, vector<16xi32>,
          %bitcast3A_531 = vector.bitcast %get3A_530 : vector<16xi32> to vector<32xbf16>
          %add3A_532 = arith.addf %bitcast3A_527, %bitcast3A_531 : vector<32xbf16>
          %max3A_533 = arith.constant 0.000000e+00 : bf16
          %max3A_534 = vector.broadcast %max3A_533 : bf16 to vector<32xbf16>
          %max3A_535 = arith.maximumf %add3A_532, %max3A_534 : vector<32xbf16>
          %bitcast3A_536 = vector.bitcast %max3A_535 : vector<32xbf16> to vector<16xi32>
          %shift_left3A_537 = arith.constant 16 : i32
          %shift_left3A_538 = vector.broadcast %shift_left3A_537 : i32 to vector<16xi32>
          %shift_left3A_539 = arith.shli %bitcast3A_536, %shift_left3A_538 : vector<16xi32>
          %bitcast3A_540 = vector.bitcast %shift_left3A_539 : vector<16xi32> to vector<16xf32>
          %and3A_541 = arith.andi %bitcast3A_536, %broadcast_in_dim3A_40 : vector<16xi32>
          %bitcast3A_542 = vector.bitcast %and3A_541 : vector<16xi32> to vector<16xf32>
          %mul3A_543 = arith.mulf %bitcast3A_540, %get3A_21 : vector<16xf32>
          %add3A_544 = arith.addf %add3A_523, %mul3A_543 : vector<16xf32>
          %mul3A_545 = arith.mulf %bitcast3A_542, %get3A_37 : vector<16xf32>
          %add3A_546 = arith.addf %add3A_544, %mul3A_545 : vector<16xf32>
          %mul3A_547 = arith.constant 16 : i32
          %mul3A_548 = arith.muli %scan3A_361, %mul3A_547 : i32
          %swap3A_549 = arith.index_cast %mul3A_548 : i32 to index
          %swap3A_550 = tpu.vector_load %arg12[%swap3A_549] {strides = array<i32>} : memref<256xf32, #tpu.memory_space<vmem>>, vector<16xf32>,
          tpu.vector_store %arg12[%swap3A_549], %add3A_546 {strides = array<i32>} : memref<256xf32, #tpu.memory_space<vmem>>, vector<16xf32>,
          %scan3A_551 = arith.constant 0 : i32
          scf.yield %scan3A_551 : i32
        }
        %scan3A_233 = arith.constant 16 : i32
        %mul3A_234 = arith.constant 16 : i32
        %mul3A_235 = vector.broadcast %mul3A_234 : i32 to vector<16xi32>
        %mul3A_236 = arith.muli %iota3A, %mul3A_235 : vector<16xi32>
        %gather3A = tpu.vector_load_idx %arg12[%mul3A_236] : memref<256xf32, #tpu.memory_space<vmem>>[vector<16xi32>], vector<16xf32>,
        %mul3A_237 = arith.constant 16 : i32
        %mul3A_238 = vector.broadcast %mul3A_237 : i32 to vector<16xi32>
        %mul3A_239 = arith.muli %iota3A, %mul3A_238 : vector<16xi32>
        %add3A_240 = arith.constant 1 : i32
        %add3A_241 = vector.broadcast %add3A_240 : i32 to vector<16xi32>
        %add3A_242 = arith.addi %mul3A_239, %add3A_241 : vector<16xi32>
        %gather3A_243 = tpu.vector_load_idx %arg12[%add3A_242] : memref<256xf32, #tpu.memory_space<vmem>>[vector<16xi32>], vector<16xf32>,
        %add3A_244 = arith.addf %gather3A, %gather3A_243 : vector<16xf32>
        %mul3A_245 = arith.constant 16 : i32
        %mul3A_246 = vector.broadcast %mul3A_245 : i32 to vector<16xi32>
        %mul3A_247 = arith.muli %iota3A, %mul3A_246 : vector<16xi32>
        %add3A_248 = arith.constant 2 : i32
        %add3A_249 = vector.broadcast %add3A_248 : i32 to vector<16xi32>
        %add3A_250 = arith.addi %mul3A_247, %add3A_249 : vector<16xi32>
        %gather3A_251 = tpu.vector_load_idx %arg12[%add3A_250] : memref<256xf32, #tpu.memory_space<vmem>>[vector<16xi32>], vector<16xf32>,
        %add3A_252 = arith.addf %add3A_244, %gather3A_251 : vector<16xf32>
        %mul3A_253 = arith.constant 16 : i32
        %mul3A_254 = vector.broadcast %mul3A_253 : i32 to vector<16xi32>
        %mul3A_255 = arith.muli %iota3A, %mul3A_254 : vector<16xi32>
        %add3A_256 = arith.constant 3 : i32
        %add3A_257 = vector.broadcast %add3A_256 : i32 to vector<16xi32>
        %add3A_258 = arith.addi %mul3A_255, %add3A_257 : vector<16xi32>
        %gather3A_259 = tpu.vector_load_idx %arg12[%add3A_258] : memref<256xf32, #tpu.memory_space<vmem>>[vector<16xi32>], vector<16xf32>,
        %add3A_260 = arith.addf %add3A_252, %gather3A_259 : vector<16xf32>
        %mul3A_261 = arith.constant 16 : i32
        %mul3A_262 = vector.broadcast %mul3A_261 : i32 to vector<16xi32>
        %mul3A_263 = arith.muli %iota3A, %mul3A_262 : vector<16xi32>
        %add3A_264 = arith.constant 4 : i32
        %add3A_265 = vector.broadcast %add3A_264 : i32 to vector<16xi32>
        %add3A_266 = arith.addi %mul3A_263, %add3A_265 : vector<16xi32>
        %gather3A_267 = tpu.vector_load_idx %arg12[%add3A_266] : memref<256xf32, #tpu.memory_space<vmem>>[vector<16xi32>], vector<16xf32>,
        %add3A_268 = arith.addf %add3A_260, %gather3A_267 : vector<16xf32>
        %mul3A_269 = arith.constant 16 : i32
        %mul3A_270 = vector.broadcast %mul3A_269 : i32 to vector<16xi32>
        %mul3A_271 = arith.muli %iota3A, %mul3A_270 : vector<16xi32>
        %add3A_272 = arith.constant 5 : i32
        %add3A_273 = vector.broadcast %add3A_272 : i32 to vector<16xi32>
        %add3A_274 = arith.addi %mul3A_271, %add3A_273 : vector<16xi32>
        %gather3A_275 = tpu.vector_load_idx %arg12[%add3A_274] : memref<256xf32, #tpu.memory_space<vmem>>[vector<16xi32>], vector<16xf32>,
        %add3A_276 = arith.addf %add3A_268, %gather3A_275 : vector<16xf32>
        %mul3A_277 = arith.constant 16 : i32
        %mul3A_278 = vector.broadcast %mul3A_277 : i32 to vector<16xi32>
        %mul3A_279 = arith.muli %iota3A, %mul3A_278 : vector<16xi32>
        %add3A_280 = arith.constant 6 : i32
        %add3A_281 = vector.broadcast %add3A_280 : i32 to vector<16xi32>
        %add3A_282 = arith.addi %mul3A_279, %add3A_281 : vector<16xi32>
        %gather3A_283 = tpu.vector_load_idx %arg12[%add3A_282] : memref<256xf32, #tpu.memory_space<vmem>>[vector<16xi32>], vector<16xf32>,
        %add3A_284 = arith.addf %add3A_276, %gather3A_283 : vector<16xf32>
        %mul3A_285 = arith.constant 16 : i32
        %mul3A_286 = vector.broadcast %mul3A_285 : i32 to vector<16xi32>
        %mul3A_287 = arith.muli %iota3A, %mul3A_286 : vector<16xi32>
        %add3A_288 = arith.constant 7 : i32
        %add3A_289 = vector.broadcast %add3A_288 : i32 to vector<16xi32>
        %add3A_290 = arith.addi %mul3A_287, %add3A_289 : vector<16xi32>
        %gather3A_291 = tpu.vector_load_idx %arg12[%add3A_290] : memref<256xf32, #tpu.memory_space<vmem>>[vector<16xi32>], vector<16xf32>,
        %add3A_292 = arith.addf %add3A_284, %gather3A_291 : vector<16xf32>
        %mul3A_293 = arith.constant 16 : i32
        %mul3A_294 = vector.broadcast %mul3A_293 : i32 to vector<16xi32>
        %mul3A_295 = arith.muli %iota3A, %mul3A_294 : vector<16xi32>
        %add3A_296 = arith.constant 8 : i32
        %add3A_297 = vector.broadcast %add3A_296 : i32 to vector<16xi32>
        %add3A_298 = arith.addi %mul3A_295, %add3A_297 : vector<16xi32>
        %gather3A_299 = tpu.vector_load_idx %arg12[%add3A_298] : memref<256xf32, #tpu.memory_space<vmem>>[vector<16xi32>], vector<16xf32>,
        %add3A_300 = arith.addf %add3A_292, %gather3A_299 : vector<16xf32>
        %mul3A_301 = arith.constant 16 : i32
        %mul3A_302 = vector.broadcast %mul3A_301 : i32 to vector<16xi32>
        %mul3A_303 = arith.muli %iota3A, %mul3A_302 : vector<16xi32>
        %add3A_304 = arith.constant 9 : i32
        %add3A_305 = vector.broadcast %add3A_304 : i32 to vector<16xi32>
        %add3A_306 = arith.addi %mul3A_303, %add3A_305 : vector<16xi32>
        %gather3A_307 = tpu.vector_load_idx %arg12[%add3A_306] : memref<256xf32, #tpu.memory_space<vmem>>[vector<16xi32>], vector<16xf32>,
        %add3A_308 = arith.addf %add3A_300, %gather3A_307 : vector<16xf32>
        %mul3A_309 = arith.constant 16 : i32
        %mul3A_310 = vector.broadcast %mul3A_309 : i32 to vector<16xi32>
        %mul3A_311 = arith.muli %iota3A, %mul3A_310 : vector<16xi32>
        %add3A_312 = arith.constant 10 : i32
        %add3A_313 = vector.broadcast %add3A_312 : i32 to vector<16xi32>
        %add3A_314 = arith.addi %mul3A_311, %add3A_313 : vector<16xi32>
        %gather3A_315 = tpu.vector_load_idx %arg12[%add3A_314] : memref<256xf32, #tpu.memory_space<vmem>>[vector<16xi32>], vector<16xf32>,
        %add3A_316 = arith.addf %add3A_308, %gather3A_315 : vector<16xf32>
        %mul3A_317 = arith.constant 16 : i32
        %mul3A_318 = vector.broadcast %mul3A_317 : i32 to vector<16xi32>
        %mul3A_319 = arith.muli %iota3A, %mul3A_318 : vector<16xi32>
        %add3A_320 = arith.constant 11 : i32
        %add3A_321 = vector.broadcast %add3A_320 : i32 to vector<16xi32>
        %add3A_322 = arith.addi %mul3A_319, %add3A_321 : vector<16xi32>
        %gather3A_323 = tpu.vector_load_idx %arg12[%add3A_322] : memref<256xf32, #tpu.memory_space<vmem>>[vector<16xi32>], vector<16xf32>,
        %add3A_324 = arith.addf %add3A_316, %gather3A_323 : vector<16xf32>
        %mul3A_325 = arith.constant 16 : i32
        %mul3A_326 = vector.broadcast %mul3A_325 : i32 to vector<16xi32>
        %mul3A_327 = arith.muli %iota3A, %mul3A_326 : vector<16xi32>
        %add3A_328 = arith.constant 12 : i32
        %add3A_329 = vector.broadcast %add3A_328 : i32 to vector<16xi32>
        %add3A_330 = arith.addi %mul3A_327, %add3A_329 : vector<16xi32>
        %gather3A_331 = tpu.vector_load_idx %arg12[%add3A_330] : memref<256xf32, #tpu.memory_space<vmem>>[vector<16xi32>], vector<16xf32>,
        %add3A_332 = arith.addf %add3A_324, %gather3A_331 : vector<16xf32>
        %mul3A_333 = arith.constant 16 : i32
        %mul3A_334 = vector.broadcast %mul3A_333 : i32 to vector<16xi32>
        %mul3A_335 = arith.muli %iota3A, %mul3A_334 : vector<16xi32>
        %add3A_336 = arith.constant 13 : i32
        %add3A_337 = vector.broadcast %add3A_336 : i32 to vector<16xi32>
        %add3A_338 = arith.addi %mul3A_335, %add3A_337 : vector<16xi32>
        %gather3A_339 = tpu.vector_load_idx %arg12[%add3A_338] : memref<256xf32, #tpu.memory_space<vmem>>[vector<16xi32>], vector<16xf32>,
        %add3A_340 = arith.addf %add3A_332, %gather3A_339 : vector<16xf32>
        %mul3A_341 = arith.constant 16 : i32
        %mul3A_342 = vector.broadcast %mul3A_341 : i32 to vector<16xi32>
        %mul3A_343 = arith.muli %iota3A, %mul3A_342 : vector<16xi32>
        %add3A_344 = arith.constant 14 : i32
        %add3A_345 = vector.broadcast %add3A_344 : i32 to vector<16xi32>
        %add3A_346 = arith.addi %mul3A_343, %add3A_345 : vector<16xi32>
        %gather3A_347 = tpu.vector_load_idx %arg12[%add3A_346] : memref<256xf32, #tpu.memory_space<vmem>>[vector<16xi32>], vector<16xf32>,
        %add3A_348 = arith.addf %add3A_340, %gather3A_347 : vector<16xf32>
        %mul3A_349 = arith.constant 16 : i32
        %mul3A_350 = vector.broadcast %mul3A_349 : i32 to vector<16xi32>
        %mul3A_351 = arith.muli %iota3A, %mul3A_350 : vector<16xi32>
        %add3A_352 = arith.constant 15 : i32
        %add3A_353 = vector.broadcast %add3A_352 : i32 to vector<16xi32>
        %add3A_354 = arith.addi %mul3A_351, %add3A_353 : vector<16xi32>
        %gather3A_355 = tpu.vector_load_idx %arg12[%add3A_354] : memref<256xf32, #tpu.memory_space<vmem>>[vector<16xi32>], vector<16xf32>,
        %add3A_356 = arith.addf %add3A_348, %gather3A_355 : vector<16xf32>
        %mul3A_357 = arith.constant 16 : i32
        %mul3A_358 = arith.muli %scan3A_225, %mul3A_357 : i32
        %swap3A = arith.index_cast %mul3A_358 : i32 to index
        %swap3A_359 = tpu.vector_load %arg10[%swap3A] {strides = array<i32>} : memref<48xf32, #tpu.memory_space<vmem>>, vector<16xf32>,
        tpu.vector_store %arg10[%swap3A], %add3A_356 {strides = array<i32>} : memref<48xf32, #tpu.memory_space<vmem>>, vector<16xf32>,
        %scan3A_360 = arith.constant 0 : i32
        scf.yield %scan3A_360 : i32
      }
      %scan3A_124 = arith.constant 3 : i32
      %mul3A_125 = arith.constant 48 : i32
      %mul3A_126 = arith.muli %add3A_104, %mul3A_125 : i32
      %add3A_127 = arith.addi %select_n3A_6, %mul3A_126 : i32
      "tpu.region"() ({
        %run_scoped3A = tpu.sem_alloc : memref<!tpu.dma_semaphore, #tpu.memory_space<semaphore_mem>>
        %dma_start3A_225 = tpu.memref_slice %arg7[%add3A_127] : memref<162816xf32, #tpu.memory_space<hbm>> -> memref<48xf32, #tpu.memory_space<hbm>>
        %dma_start3A_226 = tpu.memref_slice %arg7[%add3A_127] : memref<162816xf32, #tpu.memory_space<hbm>> -> memref<48xf32, #tpu.memory_space<hbm>>
        tpu.enqueue_dma source(%arg10 : memref<48xf32, #tpu.memory_space<vmem>>) target(%dma_start3A_226 : memref<48xf32, #tpu.memory_space<hbm>>) target_semaphore(%run_scoped3A : memref<!tpu.dma_semaphore, #tpu.memory_space<semaphore_mem>>)
        %dma_wait3A_227 = tpu.memref_slice %arg7[%add3A_127] : memref<162816xf32, #tpu.memory_space<hbm>> -> memref<48xf32, #tpu.memory_space<hbm>>
        %dma_wait3A_228 = tpu.memref_slice %arg7[%add3A_127] : memref<162816xf32, #tpu.memory_space<hbm>> -> memref<48xf32, #tpu.memory_space<hbm>>
        tpu.wait_dma2 semaphore(%run_scoped3A : memref<!tpu.dma_semaphore, #tpu.memory_space<semaphore_mem>>) src(%arg10 : memref<48xf32, #tpu.memory_space<vmem>>) dst(%dma_wait3A_228 : memref<48xf32, #tpu.memory_space<hbm>>)
        tpu.yield
      }) : () -> ()
      %mul3A_128 = arith.constant 4 : i32
      %mul3A_129 = arith.muli %while3A_99, %mul3A_128 : i32
      %add3A_130 = arith.constant 1 : i32
      %add3A_131 = arith.addi %mul3A_129, %add3A_130 : i32
      %add3A_132 = arith.constant 4 : i32
      %add3A_133 = arith.addi %add3A_131, %add3A_132 : i32
      %sub3A_134 = arith.constant 1 : i32
      %sub3A_135 = arith.subi %add3A_133, %sub3A_134 : i32
      %lt3A_136 = arith.cmpi slt, %sub3A_135, %select_n3A : i32
      %convert_element_type3A_137 = arith.extui %lt3A_136 : i1 to i32
      %cond3A_138 = arith.constant 0 : i32
      %cond3A_139 = arith.cmpi ne, %convert_element_type3A_137, %cond3A_138 : i32
      scf.if %cond3A_139 {
        %add3A_225 = arith.constant 4 : i32
        %add3A_226 = arith.addi %add3A_131, %add3A_225 : i32
        %sub3A_227 = arith.constant 1 : i32
        %sub3A_228 = arith.subi %add3A_226, %sub3A_227 : i32
        %mul3A_229 = arith.constant 48 : i32
        %mul3A_230 = arith.muli %sub3A_228, %mul3A_229 : i32
        %dma_start3A_231 = tpu.memref_slice %arg8[%mul3A_230] : memref<6528xi32, #tpu.memory_space<vmem>> -> memref<48xi32, #tpu.memory_space<vmem>>
        %dma_start3A_232 = arith.constant 0 : i32
        %dma_start3A_233 = arith.constant 0 : i32
        %dma_start3A_234 = tpu.memref_slice %arg2[%dma_start3A_232, %dma_start3A_233] : memref<10000x128xi32, #tpu.memory_space<hbm>> -> memref<10000x128xi32, #tpu.memory_space<hbm>>
        tpu.enqueue_indirect_dma source(%dma_start3A_234 : memref<10000x128xi32, #tpu.memory_space<hbm>>) target(%arg13 : memref<48x128xi32, #tpu.memory_space<vmem>>) offsets(%dma_start3A_231 : memref<48xi32, #tpu.memory_space<vmem>>) semaphore(%arg21 : memref<!tpu.dma_semaphore, #tpu.memory_space<semaphore_mem>>)
        %dma_start3A_235 = tpu.memref_slice %arg9[%mul3A_230] : memref<6528xi32, #tpu.memory_space<vmem>> -> memref<48xi32, #tpu.memory_space<vmem>>
        %dma_start3A_236 = arith.constant 0 : i32
        %dma_start3A_237 = arith.constant 0 : i32
        %dma_start3A_238 = tpu.memref_slice %arg3[%dma_start3A_236, %dma_start3A_237] : memref<10000x128xi32, #tpu.memory_space<hbm>> -> memref<10000x128xi32, #tpu.memory_space<hbm>>
        tpu.enqueue_indirect_dma source(%dma_start3A_238 : memref<10000x128xi32, #tpu.memory_space<hbm>>) target(%arg17 : memref<48x128xi32, #tpu.memory_space<vmem>>) offsets(%dma_start3A_235 : memref<48xi32, #tpu.memory_space<vmem>>) semaphore(%arg21 : memref<!tpu.dma_semaphore, #tpu.memory_space<semaphore_mem>>)
      } else {
      }
      %mul3A_140 = arith.constant 48 : i32
      %mul3A_141 = arith.muli %add3A_131, %mul3A_140 : i32
      %dma_wait3A_142 = tpu.memref_slice %arg8[%mul3A_141] : memref<6528xi32, #tpu.memory_space<vmem>> -> memref<48xi32, #tpu.memory_space<vmem>>
      %dma_wait3A_143 = arith.constant 0 : i32
      %dma_wait3A_144 = arith.constant 0 : i32
      %dma_wait3A_145 = tpu.memref_slice %arg2[%dma_wait3A_143, %dma_wait3A_144] : memref<10000x128xi32, #tpu.memory_space<hbm>> -> memref<10000x128xi32, #tpu.memory_space<hbm>>
      tpu.wait_indirect_dma semaphore(%arg22 : memref<!tpu.dma_semaphore, #tpu.memory_space<semaphore_mem>>) src(%dma_wait3A_145 : memref<10000x128xi32, #tpu.memory_space<hbm>>) dst(%arg14 : memref<48x128xi32, #tpu.memory_space<vmem>>)
      %dma_wait3A_146 = tpu.memref_slice %arg9[%mul3A_141] : memref<6528xi32, #tpu.memory_space<vmem>> -> memref<48xi32, #tpu.memory_space<vmem>>
      %dma_wait3A_147 = arith.constant 0 : i32
      %dma_wait3A_148 = arith.constant 0 : i32
      %dma_wait3A_149 = tpu.memref_slice %arg3[%dma_wait3A_147, %dma_wait3A_148] : memref<10000x128xi32, #tpu.memory_space<hbm>> -> memref<10000x128xi32, #tpu.memory_space<hbm>>
      tpu.wait_indirect_dma semaphore(%arg22 : memref<!tpu.dma_semaphore, #tpu.memory_space<semaphore_mem>>) src(%dma_wait3A_149 : memref<10000x128xi32, #tpu.memory_space<hbm>>) dst(%arg18 : memref<48x128xi32, #tpu.memory_space<vmem>>)
      %scan3A_150 = arith.constant 0 : i32
      %scan3A_151 = arith.constant 0 : i32
      %scan3A_152 = arith.constant 3 : i32
      %scan3A_153 = arith.addi %scan3A_151, %scan3A_152 : i32
      %scan3A_154 = arith.constant 1 : i32
      %scan3A_155 = scf.for %scan3A_225 = %scan3A_151 to %scan3A_153 step %scan3A_154 iter_args(%scan3A_226 = %scan3A_150) -> (i32)  : i32 {
        %scan3A_227 = arith.constant 0 : i32
        %scan3A_228 = arith.constant 0 : i32
        %scan3A_229 = arith.constant 16 : i32
        %scan3A_230 = arith.addi %scan3A_228, %scan3A_229 : i32
        %scan3A_231 = arith.constant 1 : i32
        %scan3A_232 = scf.for %scan3A_361 = %scan3A_228 to %scan3A_230 step %scan3A_231 iter_args(%scan3A_362 = %scan3A_227) -> (i32)  : i32 {
          %mul3A_363 = arith.constant 16 : i32
          %mul3A_364 = arith.muli %scan3A_225, %mul3A_363 : i32
          %add3A_365 = arith.addi %mul3A_364, %scan3A_361 : i32
          %get3A_366 = arith.index_cast %add3A_365 : i32 to index
          %get3A_367 = arith.constant 0 : index
          %get3A_368 = tpu.vector_load %arg14[%get3A_366, %get3A_367] {strides = array<i32>} : memref<48x128xi32, #tpu.memory_space<vmem>>, vector<16xi32>,
          %bitcast3A = vector.bitcast %get3A_368 : vector<16xi32> to vector<32xbf16>
          %get3A_369 = arith.index_cast %add3A_365 : i32 to index
          %get3A_370 = arith.constant 0 : index
          %get3A_371 = tpu.vector_load %arg18[%get3A_369, %get3A_370] {strides = array<i32>} : memref<48x128xi32, #tpu.memory_space<vmem>>, vector<16xi32>,
          %bitcast3A_372 = vector.bitcast %get3A_371 : vector<16xi32> to vector<32xbf16>
          %add3A_373 = arith.addf %bitcast3A, %bitcast3A_372 : vector<32xbf16>
          %max3A = arith.constant 0.000000e+00 : bf16
          %max3A_374 = vector.broadcast %max3A : bf16 to vector<32xbf16>
          %max3A_375 = arith.maximumf %add3A_373, %max3A_374 : vector<32xbf16>
          %bitcast3A_376 = vector.bitcast %max3A_375 : vector<32xbf16> to vector<16xi32>
          %shift_left3A = arith.constant 16 : i32
          %shift_left3A_377 = vector.broadcast %shift_left3A : i32 to vector<16xi32>
          %shift_left3A_378 = arith.shli %bitcast3A_376, %shift_left3A_377 : vector<16xi32>
          %bitcast3A_379 = vector.bitcast %shift_left3A_378 : vector<16xi32> to vector<16xf32>
          %and3A_380 = arith.andi %bitcast3A_376, %broadcast_in_dim3A_40 : vector<16xi32>
          %bitcast3A_381 = vector.bitcast %and3A_380 : vector<16xi32> to vector<16xf32>
          %mul3A_382 = arith.mulf %bitcast3A_379, %get3A_7 : vector<16xf32>
          %add3A_383 = arith.addf %get3A_39, %mul3A_382 : vector<16xf32>
          %mul3A_384 = arith.mulf %bitcast3A_381, %get3A_23 : vector<16xf32>
          %add3A_385 = arith.addf %add3A_383, %mul3A_384 : vector<16xf32>
          %get3A_386 = arith.index_cast %add3A_365 : i32 to index
          %get3A_387 = arith.constant 16 : index
          %get3A_388 = tpu.vector_load %arg14[%get3A_386, %get3A_387] {strides = array<i32>} : memref<48x128xi32, #tpu.memory_space<vmem>>, vector<16xi32>,
          %bitcast3A_389 = vector.bitcast %get3A_388 : vector<16xi32> to vector<32xbf16>
          %get3A_390 = arith.index_cast %add3A_365 : i32 to index
          %get3A_391 = arith.constant 16 : index
          %get3A_392 = tpu.vector_load %arg18[%get3A_390, %get3A_391] {strides = array<i32>} : memref<48x128xi32, #tpu.memory_space<vmem>>, vector<16xi32>,
          %bitcast3A_393 = vector.bitcast %get3A_392 : vector<16xi32> to vector<32xbf16>
          %add3A_394 = arith.addf %bitcast3A_389, %bitcast3A_393 : vector<32xbf16>
          %max3A_395 = arith.constant 0.000000e+00 : bf16
          %max3A_396 = vector.broadcast %max3A_395 : bf16 to vector<32xbf16>
          %max3A_397 = arith.maximumf %add3A_394, %max3A_396 : vector<32xbf16>
          %bitcast3A_398 = vector.bitcast %max3A_397 : vector<32xbf16> to vector<16xi32>
          %shift_left3A_399 = arith.constant 16 : i32
          %shift_left3A_400 = vector.broadcast %shift_left3A_399 : i32 to vector<16xi32>
          %shift_left3A_401 = arith.shli %bitcast3A_398, %shift_left3A_400 : vector<16xi32>
          %bitcast3A_402 = vector.bitcast %shift_left3A_401 : vector<16xi32> to vector<16xf32>
          %and3A_403 = arith.andi %bitcast3A_398, %broadcast_in_dim3A_40 : vector<16xi32>
          %bitcast3A_404 = vector.bitcast %and3A_403 : vector<16xi32> to vector<16xf32>
          %mul3A_405 = arith.mulf %bitcast3A_402, %get3A_9 : vector<16xf32>
          %add3A_406 = arith.addf %add3A_385, %mul3A_405 : vector<16xf32>
          %mul3A_407 = arith.mulf %bitcast3A_404, %get3A_25 : vector<16xf32>
          %add3A_408 = arith.addf %add3A_406, %mul3A_407 : vector<16xf32>
          %get3A_409 = arith.index_cast %add3A_365 : i32 to index
          %get3A_410 = arith.constant 32 : index
          %get3A_411 = tpu.vector_load %arg14[%get3A_409, %get3A_410] {strides = array<i32>} : memref<48x128xi32, #tpu.memory_space<vmem>>, vector<16xi32>,
          %bitcast3A_412 = vector.bitcast %get3A_411 : vector<16xi32> to vector<32xbf16>
          %get3A_413 = arith.index_cast %add3A_365 : i32 to index
          %get3A_414 = arith.constant 32 : index
          %get3A_415 = tpu.vector_load %arg18[%get3A_413, %get3A_414] {strides = array<i32>} : memref<48x128xi32, #tpu.memory_space<vmem>>, vector<16xi32>,
          %bitcast3A_416 = vector.bitcast %get3A_415 : vector<16xi32> to vector<32xbf16>
          %add3A_417 = arith.addf %bitcast3A_412, %bitcast3A_416 : vector<32xbf16>
          %max3A_418 = arith.constant 0.000000e+00 : bf16
          %max3A_419 = vector.broadcast %max3A_418 : bf16 to vector<32xbf16>
          %max3A_420 = arith.maximumf %add3A_417, %max3A_419 : vector<32xbf16>
          %bitcast3A_421 = vector.bitcast %max3A_420 : vector<32xbf16> to vector<16xi32>
          %shift_left3A_422 = arith.constant 16 : i32
          %shift_left3A_423 = vector.broadcast %shift_left3A_422 : i32 to vector<16xi32>
          %shift_left3A_424 = arith.shli %bitcast3A_421, %shift_left3A_423 : vector<16xi32>
          %bitcast3A_425 = vector.bitcast %shift_left3A_424 : vector<16xi32> to vector<16xf32>
          %and3A_426 = arith.andi %bitcast3A_421, %broadcast_in_dim3A_40 : vector<16xi32>
          %bitcast3A_427 = vector.bitcast %and3A_426 : vector<16xi32> to vector<16xf32>
          %mul3A_428 = arith.mulf %bitcast3A_425, %get3A_11 : vector<16xf32>
          %add3A_429 = arith.addf %add3A_408, %mul3A_428 : vector<16xf32>
          %mul3A_430 = arith.mulf %bitcast3A_427, %get3A_27 : vector<16xf32>
          %add3A_431 = arith.addf %add3A_429, %mul3A_430 : vector<16xf32>
          %get3A_432 = arith.index_cast %add3A_365 : i32 to index
          %get3A_433 = arith.constant 48 : index
          %get3A_434 = tpu.vector_load %arg14[%get3A_432, %get3A_433] {strides = array<i32>} : memref<48x128xi32, #tpu.memory_space<vmem>>, vector<16xi32>,
          %bitcast3A_435 = vector.bitcast %get3A_434 : vector<16xi32> to vector<32xbf16>
          %get3A_436 = arith.index_cast %add3A_365 : i32 to index
          %get3A_437 = arith.constant 48 : index
          %get3A_438 = tpu.vector_load %arg18[%get3A_436, %get3A_437] {strides = array<i32>} : memref<48x128xi32, #tpu.memory_space<vmem>>, vector<16xi32>,
          %bitcast3A_439 = vector.bitcast %get3A_438 : vector<16xi32> to vector<32xbf16>
          %add3A_440 = arith.addf %bitcast3A_435, %bitcast3A_439 : vector<32xbf16>
          %max3A_441 = arith.constant 0.000000e+00 : bf16
          %max3A_442 = vector.broadcast %max3A_441 : bf16 to vector<32xbf16>
          %max3A_443 = arith.maximumf %add3A_440, %max3A_442 : vector<32xbf16>
          %bitcast3A_444 = vector.bitcast %max3A_443 : vector<32xbf16> to vector<16xi32>
          %shift_left3A_445 = arith.constant 16 : i32
          %shift_left3A_446 = vector.broadcast %shift_left3A_445 : i32 to vector<16xi32>
          %shift_left3A_447 = arith.shli %bitcast3A_444, %shift_left3A_446 : vector<16xi32>
          %bitcast3A_448 = vector.bitcast %shift_left3A_447 : vector<16xi32> to vector<16xf32>
          %and3A_449 = arith.andi %bitcast3A_444, %broadcast_in_dim3A_40 : vector<16xi32>
          %bitcast3A_450 = vector.bitcast %and3A_449 : vector<16xi32> to vector<16xf32>
          %mul3A_451 = arith.mulf %bitcast3A_448, %get3A_13 : vector<16xf32>
          %add3A_452 = arith.addf %add3A_431, %mul3A_451 : vector<16xf32>
          %mul3A_453 = arith.mulf %bitcast3A_450, %get3A_29 : vector<16xf32>
          %add3A_454 = arith.addf %add3A_452, %mul3A_453 : vector<16xf32>
          %get3A_455 = arith.index_cast %add3A_365 : i32 to index
          %get3A_456 = arith.constant 64 : index
          %get3A_457 = tpu.vector_load %arg14[%get3A_455, %get3A_456] {strides = array<i32>} : memref<48x128xi32, #tpu.memory_space<vmem>>, vector<16xi32>,
          %bitcast3A_458 = vector.bitcast %get3A_457 : vector<16xi32> to vector<32xbf16>
          %get3A_459 = arith.index_cast %add3A_365 : i32 to index
          %get3A_460 = arith.constant 64 : index
          %get3A_461 = tpu.vector_load %arg18[%get3A_459, %get3A_460] {strides = array<i32>} : memref<48x128xi32, #tpu.memory_space<vmem>>, vector<16xi32>,
          %bitcast3A_462 = vector.bitcast %get3A_461 : vector<16xi32> to vector<32xbf16>
          %add3A_463 = arith.addf %bitcast3A_458, %bitcast3A_462 : vector<32xbf16>
          %max3A_464 = arith.constant 0.000000e+00 : bf16
          %max3A_465 = vector.broadcast %max3A_464 : bf16 to vector<32xbf16>
          %max3A_466 = arith.maximumf %add3A_463, %max3A_465 : vector<32xbf16>
          %bitcast3A_467 = vector.bitcast %max3A_466 : vector<32xbf16> to vector<16xi32>
          %shift_left3A_468 = arith.constant 16 : i32
          %shift_left3A_469 = vector.broadcast %shift_left3A_468 : i32 to vector<16xi32>
          %shift_left3A_470 = arith.shli %bitcast3A_467, %shift_left3A_469 : vector<16xi32>
          %bitcast3A_471 = vector.bitcast %shift_left3A_470 : vector<16xi32> to vector<16xf32>
          %and3A_472 = arith.andi %bitcast3A_467, %broadcast_in_dim3A_40 : vector<16xi32>
          %bitcast3A_473 = vector.bitcast %and3A_472 : vector<16xi32> to vector<16xf32>
          %mul3A_474 = arith.mulf %bitcast3A_471, %get3A_15 : vector<16xf32>
          %add3A_475 = arith.addf %add3A_454, %mul3A_474 : vector<16xf32>
          %mul3A_476 = arith.mulf %bitcast3A_473, %get3A_31 : vector<16xf32>
          %add3A_477 = arith.addf %add3A_475, %mul3A_476 : vector<16xf32>
          %get3A_478 = arith.index_cast %add3A_365 : i32 to index
          %get3A_479 = arith.constant 80 : index
          %get3A_480 = tpu.vector_load %arg14[%get3A_478, %get3A_479] {strides = array<i32>} : memref<48x128xi32, #tpu.memory_space<vmem>>, vector<16xi32>,
          %bitcast3A_481 = vector.bitcast %get3A_480 : vector<16xi32> to vector<32xbf16>
          %get3A_482 = arith.index_cast %add3A_365 : i32 to index
          %get3A_483 = arith.constant 80 : index
          %get3A_484 = tpu.vector_load %arg18[%get3A_482, %get3A_483] {strides = array<i32>} : memref<48x128xi32, #tpu.memory_space<vmem>>, vector<16xi32>,
          %bitcast3A_485 = vector.bitcast %get3A_484 : vector<16xi32> to vector<32xbf16>
          %add3A_486 = arith.addf %bitcast3A_481, %bitcast3A_485 : vector<32xbf16>
          %max3A_487 = arith.constant 0.000000e+00 : bf16
          %max3A_488 = vector.broadcast %max3A_487 : bf16 to vector<32xbf16>
          %max3A_489 = arith.maximumf %add3A_486, %max3A_488 : vector<32xbf16>
          %bitcast3A_490 = vector.bitcast %max3A_489 : vector<32xbf16> to vector<16xi32>
          %shift_left3A_491 = arith.constant 16 : i32
          %shift_left3A_492 = vector.broadcast %shift_left3A_491 : i32 to vector<16xi32>
          %shift_left3A_493 = arith.shli %bitcast3A_490, %shift_left3A_492 : vector<16xi32>
          %bitcast3A_494 = vector.bitcast %shift_left3A_493 : vector<16xi32> to vector<16xf32>
          %and3A_495 = arith.andi %bitcast3A_490, %broadcast_in_dim3A_40 : vector<16xi32>
          %bitcast3A_496 = vector.bitcast %and3A_495 : vector<16xi32> to vector<16xf32>
          %mul3A_497 = arith.mulf %bitcast3A_494, %get3A_17 : vector<16xf32>
          %add3A_498 = arith.addf %add3A_477, %mul3A_497 : vector<16xf32>
          %mul3A_499 = arith.mulf %bitcast3A_496, %get3A_33 : vector<16xf32>
          %add3A_500 = arith.addf %add3A_498, %mul3A_499 : vector<16xf32>
          %get3A_501 = arith.index_cast %add3A_365 : i32 to index
          %get3A_502 = arith.constant 96 : index
          %get3A_503 = tpu.vector_load %arg14[%get3A_501, %get3A_502] {strides = array<i32>} : memref<48x128xi32, #tpu.memory_space<vmem>>, vector<16xi32>,
          %bitcast3A_504 = vector.bitcast %get3A_503 : vector<16xi32> to vector<32xbf16>
          %get3A_505 = arith.index_cast %add3A_365 : i32 to index
          %get3A_506 = arith.constant 96 : index
          %get3A_507 = tpu.vector_load %arg18[%get3A_505, %get3A_506] {strides = array<i32>} : memref<48x128xi32, #tpu.memory_space<vmem>>, vector<16xi32>,
          %bitcast3A_508 = vector.bitcast %get3A_507 : vector<16xi32> to vector<32xbf16>
          %add3A_509 = arith.addf %bitcast3A_504, %bitcast3A_508 : vector<32xbf16>
          %max3A_510 = arith.constant 0.000000e+00 : bf16
          %max3A_511 = vector.broadcast %max3A_510 : bf16 to vector<32xbf16>
          %max3A_512 = arith.maximumf %add3A_509, %max3A_511 : vector<32xbf16>
          %bitcast3A_513 = vector.bitcast %max3A_512 : vector<32xbf16> to vector<16xi32>
          %shift_left3A_514 = arith.constant 16 : i32
          %shift_left3A_515 = vector.broadcast %shift_left3A_514 : i32 to vector<16xi32>
          %shift_left3A_516 = arith.shli %bitcast3A_513, %shift_left3A_515 : vector<16xi32>
          %bitcast3A_517 = vector.bitcast %shift_left3A_516 : vector<16xi32> to vector<16xf32>
          %and3A_518 = arith.andi %bitcast3A_513, %broadcast_in_dim3A_40 : vector<16xi32>
          %bitcast3A_519 = vector.bitcast %and3A_518 : vector<16xi32> to vector<16xf32>
          %mul3A_520 = arith.mulf %bitcast3A_517, %get3A_19 : vector<16xf32>
          %add3A_521 = arith.addf %add3A_500, %mul3A_520 : vector<16xf32>
          %mul3A_522 = arith.mulf %bitcast3A_519, %get3A_35 : vector<16xf32>
          %add3A_523 = arith.addf %add3A_521, %mul3A_522 : vector<16xf32>
          %get3A_524 = arith.index_cast %add3A_365 : i32 to index
          %get3A_525 = arith.constant 112 : index
          %get3A_526 = tpu.vector_load %arg14[%get3A_524, %get3A_525] {strides = array<i32>} : memref<48x128xi32, #tpu.memory_space<vmem>>, vector<16xi32>,
          %bitcast3A_527 = vector.bitcast %get3A_526 : vector<16xi32> to vector<32xbf16>
          %get3A_528 = arith.index_cast %add3A_365 : i32 to index
          %get3A_529 = arith.constant 112 : index
          %get3A_530 = tpu.vector_load %arg18[%get3A_528, %get3A_529] {strides = array<i32>} : memref<48x128xi32, #tpu.memory_space<vmem>>, vector<16xi32>,
          %bitcast3A_531 = vector.bitcast %get3A_530 : vector<16xi32> to vector<32xbf16>
          %add3A_532 = arith.addf %bitcast3A_527, %bitcast3A_531 : vector<32xbf16>
          %max3A_533 = arith.constant 0.000000e+00 : bf16
          %max3A_534 = vector.broadcast %max3A_533 : bf16 to vector<32xbf16>
          %max3A_535 = arith.maximumf %add3A_532, %max3A_534 : vector<32xbf16>
          %bitcast3A_536 = vector.bitcast %max3A_535 : vector<32xbf16> to vector<16xi32>
          %shift_left3A_537 = arith.constant 16 : i32
          %shift_left3A_538 = vector.broadcast %shift_left3A_537 : i32 to vector<16xi32>
          %shift_left3A_539 = arith.shli %bitcast3A_536, %shift_left3A_538 : vector<16xi32>
          %bitcast3A_540 = vector.bitcast %shift_left3A_539 : vector<16xi32> to vector<16xf32>
          %and3A_541 = arith.andi %bitcast3A_536, %broadcast_in_dim3A_40 : vector<16xi32>
          %bitcast3A_542 = vector.bitcast %and3A_541 : vector<16xi32> to vector<16xf32>
          %mul3A_543 = arith.mulf %bitcast3A_540, %get3A_21 : vector<16xf32>
          %add3A_544 = arith.addf %add3A_523, %mul3A_543 : vector<16xf32>
          %mul3A_545 = arith.mulf %bitcast3A_542, %get3A_37 : vector<16xf32>
          %add3A_546 = arith.addf %add3A_544, %mul3A_545 : vector<16xf32>
          %mul3A_547 = arith.constant 16 : i32
          %mul3A_548 = arith.muli %scan3A_361, %mul3A_547 : i32
          %swap3A_549 = arith.index_cast %mul3A_548 : i32 to index
          %swap3A_550 = tpu.vector_load %arg12[%swap3A_549] {strides = array<i32>} : memref<256xf32, #tpu.memory_space<vmem>>, vector<16xf32>,
          tpu.vector_store %arg12[%swap3A_549], %add3A_546 {strides = array<i32>} : memref<256xf32, #tpu.memory_space<vmem>>, vector<16xf32>,
          %scan3A_551 = arith.constant 0 : i32
          scf.yield %scan3A_551 : i32
        }
        %scan3A_233 = arith.constant 16 : i32
        %mul3A_234 = arith.constant 16 : i32
        %mul3A_235 = vector.broadcast %mul3A_234 : i32 to vector<16xi32>
        %mul3A_236 = arith.muli %iota3A, %mul3A_235 : vector<16xi32>
        %gather3A = tpu.vector_load_idx %arg12[%mul3A_236] : memref<256xf32, #tpu.memory_space<vmem>>[vector<16xi32>], vector<16xf32>,
        %mul3A_237 = arith.constant 16 : i32
        %mul3A_238 = vector.broadcast %mul3A_237 : i32 to vector<16xi32>
        %mul3A_239 = arith.muli %iota3A, %mul3A_238 : vector<16xi32>
        %add3A_240 = arith.constant 1 : i32
        %add3A_241 = vector.broadcast %add3A_240 : i32 to vector<16xi32>
        %add3A_242 = arith.addi %mul3A_239, %add3A_241 : vector<16xi32>
        %gather3A_243 = tpu.vector_load_idx %arg12[%add3A_242] : memref<256xf32, #tpu.memory_space<vmem>>[vector<16xi32>], vector<16xf32>,
        %add3A_244 = arith.addf %gather3A, %gather3A_243 : vector<16xf32>
        %mul3A_245 = arith.constant 16 : i32
        %mul3A_246 = vector.broadcast %mul3A_245 : i32 to vector<16xi32>
        %mul3A_247 = arith.muli %iota3A, %mul3A_246 : vector<16xi32>
        %add3A_248 = arith.constant 2 : i32
        %add3A_249 = vector.broadcast %add3A_248 : i32 to vector<16xi32>
        %add3A_250 = arith.addi %mul3A_247, %add3A_249 : vector<16xi32>
        %gather3A_251 = tpu.vector_load_idx %arg12[%add3A_250] : memref<256xf32, #tpu.memory_space<vmem>>[vector<16xi32>], vector<16xf32>,
        %add3A_252 = arith.addf %add3A_244, %gather3A_251 : vector<16xf32>
        %mul3A_253 = arith.constant 16 : i32
        %mul3A_254 = vector.broadcast %mul3A_253 : i32 to vector<16xi32>
        %mul3A_255 = arith.muli %iota3A, %mul3A_254 : vector<16xi32>
        %add3A_256 = arith.constant 3 : i32
        %add3A_257 = vector.broadcast %add3A_256 : i32 to vector<16xi32>
        %add3A_258 = arith.addi %mul3A_255, %add3A_257 : vector<16xi32>
        %gather3A_259 = tpu.vector_load_idx %arg12[%add3A_258] : memref<256xf32, #tpu.memory_space<vmem>>[vector<16xi32>], vector<16xf32>,
        %add3A_260 = arith.addf %add3A_252, %gather3A_259 : vector<16xf32>
        %mul3A_261 = arith.constant 16 : i32
        %mul3A_262 = vector.broadcast %mul3A_261 : i32 to vector<16xi32>
        %mul3A_263 = arith.muli %iota3A, %mul3A_262 : vector<16xi32>
        %add3A_264 = arith.constant 4 : i32
        %add3A_265 = vector.broadcast %add3A_264 : i32 to vector<16xi32>
        %add3A_266 = arith.addi %mul3A_263, %add3A_265 : vector<16xi32>
        %gather3A_267 = tpu.vector_load_idx %arg12[%add3A_266] : memref<256xf32, #tpu.memory_space<vmem>>[vector<16xi32>], vector<16xf32>,
        %add3A_268 = arith.addf %add3A_260, %gather3A_267 : vector<16xf32>
        %mul3A_269 = arith.constant 16 : i32
        %mul3A_270 = vector.broadcast %mul3A_269 : i32 to vector<16xi32>
        %mul3A_271 = arith.muli %iota3A, %mul3A_270 : vector<16xi32>
        %add3A_272 = arith.constant 5 : i32
        %add3A_273 = vector.broadcast %add3A_272 : i32 to vector<16xi32>
        %add3A_274 = arith.addi %mul3A_271, %add3A_273 : vector<16xi32>
        %gather3A_275 = tpu.vector_load_idx %arg12[%add3A_274] : memref<256xf32, #tpu.memory_space<vmem>>[vector<16xi32>], vector<16xf32>,
        %add3A_276 = arith.addf %add3A_268, %gather3A_275 : vector<16xf32>
        %mul3A_277 = arith.constant 16 : i32
        %mul3A_278 = vector.broadcast %mul3A_277 : i32 to vector<16xi32>
        %mul3A_279 = arith.muli %iota3A, %mul3A_278 : vector<16xi32>
        %add3A_280 = arith.constant 6 : i32
        %add3A_281 = vector.broadcast %add3A_280 : i32 to vector<16xi32>
        %add3A_282 = arith.addi %mul3A_279, %add3A_281 : vector<16xi32>
        %gather3A_283 = tpu.vector_load_idx %arg12[%add3A_282] : memref<256xf32, #tpu.memory_space<vmem>>[vector<16xi32>], vector<16xf32>,
        %add3A_284 = arith.addf %add3A_276, %gather3A_283 : vector<16xf32>
        %mul3A_285 = arith.constant 16 : i32
        %mul3A_286 = vector.broadcast %mul3A_285 : i32 to vector<16xi32>
        %mul3A_287 = arith.muli %iota3A, %mul3A_286 : vector<16xi32>
        %add3A_288 = arith.constant 7 : i32
        %add3A_289 = vector.broadcast %add3A_288 : i32 to vector<16xi32>
        %add3A_290 = arith.addi %mul3A_287, %add3A_289 : vector<16xi32>
        %gather3A_291 = tpu.vector_load_idx %arg12[%add3A_290] : memref<256xf32, #tpu.memory_space<vmem>>[vector<16xi32>], vector<16xf32>,
        %add3A_292 = arith.addf %add3A_284, %gather3A_291 : vector<16xf32>
        %mul3A_293 = arith.constant 16 : i32
        %mul3A_294 = vector.broadcast %mul3A_293 : i32 to vector<16xi32>
        %mul3A_295 = arith.muli %iota3A, %mul3A_294 : vector<16xi32>
        %add3A_296 = arith.constant 8 : i32
        %add3A_297 = vector.broadcast %add3A_296 : i32 to vector<16xi32>
        %add3A_298 = arith.addi %mul3A_295, %add3A_297 : vector<16xi32>
        %gather3A_299 = tpu.vector_load_idx %arg12[%add3A_298] : memref<256xf32, #tpu.memory_space<vmem>>[vector<16xi32>], vector<16xf32>,
        %add3A_300 = arith.addf %add3A_292, %gather3A_299 : vector<16xf32>
        %mul3A_301 = arith.constant 16 : i32
        %mul3A_302 = vector.broadcast %mul3A_301 : i32 to vector<16xi32>
        %mul3A_303 = arith.muli %iota3A, %mul3A_302 : vector<16xi32>
        %add3A_304 = arith.constant 9 : i32
        %add3A_305 = vector.broadcast %add3A_304 : i32 to vector<16xi32>
        %add3A_306 = arith.addi %mul3A_303, %add3A_305 : vector<16xi32>
        %gather3A_307 = tpu.vector_load_idx %arg12[%add3A_306] : memref<256xf32, #tpu.memory_space<vmem>>[vector<16xi32>], vector<16xf32>,
        %add3A_308 = arith.addf %add3A_300, %gather3A_307 : vector<16xf32>
        %mul3A_309 = arith.constant 16 : i32
        %mul3A_310 = vector.broadcast %mul3A_309 : i32 to vector<16xi32>
        %mul3A_311 = arith.muli %iota3A, %mul3A_310 : vector<16xi32>
        %add3A_312 = arith.constant 10 : i32
        %add3A_313 = vector.broadcast %add3A_312 : i32 to vector<16xi32>
        %add3A_314 = arith.addi %mul3A_311, %add3A_313 : vector<16xi32>
        %gather3A_315 = tpu.vector_load_idx %arg12[%add3A_314] : memref<256xf32, #tpu.memory_space<vmem>>[vector<16xi32>], vector<16xf32>,
        %add3A_316 = arith.addf %add3A_308, %gather3A_315 : vector<16xf32>
        %mul3A_317 = arith.constant 16 : i32
        %mul3A_318 = vector.broadcast %mul3A_317 : i32 to vector<16xi32>
        %mul3A_319 = arith.muli %iota3A, %mul3A_318 : vector<16xi32>
        %add3A_320 = arith.constant 11 : i32
        %add3A_321 = vector.broadcast %add3A_320 : i32 to vector<16xi32>
        %add3A_322 = arith.addi %mul3A_319, %add3A_321 : vector<16xi32>
        %gather3A_323 = tpu.vector_load_idx %arg12[%add3A_322] : memref<256xf32, #tpu.memory_space<vmem>>[vector<16xi32>], vector<16xf32>,
        %add3A_324 = arith.addf %add3A_316, %gather3A_323 : vector<16xf32>
        %mul3A_325 = arith.constant 16 : i32
        %mul3A_326 = vector.broadcast %mul3A_325 : i32 to vector<16xi32>
        %mul3A_327 = arith.muli %iota3A, %mul3A_326 : vector<16xi32>
        %add3A_328 = arith.constant 12 : i32
        %add3A_329 = vector.broadcast %add3A_328 : i32 to vector<16xi32>
        %add3A_330 = arith.addi %mul3A_327, %add3A_329 : vector<16xi32>
        %gather3A_331 = tpu.vector_load_idx %arg12[%add3A_330] : memref<256xf32, #tpu.memory_space<vmem>>[vector<16xi32>], vector<16xf32>,
        %add3A_332 = arith.addf %add3A_324, %gather3A_331 : vector<16xf32>
        %mul3A_333 = arith.constant 16 : i32
        %mul3A_334 = vector.broadcast %mul3A_333 : i32 to vector<16xi32>
        %mul3A_335 = arith.muli %iota3A, %mul3A_334 : vector<16xi32>
        %add3A_336 = arith.constant 13 : i32
        %add3A_337 = vector.broadcast %add3A_336 : i32 to vector<16xi32>
        %add3A_338 = arith.addi %mul3A_335, %add3A_337 : vector<16xi32>
        %gather3A_339 = tpu.vector_load_idx %arg12[%add3A_338] : memref<256xf32, #tpu.memory_space<vmem>>[vector<16xi32>], vector<16xf32>,
        %add3A_340 = arith.addf %add3A_332, %gather3A_339 : vector<16xf32>
        %mul3A_341 = arith.constant 16 : i32
        %mul3A_342 = vector.broadcast %mul3A_341 : i32 to vector<16xi32>
        %mul3A_343 = arith.muli %iota3A, %mul3A_342 : vector<16xi32>
        %add3A_344 = arith.constant 14 : i32
        %add3A_345 = vector.broadcast %add3A_344 : i32 to vector<16xi32>
        %add3A_346 = arith.addi %mul3A_343, %add3A_345 : vector<16xi32>
        %gather3A_347 = tpu.vector_load_idx %arg12[%add3A_346] : memref<256xf32, #tpu.memory_space<vmem>>[vector<16xi32>], vector<16xf32>,
        %add3A_348 = arith.addf %add3A_340, %gather3A_347 : vector<16xf32>
        %mul3A_349 = arith.constant 16 : i32
        %mul3A_350 = vector.broadcast %mul3A_349 : i32 to vector<16xi32>
        %mul3A_351 = arith.muli %iota3A, %mul3A_350 : vector<16xi32>
        %add3A_352 = arith.constant 15 : i32
        %add3A_353 = vector.broadcast %add3A_352 : i32 to vector<16xi32>
        %add3A_354 = arith.addi %mul3A_351, %add3A_353 : vector<16xi32>
        %gather3A_355 = tpu.vector_load_idx %arg12[%add3A_354] : memref<256xf32, #tpu.memory_space<vmem>>[vector<16xi32>], vector<16xf32>,
        %add3A_356 = arith.addf %add3A_348, %gather3A_355 : vector<16xf32>
        %mul3A_357 = arith.constant 16 : i32
        %mul3A_358 = arith.muli %scan3A_225, %mul3A_357 : i32
        %swap3A = arith.index_cast %mul3A_358 : i32 to index
        %swap3A_359 = tpu.vector_load %arg10[%swap3A] {strides = array<i32>} : memref<48xf32, #tpu.memory_space<vmem>>, vector<16xf32>,
        tpu.vector_store %arg10[%swap3A], %add3A_356 {strides = array<i32>} : memref<48xf32, #tpu.memory_space<vmem>>, vector<16xf32>,
        %scan3A_360 = arith.constant 0 : i32
        scf.yield %scan3A_360 : i32
      }
      %scan3A_156 = arith.constant 3 : i32
      %mul3A_157 = arith.constant 48 : i32
      %mul3A_158 = arith.muli %add3A_131, %mul3A_157 : i32
      %add3A_159 = arith.addi %select_n3A_6, %mul3A_158 : i32
      "tpu.region"() ({
        %run_scoped3A = tpu.sem_alloc : memref<!tpu.dma_semaphore, #tpu.memory_space<semaphore_mem>>
        %dma_start3A_225 = tpu.memref_slice %arg7[%add3A_159] : memref<162816xf32, #tpu.memory_space<hbm>> -> memref<48xf32, #tpu.memory_space<hbm>>
        %dma_start3A_226 = tpu.memref_slice %arg7[%add3A_159] : memref<162816xf32, #tpu.memory_space<hbm>> -> memref<48xf32, #tpu.memory_space<hbm>>
        tpu.enqueue_dma source(%arg10 : memref<48xf32, #tpu.memory_space<vmem>>) target(%dma_start3A_226 : memref<48xf32, #tpu.memory_space<hbm>>) target_semaphore(%run_scoped3A : memref<!tpu.dma_semaphore, #tpu.memory_space<semaphore_mem>>)
        %dma_wait3A_227 = tpu.memref_slice %arg7[%add3A_159] : memref<162816xf32, #tpu.memory_space<hbm>> -> memref<48xf32, #tpu.memory_space<hbm>>
        %dma_wait3A_228 = tpu.memref_slice %arg7[%add3A_159] : memref<162816xf32, #tpu.memory_space<hbm>> -> memref<48xf32, #tpu.memory_space<hbm>>
        tpu.wait_dma2 semaphore(%run_scoped3A : memref<!tpu.dma_semaphore, #tpu.memory_space<semaphore_mem>>) src(%arg10 : memref<48xf32, #tpu.memory_space<vmem>>) dst(%dma_wait3A_228 : memref<48xf32, #tpu.memory_space<hbm>>)
        tpu.yield
      }) : () -> ()
      %mul3A_160 = arith.constant 4 : i32
      %mul3A_161 = arith.muli %while3A_99, %mul3A_160 : i32
      %add3A_162 = arith.constant 2 : i32
      %add3A_163 = arith.addi %mul3A_161, %add3A_162 : i32
      %add3A_164 = arith.constant 4 : i32
      %add3A_165 = arith.addi %add3A_163, %add3A_164 : i32
      %sub3A_166 = arith.constant 1 : i32
      %sub3A_167 = arith.subi %add3A_165, %sub3A_166 : i32
      %lt3A_168 = arith.cmpi slt, %sub3A_167, %select_n3A : i32
      %convert_element_type3A_169 = arith.extui %lt3A_168 : i1 to i32
      %cond3A_170 = arith.constant 0 : i32
      %cond3A_171 = arith.cmpi ne, %convert_element_type3A_169, %cond3A_170 : i32
      scf.if %cond3A_171 {
        %add3A_225 = arith.constant 4 : i32
        %add3A_226 = arith.addi %add3A_163, %add3A_225 : i32
        %sub3A_227 = arith.constant 1 : i32
        %sub3A_228 = arith.subi %add3A_226, %sub3A_227 : i32
        %mul3A_229 = arith.constant 48 : i32
        %mul3A_230 = arith.muli %sub3A_228, %mul3A_229 : i32
        %dma_start3A_231 = tpu.memref_slice %arg8[%mul3A_230] : memref<6528xi32, #tpu.memory_space<vmem>> -> memref<48xi32, #tpu.memory_space<vmem>>
        %dma_start3A_232 = arith.constant 0 : i32
        %dma_start3A_233 = arith.constant 0 : i32
        %dma_start3A_234 = tpu.memref_slice %arg2[%dma_start3A_232, %dma_start3A_233] : memref<10000x128xi32, #tpu.memory_space<hbm>> -> memref<10000x128xi32, #tpu.memory_space<hbm>>
        tpu.enqueue_indirect_dma source(%dma_start3A_234 : memref<10000x128xi32, #tpu.memory_space<hbm>>) target(%arg14 : memref<48x128xi32, #tpu.memory_space<vmem>>) offsets(%dma_start3A_231 : memref<48xi32, #tpu.memory_space<vmem>>) semaphore(%arg22 : memref<!tpu.dma_semaphore, #tpu.memory_space<semaphore_mem>>)
        %dma_start3A_235 = tpu.memref_slice %arg9[%mul3A_230] : memref<6528xi32, #tpu.memory_space<vmem>> -> memref<48xi32, #tpu.memory_space<vmem>>
        %dma_start3A_236 = arith.constant 0 : i32
        %dma_start3A_237 = arith.constant 0 : i32
        %dma_start3A_238 = tpu.memref_slice %arg3[%dma_start3A_236, %dma_start3A_237] : memref<10000x128xi32, #tpu.memory_space<hbm>> -> memref<10000x128xi32, #tpu.memory_space<hbm>>
        tpu.enqueue_indirect_dma source(%dma_start3A_238 : memref<10000x128xi32, #tpu.memory_space<hbm>>) target(%arg18 : memref<48x128xi32, #tpu.memory_space<vmem>>) offsets(%dma_start3A_235 : memref<48xi32, #tpu.memory_space<vmem>>) semaphore(%arg22 : memref<!tpu.dma_semaphore, #tpu.memory_space<semaphore_mem>>)
      } else {
      }
      %mul3A_172 = arith.constant 48 : i32
      %mul3A_173 = arith.muli %add3A_163, %mul3A_172 : i32
      %dma_wait3A_174 = tpu.memref_slice %arg8[%mul3A_173] : memref<6528xi32, #tpu.memory_space<vmem>> -> memref<48xi32, #tpu.memory_space<vmem>>
      %dma_wait3A_175 = arith.constant 0 : i32
      %dma_wait3A_176 = arith.constant 0 : i32
      %dma_wait3A_177 = tpu.memref_slice %arg2[%dma_wait3A_175, %dma_wait3A_176] : memref<10000x128xi32, #tpu.memory_space<hbm>> -> memref<10000x128xi32, #tpu.memory_space<hbm>>
      tpu.wait_indirect_dma semaphore(%arg23 : memref<!tpu.dma_semaphore, #tpu.memory_space<semaphore_mem>>) src(%dma_wait3A_177 : memref<10000x128xi32, #tpu.memory_space<hbm>>) dst(%arg15 : memref<48x128xi32, #tpu.memory_space<vmem>>)
      %dma_wait3A_178 = tpu.memref_slice %arg9[%mul3A_173] : memref<6528xi32, #tpu.memory_space<vmem>> -> memref<48xi32, #tpu.memory_space<vmem>>
      %dma_wait3A_179 = arith.constant 0 : i32
      %dma_wait3A_180 = arith.constant 0 : i32
      %dma_wait3A_181 = tpu.memref_slice %arg3[%dma_wait3A_179, %dma_wait3A_180] : memref<10000x128xi32, #tpu.memory_space<hbm>> -> memref<10000x128xi32, #tpu.memory_space<hbm>>
      tpu.wait_indirect_dma semaphore(%arg23 : memref<!tpu.dma_semaphore, #tpu.memory_space<semaphore_mem>>) src(%dma_wait3A_181 : memref<10000x128xi32, #tpu.memory_space<hbm>>) dst(%arg19 : memref<48x128xi32, #tpu.memory_space<vmem>>)
      %scan3A_182 = arith.constant 0 : i32
      %scan3A_183 = arith.constant 0 : i32
      %scan3A_184 = arith.constant 3 : i32
      %scan3A_185 = arith.addi %scan3A_183, %scan3A_184 : i32
      %scan3A_186 = arith.constant 1 : i32
      %scan3A_187 = scf.for %scan3A_225 = %scan3A_183 to %scan3A_185 step %scan3A_186 iter_args(%scan3A_226 = %scan3A_182) -> (i32)  : i32 {
        %scan3A_227 = arith.constant 0 : i32
        %scan3A_228 = arith.constant 0 : i32
        %scan3A_229 = arith.constant 16 : i32
        %scan3A_230 = arith.addi %scan3A_228, %scan3A_229 : i32
        %scan3A_231 = arith.constant 1 : i32
        %scan3A_232 = scf.for %scan3A_361 = %scan3A_228 to %scan3A_230 step %scan3A_231 iter_args(%scan3A_362 = %scan3A_227) -> (i32)  : i32 {
          %mul3A_363 = arith.constant 16 : i32
          %mul3A_364 = arith.muli %scan3A_225, %mul3A_363 : i32
          %add3A_365 = arith.addi %mul3A_364, %scan3A_361 : i32
          %get3A_366 = arith.index_cast %add3A_365 : i32 to index
          %get3A_367 = arith.constant 0 : index
          %get3A_368 = tpu.vector_load %arg15[%get3A_366, %get3A_367] {strides = array<i32>} : memref<48x128xi32, #tpu.memory_space<vmem>>, vector<16xi32>,
          %bitcast3A = vector.bitcast %get3A_368 : vector<16xi32> to vector<32xbf16>
          %get3A_369 = arith.index_cast %add3A_365 : i32 to index
          %get3A_370 = arith.constant 0 : index
          %get3A_371 = tpu.vector_load %arg19[%get3A_369, %get3A_370] {strides = array<i32>} : memref<48x128xi32, #tpu.memory_space<vmem>>, vector<16xi32>,
          %bitcast3A_372 = vector.bitcast %get3A_371 : vector<16xi32> to vector<32xbf16>
          %add3A_373 = arith.addf %bitcast3A, %bitcast3A_372 : vector<32xbf16>
          %max3A = arith.constant 0.000000e+00 : bf16
          %max3A_374 = vector.broadcast %max3A : bf16 to vector<32xbf16>
          %max3A_375 = arith.maximumf %add3A_373, %max3A_374 : vector<32xbf16>
          %bitcast3A_376 = vector.bitcast %max3A_375 : vector<32xbf16> to vector<16xi32>
          %shift_left3A = arith.constant 16 : i32
          %shift_left3A_377 = vector.broadcast %shift_left3A : i32 to vector<16xi32>
          %shift_left3A_378 = arith.shli %bitcast3A_376, %shift_left3A_377 : vector<16xi32>
          %bitcast3A_379 = vector.bitcast %shift_left3A_378 : vector<16xi32> to vector<16xf32>
          %and3A_380 = arith.andi %bitcast3A_376, %broadcast_in_dim3A_40 : vector<16xi32>
          %bitcast3A_381 = vector.bitcast %and3A_380 : vector<16xi32> to vector<16xf32>
          %mul3A_382 = arith.mulf %bitcast3A_379, %get3A_7 : vector<16xf32>
          %add3A_383 = arith.addf %get3A_39, %mul3A_382 : vector<16xf32>
          %mul3A_384 = arith.mulf %bitcast3A_381, %get3A_23 : vector<16xf32>
          %add3A_385 = arith.addf %add3A_383, %mul3A_384 : vector<16xf32>
          %get3A_386 = arith.index_cast %add3A_365 : i32 to index
          %get3A_387 = arith.constant 16 : index
          %get3A_388 = tpu.vector_load %arg15[%get3A_386, %get3A_387] {strides = array<i32>} : memref<48x128xi32, #tpu.memory_space<vmem>>, vector<16xi32>,
          %bitcast3A_389 = vector.bitcast %get3A_388 : vector<16xi32> to vector<32xbf16>
          %get3A_390 = arith.index_cast %add3A_365 : i32 to index
          %get3A_391 = arith.constant 16 : index
          %get3A_392 = tpu.vector_load %arg19[%get3A_390, %get3A_391] {strides = array<i32>} : memref<48x128xi32, #tpu.memory_space<vmem>>, vector<16xi32>,
          %bitcast3A_393 = vector.bitcast %get3A_392 : vector<16xi32> to vector<32xbf16>
          %add3A_394 = arith.addf %bitcast3A_389, %bitcast3A_393 : vector<32xbf16>
          %max3A_395 = arith.constant 0.000000e+00 : bf16
          %max3A_396 = vector.broadcast %max3A_395 : bf16 to vector<32xbf16>
          %max3A_397 = arith.maximumf %add3A_394, %max3A_396 : vector<32xbf16>
          %bitcast3A_398 = vector.bitcast %max3A_397 : vector<32xbf16> to vector<16xi32>
          %shift_left3A_399 = arith.constant 16 : i32
          %shift_left3A_400 = vector.broadcast %shift_left3A_399 : i32 to vector<16xi32>
          %shift_left3A_401 = arith.shli %bitcast3A_398, %shift_left3A_400 : vector<16xi32>
          %bitcast3A_402 = vector.bitcast %shift_left3A_401 : vector<16xi32> to vector<16xf32>
          %and3A_403 = arith.andi %bitcast3A_398, %broadcast_in_dim3A_40 : vector<16xi32>
          %bitcast3A_404 = vector.bitcast %and3A_403 : vector<16xi32> to vector<16xf32>
          %mul3A_405 = arith.mulf %bitcast3A_402, %get3A_9 : vector<16xf32>
          %add3A_406 = arith.addf %add3A_385, %mul3A_405 : vector<16xf32>
          %mul3A_407 = arith.mulf %bitcast3A_404, %get3A_25 : vector<16xf32>
          %add3A_408 = arith.addf %add3A_406, %mul3A_407 : vector<16xf32>
          %get3A_409 = arith.index_cast %add3A_365 : i32 to index
          %get3A_410 = arith.constant 32 : index
          %get3A_411 = tpu.vector_load %arg15[%get3A_409, %get3A_410] {strides = array<i32>} : memref<48x128xi32, #tpu.memory_space<vmem>>, vector<16xi32>,
          %bitcast3A_412 = vector.bitcast %get3A_411 : vector<16xi32> to vector<32xbf16>
          %get3A_413 = arith.index_cast %add3A_365 : i32 to index
          %get3A_414 = arith.constant 32 : index
          %get3A_415 = tpu.vector_load %arg19[%get3A_413, %get3A_414] {strides = array<i32>} : memref<48x128xi32, #tpu.memory_space<vmem>>, vector<16xi32>,
          %bitcast3A_416 = vector.bitcast %get3A_415 : vector<16xi32> to vector<32xbf16>
          %add3A_417 = arith.addf %bitcast3A_412, %bitcast3A_416 : vector<32xbf16>
          %max3A_418 = arith.constant 0.000000e+00 : bf16
          %max3A_419 = vector.broadcast %max3A_418 : bf16 to vector<32xbf16>
          %max3A_420 = arith.maximumf %add3A_417, %max3A_419 : vector<32xbf16>
          %bitcast3A_421 = vector.bitcast %max3A_420 : vector<32xbf16> to vector<16xi32>
          %shift_left3A_422 = arith.constant 16 : i32
          %shift_left3A_423 = vector.broadcast %shift_left3A_422 : i32 to vector<16xi32>
          %shift_left3A_424 = arith.shli %bitcast3A_421, %shift_left3A_423 : vector<16xi32>
          %bitcast3A_425 = vector.bitcast %shift_left3A_424 : vector<16xi32> to vector<16xf32>
          %and3A_426 = arith.andi %bitcast3A_421, %broadcast_in_dim3A_40 : vector<16xi32>
          %bitcast3A_427 = vector.bitcast %and3A_426 : vector<16xi32> to vector<16xf32>
          %mul3A_428 = arith.mulf %bitcast3A_425, %get3A_11 : vector<16xf32>
          %add3A_429 = arith.addf %add3A_408, %mul3A_428 : vector<16xf32>
          %mul3A_430 = arith.mulf %bitcast3A_427, %get3A_27 : vector<16xf32>
          %add3A_431 = arith.addf %add3A_429, %mul3A_430 : vector<16xf32>
          %get3A_432 = arith.index_cast %add3A_365 : i32 to index
          %get3A_433 = arith.constant 48 : index
          %get3A_434 = tpu.vector_load %arg15[%get3A_432, %get3A_433] {strides = array<i32>} : memref<48x128xi32, #tpu.memory_space<vmem>>, vector<16xi32>,
          %bitcast3A_435 = vector.bitcast %get3A_434 : vector<16xi32> to vector<32xbf16>
          %get3A_436 = arith.index_cast %add3A_365 : i32 to index
          %get3A_437 = arith.constant 48 : index
          %get3A_438 = tpu.vector_load %arg19[%get3A_436, %get3A_437] {strides = array<i32>} : memref<48x128xi32, #tpu.memory_space<vmem>>, vector<16xi32>,
          %bitcast3A_439 = vector.bitcast %get3A_438 : vector<16xi32> to vector<32xbf16>
          %add3A_440 = arith.addf %bitcast3A_435, %bitcast3A_439 : vector<32xbf16>
          %max3A_441 = arith.constant 0.000000e+00 : bf16
          %max3A_442 = vector.broadcast %max3A_441 : bf16 to vector<32xbf16>
          %max3A_443 = arith.maximumf %add3A_440, %max3A_442 : vector<32xbf16>
          %bitcast3A_444 = vector.bitcast %max3A_443 : vector<32xbf16> to vector<16xi32>
          %shift_left3A_445 = arith.constant 16 : i32
          %shift_left3A_446 = vector.broadcast %shift_left3A_445 : i32 to vector<16xi32>
          %shift_left3A_447 = arith.shli %bitcast3A_444, %shift_left3A_446 : vector<16xi32>
          %bitcast3A_448 = vector.bitcast %shift_left3A_447 : vector<16xi32> to vector<16xf32>
          %and3A_449 = arith.andi %bitcast3A_444, %broadcast_in_dim3A_40 : vector<16xi32>
          %bitcast3A_450 = vector.bitcast %and3A_449 : vector<16xi32> to vector<16xf32>
          %mul3A_451 = arith.mulf %bitcast3A_448, %get3A_13 : vector<16xf32>
          %add3A_452 = arith.addf %add3A_431, %mul3A_451 : vector<16xf32>
          %mul3A_453 = arith.mulf %bitcast3A_450, %get3A_29 : vector<16xf32>
          %add3A_454 = arith.addf %add3A_452, %mul3A_453 : vector<16xf32>
          %get3A_455 = arith.index_cast %add3A_365 : i32 to index
          %get3A_456 = arith.constant 64 : index
          %get3A_457 = tpu.vector_load %arg15[%get3A_455, %get3A_456] {strides = array<i32>} : memref<48x128xi32, #tpu.memory_space<vmem>>, vector<16xi32>,
          %bitcast3A_458 = vector.bitcast %get3A_457 : vector<16xi32> to vector<32xbf16>
          %get3A_459 = arith.index_cast %add3A_365 : i32 to index
          %get3A_460 = arith.constant 64 : index
          %get3A_461 = tpu.vector_load %arg19[%get3A_459, %get3A_460] {strides = array<i32>} : memref<48x128xi32, #tpu.memory_space<vmem>>, vector<16xi32>,
          %bitcast3A_462 = vector.bitcast %get3A_461 : vector<16xi32> to vector<32xbf16>
          %add3A_463 = arith.addf %bitcast3A_458, %bitcast3A_462 : vector<32xbf16>
          %max3A_464 = arith.constant 0.000000e+00 : bf16
          %max3A_465 = vector.broadcast %max3A_464 : bf16 to vector<32xbf16>
          %max3A_466 = arith.maximumf %add3A_463, %max3A_465 : vector<32xbf16>
          %bitcast3A_467 = vector.bitcast %max3A_466 : vector<32xbf16> to vector<16xi32>
          %shift_left3A_468 = arith.constant 16 : i32
          %shift_left3A_469 = vector.broadcast %shift_left3A_468 : i32 to vector<16xi32>
          %shift_left3A_470 = arith.shli %bitcast3A_467, %shift_left3A_469 : vector<16xi32>
          %bitcast3A_471 = vector.bitcast %shift_left3A_470 : vector<16xi32> to vector<16xf32>
          %and3A_472 = arith.andi %bitcast3A_467, %broadcast_in_dim3A_40 : vector<16xi32>
          %bitcast3A_473 = vector.bitcast %and3A_472 : vector<16xi32> to vector<16xf32>
          %mul3A_474 = arith.mulf %bitcast3A_471, %get3A_15 : vector<16xf32>
          %add3A_475 = arith.addf %add3A_454, %mul3A_474 : vector<16xf32>
          %mul3A_476 = arith.mulf %bitcast3A_473, %get3A_31 : vector<16xf32>
          %add3A_477 = arith.addf %add3A_475, %mul3A_476 : vector<16xf32>
          %get3A_478 = arith.index_cast %add3A_365 : i32 to index
          %get3A_479 = arith.constant 80 : index
          %get3A_480 = tpu.vector_load %arg15[%get3A_478, %get3A_479] {strides = array<i32>} : memref<48x128xi32, #tpu.memory_space<vmem>>, vector<16xi32>,
          %bitcast3A_481 = vector.bitcast %get3A_480 : vector<16xi32> to vector<32xbf16>
          %get3A_482 = arith.index_cast %add3A_365 : i32 to index
          %get3A_483 = arith.constant 80 : index
          %get3A_484 = tpu.vector_load %arg19[%get3A_482, %get3A_483] {strides = array<i32>} : memref<48x128xi32, #tpu.memory_space<vmem>>, vector<16xi32>,
          %bitcast3A_485 = vector.bitcast %get3A_484 : vector<16xi32> to vector<32xbf16>
          %add3A_486 = arith.addf %bitcast3A_481, %bitcast3A_485 : vector<32xbf16>
          %max3A_487 = arith.constant 0.000000e+00 : bf16
          %max3A_488 = vector.broadcast %max3A_487 : bf16 to vector<32xbf16>
          %max3A_489 = arith.maximumf %add3A_486, %max3A_488 : vector<32xbf16>
          %bitcast3A_490 = vector.bitcast %max3A_489 : vector<32xbf16> to vector<16xi32>
          %shift_left3A_491 = arith.constant 16 : i32
          %shift_left3A_492 = vector.broadcast %shift_left3A_491 : i32 to vector<16xi32>
          %shift_left3A_493 = arith.shli %bitcast3A_490, %shift_left3A_492 : vector<16xi32>
          %bitcast3A_494 = vector.bitcast %shift_left3A_493 : vector<16xi32> to vector<16xf32>
          %and3A_495 = arith.andi %bitcast3A_490, %broadcast_in_dim3A_40 : vector<16xi32>
          %bitcast3A_496 = vector.bitcast %and3A_495 : vector<16xi32> to vector<16xf32>
          %mul3A_497 = arith.mulf %bitcast3A_494, %get3A_17 : vector<16xf32>
          %add3A_498 = arith.addf %add3A_477, %mul3A_497 : vector<16xf32>
          %mul3A_499 = arith.mulf %bitcast3A_496, %get3A_33 : vector<16xf32>
          %add3A_500 = arith.addf %add3A_498, %mul3A_499 : vector<16xf32>
          %get3A_501 = arith.index_cast %add3A_365 : i32 to index
          %get3A_502 = arith.constant 96 : index
          %get3A_503 = tpu.vector_load %arg15[%get3A_501, %get3A_502] {strides = array<i32>} : memref<48x128xi32, #tpu.memory_space<vmem>>, vector<16xi32>,
          %bitcast3A_504 = vector.bitcast %get3A_503 : vector<16xi32> to vector<32xbf16>
          %get3A_505 = arith.index_cast %add3A_365 : i32 to index
          %get3A_506 = arith.constant 96 : index
          %get3A_507 = tpu.vector_load %arg19[%get3A_505, %get3A_506] {strides = array<i32>} : memref<48x128xi32, #tpu.memory_space<vmem>>, vector<16xi32>,
          %bitcast3A_508 = vector.bitcast %get3A_507 : vector<16xi32> to vector<32xbf16>
          %add3A_509 = arith.addf %bitcast3A_504, %bitcast3A_508 : vector<32xbf16>
          %max3A_510 = arith.constant 0.000000e+00 : bf16
          %max3A_511 = vector.broadcast %max3A_510 : bf16 to vector<32xbf16>
          %max3A_512 = arith.maximumf %add3A_509, %max3A_511 : vector<32xbf16>
          %bitcast3A_513 = vector.bitcast %max3A_512 : vector<32xbf16> to vector<16xi32>
          %shift_left3A_514 = arith.constant 16 : i32
          %shift_left3A_515 = vector.broadcast %shift_left3A_514 : i32 to vector<16xi32>
          %shift_left3A_516 = arith.shli %bitcast3A_513, %shift_left3A_515 : vector<16xi32>
          %bitcast3A_517 = vector.bitcast %shift_left3A_516 : vector<16xi32> to vector<16xf32>
          %and3A_518 = arith.andi %bitcast3A_513, %broadcast_in_dim3A_40 : vector<16xi32>
          %bitcast3A_519 = vector.bitcast %and3A_518 : vector<16xi32> to vector<16xf32>
          %mul3A_520 = arith.mulf %bitcast3A_517, %get3A_19 : vector<16xf32>
          %add3A_521 = arith.addf %add3A_500, %mul3A_520 : vector<16xf32>
          %mul3A_522 = arith.mulf %bitcast3A_519, %get3A_35 : vector<16xf32>
          %add3A_523 = arith.addf %add3A_521, %mul3A_522 : vector<16xf32>
          %get3A_524 = arith.index_cast %add3A_365 : i32 to index
          %get3A_525 = arith.constant 112 : index
          %get3A_526 = tpu.vector_load %arg15[%get3A_524, %get3A_525] {strides = array<i32>} : memref<48x128xi32, #tpu.memory_space<vmem>>, vector<16xi32>,
          %bitcast3A_527 = vector.bitcast %get3A_526 : vector<16xi32> to vector<32xbf16>
          %get3A_528 = arith.index_cast %add3A_365 : i32 to index
          %get3A_529 = arith.constant 112 : index
          %get3A_530 = tpu.vector_load %arg19[%get3A_528, %get3A_529] {strides = array<i32>} : memref<48x128xi32, #tpu.memory_space<vmem>>, vector<16xi32>,
          %bitcast3A_531 = vector.bitcast %get3A_530 : vector<16xi32> to vector<32xbf16>
          %add3A_532 = arith.addf %bitcast3A_527, %bitcast3A_531 : vector<32xbf16>
          %max3A_533 = arith.constant 0.000000e+00 : bf16
          %max3A_534 = vector.broadcast %max3A_533 : bf16 to vector<32xbf16>
          %max3A_535 = arith.maximumf %add3A_532, %max3A_534 : vector<32xbf16>
          %bitcast3A_536 = vector.bitcast %max3A_535 : vector<32xbf16> to vector<16xi32>
          %shift_left3A_537 = arith.constant 16 : i32
          %shift_left3A_538 = vector.broadcast %shift_left3A_537 : i32 to vector<16xi32>
          %shift_left3A_539 = arith.shli %bitcast3A_536, %shift_left3A_538 : vector<16xi32>
          %bitcast3A_540 = vector.bitcast %shift_left3A_539 : vector<16xi32> to vector<16xf32>
          %and3A_541 = arith.andi %bitcast3A_536, %broadcast_in_dim3A_40 : vector<16xi32>
          %bitcast3A_542 = vector.bitcast %and3A_541 : vector<16xi32> to vector<16xf32>
          %mul3A_543 = arith.mulf %bitcast3A_540, %get3A_21 : vector<16xf32>
          %add3A_544 = arith.addf %add3A_523, %mul3A_543 : vector<16xf32>
          %mul3A_545 = arith.mulf %bitcast3A_542, %get3A_37 : vector<16xf32>
          %add3A_546 = arith.addf %add3A_544, %mul3A_545 : vector<16xf32>
          %mul3A_547 = arith.constant 16 : i32
          %mul3A_548 = arith.muli %scan3A_361, %mul3A_547 : i32
          %swap3A_549 = arith.index_cast %mul3A_548 : i32 to index
          %swap3A_550 = tpu.vector_load %arg12[%swap3A_549] {strides = array<i32>} : memref<256xf32, #tpu.memory_space<vmem>>, vector<16xf32>,
          tpu.vector_store %arg12[%swap3A_549], %add3A_546 {strides = array<i32>} : memref<256xf32, #tpu.memory_space<vmem>>, vector<16xf32>,
          %scan3A_551 = arith.constant 0 : i32
          scf.yield %scan3A_551 : i32
        }
        %scan3A_233 = arith.constant 16 : i32
        %mul3A_234 = arith.constant 16 : i32
        %mul3A_235 = vector.broadcast %mul3A_234 : i32 to vector<16xi32>
        %mul3A_236 = arith.muli %iota3A, %mul3A_235 : vector<16xi32>
        %gather3A = tpu.vector_load_idx %arg12[%mul3A_236] : memref<256xf32, #tpu.memory_space<vmem>>[vector<16xi32>], vector<16xf32>,
        %mul3A_237 = arith.constant 16 : i32
        %mul3A_238 = vector.broadcast %mul3A_237 : i32 to vector<16xi32>
        %mul3A_239 = arith.muli %iota3A, %mul3A_238 : vector<16xi32>
        %add3A_240 = arith.constant 1 : i32
        %add3A_241 = vector.broadcast %add3A_240 : i32 to vector<16xi32>
        %add3A_242 = arith.addi %mul3A_239, %add3A_241 : vector<16xi32>
        %gather3A_243 = tpu.vector_load_idx %arg12[%add3A_242] : memref<256xf32, #tpu.memory_space<vmem>>[vector<16xi32>], vector<16xf32>,
        %add3A_244 = arith.addf %gather3A, %gather3A_243 : vector<16xf32>
        %mul3A_245 = arith.constant 16 : i32
        %mul3A_246 = vector.broadcast %mul3A_245 : i32 to vector<16xi32>
        %mul3A_247 = arith.muli %iota3A, %mul3A_246 : vector<16xi32>
        %add3A_248 = arith.constant 2 : i32
        %add3A_249 = vector.broadcast %add3A_248 : i32 to vector<16xi32>
        %add3A_250 = arith.addi %mul3A_247, %add3A_249 : vector<16xi32>
        %gather3A_251 = tpu.vector_load_idx %arg12[%add3A_250] : memref<256xf32, #tpu.memory_space<vmem>>[vector<16xi32>], vector<16xf32>,
        %add3A_252 = arith.addf %add3A_244, %gather3A_251 : vector<16xf32>
        %mul3A_253 = arith.constant 16 : i32
        %mul3A_254 = vector.broadcast %mul3A_253 : i32 to vector<16xi32>
        %mul3A_255 = arith.muli %iota3A, %mul3A_254 : vector<16xi32>
        %add3A_256 = arith.constant 3 : i32
        %add3A_257 = vector.broadcast %add3A_256 : i32 to vector<16xi32>
        %add3A_258 = arith.addi %mul3A_255, %add3A_257 : vector<16xi32>
        %gather3A_259 = tpu.vector_load_idx %arg12[%add3A_258] : memref<256xf32, #tpu.memory_space<vmem>>[vector<16xi32>], vector<16xf32>,
        %add3A_260 = arith.addf %add3A_252, %gather3A_259 : vector<16xf32>
        %mul3A_261 = arith.constant 16 : i32
        %mul3A_262 = vector.broadcast %mul3A_261 : i32 to vector<16xi32>
        %mul3A_263 = arith.muli %iota3A, %mul3A_262 : vector<16xi32>
        %add3A_264 = arith.constant 4 : i32
        %add3A_265 = vector.broadcast %add3A_264 : i32 to vector<16xi32>
        %add3A_266 = arith.addi %mul3A_263, %add3A_265 : vector<16xi32>
        %gather3A_267 = tpu.vector_load_idx %arg12[%add3A_266] : memref<256xf32, #tpu.memory_space<vmem>>[vector<16xi32>], vector<16xf32>,
        %add3A_268 = arith.addf %add3A_260, %gather3A_267 : vector<16xf32>
        %mul3A_269 = arith.constant 16 : i32
        %mul3A_270 = vector.broadcast %mul3A_269 : i32 to vector<16xi32>
        %mul3A_271 = arith.muli %iota3A, %mul3A_270 : vector<16xi32>
        %add3A_272 = arith.constant 5 : i32
        %add3A_273 = vector.broadcast %add3A_272 : i32 to vector<16xi32>
        %add3A_274 = arith.addi %mul3A_271, %add3A_273 : vector<16xi32>
        %gather3A_275 = tpu.vector_load_idx %arg12[%add3A_274] : memref<256xf32, #tpu.memory_space<vmem>>[vector<16xi32>], vector<16xf32>,
        %add3A_276 = arith.addf %add3A_268, %gather3A_275 : vector<16xf32>
        %mul3A_277 = arith.constant 16 : i32
        %mul3A_278 = vector.broadcast %mul3A_277 : i32 to vector<16xi32>
        %mul3A_279 = arith.muli %iota3A, %mul3A_278 : vector<16xi32>
        %add3A_280 = arith.constant 6 : i32
        %add3A_281 = vector.broadcast %add3A_280 : i32 to vector<16xi32>
        %add3A_282 = arith.addi %mul3A_279, %add3A_281 : vector<16xi32>
        %gather3A_283 = tpu.vector_load_idx %arg12[%add3A_282] : memref<256xf32, #tpu.memory_space<vmem>>[vector<16xi32>], vector<16xf32>,
        %add3A_284 = arith.addf %add3A_276, %gather3A_283 : vector<16xf32>
        %mul3A_285 = arith.constant 16 : i32
        %mul3A_286 = vector.broadcast %mul3A_285 : i32 to vector<16xi32>
        %mul3A_287 = arith.muli %iota3A, %mul3A_286 : vector<16xi32>
        %add3A_288 = arith.constant 7 : i32
        %add3A_289 = vector.broadcast %add3A_288 : i32 to vector<16xi32>
        %add3A_290 = arith.addi %mul3A_287, %add3A_289 : vector<16xi32>
        %gather3A_291 = tpu.vector_load_idx %arg12[%add3A_290] : memref<256xf32, #tpu.memory_space<vmem>>[vector<16xi32>], vector<16xf32>,
        %add3A_292 = arith.addf %add3A_284, %gather3A_291 : vector<16xf32>
        %mul3A_293 = arith.constant 16 : i32
        %mul3A_294 = vector.broadcast %mul3A_293 : i32 to vector<16xi32>
        %mul3A_295 = arith.muli %iota3A, %mul3A_294 : vector<16xi32>
        %add3A_296 = arith.constant 8 : i32
        %add3A_297 = vector.broadcast %add3A_296 : i32 to vector<16xi32>
        %add3A_298 = arith.addi %mul3A_295, %add3A_297 : vector<16xi32>
        %gather3A_299 = tpu.vector_load_idx %arg12[%add3A_298] : memref<256xf32, #tpu.memory_space<vmem>>[vector<16xi32>], vector<16xf32>,
        %add3A_300 = arith.addf %add3A_292, %gather3A_299 : vector<16xf32>
        %mul3A_301 = arith.constant 16 : i32
        %mul3A_302 = vector.broadcast %mul3A_301 : i32 to vector<16xi32>
        %mul3A_303 = arith.muli %iota3A, %mul3A_302 : vector<16xi32>
        %add3A_304 = arith.constant 9 : i32
        %add3A_305 = vector.broadcast %add3A_304 : i32 to vector<16xi32>
        %add3A_306 = arith.addi %mul3A_303, %add3A_305 : vector<16xi32>
        %gather3A_307 = tpu.vector_load_idx %arg12[%add3A_306] : memref<256xf32, #tpu.memory_space<vmem>>[vector<16xi32>], vector<16xf32>,
        %add3A_308 = arith.addf %add3A_300, %gather3A_307 : vector<16xf32>
        %mul3A_309 = arith.constant 16 : i32
        %mul3A_310 = vector.broadcast %mul3A_309 : i32 to vector<16xi32>
        %mul3A_311 = arith.muli %iota3A, %mul3A_310 : vector<16xi32>
        %add3A_312 = arith.constant 10 : i32
        %add3A_313 = vector.broadcast %add3A_312 : i32 to vector<16xi32>
        %add3A_314 = arith.addi %mul3A_311, %add3A_313 : vector<16xi32>
        %gather3A_315 = tpu.vector_load_idx %arg12[%add3A_314] : memref<256xf32, #tpu.memory_space<vmem>>[vector<16xi32>], vector<16xf32>,
        %add3A_316 = arith.addf %add3A_308, %gather3A_315 : vector<16xf32>
        %mul3A_317 = arith.constant 16 : i32
        %mul3A_318 = vector.broadcast %mul3A_317 : i32 to vector<16xi32>
        %mul3A_319 = arith.muli %iota3A, %mul3A_318 : vector<16xi32>
        %add3A_320 = arith.constant 11 : i32
        %add3A_321 = vector.broadcast %add3A_320 : i32 to vector<16xi32>
        %add3A_322 = arith.addi %mul3A_319, %add3A_321 : vector<16xi32>
        %gather3A_323 = tpu.vector_load_idx %arg12[%add3A_322] : memref<256xf32, #tpu.memory_space<vmem>>[vector<16xi32>], vector<16xf32>,
        %add3A_324 = arith.addf %add3A_316, %gather3A_323 : vector<16xf32>
        %mul3A_325 = arith.constant 16 : i32
        %mul3A_326 = vector.broadcast %mul3A_325 : i32 to vector<16xi32>
        %mul3A_327 = arith.muli %iota3A, %mul3A_326 : vector<16xi32>
        %add3A_328 = arith.constant 12 : i32
        %add3A_329 = vector.broadcast %add3A_328 : i32 to vector<16xi32>
        %add3A_330 = arith.addi %mul3A_327, %add3A_329 : vector<16xi32>
        %gather3A_331 = tpu.vector_load_idx %arg12[%add3A_330] : memref<256xf32, #tpu.memory_space<vmem>>[vector<16xi32>], vector<16xf32>,
        %add3A_332 = arith.addf %add3A_324, %gather3A_331 : vector<16xf32>
        %mul3A_333 = arith.constant 16 : i32
        %mul3A_334 = vector.broadcast %mul3A_333 : i32 to vector<16xi32>
        %mul3A_335 = arith.muli %iota3A, %mul3A_334 : vector<16xi32>
        %add3A_336 = arith.constant 13 : i32
        %add3A_337 = vector.broadcast %add3A_336 : i32 to vector<16xi32>
        %add3A_338 = arith.addi %mul3A_335, %add3A_337 : vector<16xi32>
        %gather3A_339 = tpu.vector_load_idx %arg12[%add3A_338] : memref<256xf32, #tpu.memory_space<vmem>>[vector<16xi32>], vector<16xf32>,
        %add3A_340 = arith.addf %add3A_332, %gather3A_339 : vector<16xf32>
        %mul3A_341 = arith.constant 16 : i32
        %mul3A_342 = vector.broadcast %mul3A_341 : i32 to vector<16xi32>
        %mul3A_343 = arith.muli %iota3A, %mul3A_342 : vector<16xi32>
        %add3A_344 = arith.constant 14 : i32
        %add3A_345 = vector.broadcast %add3A_344 : i32 to vector<16xi32>
        %add3A_346 = arith.addi %mul3A_343, %add3A_345 : vector<16xi32>
        %gather3A_347 = tpu.vector_load_idx %arg12[%add3A_346] : memref<256xf32, #tpu.memory_space<vmem>>[vector<16xi32>], vector<16xf32>,
        %add3A_348 = arith.addf %add3A_340, %gather3A_347 : vector<16xf32>
        %mul3A_349 = arith.constant 16 : i32
        %mul3A_350 = vector.broadcast %mul3A_349 : i32 to vector<16xi32>
        %mul3A_351 = arith.muli %iota3A, %mul3A_350 : vector<16xi32>
        %add3A_352 = arith.constant 15 : i32
        %add3A_353 = vector.broadcast %add3A_352 : i32 to vector<16xi32>
        %add3A_354 = arith.addi %mul3A_351, %add3A_353 : vector<16xi32>
        %gather3A_355 = tpu.vector_load_idx %arg12[%add3A_354] : memref<256xf32, #tpu.memory_space<vmem>>[vector<16xi32>], vector<16xf32>,
        %add3A_356 = arith.addf %add3A_348, %gather3A_355 : vector<16xf32>
        %mul3A_357 = arith.constant 16 : i32
        %mul3A_358 = arith.muli %scan3A_225, %mul3A_357 : i32
        %swap3A = arith.index_cast %mul3A_358 : i32 to index
        %swap3A_359 = tpu.vector_load %arg10[%swap3A] {strides = array<i32>} : memref<48xf32, #tpu.memory_space<vmem>>, vector<16xf32>,
        tpu.vector_store %arg10[%swap3A], %add3A_356 {strides = array<i32>} : memref<48xf32, #tpu.memory_space<vmem>>, vector<16xf32>,
        %scan3A_360 = arith.constant 0 : i32
        scf.yield %scan3A_360 : i32
      }
      %scan3A_188 = arith.constant 3 : i32
      %mul3A_189 = arith.constant 48 : i32
      %mul3A_190 = arith.muli %add3A_163, %mul3A_189 : i32
      %add3A_191 = arith.addi %select_n3A_6, %mul3A_190 : i32
      "tpu.region"() ({
        %run_scoped3A = tpu.sem_alloc : memref<!tpu.dma_semaphore, #tpu.memory_space<semaphore_mem>>
        %dma_start3A_225 = tpu.memref_slice %arg7[%add3A_191] : memref<162816xf32, #tpu.memory_space<hbm>> -> memref<48xf32, #tpu.memory_space<hbm>>
        %dma_start3A_226 = tpu.memref_slice %arg7[%add3A_191] : memref<162816xf32, #tpu.memory_space<hbm>> -> memref<48xf32, #tpu.memory_space<hbm>>
        tpu.enqueue_dma source(%arg10 : memref<48xf32, #tpu.memory_space<vmem>>) target(%dma_start3A_226 : memref<48xf32, #tpu.memory_space<hbm>>) target_semaphore(%run_scoped3A : memref<!tpu.dma_semaphore, #tpu.memory_space<semaphore_mem>>)
        %dma_wait3A_227 = tpu.memref_slice %arg7[%add3A_191] : memref<162816xf32, #tpu.memory_space<hbm>> -> memref<48xf32, #tpu.memory_space<hbm>>
        %dma_wait3A_228 = tpu.memref_slice %arg7[%add3A_191] : memref<162816xf32, #tpu.memory_space<hbm>> -> memref<48xf32, #tpu.memory_space<hbm>>
        tpu.wait_dma2 semaphore(%run_scoped3A : memref<!tpu.dma_semaphore, #tpu.memory_space<semaphore_mem>>) src(%arg10 : memref<48xf32, #tpu.memory_space<vmem>>) dst(%dma_wait3A_228 : memref<48xf32, #tpu.memory_space<hbm>>)
        tpu.yield
      }) : () -> ()
      %mul3A_192 = arith.constant 4 : i32
      %mul3A_193 = arith.muli %while3A_99, %mul3A_192 : i32
      %add3A_194 = arith.constant 3 : i32
      %add3A_195 = arith.addi %mul3A_193, %add3A_194 : i32
      %add3A_196 = arith.constant 4 : i32
      %add3A_197 = arith.addi %add3A_195, %add3A_196 : i32
      %sub3A_198 = arith.constant 1 : i32
      %sub3A_199 = arith.subi %add3A_197, %sub3A_198 : i32
      %lt3A_200 = arith.cmpi slt, %sub3A_199, %select_n3A : i32
      %convert_element_type3A_201 = arith.extui %lt3A_200 : i1 to i32
      %cond3A_202 = arith.constant 0 : i32
      %cond3A_203 = arith.cmpi ne, %convert_element_type3A_201, %cond3A_202 : i32
      scf.if %cond3A_203 {
        %add3A_225 = arith.constant 4 : i32
        %add3A_226 = arith.addi %add3A_195, %add3A_225 : i32
        %sub3A_227 = arith.constant 1 : i32
        %sub3A_228 = arith.subi %add3A_226, %sub3A_227 : i32
        %mul3A_229 = arith.constant 48 : i32
        %mul3A_230 = arith.muli %sub3A_228, %mul3A_229 : i32
        %dma_start3A_231 = tpu.memref_slice %arg8[%mul3A_230] : memref<6528xi32, #tpu.memory_space<vmem>> -> memref<48xi32, #tpu.memory_space<vmem>>
        %dma_start3A_232 = arith.constant 0 : i32
        %dma_start3A_233 = arith.constant 0 : i32
        %dma_start3A_234 = tpu.memref_slice %arg2[%dma_start3A_232, %dma_start3A_233] : memref<10000x128xi32, #tpu.memory_space<hbm>> -> memref<10000x128xi32, #tpu.memory_space<hbm>>
        tpu.enqueue_indirect_dma source(%dma_start3A_234 : memref<10000x128xi32, #tpu.memory_space<hbm>>) target(%arg15 : memref<48x128xi32, #tpu.memory_space<vmem>>) offsets(%dma_start3A_231 : memref<48xi32, #tpu.memory_space<vmem>>) semaphore(%arg23 : memref<!tpu.dma_semaphore, #tpu.memory_space<semaphore_mem>>)
        %dma_start3A_235 = tpu.memref_slice %arg9[%mul3A_230] : memref<6528xi32, #tpu.memory_space<vmem>> -> memref<48xi32, #tpu.memory_space<vmem>>
        %dma_start3A_236 = arith.constant 0 : i32
        %dma_start3A_237 = arith.constant 0 : i32
        %dma_start3A_238 = tpu.memref_slice %arg3[%dma_start3A_236, %dma_start3A_237] : memref<10000x128xi32, #tpu.memory_space<hbm>> -> memref<10000x128xi32, #tpu.memory_space<hbm>>
        tpu.enqueue_indirect_dma source(%dma_start3A_238 : memref<10000x128xi32, #tpu.memory_space<hbm>>) target(%arg19 : memref<48x128xi32, #tpu.memory_space<vmem>>) offsets(%dma_start3A_235 : memref<48xi32, #tpu.memory_space<vmem>>) semaphore(%arg23 : memref<!tpu.dma_semaphore, #tpu.memory_space<semaphore_mem>>)
      } else {
      }
      %mul3A_204 = arith.constant 48 : i32
      %mul3A_205 = arith.muli %add3A_195, %mul3A_204 : i32
      %dma_wait3A_206 = tpu.memref_slice %arg8[%mul3A_205] : memref<6528xi32, #tpu.memory_space<vmem>> -> memref<48xi32, #tpu.memory_space<vmem>>
      %dma_wait3A_207 = arith.constant 0 : i32
      %dma_wait3A_208 = arith.constant 0 : i32
      %dma_wait3A_209 = tpu.memref_slice %arg2[%dma_wait3A_207, %dma_wait3A_208] : memref<10000x128xi32, #tpu.memory_space<hbm>> -> memref<10000x128xi32, #tpu.memory_space<hbm>>
      tpu.wait_indirect_dma semaphore(%arg24 : memref<!tpu.dma_semaphore, #tpu.memory_space<semaphore_mem>>) src(%dma_wait3A_209 : memref<10000x128xi32, #tpu.memory_space<hbm>>) dst(%arg16 : memref<48x128xi32, #tpu.memory_space<vmem>>)
      %dma_wait3A_210 = tpu.memref_slice %arg9[%mul3A_205] : memref<6528xi32, #tpu.memory_space<vmem>> -> memref<48xi32, #tpu.memory_space<vmem>>
      %dma_wait3A_211 = arith.constant 0 : i32
      %dma_wait3A_212 = arith.constant 0 : i32
      %dma_wait3A_213 = tpu.memref_slice %arg3[%dma_wait3A_211, %dma_wait3A_212] : memref<10000x128xi32, #tpu.memory_space<hbm>> -> memref<10000x128xi32, #tpu.memory_space<hbm>>
      tpu.wait_indirect_dma semaphore(%arg24 : memref<!tpu.dma_semaphore, #tpu.memory_space<semaphore_mem>>) src(%dma_wait3A_213 : memref<10000x128xi32, #tpu.memory_space<hbm>>) dst(%arg20 : memref<48x128xi32, #tpu.memory_space<vmem>>)
      %scan3A_214 = arith.constant 0 : i32
      %scan3A_215 = arith.constant 0 : i32
      %scan3A_216 = arith.constant 3 : i32
      %scan3A_217 = arith.addi %scan3A_215, %scan3A_216 : i32
      %scan3A_218 = arith.constant 1 : i32
      %scan3A_219 = scf.for %scan3A_225 = %scan3A_215 to %scan3A_217 step %scan3A_218 iter_args(%scan3A_226 = %scan3A_214) -> (i32)  : i32 {
        %scan3A_227 = arith.constant 0 : i32
        %scan3A_228 = arith.constant 0 : i32
        %scan3A_229 = arith.constant 16 : i32
        %scan3A_230 = arith.addi %scan3A_228, %scan3A_229 : i32
        %scan3A_231 = arith.constant 1 : i32
        %scan3A_232 = scf.for %scan3A_361 = %scan3A_228 to %scan3A_230 step %scan3A_231 iter_args(%scan3A_362 = %scan3A_227) -> (i32)  : i32 {
          %mul3A_363 = arith.constant 16 : i32
          %mul3A_364 = arith.muli %scan3A_225, %mul3A_363 : i32
          %add3A_365 = arith.addi %mul3A_364, %scan3A_361 : i32
          %get3A_366 = arith.index_cast %add3A_365 : i32 to index
          %get3A_367 = arith.constant 0 : index
          %get3A_368 = tpu.vector_load %arg16[%get3A_366, %get3A_367] {strides = array<i32>} : memref<48x128xi32, #tpu.memory_space<vmem>>, vector<16xi32>,
          %bitcast3A = vector.bitcast %get3A_368 : vector<16xi32> to vector<32xbf16>
          %get3A_369 = arith.index_cast %add3A_365 : i32 to index
          %get3A_370 = arith.constant 0 : index
          %get3A_371 = tpu.vector_load %arg20[%get3A_369, %get3A_370] {strides = array<i32>} : memref<48x128xi32, #tpu.memory_space<vmem>>, vector<16xi32>,
          %bitcast3A_372 = vector.bitcast %get3A_371 : vector<16xi32> to vector<32xbf16>
          %add3A_373 = arith.addf %bitcast3A, %bitcast3A_372 : vector<32xbf16>
          %max3A = arith.constant 0.000000e+00 : bf16
          %max3A_374 = vector.broadcast %max3A : bf16 to vector<32xbf16>
          %max3A_375 = arith.maximumf %add3A_373, %max3A_374 : vector<32xbf16>
          %bitcast3A_376 = vector.bitcast %max3A_375 : vector<32xbf16> to vector<16xi32>
          %shift_left3A = arith.constant 16 : i32
          %shift_left3A_377 = vector.broadcast %shift_left3A : i32 to vector<16xi32>
          %shift_left3A_378 = arith.shli %bitcast3A_376, %shift_left3A_377 : vector<16xi32>
          %bitcast3A_379 = vector.bitcast %shift_left3A_378 : vector<16xi32> to vector<16xf32>
          %and3A_380 = arith.andi %bitcast3A_376, %broadcast_in_dim3A_40 : vector<16xi32>
          %bitcast3A_381 = vector.bitcast %and3A_380 : vector<16xi32> to vector<16xf32>
          %mul3A_382 = arith.mulf %bitcast3A_379, %get3A_7 : vector<16xf32>
          %add3A_383 = arith.addf %get3A_39, %mul3A_382 : vector<16xf32>
          %mul3A_384 = arith.mulf %bitcast3A_381, %get3A_23 : vector<16xf32>
          %add3A_385 = arith.addf %add3A_383, %mul3A_384 : vector<16xf32>
          %get3A_386 = arith.index_cast %add3A_365 : i32 to index
          %get3A_387 = arith.constant 16 : index
          %get3A_388 = tpu.vector_load %arg16[%get3A_386, %get3A_387] {strides = array<i32>} : memref<48x128xi32, #tpu.memory_space<vmem>>, vector<16xi32>,
          %bitcast3A_389 = vector.bitcast %get3A_388 : vector<16xi32> to vector<32xbf16>
          %get3A_390 = arith.index_cast %add3A_365 : i32 to index
          %get3A_391 = arith.constant 16 : index
          %get3A_392 = tpu.vector_load %arg20[%get3A_390, %get3A_391] {strides = array<i32>} : memref<48x128xi32, #tpu.memory_space<vmem>>, vector<16xi32>,
          %bitcast3A_393 = vector.bitcast %get3A_392 : vector<16xi32> to vector<32xbf16>
          %add3A_394 = arith.addf %bitcast3A_389, %bitcast3A_393 : vector<32xbf16>
          %max3A_395 = arith.constant 0.000000e+00 : bf16
          %max3A_396 = vector.broadcast %max3A_395 : bf16 to vector<32xbf16>
          %max3A_397 = arith.maximumf %add3A_394, %max3A_396 : vector<32xbf16>
          %bitcast3A_398 = vector.bitcast %max3A_397 : vector<32xbf16> to vector<16xi32>
          %shift_left3A_399 = arith.constant 16 : i32
          %shift_left3A_400 = vector.broadcast %shift_left3A_399 : i32 to vector<16xi32>
          %shift_left3A_401 = arith.shli %bitcast3A_398, %shift_left3A_400 : vector<16xi32>
          %bitcast3A_402 = vector.bitcast %shift_left3A_401 : vector<16xi32> to vector<16xf32>
          %and3A_403 = arith.andi %bitcast3A_398, %broadcast_in_dim3A_40 : vector<16xi32>
          %bitcast3A_404 = vector.bitcast %and3A_403 : vector<16xi32> to vector<16xf32>
          %mul3A_405 = arith.mulf %bitcast3A_402, %get3A_9 : vector<16xf32>
          %add3A_406 = arith.addf %add3A_385, %mul3A_405 : vector<16xf32>
          %mul3A_407 = arith.mulf %bitcast3A_404, %get3A_25 : vector<16xf32>
          %add3A_408 = arith.addf %add3A_406, %mul3A_407 : vector<16xf32>
          %get3A_409 = arith.index_cast %add3A_365 : i32 to index
          %get3A_410 = arith.constant 32 : index
          %get3A_411 = tpu.vector_load %arg16[%get3A_409, %get3A_410] {strides = array<i32>} : memref<48x128xi32, #tpu.memory_space<vmem>>, vector<16xi32>,
          %bitcast3A_412 = vector.bitcast %get3A_411 : vector<16xi32> to vector<32xbf16>
          %get3A_413 = arith.index_cast %add3A_365 : i32 to index
          %get3A_414 = arith.constant 32 : index
          %get3A_415 = tpu.vector_load %arg20[%get3A_413, %get3A_414] {strides = array<i32>} : memref<48x128xi32, #tpu.memory_space<vmem>>, vector<16xi32>,
          %bitcast3A_416 = vector.bitcast %get3A_415 : vector<16xi32> to vector<32xbf16>
          %add3A_417 = arith.addf %bitcast3A_412, %bitcast3A_416 : vector<32xbf16>
          %max3A_418 = arith.constant 0.000000e+00 : bf16
          %max3A_419 = vector.broadcast %max3A_418 : bf16 to vector<32xbf16>
          %max3A_420 = arith.maximumf %add3A_417, %max3A_419 : vector<32xbf16>
          %bitcast3A_421 = vector.bitcast %max3A_420 : vector<32xbf16> to vector<16xi32>
          %shift_left3A_422 = arith.constant 16 : i32
          %shift_left3A_423 = vector.broadcast %shift_left3A_422 : i32 to vector<16xi32>
          %shift_left3A_424 = arith.shli %bitcast3A_421, %shift_left3A_423 : vector<16xi32>
          %bitcast3A_425 = vector.bitcast %shift_left3A_424 : vector<16xi32> to vector<16xf32>
          %and3A_426 = arith.andi %bitcast3A_421, %broadcast_in_dim3A_40 : vector<16xi32>
          %bitcast3A_427 = vector.bitcast %and3A_426 : vector<16xi32> to vector<16xf32>
          %mul3A_428 = arith.mulf %bitcast3A_425, %get3A_11 : vector<16xf32>
          %add3A_429 = arith.addf %add3A_408, %mul3A_428 : vector<16xf32>
          %mul3A_430 = arith.mulf %bitcast3A_427, %get3A_27 : vector<16xf32>
          %add3A_431 = arith.addf %add3A_429, %mul3A_430 : vector<16xf32>
          %get3A_432 = arith.index_cast %add3A_365 : i32 to index
          %get3A_433 = arith.constant 48 : index
          %get3A_434 = tpu.vector_load %arg16[%get3A_432, %get3A_433] {strides = array<i32>} : memref<48x128xi32, #tpu.memory_space<vmem>>, vector<16xi32>,
          %bitcast3A_435 = vector.bitcast %get3A_434 : vector<16xi32> to vector<32xbf16>
          %get3A_436 = arith.index_cast %add3A_365 : i32 to index
          %get3A_437 = arith.constant 48 : index
          %get3A_438 = tpu.vector_load %arg20[%get3A_436, %get3A_437] {strides = array<i32>} : memref<48x128xi32, #tpu.memory_space<vmem>>, vector<16xi32>,
          %bitcast3A_439 = vector.bitcast %get3A_438 : vector<16xi32> to vector<32xbf16>
          %add3A_440 = arith.addf %bitcast3A_435, %bitcast3A_439 : vector<32xbf16>
          %max3A_441 = arith.constant 0.000000e+00 : bf16
          %max3A_442 = vector.broadcast %max3A_441 : bf16 to vector<32xbf16>
          %max3A_443 = arith.maximumf %add3A_440, %max3A_442 : vector<32xbf16>
          %bitcast3A_444 = vector.bitcast %max3A_443 : vector<32xbf16> to vector<16xi32>
          %shift_left3A_445 = arith.constant 16 : i32
          %shift_left3A_446 = vector.broadcast %shift_left3A_445 : i32 to vector<16xi32>
          %shift_left3A_447 = arith.shli %bitcast3A_444, %shift_left3A_446 : vector<16xi32>
          %bitcast3A_448 = vector.bitcast %shift_left3A_447 : vector<16xi32> to vector<16xf32>
          %and3A_449 = arith.andi %bitcast3A_444, %broadcast_in_dim3A_40 : vector<16xi32>
          %bitcast3A_450 = vector.bitcast %and3A_449 : vector<16xi32> to vector<16xf32>
          %mul3A_451 = arith.mulf %bitcast3A_448, %get3A_13 : vector<16xf32>
          %add3A_452 = arith.addf %add3A_431, %mul3A_451 : vector<16xf32>
          %mul3A_453 = arith.mulf %bitcast3A_450, %get3A_29 : vector<16xf32>
          %add3A_454 = arith.addf %add3A_452, %mul3A_453 : vector<16xf32>
          %get3A_455 = arith.index_cast %add3A_365 : i32 to index
          %get3A_456 = arith.constant 64 : index
          %get3A_457 = tpu.vector_load %arg16[%get3A_455, %get3A_456] {strides = array<i32>} : memref<48x128xi32, #tpu.memory_space<vmem>>, vector<16xi32>,
          %bitcast3A_458 = vector.bitcast %get3A_457 : vector<16xi32> to vector<32xbf16>
          %get3A_459 = arith.index_cast %add3A_365 : i32 to index
          %get3A_460 = arith.constant 64 : index
          %get3A_461 = tpu.vector_load %arg20[%get3A_459, %get3A_460] {strides = array<i32>} : memref<48x128xi32, #tpu.memory_space<vmem>>, vector<16xi32>,
          %bitcast3A_462 = vector.bitcast %get3A_461 : vector<16xi32> to vector<32xbf16>
          %add3A_463 = arith.addf %bitcast3A_458, %bitcast3A_462 : vector<32xbf16>
          %max3A_464 = arith.constant 0.000000e+00 : bf16
          %max3A_465 = vector.broadcast %max3A_464 : bf16 to vector<32xbf16>
          %max3A_466 = arith.maximumf %add3A_463, %max3A_465 : vector<32xbf16>
          %bitcast3A_467 = vector.bitcast %max3A_466 : vector<32xbf16> to vector<16xi32>
          %shift_left3A_468 = arith.constant 16 : i32
          %shift_left3A_469 = vector.broadcast %shift_left3A_468 : i32 to vector<16xi32>
          %shift_left3A_470 = arith.shli %bitcast3A_467, %shift_left3A_469 : vector<16xi32>
          %bitcast3A_471 = vector.bitcast %shift_left3A_470 : vector<16xi32> to vector<16xf32>
          %and3A_472 = arith.andi %bitcast3A_467, %broadcast_in_dim3A_40 : vector<16xi32>
          %bitcast3A_473 = vector.bitcast %and3A_472 : vector<16xi32> to vector<16xf32>
          %mul3A_474 = arith.mulf %bitcast3A_471, %get3A_15 : vector<16xf32>
          %add3A_475 = arith.addf %add3A_454, %mul3A_474 : vector<16xf32>
          %mul3A_476 = arith.mulf %bitcast3A_473, %get3A_31 : vector<16xf32>
          %add3A_477 = arith.addf %add3A_475, %mul3A_476 : vector<16xf32>
          %get3A_478 = arith.index_cast %add3A_365 : i32 to index
          %get3A_479 = arith.constant 80 : index
          %get3A_480 = tpu.vector_load %arg16[%get3A_478, %get3A_479] {strides = array<i32>} : memref<48x128xi32, #tpu.memory_space<vmem>>, vector<16xi32>,
          %bitcast3A_481 = vector.bitcast %get3A_480 : vector<16xi32> to vector<32xbf16>
          %get3A_482 = arith.index_cast %add3A_365 : i32 to index
          %get3A_483 = arith.constant 80 : index
          %get3A_484 = tpu.vector_load %arg20[%get3A_482, %get3A_483] {strides = array<i32>} : memref<48x128xi32, #tpu.memory_space<vmem>>, vector<16xi32>,
          %bitcast3A_485 = vector.bitcast %get3A_484 : vector<16xi32> to vector<32xbf16>
          %add3A_486 = arith.addf %bitcast3A_481, %bitcast3A_485 : vector<32xbf16>
          %max3A_487 = arith.constant 0.000000e+00 : bf16
          %max3A_488 = vector.broadcast %max3A_487 : bf16 to vector<32xbf16>
          %max3A_489 = arith.maximumf %add3A_486, %max3A_488 : vector<32xbf16>
          %bitcast3A_490 = vector.bitcast %max3A_489 : vector<32xbf16> to vector<16xi32>
          %shift_left3A_491 = arith.constant 16 : i32
          %shift_left3A_492 = vector.broadcast %shift_left3A_491 : i32 to vector<16xi32>
          %shift_left3A_493 = arith.shli %bitcast3A_490, %shift_left3A_492 : vector<16xi32>
          %bitcast3A_494 = vector.bitcast %shift_left3A_493 : vector<16xi32> to vector<16xf32>
          %and3A_495 = arith.andi %bitcast3A_490, %broadcast_in_dim3A_40 : vector<16xi32>
          %bitcast3A_496 = vector.bitcast %and3A_495 : vector<16xi32> to vector<16xf32>
          %mul3A_497 = arith.mulf %bitcast3A_494, %get3A_17 : vector<16xf32>
          %add3A_498 = arith.addf %add3A_477, %mul3A_497 : vector<16xf32>
          %mul3A_499 = arith.mulf %bitcast3A_496, %get3A_33 : vector<16xf32>
          %add3A_500 = arith.addf %add3A_498, %mul3A_499 : vector<16xf32>
          %get3A_501 = arith.index_cast %add3A_365 : i32 to index
          %get3A_502 = arith.constant 96 : index
          %get3A_503 = tpu.vector_load %arg16[%get3A_501, %get3A_502] {strides = array<i32>} : memref<48x128xi32, #tpu.memory_space<vmem>>, vector<16xi32>,
          %bitcast3A_504 = vector.bitcast %get3A_503 : vector<16xi32> to vector<32xbf16>
          %get3A_505 = arith.index_cast %add3A_365 : i32 to index
          %get3A_506 = arith.constant 96 : index
          %get3A_507 = tpu.vector_load %arg20[%get3A_505, %get3A_506] {strides = array<i32>} : memref<48x128xi32, #tpu.memory_space<vmem>>, vector<16xi32>,
          %bitcast3A_508 = vector.bitcast %get3A_507 : vector<16xi32> to vector<32xbf16>
          %add3A_509 = arith.addf %bitcast3A_504, %bitcast3A_508 : vector<32xbf16>
          %max3A_510 = arith.constant 0.000000e+00 : bf16
          %max3A_511 = vector.broadcast %max3A_510 : bf16 to vector<32xbf16>
          %max3A_512 = arith.maximumf %add3A_509, %max3A_511 : vector<32xbf16>
          %bitcast3A_513 = vector.bitcast %max3A_512 : vector<32xbf16> to vector<16xi32>
          %shift_left3A_514 = arith.constant 16 : i32
          %shift_left3A_515 = vector.broadcast %shift_left3A_514 : i32 to vector<16xi32>
          %shift_left3A_516 = arith.shli %bitcast3A_513, %shift_left3A_515 : vector<16xi32>
          %bitcast3A_517 = vector.bitcast %shift_left3A_516 : vector<16xi32> to vector<16xf32>
          %and3A_518 = arith.andi %bitcast3A_513, %broadcast_in_dim3A_40 : vector<16xi32>
          %bitcast3A_519 = vector.bitcast %and3A_518 : vector<16xi32> to vector<16xf32>
          %mul3A_520 = arith.mulf %bitcast3A_517, %get3A_19 : vector<16xf32>
          %add3A_521 = arith.addf %add3A_500, %mul3A_520 : vector<16xf32>
          %mul3A_522 = arith.mulf %bitcast3A_519, %get3A_35 : vector<16xf32>
          %add3A_523 = arith.addf %add3A_521, %mul3A_522 : vector<16xf32>
          %get3A_524 = arith.index_cast %add3A_365 : i32 to index
          %get3A_525 = arith.constant 112 : index
          %get3A_526 = tpu.vector_load %arg16[%get3A_524, %get3A_525] {strides = array<i32>} : memref<48x128xi32, #tpu.memory_space<vmem>>, vector<16xi32>,
          %bitcast3A_527 = vector.bitcast %get3A_526 : vector<16xi32> to vector<32xbf16>
          %get3A_528 = arith.index_cast %add3A_365 : i32 to index
          %get3A_529 = arith.constant 112 : index
          %get3A_530 = tpu.vector_load %arg20[%get3A_528, %get3A_529] {strides = array<i32>} : memref<48x128xi32, #tpu.memory_space<vmem>>, vector<16xi32>,
          %bitcast3A_531 = vector.bitcast %get3A_530 : vector<16xi32> to vector<32xbf16>
          %add3A_532 = arith.addf %bitcast3A_527, %bitcast3A_531 : vector<32xbf16>
          %max3A_533 = arith.constant 0.000000e+00 : bf16
          %max3A_534 = vector.broadcast %max3A_533 : bf16 to vector<32xbf16>
          %max3A_535 = arith.maximumf %add3A_532, %max3A_534 : vector<32xbf16>
          %bitcast3A_536 = vector.bitcast %max3A_535 : vector<32xbf16> to vector<16xi32>
          %shift_left3A_537 = arith.constant 16 : i32
          %shift_left3A_538 = vector.broadcast %shift_left3A_537 : i32 to vector<16xi32>
          %shift_left3A_539 = arith.shli %bitcast3A_536, %shift_left3A_538 : vector<16xi32>
          %bitcast3A_540 = vector.bitcast %shift_left3A_539 : vector<16xi32> to vector<16xf32>
          %and3A_541 = arith.andi %bitcast3A_536, %broadcast_in_dim3A_40 : vector<16xi32>
          %bitcast3A_542 = vector.bitcast %and3A_541 : vector<16xi32> to vector<16xf32>
          %mul3A_543 = arith.mulf %bitcast3A_540, %get3A_21 : vector<16xf32>
          %add3A_544 = arith.addf %add3A_523, %mul3A_543 : vector<16xf32>
          %mul3A_545 = arith.mulf %bitcast3A_542, %get3A_37 : vector<16xf32>
          %add3A_546 = arith.addf %add3A_544, %mul3A_545 : vector<16xf32>
          %mul3A_547 = arith.constant 16 : i32
          %mul3A_548 = arith.muli %scan3A_361, %mul3A_547 : i32
          %swap3A_549 = arith.index_cast %mul3A_548 : i32 to index
          %swap3A_550 = tpu.vector_load %arg12[%swap3A_549] {strides = array<i32>} : memref<256xf32, #tpu.memory_space<vmem>>, vector<16xf32>,
          tpu.vector_store %arg12[%swap3A_549], %add3A_546 {strides = array<i32>} : memref<256xf32, #tpu.memory_space<vmem>>, vector<16xf32>,
          %scan3A_551 = arith.constant 0 : i32
          scf.yield %scan3A_551 : i32
        }
        %scan3A_233 = arith.constant 16 : i32
        %mul3A_234 = arith.constant 16 : i32
        %mul3A_235 = vector.broadcast %mul3A_234 : i32 to vector<16xi32>
        %mul3A_236 = arith.muli %iota3A, %mul3A_235 : vector<16xi32>
        %gather3A = tpu.vector_load_idx %arg12[%mul3A_236] : memref<256xf32, #tpu.memory_space<vmem>>[vector<16xi32>], vector<16xf32>,
        %mul3A_237 = arith.constant 16 : i32
        %mul3A_238 = vector.broadcast %mul3A_237 : i32 to vector<16xi32>
        %mul3A_239 = arith.muli %iota3A, %mul3A_238 : vector<16xi32>
        %add3A_240 = arith.constant 1 : i32
        %add3A_241 = vector.broadcast %add3A_240 : i32 to vector<16xi32>
        %add3A_242 = arith.addi %mul3A_239, %add3A_241 : vector<16xi32>
        %gather3A_243 = tpu.vector_load_idx %arg12[%add3A_242] : memref<256xf32, #tpu.memory_space<vmem>>[vector<16xi32>], vector<16xf32>,
        %add3A_244 = arith.addf %gather3A, %gather3A_243 : vector<16xf32>
        %mul3A_245 = arith.constant 16 : i32
        %mul3A_246 = vector.broadcast %mul3A_245 : i32 to vector<16xi32>
        %mul3A_247 = arith.muli %iota3A, %mul3A_246 : vector<16xi32>
        %add3A_248 = arith.constant 2 : i32
        %add3A_249 = vector.broadcast %add3A_248 : i32 to vector<16xi32>
        %add3A_250 = arith.addi %mul3A_247, %add3A_249 : vector<16xi32>
        %gather3A_251 = tpu.vector_load_idx %arg12[%add3A_250] : memref<256xf32, #tpu.memory_space<vmem>>[vector<16xi32>], vector<16xf32>,
        %add3A_252 = arith.addf %add3A_244, %gather3A_251 : vector<16xf32>
        %mul3A_253 = arith.constant 16 : i32
        %mul3A_254 = vector.broadcast %mul3A_253 : i32 to vector<16xi32>
        %mul3A_255 = arith.muli %iota3A, %mul3A_254 : vector<16xi32>
        %add3A_256 = arith.constant 3 : i32
        %add3A_257 = vector.broadcast %add3A_256 : i32 to vector<16xi32>
        %add3A_258 = arith.addi %mul3A_255, %add3A_257 : vector<16xi32>
        %gather3A_259 = tpu.vector_load_idx %arg12[%add3A_258] : memref<256xf32, #tpu.memory_space<vmem>>[vector<16xi32>], vector<16xf32>,
        %add3A_260 = arith.addf %add3A_252, %gather3A_259 : vector<16xf32>
        %mul3A_261 = arith.constant 16 : i32
        %mul3A_262 = vector.broadcast %mul3A_261 : i32 to vector<16xi32>
        %mul3A_263 = arith.muli %iota3A, %mul3A_262 : vector<16xi32>
        %add3A_264 = arith.constant 4 : i32
        %add3A_265 = vector.broadcast %add3A_264 : i32 to vector<16xi32>
        %add3A_266 = arith.addi %mul3A_263, %add3A_265 : vector<16xi32>
        %gather3A_267 = tpu.vector_load_idx %arg12[%add3A_266] : memref<256xf32, #tpu.memory_space<vmem>>[vector<16xi32>], vector<16xf32>,
        %add3A_268 = arith.addf %add3A_260, %gather3A_267 : vector<16xf32>
        %mul3A_269 = arith.constant 16 : i32
        %mul3A_270 = vector.broadcast %mul3A_269 : i32 to vector<16xi32>
        %mul3A_271 = arith.muli %iota3A, %mul3A_270 : vector<16xi32>
        %add3A_272 = arith.constant 5 : i32
        %add3A_273 = vector.broadcast %add3A_272 : i32 to vector<16xi32>
        %add3A_274 = arith.addi %mul3A_271, %add3A_273 : vector<16xi32>
        %gather3A_275 = tpu.vector_load_idx %arg12[%add3A_274] : memref<256xf32, #tpu.memory_space<vmem>>[vector<16xi32>], vector<16xf32>,
        %add3A_276 = arith.addf %add3A_268, %gather3A_275 : vector<16xf32>
        %mul3A_277 = arith.constant 16 : i32
        %mul3A_278 = vector.broadcast %mul3A_277 : i32 to vector<16xi32>
        %mul3A_279 = arith.muli %iota3A, %mul3A_278 : vector<16xi32>
        %add3A_280 = arith.constant 6 : i32
        %add3A_281 = vector.broadcast %add3A_280 : i32 to vector<16xi32>
        %add3A_282 = arith.addi %mul3A_279, %add3A_281 : vector<16xi32>
        %gather3A_283 = tpu.vector_load_idx %arg12[%add3A_282] : memref<256xf32, #tpu.memory_space<vmem>>[vector<16xi32>], vector<16xf32>,
        %add3A_284 = arith.addf %add3A_276, %gather3A_283 : vector<16xf32>
        %mul3A_285 = arith.constant 16 : i32
        %mul3A_286 = vector.broadcast %mul3A_285 : i32 to vector<16xi32>
        %mul3A_287 = arith.muli %iota3A, %mul3A_286 : vector<16xi32>
        %add3A_288 = arith.constant 7 : i32
        %add3A_289 = vector.broadcast %add3A_288 : i32 to vector<16xi32>
        %add3A_290 = arith.addi %mul3A_287, %add3A_289 : vector<16xi32>
        %gather3A_291 = tpu.vector_load_idx %arg12[%add3A_290] : memref<256xf32, #tpu.memory_space<vmem>>[vector<16xi32>], vector<16xf32>,
        %add3A_292 = arith.addf %add3A_284, %gather3A_291 : vector<16xf32>
        %mul3A_293 = arith.constant 16 : i32
        %mul3A_294 = vector.broadcast %mul3A_293 : i32 to vector<16xi32>
        %mul3A_295 = arith.muli %iota3A, %mul3A_294 : vector<16xi32>
        %add3A_296 = arith.constant 8 : i32
        %add3A_297 = vector.broadcast %add3A_296 : i32 to vector<16xi32>
        %add3A_298 = arith.addi %mul3A_295, %add3A_297 : vector<16xi32>
        %gather3A_299 = tpu.vector_load_idx %arg12[%add3A_298] : memref<256xf32, #tpu.memory_space<vmem>>[vector<16xi32>], vector<16xf32>,
        %add3A_300 = arith.addf %add3A_292, %gather3A_299 : vector<16xf32>
        %mul3A_301 = arith.constant 16 : i32
        %mul3A_302 = vector.broadcast %mul3A_301 : i32 to vector<16xi32>
        %mul3A_303 = arith.muli %iota3A, %mul3A_302 : vector<16xi32>
        %add3A_304 = arith.constant 9 : i32
        %add3A_305 = vector.broadcast %add3A_304 : i32 to vector<16xi32>
        %add3A_306 = arith.addi %mul3A_303, %add3A_305 : vector<16xi32>
        %gather3A_307 = tpu.vector_load_idx %arg12[%add3A_306] : memref<256xf32, #tpu.memory_space<vmem>>[vector<16xi32>], vector<16xf32>,
        %add3A_308 = arith.addf %add3A_300, %gather3A_307 : vector<16xf32>
        %mul3A_309 = arith.constant 16 : i32
        %mul3A_310 = vector.broadcast %mul3A_309 : i32 to vector<16xi32>
        %mul3A_311 = arith.muli %iota3A, %mul3A_310 : vector<16xi32>
        %add3A_312 = arith.constant 10 : i32
        %add3A_313 = vector.broadcast %add3A_312 : i32 to vector<16xi32>
        %add3A_314 = arith.addi %mul3A_311, %add3A_313 : vector<16xi32>
        %gather3A_315 = tpu.vector_load_idx %arg12[%add3A_314] : memref<256xf32, #tpu.memory_space<vmem>>[vector<16xi32>], vector<16xf32>,
        %add3A_316 = arith.addf %add3A_308, %gather3A_315 : vector<16xf32>
        %mul3A_317 = arith.constant 16 : i32
        %mul3A_318 = vector.broadcast %mul3A_317 : i32 to vector<16xi32>
        %mul3A_319 = arith.muli %iota3A, %mul3A_318 : vector<16xi32>
        %add3A_320 = arith.constant 11 : i32
        %add3A_321 = vector.broadcast %add3A_320 : i32 to vector<16xi32>
        %add3A_322 = arith.addi %mul3A_319, %add3A_321 : vector<16xi32>
        %gather3A_323 = tpu.vector_load_idx %arg12[%add3A_322] : memref<256xf32, #tpu.memory_space<vmem>>[vector<16xi32>], vector<16xf32>,
        %add3A_324 = arith.addf %add3A_316, %gather3A_323 : vector<16xf32>
        %mul3A_325 = arith.constant 16 : i32
        %mul3A_326 = vector.broadcast %mul3A_325 : i32 to vector<16xi32>
        %mul3A_327 = arith.muli %iota3A, %mul3A_326 : vector<16xi32>
        %add3A_328 = arith.constant 12 : i32
        %add3A_329 = vector.broadcast %add3A_328 : i32 to vector<16xi32>
        %add3A_330 = arith.addi %mul3A_327, %add3A_329 : vector<16xi32>
        %gather3A_331 = tpu.vector_load_idx %arg12[%add3A_330] : memref<256xf32, #tpu.memory_space<vmem>>[vector<16xi32>], vector<16xf32>,
        %add3A_332 = arith.addf %add3A_324, %gather3A_331 : vector<16xf32>
        %mul3A_333 = arith.constant 16 : i32
        %mul3A_334 = vector.broadcast %mul3A_333 : i32 to vector<16xi32>
        %mul3A_335 = arith.muli %iota3A, %mul3A_334 : vector<16xi32>
        %add3A_336 = arith.constant 13 : i32
        %add3A_337 = vector.broadcast %add3A_336 : i32 to vector<16xi32>
        %add3A_338 = arith.addi %mul3A_335, %add3A_337 : vector<16xi32>
        %gather3A_339 = tpu.vector_load_idx %arg12[%add3A_338] : memref<256xf32, #tpu.memory_space<vmem>>[vector<16xi32>], vector<16xf32>,
        %add3A_340 = arith.addf %add3A_332, %gather3A_339 : vector<16xf32>
        %mul3A_341 = arith.constant 16 : i32
        %mul3A_342 = vector.broadcast %mul3A_341 : i32 to vector<16xi32>
        %mul3A_343 = arith.muli %iota3A, %mul3A_342 : vector<16xi32>
        %add3A_344 = arith.constant 14 : i32
        %add3A_345 = vector.broadcast %add3A_344 : i32 to vector<16xi32>
        %add3A_346 = arith.addi %mul3A_343, %add3A_345 : vector<16xi32>
        %gather3A_347 = tpu.vector_load_idx %arg12[%add3A_346] : memref<256xf32, #tpu.memory_space<vmem>>[vector<16xi32>], vector<16xf32>,
        %add3A_348 = arith.addf %add3A_340, %gather3A_347 : vector<16xf32>
        %mul3A_349 = arith.constant 16 : i32
        %mul3A_350 = vector.broadcast %mul3A_349 : i32 to vector<16xi32>
        %mul3A_351 = arith.muli %iota3A, %mul3A_350 : vector<16xi32>
        %add3A_352 = arith.constant 15 : i32
        %add3A_353 = vector.broadcast %add3A_352 : i32 to vector<16xi32>
        %add3A_354 = arith.addi %mul3A_351, %add3A_353 : vector<16xi32>
        %gather3A_355 = tpu.vector_load_idx %arg12[%add3A_354] : memref<256xf32, #tpu.memory_space<vmem>>[vector<16xi32>], vector<16xf32>,
        %add3A_356 = arith.addf %add3A_348, %gather3A_355 : vector<16xf32>
        %mul3A_357 = arith.constant 16 : i32
        %mul3A_358 = arith.muli %scan3A_225, %mul3A_357 : i32
        %swap3A = arith.index_cast %mul3A_358 : i32 to index
        %swap3A_359 = tpu.vector_load %arg10[%swap3A] {strides = array<i32>} : memref<48xf32, #tpu.memory_space<vmem>>, vector<16xf32>,
        tpu.vector_store %arg10[%swap3A], %add3A_356 {strides = array<i32>} : memref<48xf32, #tpu.memory_space<vmem>>, vector<16xf32>,
        %scan3A_360 = arith.constant 0 : i32
        scf.yield %scan3A_360 : i32
      }
      %scan3A_220 = arith.constant 3 : i32
      %mul3A_221 = arith.constant 48 : i32
      %mul3A_222 = arith.muli %add3A_195, %mul3A_221 : i32
      %add3A_223 = arith.addi %select_n3A_6, %mul3A_222 : i32
      "tpu.region"() ({
        %run_scoped3A = tpu.sem_alloc : memref<!tpu.dma_semaphore, #tpu.memory_space<semaphore_mem>>
        %dma_start3A_225 = tpu.memref_slice %arg7[%add3A_223] : memref<162816xf32, #tpu.memory_space<hbm>> -> memref<48xf32, #tpu.memory_space<hbm>>
        %dma_start3A_226 = tpu.memref_slice %arg7[%add3A_223] : memref<162816xf32, #tpu.memory_space<hbm>> -> memref<48xf32, #tpu.memory_space<hbm>>
        tpu.enqueue_dma source(%arg10 : memref<48xf32, #tpu.memory_space<vmem>>) target(%dma_start3A_226 : memref<48xf32, #tpu.memory_space<hbm>>) target_semaphore(%run_scoped3A : memref<!tpu.dma_semaphore, #tpu.memory_space<semaphore_mem>>)
        %dma_wait3A_227 = tpu.memref_slice %arg7[%add3A_223] : memref<162816xf32, #tpu.memory_space<hbm>> -> memref<48xf32, #tpu.memory_space<hbm>>
        %dma_wait3A_228 = tpu.memref_slice %arg7[%add3A_223] : memref<162816xf32, #tpu.memory_space<hbm>> -> memref<48xf32, #tpu.memory_space<hbm>>
        tpu.wait_dma2 semaphore(%run_scoped3A : memref<!tpu.dma_semaphore, #tpu.memory_space<semaphore_mem>>) src(%arg10 : memref<48xf32, #tpu.memory_space<vmem>>) dst(%dma_wait3A_228 : memref<48xf32, #tpu.memory_space<hbm>>)
        tpu.yield
      }) : () -> ()
      %while3A_224 = arith.constant 0 : i32
      scf.yield %while3A_224 : i32
    }
    return
  }
}

module attributes {stable_mosaic.version = 14 : i64} {
  func.func @_mm_body(%arg0: i32, %arg1: memref<400x256xf32, #tpu.memory_space<vmem>>, %arg2: memref<256x256xf32, #tpu.memory_space<vmem>>, %arg3: memref<256x256xf32, #tpu.memory_space<vmem>>, %arg4: memref<1x256xf32, #tpu.memory_space<vmem>>, %arg5: memref<400x128xi32, #tpu.memory_space<vmem>>, %arg6: memref<400x128xi32, #tpu.memory_space<vmem>>) attributes {dimension_semantics = [#tpu.dimension_semantics<arbitrary>], iteration_bounds = array<i64: 25>, scalar_prefetch = 0 : i64, scratch_operands = 0 : i64, tpu.core_type = #tpu.core_type<tc>, window_params = [{transform_indices = @transform_0, window_bounds = array<i64: 400, 256>}, {pipeline_mode = #tpu.pipeline_mode<synchronous>, transform_indices = @transform_1, window_bounds = array<i64: 256, 256>}, {pipeline_mode = #tpu.pipeline_mode<synchronous>, transform_indices = @transform_2, window_bounds = array<i64: 256, 256>}, {pipeline_mode = #tpu.pipeline_mode<synchronous>, transform_indices = @transform_3, window_bounds = array<i64: 1, 256>}, {transform_indices = @transform_4, window_bounds = array<i64: 400, 128>}, {transform_indices = @transform_5, window_bounds = array<i64: 400, 128>}]} {
    %get3A = arith.constant 0 : index
    %get3A_0 = arith.constant 0 : index
    %get3A_1 = vector.load %arg1[%get3A, %get3A_0] : memref<400x256xf32, #tpu.memory_space<vmem>>, vector<400x256xf32>
    %get3A_2 = arith.constant 0 : index
    %get3A_3 = arith.constant 0 : index
    %get3A_4 = vector.load %arg2[%get3A_2, %get3A_3] : memref<256x256xf32, #tpu.memory_space<vmem>>, vector<256x256xf32>
    %dot_general3A = arith.constant dense<0.000000e+00> : vector<400x256xf32>
    %dot_general3A_5 = tpu.matmul %get3A_1, %get3A_4, %dot_general3A {dimension_numbers = #tpu.dot_dimension_numbers<[1], [0], [0], [1], [0, 0, 1, 1], [], []>, transpose_lhs_hint = false} : vector<400x256xf32>, vector<256x256xf32>, vector<400x256xf32> -> vector<400x256xf32>
    %get3A_6 = arith.constant 0 : index
    %get3A_7 = arith.constant 0 : index
    %get3A_8 = vector.load %arg4[%get3A_6, %get3A_7] : memref<1x256xf32, #tpu.memory_space<vmem>>, vector<1x256xf32>
    %add3A = vector.broadcast %get3A_8 : vector<1x256xf32> to vector<400x256xf32>
    %add3A_9 = arith.addf %dot_general3A_5, %add3A : vector<400x256xf32>
    %convert_element_type3A = arith.truncf %add3A_9 : vector<400x256xf32> to vector<400x256xbf16>
    %slice3A = vector.extract_strided_slice %convert_element_type3A {offsets = [0, 0], sizes = [400, 128], strides = [1, 1]} : vector<400x256xbf16> to vector<400x128xbf16>
    %bitcast_convert_type3A = tpu.bitcast %slice3A : vector<400x128xbf16> -> vector<400x128xi16>
    %slice3A_10 = vector.extract_strided_slice %convert_element_type3A {offsets = [0, 128], sizes = [400, 128], strides = [1, 1]} : vector<400x256xbf16> to vector<400x128xbf16>
    %bitcast_convert_type3A_11 = tpu.bitcast %slice3A_10 : vector<400x128xbf16> -> vector<400x128xi16>
    %convert_element_type3A_12 = arith.extui %bitcast_convert_type3A : vector<400x128xi16> to vector<400x128xi32>
    %convert_element_type3A_13 = arith.extui %bitcast_convert_type3A_11 : vector<400x128xi16> to vector<400x128xi32>
    %shift_left3A = arith.constant 16 : i32
    %shift_left3A_14 = vector.broadcast %shift_left3A : i32 to vector<400x128xi32>
    %shift_left3A_15 = arith.shli %convert_element_type3A_13, %shift_left3A_14 : vector<400x128xi32>
    %or3A = arith.ori %convert_element_type3A_12, %shift_left3A_15 : vector<400x128xi32>
    %swap3A = arith.constant 0 : index
    %swap3A_16 = arith.constant 0 : index
    %swap3A_17 = vector.load %arg5[%swap3A, %swap3A_16] : memref<400x128xi32, #tpu.memory_space<vmem>>, vector<400x128xi32>
    tpu.vector_store %arg5[%swap3A, %swap3A_16], %or3A {strides = array<i32>} : memref<400x128xi32, #tpu.memory_space<vmem>>, vector<400x128xi32>,
    %get3A_18 = arith.constant 0 : index
    %get3A_19 = arith.constant 0 : index
    %get3A_20 = vector.load %arg3[%get3A_18, %get3A_19] : memref<256x256xf32, #tpu.memory_space<vmem>>, vector<256x256xf32>
    %dot_general3A_21 = arith.constant dense<0.000000e+00> : vector<400x256xf32>
    %dot_general3A_22 = tpu.matmul %get3A_1, %get3A_20, %dot_general3A_21 {dimension_numbers = #tpu.dot_dimension_numbers<[1], [0], [0], [1], [0, 0, 1, 1], [], []>, transpose_lhs_hint = false} : vector<400x256xf32>, vector<256x256xf32>, vector<400x256xf32> -> vector<400x256xf32>
    %convert_element_type3A_23 = arith.truncf %dot_general3A_22 : vector<400x256xf32> to vector<400x256xbf16>
    %slice3A_24 = vector.extract_strided_slice %convert_element_type3A_23 {offsets = [0, 0], sizes = [400, 128], strides = [1, 1]} : vector<400x256xbf16> to vector<400x128xbf16>
    %bitcast_convert_type3A_25 = tpu.bitcast %slice3A_24 : vector<400x128xbf16> -> vector<400x128xi16>
    %slice3A_26 = vector.extract_strided_slice %convert_element_type3A_23 {offsets = [0, 128], sizes = [400, 128], strides = [1, 1]} : vector<400x256xbf16> to vector<400x128xbf16>
    %bitcast_convert_type3A_27 = tpu.bitcast %slice3A_26 : vector<400x128xbf16> -> vector<400x128xi16>
    %convert_element_type3A_28 = arith.extui %bitcast_convert_type3A_25 : vector<400x128xi16> to vector<400x128xi32>
    %convert_element_type3A_29 = arith.extui %bitcast_convert_type3A_27 : vector<400x128xi16> to vector<400x128xi32>
    %shift_left3A_30 = arith.constant 16 : i32
    %shift_left3A_31 = vector.broadcast %shift_left3A_30 : i32 to vector<400x128xi32>
    %shift_left3A_32 = arith.shli %convert_element_type3A_29, %shift_left3A_31 : vector<400x128xi32>
    %or3A_33 = arith.ori %convert_element_type3A_28, %shift_left3A_32 : vector<400x128xi32>
    %swap3A_34 = arith.constant 0 : index
    %swap3A_35 = arith.constant 0 : index
    %swap3A_36 = vector.load %arg6[%swap3A_34, %swap3A_35] : memref<400x128xi32, #tpu.memory_space<vmem>>, vector<400x128xi32>
    tpu.vector_store %arg6[%swap3A_34, %swap3A_35], %or3A_33 {strides = array<i32>} : memref<400x128xi32, #tpu.memory_space<vmem>>, vector<400x128xi32>,
    return
  }
  func.func @transform_0(%arg0: i32) -> (i32, i32) {
    %c0_i32 = arith.constant 0 : i32
    %c0_i32_0 = arith.constant 0 : i32
    return %arg0, %c0_i32 : i32, i32
  }
  func.func @transform_1(%arg0: i32) -> (i32, i32) {
    %c0_i32 = arith.constant 0 : i32
    %c0_i32_0 = arith.constant 0 : i32
    %c0_i32_1 = arith.constant 0 : i32
    return %c0_i32, %c0_i32_0 : i32, i32
  }
  func.func @transform_2(%arg0: i32) -> (i32, i32) {
    %c0_i32 = arith.constant 0 : i32
    %c0_i32_0 = arith.constant 0 : i32
    %c0_i32_1 = arith.constant 0 : i32
    return %c0_i32, %c0_i32_0 : i32, i32
  }
  func.func @transform_3(%arg0: i32) -> (i32, i32) {
    %c0_i32 = arith.constant 0 : i32
    %c0_i32_0 = arith.constant 0 : i32
    %c0_i32_1 = arith.constant 0 : i32
    return %c0_i32, %c0_i32_0 : i32, i32
  }
  func.func @transform_4(%arg0: i32) -> (i32, i32) {
    %c0_i32 = arith.constant 0 : i32
    %c0_i32_0 = arith.constant 0 : i32
    return %arg0, %c0_i32 : i32, i32
  }
  func.func @transform_5(%arg0: i32) -> (i32, i32) {
    %c0_i32 = arith.constant 0 : i32
    %c0_i32_0 = arith.constant 0 : i32
    return %arg0, %c0_i32 : i32, i32
  }
}

</mosaic_0001>

<sc_bundles>
// kernel: kernel.4.cloned.1.call-start
scs
__scs_entry_jumppad:
0x0: {  	(pc) =	sbr.rel $0x88, $3  }
0x1: {  	(tag) =	ssettag $0x0;
	lr =	simm.s32 $0x1  }
0x2: {  	[smem:$0x3F9B] =	sst lr;
	_ =	strace $0xD0000000  }
0x3: {  	_ = 	snop  }
0x4: {  	_ = 	snop  }
0x5: {  	_ = 	snop  }
0x6: {  	_ = 	snop  }
0x7: {  	_ = 	snop  }
__scs_overlays_trampoline_lowered:
0x8: {  	[smem:$0x3FAA] =	sst s0  }
0x9: {  	[smem:$0x3FAB] =	sst s1  }
0xa: {  	[smem:$0x3FAC] =	sst s2  }
0xb: {  	[smem:$0x3FAD] =	sst s3  }
0xc: {  	[smem:$0x3FAE] =	sst s4  }
0xd: {  	[smem:$0x3FAF] =	sst s5  }
0xe: {  	[smem:$0x3FB0] =	sst s6  }
0xf: {  	[smem:$0x3FB1] =	sst s7  }
0x10: {  	[smem:$0x3FB2] =	sst s8  }
0x11: {  	[smem:$0x3FB3] =	sst s9;
	s0 =	simm.s32 @!p0 $0x0  }
0x12: {  	s1 =	sld [smem:$0x3F99];
	s0 =	simm.s32 @p0 $0x1  }
0x13: {  	[smem:$0x3FB4] =	sst s0;
	s0 =	simm.s32 @!p1 $0x0  }
0x14: {  	s2 =	sld [smem:$0x3F98];
	s0 =	simm.s32 @p1 $0x1  }
0x15: {  	[smem:$0x3FB5] =	sst s0;
	s0 =	simm.s32 @!p2 $0x0  }
0x16: {  	s3 =	sld [smem:$0x3FDB];
	s0 =	simm.s32 @p2 $0x1  }
0x17: {  	s4 =	simm.s32 $0x1BF5;
	[smem:$0x3FB7] =	sst s0  }
0x18: {  	s0 =	sld [smem:$0x3F9A];
	_ =	swait.ge [sflag:s4], $0x0  }
0x19: {  	s7 =	sld [smem:$0x3F9B]  }
0x1a: {  	s8 =	sadd.s32 $0xFFFFE003, lr  }
0x1b: {  	s9 =	sadd.s32 $0xFFFFFEF7, lr;
	s5 =	simm.s32 $0xFFFFFFFF;
	p2 =	slt.u32 s8, $0xFFFFF086  }
0x1c: {  	p1 =	slt.u32 s9, $0xF7A;
	s5 =	simm.s32 @!p2 $0x0  }
0x1d: {  	s5 =	simm.s32 @p1 $0x1;
	p0 =	seq.s32 s7, s2  }
0x1e: {  	s7 =	smul.u32 @!p0 $0xF7A, s2;
	p2 =	seq.s32 @!p0 s5, $0x0  }
0x1f: {  	s9 =	smul.u32 $0xF7A, s1;
	s8 =	simm.s32 @!p0 $0x1BF5;
	p2 =	por !p2, p0  }
0x20: {  	[sflag:s8] =	ssyncset.s32 @!p0 $0xFFFFF086;
	s6 =	sadd.s32 @!p0 s3, s7;
	s7 =	simm.s32 @!p0 $0x108  }
0x21: {  	s3 =	sadd.s32 s3, s9;
	s6 =	sadd.s32 @!p0 $0x88, s6;
	s7 =	simm.s32 @p2 $0x1082  }
0x22: {  	[simem:s7], [sflag:s8] =	dma.local @!p0 [hbm:s6], $0xF7A  }
0x23: {  	s9 =	sor.u32 $0xD0000000, s2;
	s6 =	simm.s32 $0x108;
	_ =	swait.ge @!p0 [sflag:s8], $0x0  }
0x24: {  	s3 =	sadd.s32 $0x88, s3;
	s6 =	simm.s32 @!p1 $0x1082;
	[sflag:s4] =	ssyncset.s32 $0xFFFFF086  }
0x25: {  	[simem:s6], [sflag:s4] =	dma.local [hbm:s3], $0xF7A  }
0x26: {  	[smem:$0x3F9B] =	sst s1;
	(tag) =	ssettag s2;
	_ =	strace s9  }
0x27: {  	s1 =	sld [smem:$0x3FAB]  }
0x28: {  	s2 =	sld [smem:$0x3FAC]  }
0x29: {  	s4 =	sld [smem:$0x3FAE]  }
0x2a: {  	p0 =	seq.s32 s5, $0x0;
	s5 =	sld [smem:$0x3FAF]  }
0x2b: {  	s6 =	sld [smem:$0x3FB0]  }
0x2c: {  	s7 =	sld [smem:$0x3FB1]  }
0x2d: {  	s3 =	simm.s32 $0x108;
	s8 =	sld [smem:$0x3FB2]  }
0x2e: {  	s3 =	simm.s32 @!p0 $0x1082;
	s9 =	sld [smem:$0x3FB3]  }
0x2f: {  	lr =	sadd.s32 s0, s3;
	s0 =	sld [smem:$0x3FAA]  }
0x30: {  	s3 =	sld [smem:$0x3FAD]  }
0x31: {  	[smem:$0x3FB6] =	sst s10  }
0x32: {  	s10 =	sld [smem:$0x3FB4];
	_ =	sdelay $0x3  }
0x33: {  	p0 =	seq.s32 s10, $0x1;
	s10 =	sld [smem:$0x3FB6];
	_ =	sdelay $0x3  }
0x34: {  	[smem:$0x3FB6] =	sst s10  }
0x35: {  	s10 =	sld [smem:$0x3FB5];
	_ =	sdelay $0x3  }
0x36: {  	p1 =	seq.s32 s10, $0x1;
	s10 =	sld [smem:$0x3FB6];
	_ =	sdelay $0x3  }
0x37: {  	[smem:$0x3FB6] =	sst s10  }
0x38: {  	s10 =	sld [smem:$0x3FB7]  }
0x39: {  	_ = 	snop;
	(pc) =	sbr.ind lr, $3  }
0x3a: {  	_ = 	snop  }
0x3b: {  	_ = 	snop  }
0x3c: {  	p2 =	seq.s32 s10, $0x1;
	s10 =	sld [smem:$0x3FB6]  }
0x3d: {  	_ =	shalt  }
0x3e: {  	_ =	shalt  }
0x3f: {  	_ =	shalt  }
0x40: {  	_ =	shalt  }
0x41: {  	_ =	shalt  }
0x42: {  	_ =	shalt  }
0x43: {  	_ =	shalt  }
0x44: {  	_ =	shalt  }
0x45: {  	_ =	shalt  }
0x46: {  	_ =	shalt  }
0x47: {  	_ =	shalt  }
0x48: {  	_ =	shalt  }
0x49: {  	_ =	shalt  }
0x4a: {  	_ =	shalt  }
0x4b: {  	_ =	shalt  }
0x4c: {  	_ =	shalt  }
0x4d: {  	_ =	shalt  }
0x4e: {  	_ =	shalt  }
0x4f: {  	_ =	shalt  }
0x50: {  	_ =	shalt  }
0x51: {  	_ =	shalt  }
0x52: {  	_ =	shalt  }
0x53: {  	_ =	shalt  }
0x54: {  	_ =	shalt  }
0x55: {  	_ =	shalt  }
0x56: {  	_ =	shalt  }
0x57: {  	_ =	shalt  }
0x58: {  	_ =	shalt  }
0x59: {  	_ =	shalt  }
0x5a: {  	_ =	shalt  }
0x5b: {  	_ =	shalt  }
0x5c: {  	_ =	shalt  }
0x5d: {  	_ =	shalt  }
0x5e: {  	_ =	shalt  }
0x5f: {  	_ =	shalt  }
0x60: {  	_ =	shalt  }
0x61: {  	_ =	shalt  }
0x62: {  	_ =	shalt  }
0x63: {  	_ =	shalt  }
0x64: {  	_ =	shalt  }
0x65: {  	_ =	shalt  }
0x66: {  	_ =	shalt  }
0x67: {  	_ =	shalt  }
0x68: {  	_ =	shalt  }
0x69: {  	_ =	shalt  }
0x6a: {  	_ =	shalt  }
0x6b: {  	_ =	shalt  }
0x6c: {  	_ =	shalt  }
0x6d: {  	_ =	shalt  }
0x6e: {  	_ =	shalt  }
0x6f: {  	_ =	shalt  }
0x70: {  	_ =	shalt  }
0x71: {  	_ =	shalt  }
0x72: {  	_ =	shalt  }
0x73: {  	_ =	shalt  }
0x74: {  	_ =	shalt  }
0x75: {  	_ =	shalt  }
0x76: {  	_ =	shalt  }
0x77: {  	_ =	shalt  }
0x78: {  	_ =	shalt  }
0x79: {  	_ =	shalt  }
0x7a: {  	_ =	shalt  }
0x7b: {  	_ =	shalt  }
0x7c: {  	_ =	shalt  }
0x7d: {  	_ =	shalt  }
0x7e: {  	_ =	shalt  }
0x7f: {  	_ =	shalt  }
0x80: {  	_ =	shalt  }
0x81: {  	_ =	shalt  }
0x82: {  	_ =	shalt  }
0x83: {  	_ =	shalt  }
0x84: {  	_ =	shalt  }
0x85: {  	_ =	shalt  }
0x86: {  	_ =	shalt  }
0x87: {  	_ =	shalt  }
.Lfunc_end0:
.L_simem_size_0:
called_computation_lowered:
.L_overlay_start_0:
0x88: {  	s2 =	sld [smem:$0x3FD9]  }
0x89: {  	s3 =	sld [smem:$0x3FFE];
	_ =	sdelay $0x1  }
0x8a: {  	s1 =	srdreg.scid  }
0x8b: {  	s0 =	sand.u32 $0x1, s1  }
0x8c: {  	s17 =	sshll.u32 s0, $0xA;
	s2 =	sadd.s32 s3, s2  }
0x8d: {  	s2 =	sadd.s32 s2, s17  }
0x8e: {  	[smem:$0x3FC2] =	sst s2  }
0x8f: {  	_ = 	snop  }
0x90: {  	s2 =	sld [smem:$0x3FD0];
	(tm) =	ssettm $0x1  }
0x91: {  	s18 =	sld [smem:$0x3FFB];
	_ =	sdelay $0x3  }
0x92: {  	_ =	strace s18  }
0x93: {  	s3 =	sld [smem:$0x3FFC];
	_ =	sdelay $0x3  }
0x94: {  	_ =	strace s3  }
0x95: {  	s3 =	sld [smem:$0x3FFD];
	_ =	sdelay $0x3  }
0x96: {  	_ =	strace s3  }
0x97: {  	_ =	strace $0x8FFFFFFF  }
0x98: {  	s19 =	sld [smem:$0x3FDB];
	_ =	sdelay $0x1  }
0x99: {  	s4 =	simm.s32 $_scs_section_size  }
0x9a: {  	s5 =	simm.s32 $_size__tile_overlayer_lowered;
	s6 =	simm.s32 $_tile_overlayer_lowered  }
0x9b: {  	s22 =	simm.s32 $0x1BFF;
	s21 =	sshll.u32 s6, $0x1;
	s3 =	sadd.s32 s4, s19  }
0x9c: {  	s7 =	simm.s32 $0x0;
	s20 =	sshll.u32 s5, $0x1;
	s5 =	sadd.s32 s21, s3  }
0x9d: {  	[timem:s7], [sflag:s22] =	dma.local [hbm:s5], s20  }
0x9e: {  	_ =	swait.ge [sflag:s22], s20  }
0x9f: {  	s4 =	ssub.s32 $0x0, s20;
	[sflag:s22] =	ssyncset.done $0x0  }
0xa0: {  	[sflag:s22] =	ssyncadd.s32 s4;
	_ =	sdelay $0x1  }
0xa1: {  	s23 =	simm.s32 $0x1B8B  }
0xa2: {  	_ =	swait.ge [sflag:s23], $0x1  }
0xa3: {  	[sflag:s23] =	ssyncset.done $0x0  }
0xa4: {  	s25 =	simm.s32 $0x1B8E;
	s24 =	sld [smem:$0x3FFE];
	[sflag:s23] =	ssyncadd.s32 $0xFFFFFFFF  }
0xa5: {  	s26 =	simm.s32 $execute0_lowered;
	[smem:$0x3FD2] =	sst s25  }
0xa6: {  	s5 =	sshll.u32 s26, $0x1;
	_ =	strace $0x80000046;
	[dreg:$0x1] =	wrdreg $0xFFFFFFFF  }
0xa7: {  	s28 =	simm.s32 $_size_execute0_lowered;
	s3 =	sadd.s32 s3, s5;
	[dreg:$0x0] =	wrdreg $0x0  }
0xa8: {  	s5 =	sshll.u32 s28, $0x1;
	[dreg:$0x2] =	wrdreg s3  }
0xa9: {  	[dreg:$0x3] =	wrdreg s5  }
0xaa: {  	[dreg:$0x4] =	wrdreg $0xC0  }
0xab: {  	_ =	task [dreg:s7], $0x5FFFF  }
0xac: {  	[dreg:$0x1] =	wrdreg $0xFFFFFFFF  }
0xad: {  	[dreg:$0x0] =	wrdreg $0x60  }
0xae: {  	[dreg:$0x2] =	wrdreg s24  }
0xaf: {  	[dreg:$0x3] =	wrdreg s2  }
0xb0: {  	[dreg:$0x4] =	wrdreg $0x9  }
0xb1: {  	_ =	task.clear_ibuf [dreg:s7], $0x5FFFF;
	_ =	strace $0x90000046  }
0xb2: {  	s29 =	simm.s32 $0x9;
	_ =	strace $0x80000048  }
0xb3: {  	_ =	swait.ge [sflag:s29], $0x1  }
0xb4: {  	[sflag:s29] =	ssyncadd.s32 $0xFFFFFFFF  }
0xb5: {  	_ =	strace $0x90000048  }
0xb6: {  	_ =	sfence  }
0xb7: {  	s30 =	sld [smem:$0x0];
	_ =	sdelay $0x2  }
0xb8: {  	s31 =	sshll.u32 s1, $0xD;
	s1 =	sshrl.u32 s1, $0x2  }
0xb9: {  	s3 =	sand.u32 $0x4000, s31;
	s1 =	sadd.s32 s1, s30  }
0xba: {  	s0 =	sor.u32 s3, s0;
	s1 =	sshll.u32 s1, $0x11  }
0xbb: {  	s0 =	sor.u32 s1, s0  }
0xbc: {  	s0 =	sadd.s32 $0x8F2B, s0  }
0xbd: {  	[sflag:s0] =	ssyncadd.remote.s32 $0x1  }
0xbe: {  	_ =	sfence.sel $0xFFFF  }
0xbf: {  	[dreg:$0x0] =	wrdreg $0xFFFFFFFF;
	(pc) =	sbr.abs _section_cstart, $3  }
0xc0: {  	[dreg:$0x1] =	wrdreg $0xFFFFFFFF  }
0xc1: {  	_ =	task.clear_ibuf [dreg:s7], $0x2FFFF;
	_ =	strace $0x9FFFFFFF  }
0xc2: {  	(tm) =	ssettm $0x7FFFFFFF  }
0xc3: {  	_ =	shalt  }
tec
execute0_lowered:
.L_overlay_start_1:
0x0: {  	(tag) =	ssettag $0x1  }
0x1: {  	s0 =	rddreg [dreg:$0x0]  }
0x2: {  	s4 =	stileid.u32;
	s1 =	srdreg.scid;
	s3 =	simm.s32 $0x0  }
0x3: {  	s15 =	simm.s32 $0x5;
	s18 =	simm.s32 $0x30;
	s29 =	simm.s32 $0x1  }
0x4: {  	s30 =	simm.s32 $0x3500;
	s31 =	simm.s32 $0x3300;
	s2 =	smul.u32 $0xE40, s4  }
0x5: {  	s17 =	simm.s32 $0x0;
	s1 =	sand.u32 $0x1, s1;
	s5 =	smul.u32 $0x1980, s4  }
0x6: {  	v0 =	vlaneseq.u32;
	[smem:$0x7FF] =	sst s3;
	s6 =	sadd.s32 $0x32000, s0;
	s7 =	sadd.s32 $0x59200, s0  }
0x7: {  	v0 =	vmul.u32 $0x10, v0;
	p0 =	seq.s32 s1, $0x0;
	s1 =	ssub.s32 $0x2, s1;
	s4 =	sadd.s32 $0x19800, s2  }
0x8: {  	v1 =	vimm.bf16 $0.0e+00;
	_ =	strace $0x80000047;
	s8 =	sshrl.u32 s1, $0x1;
	s4 =	smov.u32 @p0 s5  }
0x9: {  	v2 =	vor.u32 $0x1, v0;
	v3 =	vor.u32 $0x2, v0;
	v4 =	vor.u32 $0x3, v0;
	s5 =	sadd.s32 $0xAE00, s0;
	s28 =	ssub.s32 s1, s8;
	s8 =	simm.s32 $0x88  }
0xa: {  	v5 =	vor.u32 $0x4, v0;
	v6 =	vor.u32 $0x5, v0;
	v7 =	vor.u32 $0x6, v0;
	s1 =	simm.s32 $0x3;
	s26 =	sshrl.u32 s4, $0x3;
	s8 =	simm.s32 @!p0 $0x4C  }
0xb: {  	v8 =	vor.u32 $0x7, v0;
	v9 =	vor.u32 $0x8, v0;
	v10 =	vor.u32 $0x9, v0;
	s12 =	sor.u32 $0x30, s4;
	s13 =	sadd.s32 $0x60, s4;
	s14 =	smax.u32 s28, $0x1  }
0xc: {  	v11 =	vor.u32 $0xA, v0;
	v12 =	vor.u32 $0xB, v0;
	v13 =	vor.u32 $0xC, v0;
	s2 =	sadd.s32 s26, s0;
	s11 =	sshrl.u32 s8, $0x2;
	s0 =	simm.s32 $0x2  }
0xd: {  	v14 =	vor.u32 $0xD, v0;
	v15 =	vor.u32 $0xE, v0;
	v16 =	vor.u32 $0xF, v0;
	s9 =	sadd.s32 $0x5C00, s2;
	s10 =	sadd.s32 $0xA00, s2;
	s2 =	simm.s32 $0x4  }
.LBB2_1:
0xe: {  	[tilespmem:s3], [sflag:$0x5] =	stream.linear.gather [hbm4b:s9+s3], $0x1980, $0x38;
	[tilespmem:$0xF600] =	vst v63  }
0xf: {  	_ =	swait.ge [sflag:s15], $0x1980  }
0x10: {  	[sflag:s15] =	ssyncset.done $0x0  }
0x11: {  	s19 =	simm.s32 $0x1980;
	[sflag:s15] =	ssyncadd.s32 $0xFFFFE680  }
0x12: {  	[tilespmem:s19], [sflag:$0x5] =	stream.linear.gather [hbm4b:s10+s3], $0x1980, $0x38;
	[tilespmem:$0xF600] =	vst v63  }
0x13: {  	_ =	swait.ge [sflag:s15], $0x1980  }
0x14: {  	[sflag:s15] =	ssyncset.done $0x0  }
0x15: {  	[sflag:s15] =	ssyncadd.s32 $0xFFFFE680  }
0x16: {  	s20 =	simm.s32 $0x3380;
	s16 =	rddreg [dreg:$0x1]  }
0x17: {  	[tilespmem:s20], [sflag:$0x5] =	stream.linear.gather [hbm4b:s16+s3], $0x180, $0x38;
	[tilespmem:$0xF600] =	vst v63  }
0x18: {  	_ =	swait.ge [sflag:s15], $0x180  }
0x19: {  	[sflag:s15] =	ssyncset.done $0x0  }
0x1a: {  	[sflag:s15] =	ssyncadd.s32 $0xFFFFFE80  }
0x1b: {  	v17 =	vld [tilespmem:$0x3380]  }
0x1c: {  	v18 =	vld [tilespmem:$0x3390]  }
0x1d: {  	v19 =	vld [tilespmem:$0x33A0]  }
0x1e: {  	v20 =	vld [tilespmem:$0x33B0]  }
0x1f: {  	v21 =	vld [tilespmem:$0x33C0]  }
0x20: {  	v22 =	vld [tilespmem:$0x33D0]  }
0x21: {  	v23 =	vld [tilespmem:$0x33E0]  }
0x22: {  	v24 =	vld [tilespmem:$0x33F0]  }
0x23: {  	v25 =	vld [tilespmem:$0x3400]  }
0x24: {  	v26 =	vld [tilespmem:$0x3410]  }
0x25: {  	v27 =	vld [tilespmem:$0x3420]  }
0x26: {  	v28 =	vld [tilespmem:$0x3430]  }
0x27: {  	v29 =	vld [tilespmem:$0x3440]  }
0x28: {  	v30 =	vld [tilespmem:$0x3450]  }
0x29: {  	v31 =	vld [tilespmem:$0x3460]  }
0x2a: {  	s28 =	simm.s32 $0x3600;
	v32 =	vld [tilespmem:$0x3470]  }
0x2b: {  	v33 =	vld [tilespmem:$0x3480];
	[tilespmem:s28], [sflag:$0x1] =	stream.indirect.gather [hbm4b:s5+s18], $0x80, s3, s18, $0xb8  }
0x2c: {  	s20 =	simm.s32 $0x9600  }
0x2d: {  	[tilespmem:s20], [sflag:$0x1] =	stream.indirect.gather [hbm4b:s6+s18], $0x80, s19, s18, $0xb8;
	[tilespmem:$0xF600] =	vst v63  }
0x2e: {  	s21 =	simm.s32 $0x4E00  }
0x2f: {  	[tilespmem:s21], [sflag:$0x2] =	stream.indirect.gather [hbm4b:s5+s18], $0x80, s18, s18, $0xb8;
	[tilespmem:$0xF600] =	vst v63  }
0x30: {  	s22 =	simm.s32 $0x19B0;
	s23 =	simm.s32 $0xAE00  }
0x31: {  	[tilespmem:s23], [sflag:$0x2] =	stream.indirect.gather [hbm4b:s6+s18], $0x80, s22, s18, $0xb8;
	[tilespmem:$0xF600] =	vst v63  }
0x32: {  	s24 =	simm.s32 $0x60;
	s25 =	simm.s32 $0x6600  }
0x33: {  	[tilespmem:s25], [sflag:$0x3] =	stream.indirect.gather [hbm4b:s5+s18], $0x80, s24, s18, $0xb8;
	[tilespmem:$0xF600] =	vst v63  }
0x34: {  	s26 =	simm.s32 $0x19E0;
	s28 =	simm.s32 $0xC600;
	s19 =	simm.s32 $0x0  }
0x35: {  	[tilespmem:s28], [sflag:$0x3] =	stream.indirect.gather [hbm4b:s6+s18], $0x80, s26, s18, $0xb8;
	[tilespmem:$0xF600] =	vst v63  }
.LBB2_2:
0x36: {  	s20 =	sshllo.u32 s19, $0x2  }
0x37: {  	p0 =	sge.u32 s20, s8  }
0x38: {  	s16 =	smul.u32 @!p0 $0x30, s20  }
0x39: {  	s21 =	simm.s32 @!p0 $0x30;
	s22 =	simm.s32 @!p0 $0x7E00  }
0x3a: {  	[tilespmem:s22], [sflag:$0x4] =	stream.indirect.gather @!p0 [hbm4b:s5+s21], $0x80, s16, s21, $0xb8;
	[tilespmem:$0xF600] =	vst v63  }
0x3b: {  	s16 =	sadd.s32 @!p0 $0x1980, s16;
	s22 =	simm.s32 @!p0 $0xDE00  }
0x3c: {  	[tilespmem:s22], [sflag:$0x4] =	stream.indirect.gather @!p0 [hbm4b:s6+s21], $0x80, s16, s21, $0xb8;
	[tilespmem:$0xF600] =	vst v63  }
0x3d: {  	_ =	swait.ge [sflag:s29], $0x1800  }
0x3e: {  	[sflag:s29] =	ssyncset.done $0x0  }
0x3f: {  	[sflag:s29] =	ssyncadd.s32 $0xFFFFE800  }
0x40: {  	_ =	swait.ge [sflag:s29], $0x1800  }
0x41: {  	s23 =	simm.s32 $0x3640;
	s24 =	simm.s32 $0x9670;
	[sflag:s29] =	ssyncset.done $0x0  }
0x42: {  	s21 =	sshll.u32 s19, $0x2;
	s22 =	simm.s32 $0x0;
	[sflag:s29] =	ssyncadd.s32 $0xFFFFE800  }
.LBB2_3:
0x43: {  	v35 =	vmov s24  }
0x44: {  	v34 =	vmov s23;
	_ =	sdelay $0x2  }
0x45: {  	s16 =	simm.s32 $0x0  }
0x46: {  	v36 =	vld.idx.msk [tilespmem:v35+s16+$0xFFFFFF90 ss:$0x1], $0xffff  }
0x47: {  	v37 =	vld.idx.msk [tilespmem:v34+s16+$0xFFFFFFC0 ss:$0x1], $0xffff;
	_ =	sdelay $0x2  }
0x48: {  	v38 =	vld.idx.msk [tilespmem:v35+s16+$0xFFFFFFA0 ss:$0x1], $0xffff  }
0x49: {  	v39 =	vld.idx.msk [tilespmem:v34+s16+$0xFFFFFFD0 ss:$0x1], $0xffff  }
0x4a: {  	v36 =	vadd.bf16 v36, v37;
	_ =	sdelay $0x1  }
0x4b: {  	v53 =	vld.idx.msk [tilespmem:v35+s16+$0xFFFFFFB0 ss:$0x1], $0xffff;
	v36 =	vmax.bf16 v36, v1  }
0x4c: {  	v40 =	vld.idx.msk [tilespmem:v34+s16+$0xFFFFFFE0 ss:$0x1], $0xffff;
	v41 =	vshll.u32 v36, $0x10  }
0x4d: {  	v38 =	vadd.bf16 v38, v39;
	v41 =	vmul.f32 v41, v17  }
0x4e: {  	v36 =	vand.u32 $0xFFFF0000, v36  }
0x4f: {  	v54 =	vld.idx.msk [tilespmem:v35+s16+$0xFFFFFFC0 ss:$0x1], $0xffff;
	v38 =	vmax.bf16 v38, v1;
	v36 =	vmul.f32 v36, v25;
	v41 =	vadd.f32 v41, v33  }
0x50: {  	v42 =	vld.idx.msk [tilespmem:v34+s16+$0xFFFFFFF0 ss:$0x1], $0xffff;
	v43 =	vshll.u32 v38, $0x10  }
0x51: {  	v37 =	vadd.bf16 v53, v40;
	v55 =	vmul.f32 v43, v18;
	v36 =	vadd.f32 v41, v36  }
0x52: {  	v38 =	vand.u32 $0xFFFF0000, v38  }
0x53: {  	v56 =	vld.idx.msk [tilespmem:v35+s16+$0xFFFFFFD0 ss:$0x1], $0xffff;
	v37 =	vmax.bf16 v37, v1;
	v38 =	vmul.f32 v38, v26;
	v36 =	vadd.f32 v55, v36  }
0x54: {  	v57 =	vld.idx.msk [tilespmem:v34+s16+$0x0 ss:$0x1], $0xffff;
	v58 =	vshll.u32 v37, $0x10  }
0x55: {  	v39 =	vadd.bf16 v54, v42;
	v59 =	vmul.f32 v58, v19;
	v36 =	vadd.f32 v36, v38  }
0x56: {  	v37 =	vand.u32 $0xFFFF0000, v37  }
0x57: {  	v60 =	vld.idx.msk [tilespmem:v35+s16+$0xFFFFFFE0 ss:$0x1], $0xffff;
	v61 =	vmax.bf16 v39, v1;
	v37 =	vmul.f32 v37, v27;
	v36 =	vadd.f32 v59, v36  }
0x58: {  	v62 =	vld.idx.msk [tilespmem:v34+s16+$0x10 ss:$0x1], $0xffff;
	v63 =	vshll.u32 v61, $0x10  }
0x59: {  	v40 =	vadd.bf16 v56, v57;
	v44 =	vmul.f32 v63, v20;
	v36 =	vadd.f32 v36, v37  }
0x5a: {  	v38 =	vand.u32 $0xFFFF0000, v61  }
0x5b: {  	v45 =	vld.idx.msk [tilespmem:v35+s16+$0xFFFFFFF0 ss:$0x1], $0xffff;
	v47 =	vmax.bf16 v40, v1;
	v46 =	vmul.f32 v38, v28;
	v36 =	vadd.f32 v44, v36  }
0x5c: {  	v48 =	vld.idx.msk [tilespmem:v34+s16+$0x20 ss:$0x1], $0xffff;
	v49 =	vshll.u32 v47, $0x10  }
0x5d: {  	v39 =	vadd.bf16 v60, v62;
	v50 =	vmul.f32 v49, v21;
	v36 =	vadd.f32 v36, v46  }
0x5e: {  	v38 =	vand.u32 $0xFFFF0000, v47  }
0x5f: {  	v51 =	vld.idx.msk [tilespmem:v35+s16+$0x0 ss:$0x1], $0xffff;
	v53 =	vmax.bf16 v39, v1;
	v52 =	vmul.f32 v38, v29;
	v36 =	vadd.f32 v50, v36  }
0x60: {  	v54 =	vld.idx.msk [tilespmem:v34+s16+$0x30 ss:$0x1], $0xffff;
	v55 =	vshll.u32 v53, $0x10  }
0x61: {  	v40 =	vadd.bf16 v45, v48;
	v56 =	vmul.f32 v55, v22;
	v36 =	vadd.f32 v36, v52  }
0x62: {  	v38 =	vand.u32 $0xFFFF0000, v53  }
0x63: {  	v58 =	vmax.bf16 v40, v1;
	v57 =	vmul.f32 v38, v30;
	v36 =	vadd.f32 v56, v36  }
0x64: {  	v40 =	vshll.u32 v58, $0x10  }
0x65: {  	v39 =	vadd.bf16 v51, v54;
	v59 =	vmul.f32 v40, v23;
	v36 =	vadd.f32 v36, v57  }
0x66: {  	v38 =	vand.u32 $0xFFFF0000, v58  }
0x67: {  	v61 =	vmax.bf16 v39, v1;
	v60 =	vmul.f32 v38, v31;
	v36 =	vadd.f32 v59, v36  }
0x68: {  	v39 =	vshll.u32 v61, $0x10  }
0x69: {  	v62 =	vmul.f32 v39, v24;
	v36 =	vadd.f32 v36, v60  }
0x6a: {  	v38 =	vand.u32 $0xFFFF0000, v61  }
0x6b: {  	v63 =	vmul.f32 v38, v32;
	v36 =	vadd.f32 v62, v36;
	_ =	sdelay $0x1  }
0x6c: {  	v36 =	vadd.f32 v36, v63  }
0x6d: {  	s25 =	simm.s32 $0x3500  }
0x6e: {  	s26 =	simm.s32 $0x80;
	[tilespmem:s25+$0x0] =	vst v36  }
0x6f: {  	s28 =	simm.s32 $0x400;
	v36 =	vld.idx.msk [tilespmem:v35+s26+$0xFFFFFF90 ss:$0x1], $0xffff  }
.LBB2_4:
0x70: {  	p0 =	sne.s32 s28, $0x1E00;
	v37 =	vld.idx.msk [tilespmem:v34+s26+$0xFFFFFFC0 ss:$0x1], $0xffff;
	_ =	sdelay $0x2  }
0x71: {  	v38 =	vld.idx.msk [tilespmem:v35+s26+$0xFFFFFFA0 ss:$0x1], $0xffff  }
0x72: {  	v39 =	vld.idx.msk [tilespmem:v34+s26+$0xFFFFFFD0 ss:$0x1], $0xffff;
	_ =	sdelay $0x1  }
0x73: {  	v36 =	vadd.bf16 v36, v37  }
0x74: {  	v37 =	vld.idx.msk [tilespmem:v35+s26+$0xFFFFFFB0 ss:$0x1], $0xffff  }
0x75: {  	v36 =	vmax.bf16 v36, v1;
	v40 =	vld.idx.msk [tilespmem:v34+s26+$0xFFFFFFE0 ss:$0x1], $0xffff  }
0x76: {  	v41 =	vshll.u32 v36, $0x10  }
0x77: {  	v41 =	vmul.f32 v41, v17;
	v38 =	vadd.bf16 v38, v39  }
0x78: {  	v36 =	vand.u32 $0xFFFF0000, v36;
	v39 =	vld.idx.msk [tilespmem:v35+s26+$0xFFFFFFC0 ss:$0x1], $0xffff  }
0x79: {  	v36 =	vmul.f32 v36, v25;
	v41 =	vadd.f32 v41, v33;
	v38 =	vmax.bf16 v38, v1;
	v42 =	vld.idx.msk [tilespmem:v34+s26+$0xFFFFFFF0 ss:$0x1], $0xffff  }
0x7a: {  	v43 =	vshll.u32 v38, $0x10  }
0x7b: {  	v36 =	vadd.f32 v41, v36;
	v41 =	vmul.f32 v43, v18;
	v37 =	vadd.bf16 v37, v40  }
0x7c: {  	v38 =	vand.u32 $0xFFFF0000, v38;
	v40 =	vld.idx.msk [tilespmem:v35+s26+$0xFFFFFFD0 ss:$0x1], $0xffff  }
0x7d: {  	v38 =	vmul.f32 v38, v26;
	v36 =	vadd.f32 v41, v36;
	v37 =	vmax.bf16 v37, v1;
	v41 =	vld.idx.msk [tilespmem:v34+s26+$0x0 ss:$0x1], $0xffff  }
0x7e: {  	v43 =	vshll.u32 v37, $0x10  }
0x7f: {  	v36 =	vadd.f32 v36, v38;
	v38 =	vmul.f32 v43, v19;
	v39 =	vadd.bf16 v39, v42  }
0x80: {  	v37 =	vand.u32 $0xFFFF0000, v37;
	v42 =	vld.idx.msk [tilespmem:v35+s26+$0xFFFFFFE0 ss:$0x1], $0xffff  }
0x81: {  	v37 =	vmul.f32 v37, v27;
	v36 =	vadd.f32 v38, v36;
	v38 =	vmax.bf16 v39, v1;
	v39 =	vld.idx.msk [tilespmem:v34+s26+$0x10 ss:$0x1], $0xffff  }
0x82: {  	v43 =	vshll.u32 v38, $0x10  }
0x83: {  	v36 =	vadd.f32 v36, v37;
	v37 =	vmul.f32 v43, v20;
	v40 =	vadd.bf16 v40, v41  }
0x84: {  	v38 =	vand.u32 $0xFFFF0000, v38;
	v41 =	vld.idx.msk [tilespmem:v35+s26+$0xFFFFFFF0 ss:$0x1], $0xffff  }
0x85: {  	v36 =	vadd.f32 v37, v36;
	v37 =	vmul.f32 v38, v28;
	v38 =	vmax.bf16 v40, v1;
	v40 =	vld.idx.msk [tilespmem:v34+s26+$0x20 ss:$0x1], $0xffff  }
0x86: {  	v43 =	vshll.u32 v38, $0x10  }
0x87: {  	v36 =	vadd.f32 v36, v37;
	v37 =	vmul.f32 v43, v21;
	v39 =	vadd.bf16 v42, v39  }
0x88: {  	v38 =	vand.u32 $0xFFFF0000, v38;
	v42 =	vld.idx.msk [tilespmem:v35+s26+$0x0 ss:$0x1], $0xffff  }
0x89: {  	v36 =	vadd.f32 v37, v36;
	v37 =	vmul.f32 v38, v29;
	v38 =	vmax.bf16 v39, v1;
	v39 =	vld.idx.msk [tilespmem:v34+s26+$0x30 ss:$0x1], $0xffff  }
0x8a: {  	v43 =	vshll.u32 v38, $0x10  }
0x8b: {  	v36 =	vadd.f32 v36, v37;
	v37 =	vmul.f32 v43, v22;
	v40 =	vadd.bf16 v41, v40  }
0x8c: {  	v38 =	vand.u32 $0xFFFF0000, v38  }
0x8d: {  	v36 =	vadd.f32 v37, v36;
	v37 =	vmul.f32 v38, v30;
	v38 =	vmax.bf16 v40, v1  }
0x8e: {  	v40 =	vshll.u32 v38, $0x10  }
0x8f: {  	v36 =	vadd.f32 v36, v37;
	v37 =	vmul.f32 v40, v23;
	v39 =	vadd.bf16 v42, v39  }
0x90: {  	v38 =	vand.u32 $0xFFFF0000, v38  }
0x91: {  	v36 =	vadd.f32 v37, v36;
	v37 =	vmul.f32 v38, v31;
	v38 =	vmax.bf16 v39, v1  }
0x92: {  	v39 =	vshll.u32 v38, $0x10  }
0x93: {  	v36 =	vadd.f32 v36, v37;
	v37 =	vmul.f32 v39, v24  }
0x94: {  	v38 =	vand.u32 $0xFFFF0000, v38  }
0x95: {  	v36 =	vadd.f32 v37, v36;
	v37 =	vmul.f32 v38, v32  }
.Ltmp0:
0x96: {  	(pc) =	sbr.rel @p0 .LBB2_4-.Ltmp0, $4  }
0x97: {  	v36 =	vadd.f32 v36, v37  }
0x98: {  	s25 =	sadd.s32 $0x10, s25  }
0x99: {  	s26 =	sshra.s32 s28, $0x2;
	[tilespmem:s25+$0x0] =	vst v36  }
0x9a: {  	s28 =	sadd.s32 $0x200, s28;
	v36 =	vld.idx.msk [tilespmem:v35+s26+$0xFFFFFF90 ss:$0x1], $0xffff  }
0x9b: {  	_ =	sdelay $0x3  }
0x9c: {  	v37 =	vld.idx.msk [tilespmem:v34+s26+$0xFFFFFFC0 ss:$0x1], $0xffff;
	_ =	sdelay $0x2  }
0x9d: {  	v38 =	vld.idx.msk [tilespmem:v35+s26+$0xFFFFFFA0 ss:$0x1], $0xffff  }
0x9e: {  	v39 =	vld.idx.msk [tilespmem:v34+s26+$0xFFFFFFD0 ss:$0x1], $0xffff  }
0x9f: {  	v36 =	vadd.bf16 v36, v37;
	_ =	sdelay $0x1  }
0xa0: {  	v60 =	vld.idx.msk [tilespmem:v35+s26+$0xFFFFFFB0 ss:$0x1], $0xffff;
	v36 =	vmax.bf16 v36, v1  }
0xa1: {  	v40 =	vld.idx.msk [tilespmem:v34+s26+$0xFFFFFFE0 ss:$0x1], $0xffff;
	v41 =	vshll.u32 v36, $0x10  }
0xa2: {  	v38 =	vadd.bf16 v38, v39;
	v41 =	vmul.f32 v41, v17  }
0xa3: {  	v36 =	vand.u32 $0xFFFF0000, v36  }
0xa4: {  	v61 =	vld.idx.msk [tilespmem:v35+s26+$0xFFFFFFC0 ss:$0x1], $0xffff;
	v38 =	vmax.bf16 v38, v1;
	v36 =	vmul.f32 v36, v25;
	v41 =	vadd.f32 v41, v33  }
0xa5: {  	v42 =	vld.idx.msk [tilespmem:v34+s26+$0xFFFFFFF0 ss:$0x1], $0xffff;
	v43 =	vshll.u32 v38, $0x10  }
0xa6: {  	v37 =	vadd.bf16 v60, v40;
	v62 =	vmul.f32 v43, v18;
	v36 =	vadd.f32 v41, v36  }
0xa7: {  	v38 =	vand.u32 $0xFFFF0000, v38  }
0xa8: {  	v63 =	vld.idx.msk [tilespmem:v35+s26+$0xFFFFFFD0 ss:$0x1], $0xffff;
	v37 =	vmax.bf16 v37, v1;
	v38 =	vmul.f32 v38, v26;
	v36 =	vadd.f32 v62, v36  }
0xa9: {  	v45 =	vld.idx.msk [tilespmem:v34+s26+$0x0 ss:$0x1], $0xffff;
	v46 =	vshll.u32 v37, $0x10  }
0xaa: {  	v39 =	vadd.bf16 v61, v42;
	v47 =	vmul.f32 v46, v19;
	v36 =	vadd.f32 v36, v38  }
0xab: {  	v37 =	vand.u32 $0xFFFF0000, v37  }
0xac: {  	v48 =	vld.idx.msk [tilespmem:v35+s26+$0xFFFFFFE0 ss:$0x1], $0xffff;
	v49 =	vmax.bf16 v39, v1;
	v37 =	vmul.f32 v37, v27;
	v36 =	vadd.f32 v47, v36  }
0xad: {  	v50 =	vld.idx.msk [tilespmem:v34+s26+$0x10 ss:$0x1], $0xffff;
	v51 =	vshll.u32 v49, $0x10  }
0xae: {  	v40 =	vadd.bf16 v63, v45;
	v52 =	vmul.f32 v51, v20;
	v36 =	vadd.f32 v36, v37  }
0xaf: {  	v38 =	vand.u32 $0xFFFF0000, v49  }
0xb0: {  	v53 =	vld.idx.msk [tilespmem:v35+s26+$0xFFFFFFF0 ss:$0x1], $0xffff;
	v55 =	vmax.bf16 v40, v1;
	v54 =	vmul.f32 v38, v28;
	v36 =	vadd.f32 v52, v36  }
0xb1: {  	v56 =	vld.idx.msk [tilespmem:v34+s26+$0x20 ss:$0x1], $0xffff;
	v57 =	vshll.u32 v55, $0x10  }
0xb2: {  	v39 =	vadd.bf16 v48, v50;
	v58 =	vmul.f32 v57, v21;
	v36 =	vadd.f32 v36, v54  }
0xb3: {  	v38 =	vand.u32 $0xFFFF0000, v55  }
0xb4: {  	v59 =	vld.idx.msk [tilespmem:v35+s26+$0x0 ss:$0x1], $0xffff;
	v61 =	vmax.bf16 v39, v1;
	v60 =	vmul.f32 v38, v29;
	v36 =	vadd.f32 v58, v36  }
0xb5: {  	v39 =	vshll.u32 v61, $0x10;
	v62 =	vld.idx.msk [tilespmem:v34+s26+$0x30 ss:$0x1], $0xffff  }
0xb6: {  	v42 =	vadd.bf16 v53, v56;
	v63 =	vmul.f32 v39, v22;
	v36 =	vadd.f32 v36, v60  }
0xb7: {  	v38 =	vand.u32 $0xFFFF0000, v61  }
0xb8: {  	v44 =	vmax.bf16 v42, v1;
	v43 =	vmul.f32 v38, v30;
	v36 =	vadd.f32 v63, v36  }
0xb9: {  	v39 =	vshll.u32 v44, $0x10  }
0xba: {  	v45 =	vmul.f32 v39, v23;
	v34 =	vadd.bf16 v59, v62;
	v36 =	vadd.f32 v36, v43  }
0xbb: {  	v46 =	vand.u32 $0xFFFF0000, v44  }
0xbc: {  	v35 =	vmul.f32 v46, v31;
	v34 =	vmax.bf16 v34, v1;
	v36 =	vadd.f32 v45, v36  }
0xbd: {  	v47 =	vshll.u32 v34, $0x10  }
0xbe: {  	v48 =	vmul.f32 v47, v24;
	v35 =	vadd.f32 v36, v35  }
0xbf: {  	v34 =	vand.u32 $0xFFFF0000, v34  }
0xc0: {  	v34 =	vmul.f32 v34, v32;
	v35 =	vadd.f32 v48, v35;
	_ =	sdelay $0x1  }
0xc1: {  	v34 =	vadd.f32 v35, v34  }
0xc2: {  	s16 =	sadd.s32 $0x10, s25  }
0xc3: {  	[tilespmem:s16+$0x0] =	vst v34  }
0xc4: {  	v34 =	vld.idx.msk [tilespmem:v0+s30+$0x0], $0xffff  }
0xc5: {  	v49 =	vld.idx.msk [tilespmem:v2+s30+$0x0], $0xffff;
	_ =	sdelay $0x1  }
0xc6: {  	v50 =	vld.idx.msk [tilespmem:v3+s30+$0x0], $0xffff;
	_ =	sdelay $0x1  }
0xc7: {  	v51 =	vld.idx.msk [tilespmem:v4+s30+$0x0], $0xffff  }
0xc8: {  	v34 =	vadd.f32 v49, v34  }
0xc9: {  	v52 =	vld.idx.msk [tilespmem:v5+s30+$0x0], $0xffff  }
0xca: {  	v34 =	vadd.f32 v50, v34  }
0xcb: {  	v53 =	vld.idx.msk [tilespmem:v6+s30+$0x0], $0xffff  }
0xcc: {  	v34 =	vadd.f32 v51, v34  }
0xcd: {  	v54 =	vld.idx.msk [tilespmem:v7+s30+$0x0], $0xffff  }
0xce: {  	v34 =	vadd.f32 v52, v34  }
0xcf: {  	v55 =	vld.idx.msk [tilespmem:v8+s30+$0x0], $0xffff  }
0xd0: {  	v34 =	vadd.f32 v53, v34  }
0xd1: {  	v56 =	vld.idx.msk [tilespmem:v9+s30+$0x0], $0xffff  }
0xd2: {  	v34 =	vadd.f32 v54, v34  }
0xd3: {  	v57 =	vld.idx.msk [tilespmem:v10+s30+$0x0], $0xffff  }
0xd4: {  	v34 =	vadd.f32 v55, v34  }
0xd5: {  	v58 =	vld.idx.msk [tilespmem:v11+s30+$0x0], $0xffff  }
0xd6: {  	v34 =	vadd.f32 v56, v34  }
0xd7: {  	v59 =	vld.idx.msk [tilespmem:v12+s30+$0x0], $0xffff  }
0xd8: {  	v34 =	vadd.f32 v57, v34  }
0xd9: {  	v60 =	vld.idx.msk [tilespmem:v13+s30+$0x0], $0xffff  }
0xda: {  	v34 =	vadd.f32 v58, v34  }
0xdb: {  	v61 =	vld.idx.msk [tilespmem:v14+s30+$0x0], $0xffff  }
0xdc: {  	v34 =	vadd.f32 v59, v34  }
0xdd: {  	v62 =	vld.idx.msk [tilespmem:v15+s30+$0x0], $0xffff  }
0xde: {  	v34 =	vadd.f32 v60, v34  }
0xdf: {  	v63 =	vld.idx.msk [tilespmem:v16+s30+$0x0], $0xffff  }
0xe0: {  	s28 =	sshll.u32 s22, $0x4;
	s22 =	sadd.s32 $0x1, s22;
	v34 =	vadd.f32 v61, v34  }
0xe1: {  	p0 =	sne.s32 s22, $0x3  }
.Ltmp1:
0xe2: {  	v34 =	vadd.f32 v62, v34;
	(pc) =	sbr.rel @p0 .LBB2_3-.Ltmp1, $4  }
0xe3: {  	_ = 	snop  }
0xe4: {  	v34 =	vadd.f32 v63, v34  }
0xe5: {  	s16 =	sand.u32 $0x3FFFFFF0, s28  }
0xe6: {  	s23 =	sadd.s32 $0x800, s23;
	s24 =	sadd.s32 $0x800, s24;
	[tilespmem:s16+$0x3300] =	vst v34  }
0xe7: {  	s22 =	smul.u32 $0xC0, s19;
	_ =	sdelay $0x1  }
0xe8: {  	s16 =	sadd.s32 s4, s22  }
0xe9: {  	s16 =	sshrl.u32 s16, $0x3  }
0xea: {  	s16 =	sadd.s32 s7, s16  }
0xeb: {  	[hbm4b:s16+s3] =	stream.linear.scatter [tilespmem:s31], [sflag:$0x5], $0x30, $0x38;
	[tilespmem:$0xF600] =	vst v63  }
0xec: {  	s16 =	sadd.s32 $0x4, s21  }
0xed: {  	_ =	swait.ge [sflag:s15], $0x30;
	p0 =	sge.u32 s16, s8  }
0xee: {  	[sflag:s15] =	ssyncset.done $0x0;
	s16 =	smul.u32 @!p0 $0x30, s16  }
0xef: {  	s23 =	simm.s32 @!p0 $0x30;
	s24 =	simm.s32 @!p0 $0x3600;
	[sflag:s15] =	ssyncadd.s32 $0xFFFFFFD0  }
0xf0: {  	[tilespmem:s24], [sflag:$0x1] =	stream.indirect.gather @!p0 [hbm4b:s5+s23], $0x80, s16, s23, $0xb8;
	[tilespmem:$0xF600] =	vst v63  }
0xf1: {  	s16 =	sadd.s32 @!p0 $0x1980, s16;
	s24 =	simm.s32 @!p0 $0x9600  }
0xf2: {  	[tilespmem:s24], [sflag:$0x1] =	stream.indirect.gather @!p0 [hbm4b:s6+s23], $0x80, s16, s23, $0xb8;
	[tilespmem:$0xF600] =	vst v63  }
0xf3: {  	_ =	swait.ge [sflag:s0], $0x1800  }
0xf4: {  	[sflag:s0] =	ssyncset.done $0x0  }
0xf5: {  	[sflag:s0] =	ssyncadd.s32 $0xFFFFE800  }
0xf6: {  	_ =	swait.ge [sflag:s0], $0x1800  }
0xf7: {  	s25 =	simm.s32 $0xAE70;
	[sflag:s0] =	ssyncset.done $0x0  }
0xf8: {  	s23 =	simm.s32 $0x0;
	s24 =	simm.s32 $0x4E40;
	[sflag:s0] =	ssyncadd.s32 $0xFFFFE800  }
.LBB2_7:
0xf9: {  	v35 =	vmov s25  }
0xfa: {  	v34 =	vmov s24;
	_ =	sdelay $0x2  }
0xfb: {  	s16 =	simm.s32 $0x0  }
0xfc: {  	v36 =	vld.idx.msk [tilespmem:v35+s16+$0xFFFFFF90 ss:$0x1], $0xffff  }
0xfd: {  	v37 =	vld.idx.msk [tilespmem:v34+s16+$0xFFFFFFC0 ss:$0x1], $0xffff;
	_ =	sdelay $0x2  }
0xfe: {  	v38 =	vld.idx.msk [tilespmem:v35+s16+$0xFFFFFFA0 ss:$0x1], $0xffff  }
0xff: {  	v39 =	vld.idx.msk [tilespmem:v34+s16+$0xFFFFFFD0 ss:$0x1], $0xffff  }
0x100: {  	v36 =	vadd.bf16 v36, v37;
	_ =	sdelay $0x1  }
0x101: {  	v53 =	vld.idx.msk [tilespmem:v35+s16+$0xFFFFFFB0 ss:$0x1], $0xffff;
	v36 =	vmax.bf16 v36, v1  }
0x102: {  	v40 =	vld.idx.msk [tilespmem:v34+s16+$0xFFFFFFE0 ss:$0x1], $0xffff;
	v41 =	vshll.u32 v36, $0x10  }
0x103: {  	v38 =	vadd.bf16 v38, v39;
	v41 =	vmul.f32 v41, v17  }
0x104: {  	v36 =	vand.u32 $0xFFFF0000, v36  }
0x105: {  	v54 =	vld.idx.msk [tilespmem:v35+s16+$0xFFFFFFC0 ss:$0x1], $0xffff;
	v38 =	vmax.bf16 v38, v1;
	v36 =	vmul.f32 v36, v25;
	v41 =	vadd.f32 v41, v33  }
0x106: {  	v42 =	vld.idx.msk [tilespmem:v34+s16+$0xFFFFFFF0 ss:$0x1], $0xffff;
	v43 =	vshll.u32 v38, $0x10  }
0x107: {  	v37 =	vadd.bf16 v53, v40;
	v55 =	vmul.f32 v43, v18;
	v36 =	vadd.f32 v41, v36  }
0x108: {  	v38 =	vand.u32 $0xFFFF0000, v38  }
0x109: {  	v56 =	vld.idx.msk [tilespmem:v35+s16+$0xFFFFFFD0 ss:$0x1], $0xffff;
	v37 =	vmax.bf16 v37, v1;
	v38 =	vmul.f32 v38, v26;
	v36 =	vadd.f32 v55, v36  }
0x10a: {  	v57 =	vld.idx.msk [tilespmem:v34+s16+$0x0 ss:$0x1], $0xffff;
	v58 =	vshll.u32 v37, $0x10  }
0x10b: {  	v39 =	vadd.bf16 v54, v42;
	v59 =	vmul.f32 v58, v19;
	v36 =	vadd.f32 v36, v38  }
0x10c: {  	v37 =	vand.u32 $0xFFFF0000, v37  }
0x10d: {  	v60 =	vld.idx.msk [tilespmem:v35+s16+$0xFFFFFFE0 ss:$0x1], $0xffff;
	v61 =	vmax.bf16 v39, v1;
	v37 =	vmul.f32 v37, v27;
	v36 =	vadd.f32 v59, v36  }
0x10e: {  	v62 =	vld.idx.msk [tilespmem:v34+s16+$0x10 ss:$0x1], $0xffff;
	v63 =	vshll.u32 v61, $0x10  }
0x10f: {  	v40 =	vadd.bf16 v56, v57;
	v44 =	vmul.f32 v63, v20;
	v36 =	vadd.f32 v36, v37  }
0x110: {  	v38 =	vand.u32 $0xFFFF0000, v61  }
0x111: {  	v45 =	vld.idx.msk [tilespmem:v35+s16+$0xFFFFFFF0 ss:$0x1], $0xffff;
	v47 =	vmax.bf16 v40, v1;
	v46 =	vmul.f32 v38, v28;
	v36 =	vadd.f32 v44, v36  }
0x112: {  	v48 =	vld.idx.msk [tilespmem:v34+s16+$0x20 ss:$0x1], $0xffff;
	v49 =	vshll.u32 v47, $0x10  }
0x113: {  	v39 =	vadd.bf16 v60, v62;
	v50 =	vmul.f32 v49, v21;
	v36 =	vadd.f32 v36, v46  }
0x114: {  	v38 =	vand.u32 $0xFFFF0000, v47  }
0x115: {  	v51 =	vld.idx.msk [tilespmem:v35+s16+$0x0 ss:$0x1], $0xffff;
	v53 =	vmax.bf16 v39, v1;
	v52 =	vmul.f32 v38, v29;
	v36 =	vadd.f32 v50, v36  }
0x116: {  	v54 =	vld.idx.msk [tilespmem:v34+s16+$0x30 ss:$0x1], $0xffff;
	v55 =	vshll.u32 v53, $0x10  }
0x117: {  	v40 =	vadd.bf16 v45, v48;
	v56 =	vmul.f32 v55, v22;
	v36 =	vadd.f32 v36, v52  }
0x118: {  	v38 =	vand.u32 $0xFFFF0000, v53  }
0x119: {  	v58 =	vmax.bf16 v40, v1;
	v57 =	vmul.f32 v38, v30;
	v36 =	vadd.f32 v56, v36  }
0x11a: {  	v40 =	vshll.u32 v58, $0x10  }
0x11b: {  	v39 =	vadd.bf16 v51, v54;
	v59 =	vmul.f32 v40, v23;
	v36 =	vadd.f32 v36, v57  }
0x11c: {  	v38 =	vand.u32 $0xFFFF0000, v58  }
0x11d: {  	v61 =	vmax.bf16 v39, v1;
	v60 =	vmul.f32 v38, v31;
	v36 =	vadd.f32 v59, v36  }
0x11e: {  	v39 =	vshll.u32 v61, $0x10  }
0x11f: {  	v62 =	vmul.f32 v39, v24;
	v36 =	vadd.f32 v36, v60  }
0x120: {  	v38 =	vand.u32 $0xFFFF0000, v61  }
0x121: {  	v63 =	vmul.f32 v38, v32;
	v36 =	vadd.f32 v62, v36;
	_ =	sdelay $0x1  }
0x122: {  	v36 =	vadd.f32 v36, v63  }
0x123: {  	s26 =	simm.s32 $0x3500  }
0x124: {  	s28 =	simm.s32 $0x80;
	[tilespmem:s26+$0x0] =	vst v36  }
0x125: {  	s16 =	simm.s32 $0x400;
	v36 =	vld.idx.msk [tilespmem:v35+s28+$0xFFFFFF90 ss:$0x1], $0xffff  }
.LBB2_8:
0x126: {  	p0 =	sne.s32 s16, $0x1E00;
	v37 =	vld.idx.msk [tilespmem:v34+s28+$0xFFFFFFC0 ss:$0x1], $0xffff;
	_ =	sdelay $0x2  }
0x127: {  	v38 =	vld.idx.msk [tilespmem:v35+s28+$0xFFFFFFA0 ss:$0x1], $0xffff  }
0x128: {  	v39 =	vld.idx.msk [tilespmem:v34+s28+$0xFFFFFFD0 ss:$0x1], $0xffff;
	_ =	sdelay $0x1  }
0x129: {  	v36 =	vadd.bf16 v36, v37  }
0x12a: {  	v37 =	vld.idx.msk [tilespmem:v35+s28+$0xFFFFFFB0 ss:$0x1], $0xffff  }
0x12b: {  	v36 =	vmax.bf16 v36, v1;
	v40 =	vld.idx.msk [tilespmem:v34+s28+$0xFFFFFFE0 ss:$0x1], $0xffff  }
0x12c: {  	v41 =	vshll.u32 v36, $0x10  }
0x12d: {  	v41 =	vmul.f32 v41, v17;
	v38 =	vadd.bf16 v38, v39  }
0x12e: {  	v36 =	vand.u32 $0xFFFF0000, v36;
	v39 =	vld.idx.msk [tilespmem:v35+s28+$0xFFFFFFC0 ss:$0x1], $0xffff  }
0x12f: {  	v36 =	vmul.f32 v36, v25;
	v41 =	vadd.f32 v41, v33;
	v38 =	vmax.bf16 v38, v1;
	v42 =	vld.idx.msk [tilespmem:v34+s28+$0xFFFFFFF0 ss:$0x1], $0xffff  }
0x130: {  	v43 =	vshll.u32 v38, $0x10  }
0x131: {  	v36 =	vadd.f32 v41, v36;
	v41 =	vmul.f32 v43, v18;
	v37 =	vadd.bf16 v37, v40  }
0x132: {  	v38 =	vand.u32 $0xFFFF0000, v38;
	v40 =	vld.idx.msk [tilespmem:v35+s28+$0xFFFFFFD0 ss:$0x1], $0xffff  }
0x133: {  	v38 =	vmul.f32 v38, v26;
	v36 =	vadd.f32 v41, v36;
	v37 =	vmax.bf16 v37, v1;
	v41 =	vld.idx.msk [tilespmem:v34+s28+$0x0 ss:$0x1], $0xffff  }
0x134: {  	v43 =	vshll.u32 v37, $0x10  }
0x135: {  	v36 =	vadd.f32 v36, v38;
	v38 =	vmul.f32 v43, v19;
	v39 =	vadd.bf16 v39, v42  }
0x136: {  	v37 =	vand.u32 $0xFFFF0000, v37;
	v42 =	vld.idx.msk [tilespmem:v35+s28+$0xFFFFFFE0 ss:$0x1], $0xffff  }
0x137: {  	v37 =	vmul.f32 v37, v27;
	v36 =	vadd.f32 v38, v36;
	v38 =	vmax.bf16 v39, v1;
	v39 =	vld.idx.msk [tilespmem:v34+s28+$0x10 ss:$0x1], $0xffff  }
0x138: {  	v43 =	vshll.u32 v38, $0x10  }
0x139: {  	v36 =	vadd.f32 v36, v37;
	v37 =	vmul.f32 v43, v20;
	v40 =	vadd.bf16 v40, v41  }
0x13a: {  	v38 =	vand.u32 $0xFFFF0000, v38;
	v41 =	vld.idx.msk [tilespmem:v35+s28+$0xFFFFFFF0 ss:$0x1], $0xffff  }
0x13b: {  	v36 =	vadd.f32 v37, v36;
	v37 =	vmul.f32 v38, v28;
	v38 =	vmax.bf16 v40, v1;
	v40 =	vld.idx.msk [tilespmem:v34+s28+$0x20 ss:$0x1], $0xffff  }
0x13c: {  	v43 =	vshll.u32 v38, $0x10  }
0x13d: {  	v36 =	vadd.f32 v36, v37;
	v37 =	vmul.f32 v43, v21;
	v39 =	vadd.bf16 v42, v39  }
0x13e: {  	v38 =	vand.u32 $0xFFFF0000, v38;
	v42 =	vld.idx.msk [tilespmem:v35+s28+$0x0 ss:$0x1], $0xffff  }
0x13f: {  	v36 =	vadd.f32 v37, v36;
	v37 =	vmul.f32 v38, v29;
	v38 =	vmax.bf16 v39, v1;
	v39 =	vld.idx.msk [tilespmem:v34+s28+$0x30 ss:$0x1], $0xffff  }
0x140: {  	v43 =	vshll.u32 v38, $0x10  }
0x141: {  	v36 =	vadd.f32 v36, v37;
	v37 =	vmul.f32 v43, v22;
	v40 =	vadd.bf16 v41, v40  }
0x142: {  	v38 =	vand.u32 $0xFFFF0000, v38  }
0x143: {  	v36 =	vadd.f32 v37, v36;
	v37 =	vmul.f32 v38, v30;
	v38 =	vmax.bf16 v40, v1  }
0x144: {  	v40 =	vshll.u32 v38, $0x10  }
0x145: {  	v36 =	vadd.f32 v36, v37;
	v37 =	vmul.f32 v40, v23;
	v39 =	vadd.bf16 v42, v39  }
0x146: {  	v38 =	vand.u32 $0xFFFF0000, v38  }
0x147: {  	v36 =	vadd.f32 v37, v36;
	v37 =	vmul.f32 v38, v31;
	v38 =	vmax.bf16 v39, v1  }
0x148: {  	v39 =	vshll.u32 v38, $0x10  }
0x149: {  	v36 =	vadd.f32 v36, v37;
	v37 =	vmul.f32 v39, v24  }
0x14a: {  	v38 =	vand.u32 $0xFFFF0000, v38  }
0x14b: {  	v36 =	vadd.f32 v37, v36;
	v37 =	vmul.f32 v38, v32  }
.Ltmp2:
0x14c: {  	(pc) =	sbr.rel @p0 .LBB2_8-.Ltmp2, $4  }
0x14d: {  	v36 =	vadd.f32 v36, v37  }
0x14e: {  	s26 =	sadd.s32 $0x10, s26  }
0x14f: {  	s28 =	sshra.s32 s16, $0x2;
	[tilespmem:s26+$0x0] =	vst v36  }
0x150: {  	s16 =	sadd.s32 $0x200, s16;
	v36 =	vld.idx.msk [tilespmem:v35+s28+$0xFFFFFF90 ss:$0x1], $0xffff  }
0x151: {  	_ =	sdelay $0x3  }
0x152: {  	v37 =	vld.idx.msk [tilespmem:v34+s28+$0xFFFFFFC0 ss:$0x1], $0xffff;
	_ =	sdelay $0x2  }
0x153: {  	v38 =	vld.idx.msk [tilespmem:v35+s28+$0xFFFFFFA0 ss:$0x1], $0xffff  }
0x154: {  	v39 =	vld.idx.msk [tilespmem:v34+s28+$0xFFFFFFD0 ss:$0x1], $0xffff  }
0x155: {  	v36 =	vadd.bf16 v36, v37;
	_ =	sdelay $0x1  }
0x156: {  	v60 =	vld.idx.msk [tilespmem:v35+s28+$0xFFFFFFB0 ss:$0x1], $0xffff;
	v36 =	vmax.bf16 v36, v1  }
0x157: {  	v40 =	vld.idx.msk [tilespmem:v34+s28+$0xFFFFFFE0 ss:$0x1], $0xffff;
	v41 =	vshll.u32 v36, $0x10  }
0x158: {  	v38 =	vadd.bf16 v38, v39;
	v41 =	vmul.f32 v41, v17  }
0x159: {  	v36 =	vand.u32 $0xFFFF0000, v36  }
0x15a: {  	v61 =	vld.idx.msk [tilespmem:v35+s28+$0xFFFFFFC0 ss:$0x1], $0xffff;
	v38 =	vmax.bf16 v38, v1;
	v36 =	vmul.f32 v36, v25;
	v41 =	vadd.f32 v41, v33  }
0x15b: {  	v42 =	vld.idx.msk [tilespmem:v34+s28+$0xFFFFFFF0 ss:$0x1], $0xffff;
	v43 =	vshll.u32 v38, $0x10  }
0x15c: {  	v37 =	vadd.bf16 v60, v40;
	v62 =	vmul.f32 v43, v18;
	v36 =	vadd.f32 v41, v36  }
0x15d: {  	v38 =	vand.u32 $0xFFFF0000, v38  }
0x15e: {  	v63 =	vld.idx.msk [tilespmem:v35+s28+$0xFFFFFFD0 ss:$0x1], $0xffff;
	v37 =	vmax.bf16 v37, v1;
	v38 =	vmul.f32 v38, v26;
	v36 =	vadd.f32 v62, v36  }
0x15f: {  	v45 =	vld.idx.msk [tilespmem:v34+s28+$0x0 ss:$0x1], $0xffff;
	v46 =	vshll.u32 v37, $0x10  }
0x160: {  	v39 =	vadd.bf16 v61, v42;
	v47 =	vmul.f32 v46, v19;
	v36 =	vadd.f32 v36, v38  }
0x161: {  	v37 =	vand.u32 $0xFFFF0000, v37  }
0x162: {  	v48 =	vld.idx.msk [tilespmem:v35+s28+$0xFFFFFFE0 ss:$0x1], $0xffff;
	v49 =	vmax.bf16 v39, v1;
	v37 =	vmul.f32 v37, v27;
	v36 =	vadd.f32 v47, v36  }
0x163: {  	v50 =	vld.idx.msk [tilespmem:v34+s28+$0x10 ss:$0x1], $0xffff;
	v51 =	vshll.u32 v49, $0x10  }
0x164: {  	v40 =	vadd.bf16 v63, v45;
	v52 =	vmul.f32 v51, v20;
	v36 =	vadd.f32 v36, v37  }
0x165: {  	v38 =	vand.u32 $0xFFFF0000, v49  }
0x166: {  	v53 =	vld.idx.msk [tilespmem:v35+s28+$0xFFFFFFF0 ss:$0x1], $0xffff;
	v55 =	vmax.bf16 v40, v1;
	v54 =	vmul.f32 v38, v28;
	v36 =	vadd.f32 v52, v36  }
0x167: {  	v56 =	vld.idx.msk [tilespmem:v34+s28+$0x20 ss:$0x1], $0xffff;
	v57 =	vshll.u32 v55, $0x10  }
0x168: {  	v39 =	vadd.bf16 v48, v50;
	v58 =	vmul.f32 v57, v21;
	v36 =	vadd.f32 v36, v54  }
0x169: {  	v38 =	vand.u32 $0xFFFF0000, v55  }
0x16a: {  	v59 =	vld.idx.msk [tilespmem:v35+s28+$0x0 ss:$0x1], $0xffff;
	v61 =	vmax.bf16 v39, v1;
	v60 =	vmul.f32 v38, v29;
	v36 =	vadd.f32 v58, v36  }
0x16b: {  	v39 =	vshll.u32 v61, $0x10;
	v62 =	vld.idx.msk [tilespmem:v34+s28+$0x30 ss:$0x1], $0xffff  }
0x16c: {  	v42 =	vadd.bf16 v53, v56;
	v63 =	vmul.f32 v39, v22;
	v36 =	vadd.f32 v36, v60  }
0x16d: {  	v38 =	vand.u32 $0xFFFF0000, v61  }
0x16e: {  	v44 =	vmax.bf16 v42, v1;
	v43 =	vmul.f32 v38, v30;
	v36 =	vadd.f32 v63, v36  }
0x16f: {  	v39 =	vshll.u32 v44, $0x10  }
0x170: {  	v45 =	vmul.f32 v39, v23;
	v34 =	vadd.bf16 v59, v62;
	v36 =	vadd.f32 v36, v43  }
0x171: {  	v46 =	vand.u32 $0xFFFF0000, v44  }
0x172: {  	v35 =	vmul.f32 v46, v31;
	v34 =	vmax.bf16 v34, v1;
	v36 =	vadd.f32 v45, v36  }
0x173: {  	v47 =	vshll.u32 v34, $0x10  }
0x174: {  	v48 =	vmul.f32 v47, v24;
	v35 =	vadd.f32 v36, v35  }
0x175: {  	v34 =	vand.u32 $0xFFFF0000, v34  }
0x176: {  	v34 =	vmul.f32 v34, v32;
	v35 =	vadd.f32 v48, v35;
	_ =	sdelay $0x1  }
0x177: {  	v34 =	vadd.f32 v35, v34  }
0x178: {  	s16 =	sadd.s32 $0x10, s26  }
0x179: {  	[tilespmem:s16+$0x0] =	vst v34  }
0x17a: {  	v34 =	vld.idx.msk [tilespmem:v0+s30+$0x0], $0xffff  }
0x17b: {  	v49 =	vld.idx.msk [tilespmem:v2+s30+$0x0], $0xffff;
	_ =	sdelay $0x1  }
0x17c: {  	v50 =	vld.idx.msk [tilespmem:v3+s30+$0x0], $0xffff;
	_ =	sdelay $0x1  }
0x17d: {  	v51 =	vld.idx.msk [tilespmem:v4+s30+$0x0], $0xffff  }
0x17e: {  	v34 =	vadd.f32 v49, v34  }
0x17f: {  	v52 =	vld.idx.msk [tilespmem:v5+s30+$0x0], $0xffff  }
0x180: {  	v34 =	vadd.f32 v50, v34  }
0x181: {  	v53 =	vld.idx.msk [tilespmem:v6+s30+$0x0], $0xffff  }
0x182: {  	v34 =	vadd.f32 v51, v34  }
0x183: {  	v54 =	vld.idx.msk [tilespmem:v7+s30+$0x0], $0xffff  }
0x184: {  	v34 =	vadd.f32 v52, v34  }
0x185: {  	v55 =	vld.idx.msk [tilespmem:v8+s30+$0x0], $0xffff  }
0x186: {  	v34 =	vadd.f32 v53, v34  }
0x187: {  	v56 =	vld.idx.msk [tilespmem:v9+s30+$0x0], $0xffff  }
0x188: {  	v34 =	vadd.f32 v54, v34  }
0x189: {  	v57 =	vld.idx.msk [tilespmem:v10+s30+$0x0], $0xffff  }
0x18a: {  	v34 =	vadd.f32 v55, v34  }
0x18b: {  	v58 =	vld.idx.msk [tilespmem:v11+s30+$0x0], $0xffff  }
0x18c: {  	v34 =	vadd.f32 v56, v34  }
0x18d: {  	v59 =	vld.idx.msk [tilespmem:v12+s30+$0x0], $0xffff  }
0x18e: {  	v34 =	vadd.f32 v57, v34  }
0x18f: {  	v60 =	vld.idx.msk [tilespmem:v13+s30+$0x0], $0xffff  }
0x190: {  	v34 =	vadd.f32 v58, v34  }
0x191: {  	v61 =	vld.idx.msk [tilespmem:v14+s30+$0x0], $0xffff  }
0x192: {  	v34 =	vadd.f32 v59, v34  }
0x193: {  	v62 =	vld.idx.msk [tilespmem:v15+s30+$0x0], $0xffff  }
0x194: {  	v34 =	vadd.f32 v60, v34  }
0x195: {  	v63 =	vld.idx.msk [tilespmem:v16+s30+$0x0], $0xffff  }
0x196: {  	s28 =	sshll.u32 s23, $0x4;
	s23 =	sadd.s32 $0x1, s23;
	v34 =	vadd.f32 v61, v34  }
0x197: {  	p0 =	sne.s32 s23, $0x3  }
.Ltmp3:
0x198: {  	v34 =	vadd.f32 v62, v34;
	(pc) =	sbr.rel @p0 .LBB2_7-.Ltmp3, $4  }
0x199: {  	_ = 	snop  }
0x19a: {  	v34 =	vadd.f32 v63, v34  }
0x19b: {  	s16 =	sand.u32 $0x3FFFFFF0, s28  }
0x19c: {  	s24 =	sadd.s32 $0x800, s24;
	s25 =	sadd.s32 $0x800, s25;
	[tilespmem:s16+$0x3300] =	vst v34  }
0x19d: {  	s16 =	sadd.s32 s22, s12  }
0x19e: {  	s16 =	sshrl.u32 s16, $0x3  }
0x19f: {  	s16 =	sadd.s32 s7, s16  }
0x1a0: {  	[hbm4b:s16+s3] =	stream.linear.scatter [tilespmem:s31], [sflag:$0x5], $0x30, $0x38;
	[tilespmem:$0xF600] =	vst v63  }
0x1a1: {  	s16 =	sadd.s32 $0x5, s21  }
0x1a2: {  	_ =	swait.ge [sflag:s15], $0x30;
	p0 =	sge.u32 s16, s8  }
0x1a3: {  	[sflag:s15] =	ssyncset.done $0x0;
	s16 =	smul.u32 @!p0 $0x30, s16  }
0x1a4: {  	s23 =	simm.s32 @!p0 $0x30;
	s24 =	simm.s32 @!p0 $0x4E00;
	[sflag:s15] =	ssyncadd.s32 $0xFFFFFFD0  }
0x1a5: {  	[tilespmem:s24], [sflag:$0x2] =	stream.indirect.gather @!p0 [hbm4b:s5+s23], $0x80, s16, s23, $0xb8;
	[tilespmem:$0xF600] =	vst v63  }
0x1a6: {  	s16 =	sadd.s32 @!p0 $0x1980, s16;
	s24 =	simm.s32 @!p0 $0xAE00  }
0x1a7: {  	[tilespmem:s24], [sflag:$0x2] =	stream.indirect.gather @!p0 [hbm4b:s6+s23], $0x80, s16, s23, $0xb8;
	[tilespmem:$0xF600] =	vst v63  }
0x1a8: {  	_ =	swait.ge [sflag:s1], $0x1800  }
0x1a9: {  	[sflag:s1] =	ssyncset.done $0x0  }
0x1aa: {  	[sflag:s1] =	ssyncadd.s32 $0xFFFFE800  }
0x1ab: {  	_ =	swait.ge [sflag:s1], $0x1800  }
0x1ac: {  	s25 =	simm.s32 $0xC670;
	[sflag:s1] =	ssyncset.done $0x0  }
0x1ad: {  	s23 =	simm.s32 $0x0;
	s24 =	simm.s32 $0x6640;
	[sflag:s1] =	ssyncadd.s32 $0xFFFFE800  }
.LBB2_11:
0x1ae: {  	v35 =	vmov s25  }
0x1af: {  	v34 =	vmov s24;
	_ =	sdelay $0x2  }
0x1b0: {  	s16 =	simm.s32 $0x0  }
0x1b1: {  	v36 =	vld.idx.msk [tilespmem:v35+s16+$0xFFFFFF90 ss:$0x1], $0xffff  }
0x1b2: {  	v37 =	vld.idx.msk [tilespmem:v34+s16+$0xFFFFFFC0 ss:$0x1], $0xffff;
	_ =	sdelay $0x2  }
0x1b3: {  	v38 =	vld.idx.msk [tilespmem:v35+s16+$0xFFFFFFA0 ss:$0x1], $0xffff  }
0x1b4: {  	v39 =	vld.idx.msk [tilespmem:v34+s16+$0xFFFFFFD0 ss:$0x1], $0xffff  }
0x1b5: {  	v36 =	vadd.bf16 v36, v37;
	_ =	sdelay $0x1  }
0x1b6: {  	v53 =	vld.idx.msk [tilespmem:v35+s16+$0xFFFFFFB0 ss:$0x1], $0xffff;
	v36 =	vmax.bf16 v36, v1  }
0x1b7: {  	v40 =	vld.idx.msk [tilespmem:v34+s16+$0xFFFFFFE0 ss:$0x1], $0xffff;
	v41 =	vshll.u32 v36, $0x10  }
0x1b8: {  	v38 =	vadd.bf16 v38, v39;
	v41 =	vmul.f32 v41, v17  }
0x1b9: {  	v36 =	vand.u32 $0xFFFF0000, v36  }
0x1ba: {  	v54 =	vld.idx.msk [tilespmem:v35+s16+$0xFFFFFFC0 ss:$0x1], $0xffff;
	v38 =	vmax.bf16 v38, v1;
	v36 =	vmul.f32 v36, v25;
	v41 =	vadd.f32 v41, v33  }
0x1bb: {  	v42 =	vld.idx.msk [tilespmem:v34+s16+$0xFFFFFFF0 ss:$0x1], $0xffff;
	v43 =	vshll.u32 v38, $0x10  }
0x1bc: {  	v37 =	vadd.bf16 v53, v40;
	v55 =	vmul.f32 v43, v18;
	v36 =	vadd.f32 v41, v36  }
0x1bd: {  	v38 =	vand.u32 $0xFFFF0000, v38  }
0x1be: {  	v56 =	vld.idx.msk [tilespmem:v35+s16+$0xFFFFFFD0 ss:$0x1], $0xffff;
	v37 =	vmax.bf16 v37, v1;
	v38 =	vmul.f32 v38, v26;
	v36 =	vadd.f32 v55, v36  }
0x1bf: {  	v57 =	vld.idx.msk [tilespmem:v34+s16+$0x0 ss:$0x1], $0xffff;
	v58 =	vshll.u32 v37, $0x10  }
0x1c0: {  	v39 =	vadd.bf16 v54, v42;
	v59 =	vmul.f32 v58, v19;
	v36 =	vadd.f32 v36, v38  }
0x1c1: {  	v37 =	vand.u32 $0xFFFF0000, v37  }
0x1c2: {  	v60 =	vld.idx.msk [tilespmem:v35+s16+$0xFFFFFFE0 ss:$0x1], $0xffff;
	v61 =	vmax.bf16 v39, v1;
	v37 =	vmul.f32 v37, v27;
	v36 =	vadd.f32 v59, v36  }
0x1c3: {  	v62 =	vld.idx.msk [tilespmem:v34+s16+$0x10 ss:$0x1], $0xffff;
	v63 =	vshll.u32 v61, $0x10  }
0x1c4: {  	v40 =	vadd.bf16 v56, v57;
	v44 =	vmul.f32 v63, v20;
	v36 =	vadd.f32 v36, v37  }
0x1c5: {  	v38 =	vand.u32 $0xFFFF0000, v61  }
0x1c6: {  	v45 =	vld.idx.msk [tilespmem:v35+s16+$0xFFFFFFF0 ss:$0x1], $0xffff;
	v47 =	vmax.bf16 v40, v1;
	v46 =	vmul.f32 v38, v28;
	v36 =	vadd.f32 v44, v36  }
0x1c7: {  	v48 =	vld.idx.msk [tilespmem:v34+s16+$0x20 ss:$0x1], $0xffff;
	v49 =	vshll.u32 v47, $0x10  }
0x1c8: {  	v39 =	vadd.bf16 v60, v62;
	v50 =	vmul.f32 v49, v21;
	v36 =	vadd.f32 v36, v46  }
0x1c9: {  	v38 =	vand.u32 $0xFFFF0000, v47  }
0x1ca: {  	v51 =	vld.idx.msk [tilespmem:v35+s16+$0x0 ss:$0x1], $0xffff;
	v53 =	vmax.bf16 v39, v1;
	v52 =	vmul.f32 v38, v29;
	v36 =	vadd.f32 v50, v36  }
0x1cb: {  	v54 =	vld.idx.msk [tilespmem:v34+s16+$0x30 ss:$0x1], $0xffff;
	v55 =	vshll.u32 v53, $0x10  }
0x1cc: {  	v40 =	vadd.bf16 v45, v48;
	v56 =	vmul.f32 v55, v22;
	v36 =	vadd.f32 v36, v52  }
0x1cd: {  	v38 =	vand.u32 $0xFFFF0000, v53  }
0x1ce: {  	v58 =	vmax.bf16 v40, v1;
	v57 =	vmul.f32 v38, v30;
	v36 =	vadd.f32 v56, v36  }
0x1cf: {  	v40 =	vshll.u32 v58, $0x10  }
0x1d0: {  	v39 =	vadd.bf16 v51, v54;
	v59 =	vmul.f32 v40, v23;
	v36 =	vadd.f32 v36, v57  }
0x1d1: {  	v38 =	vand.u32 $0xFFFF0000, v58  }
0x1d2: {  	v61 =	vmax.bf16 v39, v1;
	v60 =	vmul.f32 v38, v31;
	v36 =	vadd.f32 v59, v36  }
0x1d3: {  	v39 =	vshll.u32 v61, $0x10  }
0x1d4: {  	v62 =	vmul.f32 v39, v24;
	v36 =	vadd.f32 v36, v60  }
0x1d5: {  	v38 =	vand.u32 $0xFFFF0000, v61  }
0x1d6: {  	v63 =	vmul.f32 v38, v32;
	v36 =	vadd.f32 v62, v36;
	_ =	sdelay $0x1  }
0x1d7: {  	v36 =	vadd.f32 v36, v63  }
0x1d8: {  	s26 =	simm.s32 $0x3500  }
0x1d9: {  	s28 =	simm.s32 $0x80;
	[tilespmem:s26+$0x0] =	vst v36  }
0x1da: {  	s16 =	simm.s32 $0x400;
	v36 =	vld.idx.msk [tilespmem:v35+s28+$0xFFFFFF90 ss:$0x1], $0xffff  }
.LBB2_12:
0x1db: {  	p0 =	sne.s32 s16, $0x1E00;
	v37 =	vld.idx.msk [tilespmem:v34+s28+$0xFFFFFFC0 ss:$0x1], $0xffff;
	_ =	sdelay $0x2  }
0x1dc: {  	v38 =	vld.idx.msk [tilespmem:v35+s28+$0xFFFFFFA0 ss:$0x1], $0xffff  }
0x1dd: {  	v39 =	vld.idx.msk [tilespmem:v34+s28+$0xFFFFFFD0 ss:$0x1], $0xffff;
	_ =	sdelay $0x1  }
0x1de: {  	v36 =	vadd.bf16 v36, v37  }
0x1df: {  	v37 =	vld.idx.msk [tilespmem:v35+s28+$0xFFFFFFB0 ss:$0x1], $0xffff  }
0x1e0: {  	v36 =	vmax.bf16 v36, v1;
	v40 =	vld.idx.msk [tilespmem:v34+s28+$0xFFFFFFE0 ss:$0x1], $0xffff  }
0x1e1: {  	v41 =	vshll.u32 v36, $0x10  }
0x1e2: {  	v41 =	vmul.f32 v41, v17;
	v38 =	vadd.bf16 v38, v39  }
0x1e3: {  	v36 =	vand.u32 $0xFFFF0000, v36;
	v39 =	vld.idx.msk [tilespmem:v35+s28+$0xFFFFFFC0 ss:$0x1], $0xffff  }
0x1e4: {  	v36 =	vmul.f32 v36, v25;
	v41 =	vadd.f32 v41, v33;
	v38 =	vmax.bf16 v38, v1;
	v42 =	vld.idx.msk [tilespmem:v34+s28+$0xFFFFFFF0 ss:$0x1], $0xffff  }
0x1e5: {  	v43 =	vshll.u32 v38, $0x10  }
0x1e6: {  	v36 =	vadd.f32 v41, v36;
	v41 =	vmul.f32 v43, v18;
	v37 =	vadd.bf16 v37, v40  }
0x1e7: {  	v38 =	vand.u32 $0xFFFF0000, v38;
	v40 =	vld.idx.msk [tilespmem:v35+s28+$0xFFFFFFD0 ss:$0x1], $0xffff  }
0x1e8: {  	v38 =	vmul.f32 v38, v26;
	v36 =	vadd.f32 v41, v36;
	v37 =	vmax.bf16 v37, v1;
	v41 =	vld.idx.msk [tilespmem:v34+s28+$0x0 ss:$0x1], $0xffff  }
0x1e9: {  	v43 =	vshll.u32 v37, $0x10  }
0x1ea: {  	v36 =	vadd.f32 v36, v38;
	v38 =	vmul.f32 v43, v19;
	v39 =	vadd.bf16 v39, v42  }
0x1eb: {  	v37 =	vand.u32 $0xFFFF0000, v37;
	v42 =	vld.idx.msk [tilespmem:v35+s28+$0xFFFFFFE0 ss:$0x1], $0xffff  }
0x1ec: {  	v37 =	vmul.f32 v37, v27;
	v36 =	vadd.f32 v38, v36;
	v38 =	vmax.bf16 v39, v1;
	v39 =	vld.idx.msk [tilespmem:v34+s28+$0x10 ss:$0x1], $0xffff  }
0x1ed: {  	v43 =	vshll.u32 v38, $0x10  }
0x1ee: {  	v36 =	vadd.f32 v36, v37;
	v37 =	vmul.f32 v43, v20;
	v40 =	vadd.bf16 v40, v41  }
0x1ef: {  	v38 =	vand.u32 $0xFFFF0000, v38;
	v41 =	vld.idx.msk [tilespmem:v35+s28+$0xFFFFFFF0 ss:$0x1], $0xffff  }
0x1f0: {  	v36 =	vadd.f32 v37, v36;
	v37 =	vmul.f32 v38, v28;
	v38 =	vmax.bf16 v40, v1;
	v40 =	vld.idx.msk [tilespmem:v34+s28+$0x20 ss:$0x1], $0xffff  }
0x1f1: {  	v43 =	vshll.u32 v38, $0x10  }
0x1f2: {  	v36 =	vadd.f32 v36, v37;
	v37 =	vmul.f32 v43, v21;
	v39 =	vadd.bf16 v42, v39  }
0x1f3: {  	v38 =	vand.u32 $0xFFFF0000, v38;
	v42 =	vld.idx.msk [tilespmem:v35+s28+$0x0 ss:$0x1], $0xffff  }
0x1f4: {  	v36 =	vadd.f32 v37, v36;
	v37 =	vmul.f32 v38, v29;
	v38 =	vmax.bf16 v39, v1;
	v39 =	vld.idx.msk [tilespmem:v34+s28+$0x30 ss:$0x1], $0xffff  }
0x1f5: {  	v43 =	vshll.u32 v38, $0x10  }
0x1f6: {  	v36 =	vadd.f32 v36, v37;
	v37 =	vmul.f32 v43, v22;
	v40 =	vadd.bf16 v41, v40  }
0x1f7: {  	v38 =	vand.u32 $0xFFFF0000, v38  }
0x1f8: {  	v36 =	vadd.f32 v37, v36;
	v37 =	vmul.f32 v38, v30;
	v38 =	vmax.bf16 v40, v1  }
0x1f9: {  	v40 =	vshll.u32 v38, $0x10  }
0x1fa: {  	v36 =	vadd.f32 v36, v37;
	v37 =	vmul.f32 v40, v23;
	v39 =	vadd.bf16 v42, v39  }
0x1fb: {  	v38 =	vand.u32 $0xFFFF0000, v38  }
0x1fc: {  	v36 =	vadd.f32 v37, v36;
	v37 =	vmul.f32 v38, v31;
	v38 =	vmax.bf16 v39, v1  }
0x1fd: {  	v39 =	vshll.u32 v38, $0x10  }
0x1fe: {  	v36 =	vadd.f32 v36, v37;
	v37 =	vmul.f32 v39, v24  }
0x1ff: {  	v38 =	vand.u32 $0xFFFF0000, v38  }
0x200: {  	v36 =	vadd.f32 v37, v36;
	v37 =	vmul.f32 v38, v32  }
.Ltmp4:
0x201: {  	(pc) =	sbr.rel @p0 .LBB2_12-.Ltmp4, $4  }
0x202: {  	v36 =	vadd.f32 v36, v37  }
0x203: {  	s26 =	sadd.s32 $0x10, s26  }
0x204: {  	s28 =	sshra.s32 s16, $0x2;
	[tilespmem:s26+$0x0] =	vst v36  }
0x205: {  	s16 =	sadd.s32 $0x200, s16;
	v36 =	vld.idx.msk [tilespmem:v35+s28+$0xFFFFFF90 ss:$0x1], $0xffff  }
0x206: {  	_ =	sdelay $0x3  }
0x207: {  	v37 =	vld.idx.msk [tilespmem:v34+s28+$0xFFFFFFC0 ss:$0x1], $0xffff;
	_ =	sdelay $0x2  }
0x208: {  	v38 =	vld.idx.msk [tilespmem:v35+s28+$0xFFFFFFA0 ss:$0x1], $0xffff  }
0x209: {  	v39 =	vld.idx.msk [tilespmem:v34+s28+$0xFFFFFFD0 ss:$0x1], $0xffff  }
0x20a: {  	v36 =	vadd.bf16 v36, v37;
	_ =	sdelay $0x1  }
0x20b: {  	v60 =	vld.idx.msk [tilespmem:v35+s28+$0xFFFFFFB0 ss:$0x1], $0xffff;
	v36 =	vmax.bf16 v36, v1  }
0x20c: {  	v40 =	vld.idx.msk [tilespmem:v34+s28+$0xFFFFFFE0 ss:$0x1], $0xffff;
	v41 =	vshll.u32 v36, $0x10  }
0x20d: {  	v38 =	vadd.bf16 v38, v39;
	v41 =	vmul.f32 v41, v17  }
0x20e: {  	v36 =	vand.u32 $0xFFFF0000, v36  }
0x20f: {  	v61 =	vld.idx.msk [tilespmem:v35+s28+$0xFFFFFFC0 ss:$0x1], $0xffff;
	v38 =	vmax.bf16 v38, v1;
	v36 =	vmul.f32 v36, v25;
	v41 =	vadd.f32 v41, v33  }
0x210: {  	v42 =	vld.idx.msk [tilespmem:v34+s28+$0xFFFFFFF0 ss:$0x1], $0xffff;
	v43 =	vshll.u32 v38, $0x10  }
0x211: {  	v37 =	vadd.bf16 v60, v40;
	v62 =	vmul.f32 v43, v18;
	v36 =	vadd.f32 v41, v36  }
0x212: {  	v38 =	vand.u32 $0xFFFF0000, v38  }
0x213: {  	v63 =	vld.idx.msk [tilespmem:v35+s28+$0xFFFFFFD0 ss:$0x1], $0xffff;
	v37 =	vmax.bf16 v37, v1;
	v38 =	vmul.f32 v38, v26;
	v36 =	vadd.f32 v62, v36  }
0x214: {  	v45 =	vld.idx.msk [tilespmem:v34+s28+$0x0 ss:$0x1], $0xffff;
	v46 =	vshll.u32 v37, $0x10  }
0x215: {  	v39 =	vadd.bf16 v61, v42;
	v47 =	vmul.f32 v46, v19;
	v36 =	vadd.f32 v36, v38  }
0x216: {  	v37 =	vand.u32 $0xFFFF0000, v37  }
0x217: {  	v48 =	vld.idx.msk [tilespmem:v35+s28+$0xFFFFFFE0 ss:$0x1], $0xffff;
	v49 =	vmax.bf16 v39, v1;
	v37 =	vmul.f32 v37, v27;
	v36 =	vadd.f32 v47, v36  }
0x218: {  	v50 =	vld.idx.msk [tilespmem:v34+s28+$0x10 ss:$0x1], $0xffff;
	v51 =	vshll.u32 v49, $0x10  }
0x219: {  	v40 =	vadd.bf16 v63, v45;
	v52 =	vmul.f32 v51, v20;
	v36 =	vadd.f32 v36, v37  }
0x21a: {  	v38 =	vand.u32 $0xFFFF0000, v49  }
0x21b: {  	v53 =	vld.idx.msk [tilespmem:v35+s28+$0xFFFFFFF0 ss:$0x1], $0xffff;
	v55 =	vmax.bf16 v40, v1;
	v54 =	vmul.f32 v38, v28;
	v36 =	vadd.f32 v52, v36  }
0x21c: {  	v56 =	vld.idx.msk [tilespmem:v34+s28+$0x20 ss:$0x1], $0xffff;
	v57 =	vshll.u32 v55, $0x10  }
0x21d: {  	v39 =	vadd.bf16 v48, v50;
	v58 =	vmul.f32 v57, v21;
	v36 =	vadd.f32 v36, v54  }
0x21e: {  	v38 =	vand.u32 $0xFFFF0000, v55  }
0x21f: {  	v59 =	vld.idx.msk [tilespmem:v35+s28+$0x0 ss:$0x1], $0xffff;
	v61 =	vmax.bf16 v39, v1;
	v60 =	vmul.f32 v38, v29;
	v36 =	vadd.f32 v58, v36  }
0x220: {  	v39 =	vshll.u32 v61, $0x10;
	v62 =	vld.idx.msk [tilespmem:v34+s28+$0x30 ss:$0x1], $0xffff  }
0x221: {  	v42 =	vadd.bf16 v53, v56;
	v63 =	vmul.f32 v39, v22;
	v36 =	vadd.f32 v36, v60  }
0x222: {  	v38 =	vand.u32 $0xFFFF0000, v61  }
0x223: {  	v44 =	vmax.bf16 v42, v1;
	v43 =	vmul.f32 v38, v30;
	v36 =	vadd.f32 v63, v36  }
0x224: {  	v39 =	vshll.u32 v44, $0x10  }
0x225: {  	v45 =	vmul.f32 v39, v23;
	v34 =	vadd.bf16 v59, v62;
	v36 =	vadd.f32 v36, v43  }
0x226: {  	v46 =	vand.u32 $0xFFFF0000, v44  }
0x227: {  	v35 =	vmul.f32 v46, v31;
	v34 =	vmax.bf16 v34, v1;
	v36 =	vadd.f32 v45, v36  }
0x228: {  	v47 =	vshll.u32 v34, $0x10  }
0x229: {  	v48 =	vmul.f32 v47, v24;
	v35 =	vadd.f32 v36, v35  }
0x22a: {  	v34 =	vand.u32 $0xFFFF0000, v34  }
0x22b: {  	v34 =	vmul.f32 v34, v32;
	v35 =	vadd.f32 v48, v35;
	_ =	sdelay $0x1  }
0x22c: {  	v34 =	vadd.f32 v35, v34  }
0x22d: {  	s16 =	sadd.s32 $0x10, s26  }
0x22e: {  	[tilespmem:s16+$0x0] =	vst v34  }
0x22f: {  	v34 =	vld.idx.msk [tilespmem:v0+s30+$0x0], $0xffff  }
0x230: {  	v49 =	vld.idx.msk [tilespmem:v2+s30+$0x0], $0xffff;
	_ =	sdelay $0x1  }
0x231: {  	v50 =	vld.idx.msk [tilespmem:v3+s30+$0x0], $0xffff;
	_ =	sdelay $0x1  }
0x232: {  	v51 =	vld.idx.msk [tilespmem:v4+s30+$0x0], $0xffff  }
0x233: {  	v34 =	vadd.f32 v49, v34  }
0x234: {  	v52 =	vld.idx.msk [tilespmem:v5+s30+$0x0], $0xffff  }
0x235: {  	v34 =	vadd.f32 v50, v34  }
0x236: {  	v53 =	vld.idx.msk [tilespmem:v6+s30+$0x0], $0xffff  }
0x237: {  	v34 =	vadd.f32 v51, v34  }
0x238: {  	v54 =	vld.idx.msk [tilespmem:v7+s30+$0x0], $0xffff  }
0x239: {  	v34 =	vadd.f32 v52, v34  }
0x23a: {  	v55 =	vld.idx.msk [tilespmem:v8+s30+$0x0], $0xffff  }
0x23b: {  	v34 =	vadd.f32 v53, v34  }
0x23c: {  	v56 =	vld.idx.msk [tilespmem:v9+s30+$0x0], $0xffff  }
0x23d: {  	v34 =	vadd.f32 v54, v34  }
0x23e: {  	v57 =	vld.idx.msk [tilespmem:v10+s30+$0x0], $0xffff  }
0x23f: {  	v34 =	vadd.f32 v55, v34  }
0x240: {  	v58 =	vld.idx.msk [tilespmem:v11+s30+$0x0], $0xffff  }
0x241: {  	v34 =	vadd.f32 v56, v34  }
0x242: {  	v59 =	vld.idx.msk [tilespmem:v12+s30+$0x0], $0xffff  }
0x243: {  	v34 =	vadd.f32 v57, v34  }
0x244: {  	v60 =	vld.idx.msk [tilespmem:v13+s30+$0x0], $0xffff  }
0x245: {  	v34 =	vadd.f32 v58, v34  }
0x246: {  	v61 =	vld.idx.msk [tilespmem:v14+s30+$0x0], $0xffff  }
0x247: {  	v34 =	vadd.f32 v59, v34  }
0x248: {  	v62 =	vld.idx.msk [tilespmem:v15+s30+$0x0], $0xffff  }
0x249: {  	v34 =	vadd.f32 v60, v34  }
0x24a: {  	v63 =	vld.idx.msk [tilespmem:v16+s30+$0x0], $0xffff  }
0x24b: {  	s28 =	sshll.u32 s23, $0x4;
	s23 =	sadd.s32 $0x1, s23;
	v34 =	vadd.f32 v61, v34  }
0x24c: {  	p0 =	sne.s32 s23, $0x3  }
.Ltmp5:
0x24d: {  	v34 =	vadd.f32 v62, v34;
	(pc) =	sbr.rel @p0 .LBB2_11-.Ltmp5, $4  }
0x24e: {  	_ = 	snop  }
0x24f: {  	v34 =	vadd.f32 v63, v34  }
0x250: {  	s16 =	sand.u32 $0x3FFFFFF0, s28  }
0x251: {  	s24 =	sadd.s32 $0x800, s24;
	s25 =	sadd.s32 $0x800, s25;
	[tilespmem:s16+$0x3300] =	vst v34  }
0x252: {  	s16 =	sadd.s32 s22, s13  }
0x253: {  	s16 =	sshrl.u32 s16, $0x3  }
0x254: {  	s16 =	sadd.s32 s7, s16  }
0x255: {  	[hbm4b:s16+s3] =	stream.linear.scatter [tilespmem:s31], [sflag:$0x5], $0x30, $0x38;
	[tilespmem:$0xF600] =	vst v63  }
0x256: {  	s16 =	sadd.s32 $0x6, s21  }
0x257: {  	_ =	swait.ge [sflag:s15], $0x30;
	p0 =	sge.u32 s16, s8  }
0x258: {  	[sflag:s15] =	ssyncset.done $0x0;
	s16 =	smul.u32 @!p0 $0x30, s16  }
0x259: {  	s21 =	simm.s32 @!p0 $0x30;
	s22 =	simm.s32 @!p0 $0x6600;
	[sflag:s15] =	ssyncadd.s32 $0xFFFFFFD0  }
0x25a: {  	[tilespmem:s22], [sflag:$0x3] =	stream.indirect.gather @!p0 [hbm4b:s5+s21], $0x80, s16, s21, $0xb8;
	[tilespmem:$0xF600] =	vst v63  }
0x25b: {  	s16 =	sadd.s32 @!p0 $0x1980, s16;
	s22 =	simm.s32 @!p0 $0xC600  }
0x25c: {  	[tilespmem:s22], [sflag:$0x3] =	stream.indirect.gather @!p0 [hbm4b:s6+s21], $0x80, s16, s21, $0xb8;
	[tilespmem:$0xF600] =	vst v63  }
0x25d: {  	_ =	swait.ge [sflag:s2], $0x1800  }
0x25e: {  	[sflag:s2] =	ssyncset.done $0x0  }
0x25f: {  	[sflag:s2] =	ssyncadd.s32 $0xFFFFE800  }
0x260: {  	_ =	swait.ge [sflag:s2], $0x1800  }
0x261: {  	s23 =	simm.s32 $0xDE70;
	[sflag:s2] =	ssyncset.done $0x0  }
0x262: {  	s21 =	simm.s32 $0x0;
	s22 =	simm.s32 $0x7E40;
	[sflag:s2] =	ssyncadd.s32 $0xFFFFE800  }
.LBB2_15:
0x263: {  	v35 =	vmov s23  }
0x264: {  	v34 =	vmov s22;
	_ =	sdelay $0x2  }
0x265: {  	s16 =	simm.s32 $0x0  }
0x266: {  	v36 =	vld.idx.msk [tilespmem:v35+s16+$0xFFFFFF90 ss:$0x1], $0xffff  }
0x267: {  	v37 =	vld.idx.msk [tilespmem:v34+s16+$0xFFFFFFC0 ss:$0x1], $0xffff;
	_ =	sdelay $0x2  }
0x268: {  	v38 =	vld.idx.msk [tilespmem:v35+s16+$0xFFFFFFA0 ss:$0x1], $0xffff  }
0x269: {  	v39 =	vld.idx.msk [tilespmem:v34+s16+$0xFFFFFFD0 ss:$0x1], $0xffff  }
0x26a: {  	v36 =	vadd.bf16 v36, v37;
	_ =	sdelay $0x1  }
0x26b: {  	v53 =	vld.idx.msk [tilespmem:v35+s16+$0xFFFFFFB0 ss:$0x1], $0xffff;
	v36 =	vmax.bf16 v36, v1  }
0x26c: {  	v40 =	vld.idx.msk [tilespmem:v34+s16+$0xFFFFFFE0 ss:$0x1], $0xffff;
	v41 =	vshll.u32 v36, $0x10  }
0x26d: {  	v38 =	vadd.bf16 v38, v39;
	v41 =	vmul.f32 v41, v17  }
0x26e: {  	v36 =	vand.u32 $0xFFFF0000, v36  }
0x26f: {  	v54 =	vld.idx.msk [tilespmem:v35+s16+$0xFFFFFFC0 ss:$0x1], $0xffff;
	v38 =	vmax.bf16 v38, v1;
	v36 =	vmul.f32 v36, v25;
	v41 =	vadd.f32 v41, v33  }
0x270: {  	v42 =	vld.idx.msk [tilespmem:v34+s16+$0xFFFFFFF0 ss:$0x1], $0xffff;
	v43 =	vshll.u32 v38, $0x10  }
0x271: {  	v37 =	vadd.bf16 v53, v40;
	v55 =	vmul.f32 v43, v18;
	v36 =	vadd.f32 v41, v36  }
0x272: {  	v38 =	vand.u32 $0xFFFF0000, v38  }
0x273: {  	v56 =	vld.idx.msk [tilespmem:v35+s16+$0xFFFFFFD0 ss:$0x1], $0xffff;
	v37 =	vmax.bf16 v37, v1;
	v38 =	vmul.f32 v38, v26;
	v36 =	vadd.f32 v55, v36  }
0x274: {  	v57 =	vld.idx.msk [tilespmem:v34+s16+$0x0 ss:$0x1], $0xffff;
	v58 =	vshll.u32 v37, $0x10  }
0x275: {  	v39 =	vadd.bf16 v54, v42;
	v59 =	vmul.f32 v58, v19;
	v36 =	vadd.f32 v36, v38  }
0x276: {  	v37 =	vand.u32 $0xFFFF0000, v37  }
0x277: {  	v60 =	vld.idx.msk [tilespmem:v35+s16+$0xFFFFFFE0 ss:$0x1], $0xffff;
	v61 =	vmax.bf16 v39, v1;
	v37 =	vmul.f32 v37, v27;
	v36 =	vadd.f32 v59, v36  }
0x278: {  	v62 =	vld.idx.msk [tilespmem:v34+s16+$0x10 ss:$0x1], $0xffff;
	v63 =	vshll.u32 v61, $0x10  }
0x279: {  	v40 =	vadd.bf16 v56, v57;
	v44 =	vmul.f32 v63, v20;
	v36 =	vadd.f32 v36, v37  }
0x27a: {  	v38 =	vand.u32 $0xFFFF0000, v61  }
0x27b: {  	v45 =	vld.idx.msk [tilespmem:v35+s16+$0xFFFFFFF0 ss:$0x1], $0xffff;
	v47 =	vmax.bf16 v40, v1;
	v46 =	vmul.f32 v38, v28;
	v36 =	vadd.f32 v44, v36  }
0x27c: {  	v48 =	vld.idx.msk [tilespmem:v34+s16+$0x20 ss:$0x1], $0xffff;
	v49 =	vshll.u32 v47, $0x10  }
0x27d: {  	v39 =	vadd.bf16 v60, v62;
	v50 =	vmul.f32 v49, v21;
	v36 =	vadd.f32 v36, v46  }
0x27e: {  	v38 =	vand.u32 $0xFFFF0000, v47  }
0x27f: {  	v51 =	vld.idx.msk [tilespmem:v35+s16+$0x0 ss:$0x1], $0xffff;
	v53 =	vmax.bf16 v39, v1;
	v52 =	vmul.f32 v38, v29;
	v36 =	vadd.f32 v50, v36  }
0x280: {  	v54 =	vld.idx.msk [tilespmem:v34+s16+$0x30 ss:$0x1], $0xffff;
	v55 =	vshll.u32 v53, $0x10  }
0x281: {  	v40 =	vadd.bf16 v45, v48;
	v56 =	vmul.f32 v55, v22;
	v36 =	vadd.f32 v36, v52  }
0x282: {  	v38 =	vand.u32 $0xFFFF0000, v53  }
0x283: {  	v58 =	vmax.bf16 v40, v1;
	v57 =	vmul.f32 v38, v30;
	v36 =	vadd.f32 v56, v36  }
0x284: {  	v40 =	vshll.u32 v58, $0x10  }
0x285: {  	v39 =	vadd.bf16 v51, v54;
	v59 =	vmul.f32 v40, v23;
	v36 =	vadd.f32 v36, v57  }
0x286: {  	v38 =	vand.u32 $0xFFFF0000, v58  }
0x287: {  	v61 =	vmax.bf16 v39, v1;
	v60 =	vmul.f32 v38, v31;
	v36 =	vadd.f32 v59, v36  }
0x288: {  	v39 =	vshll.u32 v61, $0x10  }
0x289: {  	v62 =	vmul.f32 v39, v24;
	v36 =	vadd.f32 v36, v60  }
0x28a: {  	v38 =	vand.u32 $0xFFFF0000, v61  }
0x28b: {  	v63 =	vmul.f32 v38, v32;
	v36 =	vadd.f32 v62, v36;
	_ =	sdelay $0x1  }
0x28c: {  	v36 =	vadd.f32 v36, v63  }
0x28d: {  	s24 =	simm.s32 $0x3500  }
0x28e: {  	s25 =	simm.s32 $0x80;
	[tilespmem:s24+$0x0] =	vst v36  }
0x28f: {  	s16 =	simm.s32 $0x400;
	v36 =	vld.idx.msk [tilespmem:v35+s25+$0xFFFFFF90 ss:$0x1], $0xffff  }
.LBB2_16:
0x290: {  	p0 =	sne.s32 s16, $0x1E00;
	v37 =	vld.idx.msk [tilespmem:v34+s25+$0xFFFFFFC0 ss:$0x1], $0xffff;
	_ =	sdelay $0x2  }
0x291: {  	v38 =	vld.idx.msk [tilespmem:v35+s25+$0xFFFFFFA0 ss:$0x1], $0xffff  }
0x292: {  	v39 =	vld.idx.msk [tilespmem:v34+s25+$0xFFFFFFD0 ss:$0x1], $0xffff;
	_ =	sdelay $0x1  }
0x293: {  	v36 =	vadd.bf16 v36, v37  }
0x294: {  	v37 =	vld.idx.msk [tilespmem:v35+s25+$0xFFFFFFB0 ss:$0x1], $0xffff  }
0x295: {  	v36 =	vmax.bf16 v36, v1;
	v40 =	vld.idx.msk [tilespmem:v34+s25+$0xFFFFFFE0 ss:$0x1], $0xffff  }
0x296: {  	v41 =	vshll.u32 v36, $0x10  }
0x297: {  	v41 =	vmul.f32 v41, v17;
	v38 =	vadd.bf16 v38, v39  }
0x298: {  	v36 =	vand.u32 $0xFFFF0000, v36;
	v39 =	vld.idx.msk [tilespmem:v35+s25+$0xFFFFFFC0 ss:$0x1], $0xffff  }
0x299: {  	v36 =	vmul.f32 v36, v25;
	v41 =	vadd.f32 v41, v33;
	v38 =	vmax.bf16 v38, v1;
	v42 =	vld.idx.msk [tilespmem:v34+s25+$0xFFFFFFF0 ss:$0x1], $0xffff  }
0x29a: {  	v43 =	vshll.u32 v38, $0x10  }
0x29b: {  	v36 =	vadd.f32 v41, v36;
	v41 =	vmul.f32 v43, v18;
	v37 =	vadd.bf16 v37, v40  }
0x29c: {  	v38 =	vand.u32 $0xFFFF0000, v38;
	v40 =	vld.idx.msk [tilespmem:v35+s25+$0xFFFFFFD0 ss:$0x1], $0xffff  }
0x29d: {  	v38 =	vmul.f32 v38, v26;
	v36 =	vadd.f32 v41, v36;
	v37 =	vmax.bf16 v37, v1;
	v41 =	vld.idx.msk [tilespmem:v34+s25+$0x0 ss:$0x1], $0xffff  }
0x29e: {  	v43 =	vshll.u32 v37, $0x10  }
0x29f: {  	v36 =	vadd.f32 v36, v38;
	v38 =	vmul.f32 v43, v19;
	v39 =	vadd.bf16 v39, v42  }
0x2a0: {  	v37 =	vand.u32 $0xFFFF0000, v37;
	v42 =	vld.idx.msk [tilespmem:v35+s25+$0xFFFFFFE0 ss:$0x1], $0xffff  }
0x2a1: {  	v37 =	vmul.f32 v37, v27;
	v36 =	vadd.f32 v38, v36;
	v38 =	vmax.bf16 v39, v1;
	v39 =	vld.idx.msk [tilespmem:v34+s25+$0x10 ss:$0x1], $0xffff  }
0x2a2: {  	v43 =	vshll.u32 v38, $0x10  }
0x2a3: {  	v36 =	vadd.f32 v36, v37;
	v37 =	vmul.f32 v43, v20;
	v40 =	vadd.bf16 v40, v41  }
0x2a4: {  	v38 =	vand.u32 $0xFFFF0000, v38;
	v41 =	vld.idx.msk [tilespmem:v35+s25+$0xFFFFFFF0 ss:$0x1], $0xffff  }
0x2a5: {  	v36 =	vadd.f32 v37, v36;
	v37 =	vmul.f32 v38, v28;
	v38 =	vmax.bf16 v40, v1;
	v40 =	vld.idx.msk [tilespmem:v34+s25+$0x20 ss:$0x1], $0xffff  }
0x2a6: {  	v43 =	vshll.u32 v38, $0x10  }
0x2a7: {  	v36 =	vadd.f32 v36, v37;
	v37 =	vmul.f32 v43, v21;
	v39 =	vadd.bf16 v42, v39  }
0x2a8: {  	v38 =	vand.u32 $0xFFFF0000, v38;
	v42 =	vld.idx.msk [tilespmem:v35+s25+$0x0 ss:$0x1], $0xffff  }
0x2a9: {  	v36 =	vadd.f32 v37, v36;
	v37 =	vmul.f32 v38, v29;
	v38 =	vmax.bf16 v39, v1;
	v39 =	vld.idx.msk [tilespmem:v34+s25+$0x30 ss:$0x1], $0xffff  }
0x2aa: {  	v43 =	vshll.u32 v38, $0x10  }
0x2ab: {  	v36 =	vadd.f32 v36, v37;
	v37 =	vmul.f32 v43, v22;
	v40 =	vadd.bf16 v41, v40  }
0x2ac: {  	v38 =	vand.u32 $0xFFFF0000, v38  }
0x2ad: {  	v36 =	vadd.f32 v37, v36;
	v37 =	vmul.f32 v38, v30;
	v38 =	vmax.bf16 v40, v1  }
0x2ae: {  	v40 =	vshll.u32 v38, $0x10  }
0x2af: {  	v36 =	vadd.f32 v36, v37;
	v37 =	vmul.f32 v40, v23;
	v39 =	vadd.bf16 v42, v39  }
0x2b0: {  	v38 =	vand.u32 $0xFFFF0000, v38  }
0x2b1: {  	v36 =	vadd.f32 v37, v36;
	v37 =	vmul.f32 v38, v31;
	v38 =	vmax.bf16 v39, v1  }
0x2b2: {  	v39 =	vshll.u32 v38, $0x10  }
0x2b3: {  	v36 =	vadd.f32 v36, v37;
	v37 =	vmul.f32 v39, v24  }
0x2b4: {  	v38 =	vand.u32 $0xFFFF0000, v38  }
0x2b5: {  	v36 =	vadd.f32 v37, v36;
	v37 =	vmul.f32 v38, v32  }
.Ltmp6:
0x2b6: {  	(pc) =	sbr.rel @p0 .LBB2_16-.Ltmp6, $4  }
0x2b7: {  	v36 =	vadd.f32 v36, v37  }
0x2b8: {  	s24 =	sadd.s32 $0x10, s24  }
0x2b9: {  	s25 =	sshra.s32 s16, $0x2;
	[tilespmem:s24+$0x0] =	vst v36  }
0x2ba: {  	s16 =	sadd.s32 $0x200, s16;
	v36 =	vld.idx.msk [tilespmem:v35+s25+$0xFFFFFF90 ss:$0x1], $0xffff  }
0x2bb: {  	_ =	sdelay $0x3  }
0x2bc: {  	v37 =	vld.idx.msk [tilespmem:v34+s25+$0xFFFFFFC0 ss:$0x1], $0xffff;
	_ =	sdelay $0x2  }
0x2bd: {  	v38 =	vld.idx.msk [tilespmem:v35+s25+$0xFFFFFFA0 ss:$0x1], $0xffff  }
0x2be: {  	v39 =	vld.idx.msk [tilespmem:v34+s25+$0xFFFFFFD0 ss:$0x1], $0xffff  }
0x2bf: {  	v36 =	vadd.bf16 v36, v37;
	_ =	sdelay $0x1  }
0x2c0: {  	v60 =	vld.idx.msk [tilespmem:v35+s25+$0xFFFFFFB0 ss:$0x1], $0xffff;
	v36 =	vmax.bf16 v36, v1  }
0x2c1: {  	v40 =	vld.idx.msk [tilespmem:v34+s25+$0xFFFFFFE0 ss:$0x1], $0xffff;
	v41 =	vshll.u32 v36, $0x10  }
0x2c2: {  	v38 =	vadd.bf16 v38, v39;
	v41 =	vmul.f32 v41, v17  }
0x2c3: {  	v36 =	vand.u32 $0xFFFF0000, v36  }
0x2c4: {  	v61 =	vld.idx.msk [tilespmem:v35+s25+$0xFFFFFFC0 ss:$0x1], $0xffff;
	v38 =	vmax.bf16 v38, v1;
	v36 =	vmul.f32 v36, v25;
	v41 =	vadd.f32 v41, v33  }
0x2c5: {  	v42 =	vld.idx.msk [tilespmem:v34+s25+$0xFFFFFFF0 ss:$0x1], $0xffff;
	v43 =	vshll.u32 v38, $0x10  }
0x2c6: {  	v37 =	vadd.bf16 v60, v40;
	v62 =	vmul.f32 v43, v18;
	v36 =	vadd.f32 v41, v36  }
0x2c7: {  	v38 =	vand.u32 $0xFFFF0000, v38  }
0x2c8: {  	v63 =	vld.idx.msk [tilespmem:v35+s25+$0xFFFFFFD0 ss:$0x1], $0xffff;
	v37 =	vmax.bf16 v37, v1;
	v38 =	vmul.f32 v38, v26;
	v36 =	vadd.f32 v62, v36  }
0x2c9: {  	v45 =	vld.idx.msk [tilespmem:v34+s25+$0x0 ss:$0x1], $0xffff;
	v46 =	vshll.u32 v37, $0x10  }
0x2ca: {  	v39 =	vadd.bf16 v61, v42;
	v47 =	vmul.f32 v46, v19;
	v36 =	vadd.f32 v36, v38  }
0x2cb: {  	v37 =	vand.u32 $0xFFFF0000, v37  }
0x2cc: {  	v48 =	vld.idx.msk [tilespmem:v35+s25+$0xFFFFFFE0 ss:$0x1], $0xffff;
	v49 =	vmax.bf16 v39, v1;
	v37 =	vmul.f32 v37, v27;
	v36 =	vadd.f32 v47, v36  }
0x2cd: {  	v50 =	vld.idx.msk [tilespmem:v34+s25+$0x10 ss:$0x1], $0xffff;
	v51 =	vshll.u32 v49, $0x10  }
0x2ce: {  	v40 =	vadd.bf16 v63, v45;
	v52 =	vmul.f32 v51, v20;
	v36 =	vadd.f32 v36, v37  }
0x2cf: {  	v38 =	vand.u32 $0xFFFF0000, v49  }
0x2d0: {  	v53 =	vld.idx.msk [tilespmem:v35+s25+$0xFFFFFFF0 ss:$0x1], $0xffff;
	v55 =	vmax.bf16 v40, v1;
	v54 =	vmul.f32 v38, v28;
	v36 =	vadd.f32 v52, v36  }
0x2d1: {  	v56 =	vld.idx.msk [tilespmem:v34+s25+$0x20 ss:$0x1], $0xffff;
	v57 =	vshll.u32 v55, $0x10  }
0x2d2: {  	v39 =	vadd.bf16 v48, v50;
	v58 =	vmul.f32 v57, v21;
	v36 =	vadd.f32 v36, v54  }
0x2d3: {  	v38 =	vand.u32 $0xFFFF0000, v55  }
0x2d4: {  	v59 =	vld.idx.msk [tilespmem:v35+s25+$0x0 ss:$0x1], $0xffff;
	v61 =	vmax.bf16 v39, v1;
	v60 =	vmul.f32 v38, v29;
	v36 =	vadd.f32 v58, v36  }
0x2d5: {  	v39 =	vshll.u32 v61, $0x10;
	v62 =	vld.idx.msk [tilespmem:v34+s25+$0x30 ss:$0x1], $0xffff  }
0x2d6: {  	v42 =	vadd.bf16 v53, v56;
	v63 =	vmul.f32 v39, v22;
	v36 =	vadd.f32 v36, v60  }
0x2d7: {  	v38 =	vand.u32 $0xFFFF0000, v61  }
0x2d8: {  	v44 =	vmax.bf16 v42, v1;
	v43 =	vmul.f32 v38, v30;
	v36 =	vadd.f32 v63, v36  }
0x2d9: {  	v39 =	vshll.u32 v44, $0x10  }
0x2da: {  	v45 =	vmul.f32 v39, v23;
	v34 =	vadd.bf16 v59, v62;
	v36 =	vadd.f32 v36, v43  }
0x2db: {  	v46 =	vand.u32 $0xFFFF0000, v44  }
0x2dc: {  	v35 =	vmul.f32 v46, v31;
	v34 =	vmax.bf16 v34, v1;
	v36 =	vadd.f32 v45, v36  }
0x2dd: {  	v47 =	vshll.u32 v34, $0x10  }
0x2de: {  	v48 =	vmul.f32 v47, v24;
	v35 =	vadd.f32 v36, v35  }
0x2df: {  	v34 =	vand.u32 $0xFFFF0000, v34  }
0x2e0: {  	v34 =	vmul.f32 v34, v32;
	v35 =	vadd.f32 v48, v35;
	_ =	sdelay $0x1  }
0x2e1: {  	v34 =	vadd.f32 v35, v34  }
0x2e2: {  	s16 =	sadd.s32 $0x10, s24  }
0x2e3: {  	[tilespmem:s16+$0x0] =	vst v34  }
0x2e4: {  	v34 =	vld.idx.msk [tilespmem:v0+s30+$0x0], $0xffff  }
0x2e5: {  	v49 =	vld.idx.msk [tilespmem:v2+s30+$0x0], $0xffff;
	_ =	sdelay $0x1  }
0x2e6: {  	v50 =	vld.idx.msk [tilespmem:v3+s30+$0x0], $0xffff;
	_ =	sdelay $0x1  }
0x2e7: {  	v51 =	vld.idx.msk [tilespmem:v4+s30+$0x0], $0xffff  }
0x2e8: {  	v34 =	vadd.f32 v49, v34  }
0x2e9: {  	v52 =	vld.idx.msk [tilespmem:v5+s30+$0x0], $0xffff  }
0x2ea: {  	v34 =	vadd.f32 v50, v34  }
0x2eb: {  	v53 =	vld.idx.msk [tilespmem:v6+s30+$0x0], $0xffff  }
0x2ec: {  	v34 =	vadd.f32 v51, v34  }
0x2ed: {  	v54 =	vld.idx.msk [tilespmem:v7+s30+$0x0], $0xffff  }
0x2ee: {  	v34 =	vadd.f32 v52, v34  }
0x2ef: {  	v55 =	vld.idx.msk [tilespmem:v8+s30+$0x0], $0xffff  }
0x2f0: {  	v34 =	vadd.f32 v53, v34  }
0x2f1: {  	v56 =	vld.idx.msk [tilespmem:v9+s30+$0x0], $0xffff  }
0x2f2: {  	v34 =	vadd.f32 v54, v34  }
0x2f3: {  	v57 =	vld.idx.msk [tilespmem:v10+s30+$0x0], $0xffff  }
0x2f4: {  	v34 =	vadd.f32 v55, v34  }
0x2f5: {  	v58 =	vld.idx.msk [tilespmem:v11+s30+$0x0], $0xffff  }
0x2f6: {  	v34 =	vadd.f32 v56, v34  }
0x2f7: {  	v59 =	vld.idx.msk [tilespmem:v12+s30+$0x0], $0xffff  }
0x2f8: {  	v34 =	vadd.f32 v57, v34  }
0x2f9: {  	v60 =	vld.idx.msk [tilespmem:v13+s30+$0x0], $0xffff  }
0x2fa: {  	v34 =	vadd.f32 v58, v34  }
0x2fb: {  	v61 =	vld.idx.msk [tilespmem:v14+s30+$0x0], $0xffff  }
0x2fc: {  	v34 =	vadd.f32 v59, v34  }
0x2fd: {  	v62 =	vld.idx.msk [tilespmem:v15+s30+$0x0], $0xffff  }
0x2fe: {  	v34 =	vadd.f32 v60, v34  }
0x2ff: {  	v63 =	vld.idx.msk [tilespmem:v16+s30+$0x0], $0xffff  }
0x300: {  	s28 =	sshll.u32 s21, $0x4;
	s21 =	sadd.s32 $0x1, s21;
	v34 =	vadd.f32 v61, v34  }
0x301: {  	p0 =	sne.s32 s21, $0x3  }
.Ltmp7:
0x302: {  	v34 =	vadd.f32 v62, v34;
	(pc) =	sbr.rel @p0 .LBB2_15-.Ltmp7, $4  }
0x303: {  	_ = 	snop  }
0x304: {  	v34 =	vadd.f32 v63, v34  }
0x305: {  	s16 =	sand.u32 $0x3FFFFFF0, s28  }
0x306: {  	s22 =	sadd.s32 $0x800, s22;
	s23 =	sadd.s32 $0x800, s23;
	[tilespmem:s16+$0x3300] =	vst v34  }
0x307: {  	s16 =	smul.u32 $0x30, s20;
	_ =	sdelay $0x1  }
0x308: {  	s19 =	sadd.s32 $0x1, s19;
	s16 =	sadd.s32 s4, s16  }
0x309: {  	p0 =	sne.s32 s19, s11;
	s16 =	sshrl.u32 s16, $0x3  }
.Ltmp8:
0x30a: {  	s16 =	sadd.s32 s7, s16;
	(pc) =	sbr.rel @p0 .LBB2_2-.Ltmp8, $4  }
0x30b: {  	[hbm4b:s16+s3] =	stream.linear.scatter [tilespmem:s31], [sflag:$0x5], $0x30, $0x38;
	[tilespmem:$0xF600] =	vst v63  }
0x30c: {  	_ =	swait.ge [sflag:s15], $0x30  }
0x30d: {  	[sflag:s15] =	ssyncset.done $0x0  }
0x30e: {  	[sflag:s15] =	ssyncadd.s32 $0xFFFFFFD0  }
0x30f: {  	s17 =	sadd.s32 $0x1, s17  }
0x310: {  	p0 =	sne.s32 s17, s14  }
.Ltmp9:
0x311: {  	_ = 	snop;
	(pc) =	sbr.rel @p0 .LBB2_1-.Ltmp9, $1  }
0x312: {  	_ =	sdelay $0x3  }
0x313: {  	_ =	sfence.sel $0x180000  }
0x314: {  	[bflag:$0x0] =	sbarrier.arrive $0xFFFF  }
0x315: {  	_ =	strace $0x90000047  }
0x316: {  	s0 =	stileid.u32;
	[bflag:$0x2] =	sbarrier.arrive $0xFFFF  }
0x317: {  	p0 =	sne.s32 s0, $0x0;
	s0 =	rddreg [dreg:$0x2]  }
0x318: {  	s0 =	sadd.s32 @!p0 $0x100000, s0  }
0x319: {  	[sflag:s0] =	ssyncadd.tile.s32 @!p0 $0x1;
	_ =	shalt  }
.Lfunc_end2:
_tile_overlayer_lowered:
.L_overlay_start_2:
0x31a: {  	(tag) =	ssettag $0x2  }
0x31b: {  	s0 =	rddreg [dreg:$0x0];
	s2 =	stileid.u32  }
0x31c: {  	s1 =	rddreg [dreg:$0x1];
	p0 =	sne.s32 s2, $0x0  }
0x31d: {  	s3 =	rddreg [dreg:$0x2];
	[bflag:$0x3] =	sbarrier.arrive $0xFFFF;
	s2 =	simm.s32 @!p0 $0x1C05  }
0x31e: {  	[timem:s3], [sflag:s2] =	dma.local @!p0 [hbm:s0], s1  }
0x31f: {  	s0 =	simm.s32 @!p0 $0x5  }
0x320: {  	_ =	swait.ge @!p0 [sflag:s0], s1  }
0x321: {  	s1 =	ssub.s32 @!p0 $0x0, s1;
	[sflag:s0] =	ssyncset.done @!p0 $0x0  }
0x322: {  	[sflag:s0] =	ssyncadd.s32 @!p0 s1  }
0x323: {  	[bflag:$0x3] =	sbarrier.arrive $0xFFFF  }
0x324: {  	_ =	shalt  }

</sc_bundles>
